<compile_context>
chip_gen: v7x
topology: tpu7x:2x2x1
jax: 0.10.2.dev20260603
libtpu: 0.0.44.dev20260713+nightly
codegen_flags: <defaults>
</compile_context>

<pallas_src>
import functools

import jax
import jax.numpy as jnp
from jax import lax
from jax.experimental import pallas as pl
from jax.experimental.pallas import tpu as pltpu
from jax.experimental.pallas import tpu_sc as plsc

N = 50000
E = 800000
G = 64
NP = 50176
BLK = 512
NBLK = NP // BLK
EP = 819200
EW = EP // 32
ECH = EW // 128
ET = EP // 16
NB = 12544
ACC2 = 12800
DUMP = 12544
NC, NS = 2, 16

_MESH = dict(core_axis_name="c", subcore_axis_name="s", num_cores=NC,
             num_subcores=NS)


def _sc_deg(dst2d):
    @functools.partial(
        pl.kernel,
        out_type=jax.ShapeDtypeStruct((NC * NP,), jnp.float32),
        mesh=plsc.VectorSubcoreMesh(**_MESH),
        scratch_types=[
            pltpu.VMEM((ECH, 128), jnp.int32),
            pltpu.VMEM((128,), jnp.float32),
            pltpu.VMEM((392,), jnp.float32),
            pltpu.VMEM_SHARED((NP,), jnp.float32),
            pltpu.SemaphoreType.DMA,
            pltpu.SemaphoreType.DMA,
        ],
    )
    def k(dst_h, out_h, dstbuf, ones, zbuf, acc, sem0, sem1):
        c = lax.axis_index("c")
        s = lax.axis_index("s")
        w = c * NS + s

        def zb(i, _):
            zbuf[pl.ds(i * 16, 16)] = jnp.zeros((16,), jnp.float32)
            return 0

        lax.fori_loop(0, 392 // 16, zb, 0)

        def zc(j, _):
            pltpu.sync_copy(zbuf, acc.at[pl.ds(s * 3136 + j * 392, 392)])
            return 0

        lax.fori_loop(0, 8, zc, 0)
        for v in range(8):
            ones[pl.ds(v * 16, 16)] = jnp.ones((16,), jnp.float32)
        pltpu.sync_copy(dst_h.at[pl.ds(w * ECH, ECH)], dstbuf)
        plsc.subcore_barrier()

        def body(i, _):
            d0 = pltpu.async_copy(ones, acc.at[dstbuf.at[i * 2]], sem0,
                                  add=True)
            d1 = pltpu.async_copy(ones, acc.at[dstbuf.at[i * 2 + 1]], sem1,
                                  add=True)
            d0.wait()
            d1.wait()
            return 0

        lax.fori_loop(0, ECH // 2, body, 0)
        plsc.subcore_barrier()

        def co(j, _):
            pltpu.sync_copy(acc.at[pl.ds(s * 3136 + j * 392, 392)], zbuf)
            pltpu.sync_copy(zbuf,
                            out_h.at[pl.ds(c * NP + s * 3136 + j * 392, 392)])
            return 0

        lax.fori_loop(0, 8, co, 0)

    return k(dst2d)


def _tc_prep(dega, degb, xp):
    def body(da_ref, db_ref, x_ref, dinv_ref, u1_ref):
        deg = da_ref[...] + db_ref[...] + 1.0
        dv = lax.rsqrt(deg)
        dinv_ref[...] = dv
        u1_ref[...] = x_ref[...] * dv

    return pl.pallas_call(
        body,
        grid=(NBLK,),
        in_specs=[
            pl.BlockSpec((BLK, 1), lambda i: (i, 0)),
            pl.BlockSpec((BLK, 1), lambda i: (i, 0)),
            pl.BlockSpec((BLK, 128), lambda i: (i, 0)),
        ],
        out_specs=[
            pl.BlockSpec((BLK, 1), lambda i: (i, 0)),
            pl.BlockSpec((BLK, 128), lambda i: (i, 0)),
        ],
        out_shape=[
            jax.ShapeDtypeStruct((NP, 1), jnp.float32),
            jax.ShapeDtypeStruct((NP, 128), jnp.float32),
        ],
    )(dega, degb, xp)


def _tc_layer1(s1, u1p, dinv, Wg1p, bg1r):
    def body(s_ref, u_ref, dv_ref, w_ref, bias_ref, out_ref):
        dv = dv_ref[...]
        agg = dv * (s_ref[...] + u_ref[...])
        h = jnp.dot(agg, w_ref[...], preferred_element_type=jnp.float32)
        h = jnp.maximum(h + bias_ref[...], 0.0)
        out_ref[...] = dv * h

    return pl.pallas_call(
        body,
        grid=(NBLK,),
        in_specs=[
            pl.BlockSpec((BLK, 128), lambda i: (i, 0)),
            pl.BlockSpec((BLK, 128), lambda i: (i, 0)),
            pl.BlockSpec((BLK, 1), lambda i: (i, 0)),
            pl.BlockSpec((128, 128), lambda i: (0, 0)),
            pl.BlockSpec((1, 128), lambda i: (0, 0)),
        ],
        out_specs=pl.BlockSpec((BLK, 128), lambda i: (i, 0)),
        out_shape=jax.ShapeDtypeStruct((NP, 128), jnp.float32),
    )(s1, u1p, dinv, Wg1p, bg1r)


CAP = 51264
STAGE = 2144


def _sc_compact(src1d, dst1d):
    @functools.partial(
        pl.kernel,
        out_type=(
            jax.ShapeDtypeStruct((32 * 2 * CAP,), jnp.int32),
            jax.ShapeDtypeStruct((32 * 2 * 16,), jnp.int32),
        ),
        mesh=plsc.VectorSubcoreMesh(**_MESH),
        scratch_types=[
            pltpu.VMEM((2048,), jnp.int32),
            pltpu.VMEM((2048,), jnp.int32),
            pltpu.VMEM((STAGE,), jnp.int32),
            pltpu.VMEM((STAGE,), jnp.int32),
            pltpu.VMEM((16,), jnp.int32),
        ],
    )
    def k(src_h, dst_h, stash_h, counts_h, sbuf, dbuf, st0, st1, cvb):
        c = lax.axis_index("c")
        s = lax.axis_index("s")
        w = c * NS + s
        lo0 = (c * 2) * NB
        lo1 = lo0 + NB
        hi1 = lo1 + NB
        b0 = (w * 2) * CAP
        b1 = (w * 2 + 1) * CAP
        dump = jnp.full((16,), DUMP << 16, jnp.int32)

        def stripe(t, carry):
            cc0, cc1 = carry
            base = s * ET + t * 2048
            pltpu.sync_copy(src_h.at[pl.ds(base, 2048)], sbuf)
            pltpu.sync_copy(dst_h.at[pl.ds(base, 2048)], dbuf)

            def fb(i, cnts):
                cnt0, cnt1 = cnts
                sv = sbuf[pl.ds(i * 16, 16)]
                dv = dbuf[pl.ds(i * 16, 16)]
                m0 = (dv >= lo0) & (dv < lo1)
                m1 = (dv >= lo1) & (dv < hi1)
                p0 = sv | jnp.where(m0, dv - lo0, DUMP) << 16
                p1 = sv | jnp.where(m1, dv - lo1, DUMP) << 16
                for j in range(16):
                    st0[pl.ds(cnt0, 16)] = (jnp.zeros((16,), jnp.int32)
                                            + p0[j])
                    st1[pl.ds(cnt1, 16)] = (jnp.zeros((16,), jnp.int32)
                                            + p1[j])
                    dj = dv[j]
                    cnt0 = cnt0 + jnp.where((dj >= lo0) & (dj < lo1), 1, 0)
                    cnt1 = cnt1 + jnp.where((dj >= lo1) & (dj < hi1), 1, 0)
                return cnt0, cnt1

            cnt0, cnt1 = lax.fori_loop(0, 128, fb, (0, 0))
            for v in range(4):
                st0[pl.ds(cnt0 + v * 16, 16)] = dump
                st1[pl.ds(cnt1 + v * 16, 16)] = dump
            nf0 = (cnt0 + 63) // 64
            nf1 = (cnt1 + 63) // 64

            def fl0(j, _):
                pltpu.sync_copy(
                    st0.at[pl.ds(j * 64, 64)],
                    stash_h.at[pl.ds(b0 + (cc0 + j) * 64, 64)])
                return 0

            def fl1(j, _):
                pltpu.sync_copy(
                    st1.at[pl.ds(j * 64, 64)],
                    stash_h.at[pl.ds(b1 + (cc1 + j) * 64, 64)])
                return 0

            lax.fori_loop(0, nf0, fl0, 0)
            lax.fori_loop(0, nf1, fl1, 0)
            return cc0 + nf0, cc1 + nf1

        cc0, cc1 = lax.fori_loop(0, 25, stripe, (0, 0))
        for v in range(4):
            st0[pl.ds(v * 16, 16)] = dump
        pltpu.sync_copy(st0.at[pl.ds(0, 64)],
                        stash_h.at[pl.ds(b0 + cc0 * 64, 64)])
        pltpu.sync_copy(st0.at[pl.ds(0, 64)],
                        stash_h.at[pl.ds(b1 + cc1 * 64, 64)])
        cc0 = ((cc0 + 1) // 2) * 2
        cc1 = ((cc1 + 1) // 2) * 2
        cvb[pl.ds(0, 16)] = jnp.zeros((16,), jnp.int32) + cc0
        pltpu.sync_copy(cvb, counts_h.at[pl.ds(w * 32, 16)])
        cvb[pl.ds(0, 16)] = jnp.zeros((16,), jnp.int32) + cc1
        pltpu.sync_copy(cvb, counts_h.at[pl.ds(w * 32 + 16, 16)])

    return k(src1d, dst1d)


def _sc_scatter(stash, counts, u):
    @functools.partial(
        pl.kernel,
        out_type=jax.ShapeDtypeStruct((NP, 128), jnp.float32),
        mesh=plsc.VectorSubcoreMesh(**_MESH),
        scratch_types=[
            pltpu.VMEM((64,), jnp.int32),
            pltpu.VMEM((64,), jnp.int32),
            pltpu.VMEM((64,), jnp.int32),
            pltpu.VMEM((64,), jnp.int32),
            pltpu.VMEM((64,), jnp.int32),
            pltpu.VMEM((64,), jnp.int32),
            pltpu.VMEM((64, 128), jnp.float32),
            pltpu.VMEM((64, 128), jnp.float32),
            pltpu.VMEM((8, 128), jnp.float32),
            pltpu.VMEM((16,), jnp.int32),
            pltpu.VMEM_SHARED((ACC2, 128), jnp.float32),
            pltpu.SemaphoreType.DMA,
            pltpu.SemaphoreType.DMA,
        ],
    )
    def k(stash_h, counts_h, u_h, out_h, pbuf0, pbuf1, schunk0, schunk1,
          dchunk0, dchunk1, rows0, rows1, zbuf, cvb, acc, sem0, sem1):
        c = lax.axis_index("c")
        s = lax.axis_index("s")
        w = c * NS + s

        def zb(i, _):
            for v in range(8):
                zbuf[i, pl.ds(v * 16, 16)] = jnp.zeros((16,), jnp.float32)
            return 0

        lax.fori_loop(0, 8, zb, 0)

        for kb in range(2):
            lo = (c * 2 + kb) * NB

            def zc(j, _):
                pltpu.sync_copy(zbuf, acc.at[pl.ds(s * 800 + j * 8, 8)])
                return 0

            lax.fori_loop(0, 100, zc, 0)
            plsc.subcore_barrier()
            pltpu.sync_copy(counts_h.at[pl.ds(w * 32 + kb * 16, 16)], cvb)
            nch = cvb[pl.ds(0, 16)][0]
            base = (w * 2 + kb) * CAP

            def db(i, _):
                j0 = i * 2
                pltpu.sync_copy(stash_h.at[pl.ds(base + j0 * 64, 64)], pbuf0)
                for v in range(4):
                    pv = pbuf0[pl.ds(v * 16, 16)]
                    schunk0[pl.ds(v * 16, 16)] = pv & 0xFFFF
                    dchunk0[pl.ds(v * 16, 16)] = pv >> 16
                d0 = pltpu.async_copy(u_h.at[schunk0], rows0, sem0)
                pltpu.sync_copy(stash_h.at[pl.ds(base + j0 * 64 + 64, 64)],
                                pbuf1)
                for v in range(4):
                    pv = pbuf1[pl.ds(v * 16, 16)]
                    schunk1[pl.ds(v * 16, 16)] = pv & 0xFFFF
                    dchunk1[pl.ds(v * 16, 16)] = pv >> 16
                d1 = pltpu.async_copy(u_h.at[schunk1], rows1, sem1)
                d0.wait()
                pltpu.sync_copy(rows0, acc.at[dchunk0], add=True)
                d1.wait()
                pltpu.sync_copy(rows1, acc.at[dchunk1], add=True)
                return 0

            lax.fori_loop(0, nch // 2, db, 0)
            plsc.subcore_barrier()

            def co(j, _):
                pltpu.sync_copy(acc.at[pl.ds(s * 784 + j * 56, 56)],
                                rows0.at[pl.ds(0, 56)])
                pltpu.sync_copy(rows0.at[pl.ds(0, 56)],
                                out_h.at[pl.ds(lo + s * 784 + j * 56, 56)])
                return 0

            lax.fori_loop(0, 14, co, 0)
            plsc.subcore_barrier()

    return k(stash, counts, u)


def _tc_final(s2, u2p, dinv, batch2d, Wg2, bg2r, W1, b1r, W2, b2r, W3, b3r,
              W4, b4r):
    neg = float("-inf")

    def body(s2_ref, u2_ref, dv_ref, bt_ref, wg_ref, bg_ref, w1_ref, c1_ref,
             w2_ref, c2_ref, w3_ref, c3_ref, w4_ref, c4_ref, out_ref, acc):
        i = pl.program_id(0)

        @pl.when(i == 0)
        def _():
            acc[...] = jnp.full((G, 128), neg, jnp.float32)

        dv = dv_ref[...]
        h2 = jnp.dot(dv * (s2_ref[...] + u2_ref[...]), wg_ref[...],
                     preferred_element_type=jnp.float32)
        h2 = jnp.maximum(h2 + bg_ref[...], 0.0)
        row = i * BLK + lax.broadcasted_iota(jnp.int32, (BLK, 1), 0)
        hm = jnp.where(row < N, h2, neg)
        bt = bt_ref[...]
        g_lo = bt_ref[0, 0]
        g_hi = bt_ref[BLK - 1, 0]
        gi = lax.broadcasted_iota(jnp.int32, (G, 1), 0)

        def body_g(g, _):
            v = jnp.max(jnp.where(bt == g, hm, neg), axis=0, keepdims=True)
            acc[...] = jnp.where(gi == g, jnp.maximum(acc[...], v), acc[...])
            return 0

        lax.fori_loop(g_lo, g_hi + 1, body_g, 0)

        @pl.when(i == NBLK - 1)
        def _():
            h = acc[...]
            h = jnp.maximum(jnp.dot(h, w1_ref[...],
                                    preferred_element_type=jnp.float32)
                            + c1_ref[...], 0.0)
            h = jnp.maximum(jnp.dot(h, w2_ref[...],
                                    preferred_element_type=jnp.float32)
                            + c2_ref[...], 0.0)
            h = jnp.maximum(jnp.dot(h, w3_ref[...],
                                    preferred_element_type=jnp.float32)
                            + c3_ref[...], 0.0)
            h = jnp.maximum(jnp.dot(h, w4_ref[...],
                                    preferred_element_type=jnp.float32)
                            + c4_ref[...], 0.0)
            out_ref[...] = h

    full = lambda shape: pl.BlockSpec(shape, lambda i: (0, 0))
    return pl.pallas_call(
        body,
        grid=(NBLK,),
        in_specs=[
            pl.BlockSpec((BLK, 128), lambda i: (i, 0)),
            pl.BlockSpec((BLK, 128), lambda i: (i, 0)),
            pl.BlockSpec((BLK, 1), lambda i: (i, 0)),
            pl.BlockSpec((BLK, 1), lambda i: (i, 0)),
            full((128, 128)), full((1, 128)),
            full((128, 128)), full((1, 128)),
            full((128, 64)), full((1, 64)),
            full((64, 32)), full((1, 32)),
            full((32, 16)), full((1, 16)),
        ],
        out_specs=pl.BlockSpec((G, 16), lambda i: (0, 0)),
        out_shape=jax.ShapeDtypeStruct((G, 16), jnp.float32),
        scratch_shapes=[pltpu.VMEM((G, 128), jnp.float32)],
    )(s2, u2p, dinv, batch2d, Wg2, bg2r, W1, b1r, W2, b2r, W3, b3r, W4, b4r)


def kernel(x, edge_index, batch, Wg1, bg1, Wg2, bg2, W1, b1, W2, b2, W3, b3,
           W4, b4):
    f32 = jnp.float32
    i32 = jnp.int32
    src = jnp.concatenate([edge_index[0], jnp.zeros((EP - E,), i32)])
    dst = jnp.concatenate([edge_index[1], jnp.full((EP - E,), NP - 1, i32)])
    src2d = src.reshape(EP // 128, 128)
    dst2d = dst.reshape(EP // 128, 128)
    xp = jnp.zeros((NP, 128), f32).at[:N, :8].set(x)
    batch2d = jnp.concatenate([batch, jnp.full((NP - N,), G - 1, i32)])
    batch2d = batch2d.reshape(NP, 1)
    Wg1p = jnp.zeros((128, 128), f32).at[:8].set(Wg1)

    degp = _sc_deg(dst2d)
    stash, counts = _sc_compact(src, dst)
    dinv, u1p = _tc_prep(degp[:NP].reshape(NP, 1), degp[NP:].reshape(NP, 1),
                         xp)
    s1 = _sc_scatter(stash, counts, u1p)
    u2p = _tc_layer1(s1, u1p, dinv, Wg1p, bg1.reshape(1, 128))
    s2 = _sc_scatter(stash, counts, u2p)
    return _tc_final(s2, u2p, dinv, batch2d, Wg2, bg2.reshape(1, 128),
                     W1, b1.reshape(1, 128), W2, b2.reshape(1, 64),
                     W3, b3.reshape(1, 32), W4, b4.reshape(1, 16))

# --- scband reference (transcript-rebuilt; emitter-appended) ---
"""Pipeline reference for scband-agent-84524956385608 (READ-ONLY COPY).

The authoritative reference and input builder live on the scoring server;
editing this copy changes nothing except your own understanding.
"""

import jax, jax.numpy as jnp
import numpy as np

N = 50000
E = 800000
D_IN = 8
D_H = 128
G = 64  # number of graphs in the batch


def setup_inputs(seed: int = 0) -> dict:
    key = jax.random.key(seed)
    ks = jax.random.split(key, 16)
    x = jax.random.normal(ks[0], (N, D_IN), dtype=jnp.float32)
    edge_index = jax.random.randint(ks[1], (2, E), 0, N, dtype=jnp.int32)
    batch = jnp.sort(jax.random.randint(ks[2], (N,), 0, G, dtype=jnp.int32))
    # GCNConv weights (glorot-ish scaling)
    Wg1 = jax.random.normal(ks[3], (D_IN, D_H), dtype=jnp.float32) / np.sqrt(D_IN)
    bg1 = jnp.zeros((D_H,), dtype=jnp.float32)
    Wg2 = jax.random.normal(ks[4], (D_H, D_H), dtype=jnp.float32) / np.sqrt(D_H)
    bg2 = jnp.zeros((D_H,), dtype=jnp.float32)
    # fc_network weights
    W1 = jax.random.normal(ks[5], (D_H, D_H), dtype=jnp.float32) / np.sqrt(D_H)
    b1 = jnp.zeros((D_H,), dtype=jnp.float32)
    W2 = jax.random.normal(ks[6], (D_H, 64), dtype=jnp.float32) / np.sqrt(D_H)
    b2 = jnp.zeros((64,), dtype=jnp.float32)
    W3 = jax.random.normal(ks[7], (64, 32), dtype=jnp.float32) / np.sqrt(64)
    b3 = jnp.zeros((32,), dtype=jnp.float32)
    W4 = jax.random.normal(ks[8], (32, 16), dtype=jnp.float32) / np.sqrt(32)
    b4 = jnp.zeros((16,), dtype=jnp.float32)
    return {"x": x, "edge_index": edge_index, "batch": batch,
            "Wg1": Wg1, "bg1": bg1, "Wg2": Wg2, "bg2": bg2,
            "W1": W1, "b1": b1, "W2": W2, "b2": b2,
            "W3": W3, "b3": b3, "W4": W4, "b4": b4}


def _gcn_conv(x, edge_index, W, b):
    # PyG GCNConv: add self-loops, symmetric normalization D^-1/2 (A+I) D^-1/2, then X W + b
    n = x.shape[0]
    loop = jnp.arange(n, dtype=edge_index.dtype)
    src = jnp.concatenate([edge_index[0], loop])
    dst = jnp.concatenate([edge_index[1], loop])
    h = x @ W
    ones = jnp.ones(src.shape[0], dtype=h.dtype)
    deg = jax.ops.segment_sum(ones, dst, num_segments=n)
    dinv = jnp.where(deg > 0, jax.lax.rsqrt(jnp.maximum(deg, 1e-12)), 0.0)
    norm = dinv[src] * dinv[dst]
    msg = h[src] * norm[:, None]
    out = jax.ops.segment_sum(msg, dst, num_segments=n)
    return out + b


def reference(x, edge_index, batch, Wg1, bg1, Wg2, bg2, W1, b1, W2, b2, W3, b3, W4, b4):
    h = jax.nn.relu(_gcn_conv(x, edge_index, Wg1, bg1))
    h = jax.nn.relu(_gcn_conv(h, edge_index, Wg2, bg2))
    pooled = jax.ops.segment_max(h, batch, num_segments=G)
    h = jax.nn.relu(pooled @ W1 + b1)
    h = jax.nn.relu(h @ W2 + b2)
    h = jax.nn.relu(h @ W3 + b3)
    h = jax.nn.relu(h @ W4 + b4)
    return h

if __name__ == "__main__":
    import jax
    _d = setup_inputs()
    print(jax.jit(kernel)(*tuple(_d.values())))

</pallas_src>

<mosaic_0001>
#map = affine_map<(d0, d1) -> (0)>
#map1 = affine_map<(d0, d1) -> (0, 0)>
module attributes {stable_mosaic.version = 14 : i64} {
  func.func @k(%arg0: i32, %arg1: i32, %arg2: memref<3280896xi32, #tpu.memory_space<hbm>>, %arg3: memref<1024xi32, #tpu.memory_space<hbm>>, %arg4: memref<50176x128xf32, #tpu.memory_space<hbm>>, %arg5: memref<50176x128xf32, #tpu.memory_space<hbm>>, %arg6: memref<64xi32, #tpu.memory_space<vmem>>, %arg7: memref<64xi32, #tpu.memory_space<vmem>>, %arg8: memref<64xi32, #tpu.memory_space<vmem>>, %arg9: memref<64xi32, #tpu.memory_space<vmem>>, %arg10: memref<64xi32, #tpu.memory_space<vmem>>, %arg11: memref<64xi32, #tpu.memory_space<vmem>>, %arg12: memref<64x128xf32, #tpu.memory_space<vmem>>, %arg13: memref<64x128xf32, #tpu.memory_space<vmem>>, %arg14: memref<8x128xf32, #tpu.memory_space<vmem>>, %arg15: memref<16xi32, #tpu.memory_space<vmem>>, %arg16: memref<12800x128xf32, #tpu.memory_space<vmem_shared>>, %arg17: memref<!tpu.dma_semaphore, #tpu.memory_space<semaphore_mem>>, %arg18: memref<!tpu.dma_semaphore, #tpu.memory_space<semaphore_mem>>) attributes {dimension_semantics = [#tpu.dimension_semantics<core_parallel>, #tpu.dimension_semantics<subcore_parallel>], iteration_bounds = array<i64: 2, 16>, scalar_prefetch = 0 : i64, scratch_operands = 13 : i64, tpu.core_type = #tpu.core_type<sc_vector_subcore>, window_params = [{transform_indices = #map}, {transform_indices = #map}, {transform_indices = #map1}, {transform_indices = #map1}]} {
    %mul3A = arith.constant 16 : i32
    %mul3A_0 = arith.muli %arg0, %mul3A : i32
    %add3A = arith.addi %mul3A_0, %arg1 : i32
    %scan3A = arith.constant 0 : i32
    %scan3A_1 = arith.constant 0 : i32
    %scan3A_2 = arith.constant 8 : i32
    %scan3A_3 = arith.addi %scan3A_1, %scan3A_2 : i32
    %scan3A_4 = arith.constant 1 : i32
    %scan3A_5 = scf.for %scan3A_142 = %scan3A_1 to %scan3A_3 step %scan3A_4 iter_args(%scan3A_143 = %scan3A) -> (i32)  : i32 {
      %broadcast_in_dim3A = arith.constant 0.000000e+00 : f32
      %broadcast_in_dim3A_144 = vector.broadcast %broadcast_in_dim3A : f32 to vector<16xf32>
      %swap3A = arith.index_cast %scan3A_142 : i32 to index
      %swap3A_145 = arith.constant 0 : index
      %swap3A_146 = tpu.vector_load %arg14[%swap3A, %swap3A_145] {strides = array<i32>} : memref<8x128xf32, #tpu.memory_space<vmem>>, vector<1x16xf32>,
      %swap3A_147 = vector.shape_cast %swap3A_146 : vector<1x16xf32> to vector<16xf32>
      %swap3A_148 = vector.shape_cast %broadcast_in_dim3A_144 : vector<16xf32> to vector<1x16xf32>
      tpu.vector_store %arg14[%swap3A, %swap3A_145], %swap3A_148 {strides = array<i32>} : memref<8x128xf32, #tpu.memory_space<vmem>>, vector<1x16xf32>,
      %broadcast_in_dim3A_149 = arith.constant 0.000000e+00 : f32
      %broadcast_in_dim3A_150 = vector.broadcast %broadcast_in_dim3A_149 : f32 to vector<16xf32>
      %swap3A_151 = arith.index_cast %scan3A_142 : i32 to index
      %swap3A_152 = arith.constant 16 : index
      %swap3A_153 = tpu.vector_load %arg14[%swap3A_151, %swap3A_152] {strides = array<i32>} : memref<8x128xf32, #tpu.memory_space<vmem>>, vector<1x16xf32>,
      %swap3A_154 = vector.shape_cast %swap3A_153 : vector<1x16xf32> to vector<16xf32>
      %swap3A_155 = vector.shape_cast %broadcast_in_dim3A_150 : vector<16xf32> to vector<1x16xf32>
      tpu.vector_store %arg14[%swap3A_151, %swap3A_152], %swap3A_155 {strides = array<i32>} : memref<8x128xf32, #tpu.memory_space<vmem>>, vector<1x16xf32>,
      %broadcast_in_dim3A_156 = arith.constant 0.000000e+00 : f32
      %broadcast_in_dim3A_157 = vector.broadcast %broadcast_in_dim3A_156 : f32 to vector<16xf32>
      %swap3A_158 = arith.index_cast %scan3A_142 : i32 to index
      %swap3A_159 = arith.constant 32 : index
      %swap3A_160 = tpu.vector_load %arg14[%swap3A_158, %swap3A_159] {strides = array<i32>} : memref<8x128xf32, #tpu.memory_space<vmem>>, vector<1x16xf32>,
      %swap3A_161 = vector.shape_cast %swap3A_160 : vector<1x16xf32> to vector<16xf32>
      %swap3A_162 = vector.shape_cast %broadcast_in_dim3A_157 : vector<16xf32> to vector<1x16xf32>
      tpu.vector_store %arg14[%swap3A_158, %swap3A_159], %swap3A_162 {strides = array<i32>} : memref<8x128xf32, #tpu.memory_space<vmem>>, vector<1x16xf32>,
      %broadcast_in_dim3A_163 = arith.constant 0.000000e+00 : f32
      %broadcast_in_dim3A_164 = vector.broadcast %broadcast_in_dim3A_163 : f32 to vector<16xf32>
      %swap3A_165 = arith.index_cast %scan3A_142 : i32 to index
      %swap3A_166 = arith.constant 48 : index
      %swap3A_167 = tpu.vector_load %arg14[%swap3A_165, %swap3A_166] {strides = array<i32>} : memref<8x128xf32, #tpu.memory_space<vmem>>, vector<1x16xf32>,
      %swap3A_168 = vector.shape_cast %swap3A_167 : vector<1x16xf32> to vector<16xf32>
      %swap3A_169 = vector.shape_cast %broadcast_in_dim3A_164 : vector<16xf32> to vector<1x16xf32>
      tpu.vector_store %arg14[%swap3A_165, %swap3A_166], %swap3A_169 {strides = array<i32>} : memref<8x128xf32, #tpu.memory_space<vmem>>, vector<1x16xf32>,
      %broadcast_in_dim3A_170 = arith.constant 0.000000e+00 : f32
      %broadcast_in_dim3A_171 = vector.broadcast %broadcast_in_dim3A_170 : f32 to vector<16xf32>
      %swap3A_172 = arith.index_cast %scan3A_142 : i32 to index
      %swap3A_173 = arith.constant 64 : index
      %swap3A_174 = tpu.vector_load %arg14[%swap3A_172, %swap3A_173] {strides = array<i32>} : memref<8x128xf32, #tpu.memory_space<vmem>>, vector<1x16xf32>,
      %swap3A_175 = vector.shape_cast %swap3A_174 : vector<1x16xf32> to vector<16xf32>
      %swap3A_176 = vector.shape_cast %broadcast_in_dim3A_171 : vector<16xf32> to vector<1x16xf32>
      tpu.vector_store %arg14[%swap3A_172, %swap3A_173], %swap3A_176 {strides = array<i32>} : memref<8x128xf32, #tpu.memory_space<vmem>>, vector<1x16xf32>,
      %broadcast_in_dim3A_177 = arith.constant 0.000000e+00 : f32
      %broadcast_in_dim3A_178 = vector.broadcast %broadcast_in_dim3A_177 : f32 to vector<16xf32>
      %swap3A_179 = arith.index_cast %scan3A_142 : i32 to index
      %swap3A_180 = arith.constant 80 : index
      %swap3A_181 = tpu.vector_load %arg14[%swap3A_179, %swap3A_180] {strides = array<i32>} : memref<8x128xf32, #tpu.memory_space<vmem>>, vector<1x16xf32>,
      %swap3A_182 = vector.shape_cast %swap3A_181 : vector<1x16xf32> to vector<16xf32>
      %swap3A_183 = vector.shape_cast %broadcast_in_dim3A_178 : vector<16xf32> to vector<1x16xf32>
      tpu.vector_store %arg14[%swap3A_179, %swap3A_180], %swap3A_183 {strides = array<i32>} : memref<8x128xf32, #tpu.memory_space<vmem>>, vector<1x16xf32>,
      %broadcast_in_dim3A_184 = arith.constant 0.000000e+00 : f32
      %broadcast_in_dim3A_185 = vector.broadcast %broadcast_in_dim3A_184 : f32 to vector<16xf32>
      %swap3A_186 = arith.index_cast %scan3A_142 : i32 to index
      %swap3A_187 = arith.constant 96 : index
      %swap3A_188 = tpu.vector_load %arg14[%swap3A_186, %swap3A_187] {strides = array<i32>} : memref<8x128xf32, #tpu.memory_space<vmem>>, vector<1x16xf32>,
      %swap3A_189 = vector.shape_cast %swap3A_188 : vector<1x16xf32> to vector<16xf32>
      %swap3A_190 = vector.shape_cast %broadcast_in_dim3A_185 : vector<16xf32> to vector<1x16xf32>
      tpu.vector_store %arg14[%swap3A_186, %swap3A_187], %swap3A_190 {strides = array<i32>} : memref<8x128xf32, #tpu.memory_space<vmem>>, vector<1x16xf32>,
      %broadcast_in_dim3A_191 = arith.constant 0.000000e+00 : f32
      %broadcast_in_dim3A_192 = vector.broadcast %broadcast_in_dim3A_191 : f32 to vector<16xf32>
      %swap3A_193 = arith.index_cast %scan3A_142 : i32 to index
      %swap3A_194 = arith.constant 112 : index
      %swap3A_195 = tpu.vector_load %arg14[%swap3A_193, %swap3A_194] {strides = array<i32>} : memref<8x128xf32, #tpu.memory_space<vmem>>, vector<1x16xf32>,
      %swap3A_196 = vector.shape_cast %swap3A_195 : vector<1x16xf32> to vector<16xf32>
      %swap3A_197 = vector.shape_cast %broadcast_in_dim3A_192 : vector<16xf32> to vector<1x16xf32>
      tpu.vector_store %arg14[%swap3A_193, %swap3A_194], %swap3A_197 {strides = array<i32>} : memref<8x128xf32, #tpu.memory_space<vmem>>, vector<1x16xf32>,
      %scan3A_198 = arith.constant 0 : i32
      scf.yield %scan3A_198 : i32
    }
    %scan3A_6 = arith.constant 8 : i32
    %mul3A_7 = arith.constant 2 : i32
    %mul3A_8 = arith.muli %arg0, %mul3A_7 : i32
    %add3A_9 = arith.constant 0 : i32
    %add3A_10 = arith.addi %mul3A_8, %add3A_9 : i32
    %mul3A_11 = arith.constant 12544 : i32
    %mul3A_12 = arith.muli %add3A_10, %mul3A_11 : i32
    %scan3A_13 = arith.constant 0 : i32
    %scan3A_14 = arith.constant 0 : i32
    %scan3A_15 = arith.constant 100 : i32
    %scan3A_16 = arith.addi %scan3A_14, %scan3A_15 : i32
    %scan3A_17 = arith.constant 1 : i32
    %scan3A_18 = scf.for %scan3A_142 = %scan3A_14 to %scan3A_16 step %scan3A_17 iter_args(%scan3A_143 = %scan3A_13) -> (i32)  : i32 {
      %mul3A_144 = arith.constant 800 : i32
      %mul3A_145 = arith.muli %arg1, %mul3A_144 : i32
      %mul3A_146 = arith.constant 8 : i32
      %mul3A_147 = arith.muli %scan3A_142, %mul3A_146 : i32
      %add3A_148 = arith.addi %mul3A_145, %mul3A_147 : i32
      "tpu.region"() ({
        %run_scoped3A = tpu.sem_alloc : memref<!tpu.dma_semaphore, #tpu.memory_space<semaphore_mem>>
        %dma_start3A = arith.constant 0 : i32
        %dma_start3A_150 = tpu.memref_slice %arg16[%add3A_148, %dma_start3A] : memref<12800x128xf32, #tpu.memory_space<vmem_shared>> -> memref<8x128xf32, #tpu.memory_space<vmem_shared>>
        %dma_start3A_151 = arith.constant 0 : i32
        %dma_start3A_152 = tpu.memref_slice %arg16[%add3A_148, %dma_start3A_151] : memref<12800x128xf32, #tpu.memory_space<vmem_shared>> -> memref<8x128xf32, #tpu.memory_space<vmem_shared>>
        tpu.enqueue_dma source(%arg14 : memref<8x128xf32, #tpu.memory_space<vmem>>) target(%dma_start3A_152 : memref<8x128xf32, #tpu.memory_space<vmem_shared>>) target_semaphore(%run_scoped3A : memref<!tpu.dma_semaphore, #tpu.memory_space<semaphore_mem>>)
        %dma_wait3A = arith.constant 0 : i32
        %dma_wait3A_153 = tpu.memref_slice %arg16[%add3A_148, %dma_wait3A] : memref<12800x128xf32, #tpu.memory_space<vmem_shared>> -> memref<8x128xf32, #tpu.memory_space<vmem_shared>>
        %dma_wait3A_154 = arith.constant 0 : i32
        %dma_wait3A_155 = tpu.memref_slice %arg16[%add3A_148, %dma_wait3A_154] : memref<12800x128xf32, #tpu.memory_space<vmem_shared>> -> memref<8x128xf32, #tpu.memory_space<vmem_shared>>
        tpu.wait_dma2 semaphore(%run_scoped3A : memref<!tpu.dma_semaphore, #tpu.memory_space<semaphore_mem>>) src(%arg14 : memref<8x128xf32, #tpu.memory_space<vmem>>) dst(%dma_wait3A_155 : memref<8x128xf32, #tpu.memory_space<vmem_shared>>)
        tpu.yield
      }) : () -> ()
      %scan3A_149 = arith.constant 0 : i32
      scf.yield %scan3A_149 : i32
    }
    %scan3A_19 = arith.constant 100 : i32
    %barrier3A = arith.constant 0 : index
    tpu.barrier barrier_id(%barrier3A)
    %mul3A_20 = arith.constant 32 : i32
    %mul3A_21 = arith.muli %add3A, %mul3A_20 : i32
    %add3A_22 = arith.constant 0 : i32
    %add3A_23 = arith.addi %mul3A_21, %add3A_22 : i32
    "tpu.region"() ({
      %run_scoped3A = tpu.sem_alloc : memref<!tpu.dma_semaphore, #tpu.memory_space<semaphore_mem>>
      %dma_start3A = tpu.memref_slice %arg3[%add3A_23] : memref<1024xi32, #tpu.memory_space<hbm>> -> memref<16xi32, #tpu.memory_space<hbm>>
      %dma_start3A_142 = tpu.memref_slice %arg3[%add3A_23] : memref<1024xi32, #tpu.memory_space<hbm>> -> memref<16xi32, #tpu.memory_space<hbm>>
      tpu.enqueue_dma source(%dma_start3A_142 : memref<16xi32, #tpu.memory_space<hbm>>) target(%arg15 : memref<16xi32, #tpu.memory_space<vmem>>) target_semaphore(%run_scoped3A : memref<!tpu.dma_semaphore, #tpu.memory_space<semaphore_mem>>)
      %dma_wait3A = tpu.memref_slice %arg3[%add3A_23] : memref<1024xi32, #tpu.memory_space<hbm>> -> memref<16xi32, #tpu.memory_space<hbm>>
      %dma_wait3A_143 = tpu.memref_slice %arg3[%add3A_23] : memref<1024xi32, #tpu.memory_space<hbm>> -> memref<16xi32, #tpu.memory_space<hbm>>
      tpu.wait_dma2 semaphore(%run_scoped3A : memref<!tpu.dma_semaphore, #tpu.memory_space<semaphore_mem>>) src(%dma_wait3A_143 : memref<16xi32, #tpu.memory_space<hbm>>) dst(%arg15 : memref<16xi32, #tpu.memory_space<vmem>>)
      tpu.yield
    }) : () -> ()
    %get3A = arith.constant 0 : index
    %get3A_24 = tpu.vector_load %arg15[%get3A] {strides = array<i32>} : memref<16xi32, #tpu.memory_space<vmem>>, vector<16xi32>,
    %get3A_25 = vector.shape_cast %get3A_24 : vector<16xi32> to vector<16xi32>
    %slice3A = vector.extract_strided_slice %get3A_25 {offsets = [0], sizes = [1], strides = [1]} : vector<16xi32> to vector<1xi32>
    %squeeze3A = vector.extract %slice3A[0] : i32 from vector<1xi32>
    %mul3A_26 = arith.constant 2 : i32
    %mul3A_27 = arith.muli %add3A, %mul3A_26 : i32
    %add3A_28 = arith.constant 0 : i32
    %add3A_29 = arith.addi %mul3A_27, %add3A_28 : i32
    %mul3A_30 = arith.constant 51264 : i32
    %mul3A_31 = arith.muli %add3A_29, %mul3A_30 : i32
    %jit3A = arith.constant 2 : i32
    %div3A = arith.divsi %squeeze3A, %jit3A : i32
    %sign3A = arith.constant 0 : i32
    %sign3A_32 = arith.cmpi sgt, %squeeze3A, %sign3A : i32
    %sign3A_33 = arith.extui %sign3A_32 : i1 to i32
    %sign3A_34 = arith.constant 0 : i32
    %sign3A_35 = arith.cmpi slt, %squeeze3A, %sign3A_34 : i32
    %sign3A_36 = arith.extui %sign3A_35 : i1 to i32
    %sign3A_37 = arith.subi %sign3A_33, %sign3A_36 : i32
    %sign3A_38 = arith.constant 0 : i32
    %sign3A_39 = arith.cmpi sgt, %jit3A, %sign3A_38 : i32
    %sign3A_40 = arith.extui %sign3A_39 : i1 to i32
    %sign3A_41 = arith.constant 0 : i32
    %sign3A_42 = arith.cmpi slt, %jit3A, %sign3A_41 : i32
    %sign3A_43 = arith.extui %sign3A_42 : i1 to i32
    %sign3A_44 = arith.subi %sign3A_40, %sign3A_43 : i32
    %ne3A = arith.cmpi ne, %sign3A_37, %sign3A_44 : i32
    %rem3A = arith.remsi %squeeze3A, %jit3A : i32
    %ne3A_45 = arith.constant 0 : i32
    %ne3A_46 = arith.cmpi ne, %rem3A, %ne3A_45 : i32
    %and3A = arith.andi %ne3A, %ne3A_46 : i1
    %sub3A = arith.constant 1 : i32
    %sub3A_47 = arith.subi %div3A, %sub3A : i32
    %select_n3A = arith.select %and3A, %sub3A_47, %div3A : i32
    %while3A = arith.constant 0 : i32
    %while3A_48 = arith.constant 0 : i32
    %while3A_49 = arith.subi %select_n3A, %while3A : i32
    %while3A_50 = arith.addi %while3A, %while3A_49 : i32
    %while3A_51 = arith.constant 1 : i32
    %while3A_52 = arith.divsi %while3A_49, %while3A_51 : i32
    %while3A_53 = arith.muli %while3A_52, %while3A_51 : i32
    %while3A_54 = arith.addi %while3A, %while3A_53 : i32
    %while3A_55 = arith.constant 1 : i32
    %while3A_56 = scf.for %while3A_142 = %while3A to %while3A_54 step %while3A_55 iter_args(%while3A_143 = %while3A_48) -> (i32)  : i32 {
      %mul3A_144 = arith.constant 2 : i32
      %mul3A_145 = arith.muli %while3A_142, %mul3A_144 : i32
      %mul3A_146 = arith.constant 64 : i32
      %mul3A_147 = arith.muli %mul3A_145, %mul3A_146 : i32
      %add3A_148 = arith.addi %mul3A_31, %mul3A_147 : i32
      "tpu.region"() ({
        %run_scoped3A = tpu.sem_alloc : memref<!tpu.dma_semaphore, #tpu.memory_space<semaphore_mem>>
        %dma_start3A_299 = tpu.memref_slice %arg2[%add3A_148] : memref<3280896xi32, #tpu.memory_space<hbm>> -> memref<64xi32, #tpu.memory_space<hbm>>
        %dma_start3A_300 = tpu.memref_slice %arg2[%add3A_148] : memref<3280896xi32, #tpu.memory_space<hbm>> -> memref<64xi32, #tpu.memory_space<hbm>>
        tpu.enqueue_dma source(%dma_start3A_300 : memref<64xi32, #tpu.memory_space<hbm>>) target(%arg6 : memref<64xi32, #tpu.memory_space<vmem>>) target_semaphore(%run_scoped3A : memref<!tpu.dma_semaphore, #tpu.memory_space<semaphore_mem>>)
        %dma_wait3A_301 = tpu.memref_slice %arg2[%add3A_148] : memref<3280896xi32, #tpu.memory_space<hbm>> -> memref<64xi32, #tpu.memory_space<hbm>>
        %dma_wait3A_302 = tpu.memref_slice %arg2[%add3A_148] : memref<3280896xi32, #tpu.memory_space<hbm>> -> memref<64xi32, #tpu.memory_space<hbm>>
        tpu.wait_dma2 semaphore(%run_scoped3A : memref<!tpu.dma_semaphore, #tpu.memory_space<semaphore_mem>>) src(%dma_wait3A_302 : memref<64xi32, #tpu.memory_space<hbm>>) dst(%arg6 : memref<64xi32, #tpu.memory_space<vmem>>)
        tpu.yield
      }) : () -> ()
      %get3A_149 = arith.constant 0 : index
      %get3A_150 = tpu.vector_load %arg6[%get3A_149] {strides = array<i32>} : memref<64xi32, #tpu.memory_space<vmem>>, vector<16xi32>,
      %get3A_151 = vector.shape_cast %get3A_150 : vector<16xi32> to vector<16xi32>
      %and3A_152 = arith.constant 65535 : i32
      %and3A_153 = vector.broadcast %and3A_152 : i32 to vector<16xi32>
      %and3A_154 = arith.andi %get3A_151, %and3A_153 : vector<16xi32>
      %swap3A = arith.constant 0 : index
      %swap3A_155 = tpu.vector_load %arg8[%swap3A] {strides = array<i32>} : memref<64xi32, #tpu.memory_space<vmem>>, vector<16xi32>,
      %swap3A_156 = vector.shape_cast %swap3A_155 : vector<16xi32> to vector<16xi32>
      %swap3A_157 = vector.shape_cast %and3A_154 : vector<16xi32> to vector<16xi32>
      tpu.vector_store %arg8[%swap3A], %swap3A_157 {strides = array<i32>} : memref<64xi32, #tpu.memory_space<vmem>>, vector<16xi32>,
      %shift_right_arithmetic3A = arith.constant 16 : i32
      %shift_right_arithmetic3A_158 = vector.broadcast %shift_right_arithmetic3A : i32 to vector<16xi32>
      %shift_right_arithmetic3A_159 = arith.shrsi %get3A_151, %shift_right_arithmetic3A_158 : vector<16xi32>
      %swap3A_160 = arith.constant 0 : index
      %swap3A_161 = tpu.vector_load %arg10[%swap3A_160] {strides = array<i32>} : memref<64xi32, #tpu.memory_space<vmem>>, vector<16xi32>,
      %swap3A_162 = vector.shape_cast %swap3A_161 : vector<16xi32> to vector<16xi32>
      %swap3A_163 = vector.shape_cast %shift_right_arithmetic3A_159 : vector<16xi32> to vector<16xi32>
      tpu.vector_store %arg10[%swap3A_160], %swap3A_163 {strides = array<i32>} : memref<64xi32, #tpu.memory_space<vmem>>, vector<16xi32>,
      %get3A_164 = arith.constant 16 : index
      %get3A_165 = tpu.vector_load %arg6[%get3A_164] {strides = array<i32>} : memref<64xi32, #tpu.memory_space<vmem>>, vector<16xi32>,
      %get3A_166 = vector.shape_cast %get3A_165 : vector<16xi32> to vector<16xi32>
      %and3A_167 = arith.constant 65535 : i32
      %and3A_168 = vector.broadcast %and3A_167 : i32 to vector<16xi32>
      %and3A_169 = arith.andi %get3A_166, %and3A_168 : vector<16xi32>
      %swap3A_170 = arith.constant 16 : index
      %swap3A_171 = tpu.vector_load %arg8[%swap3A_170] {strides = array<i32>} : memref<64xi32, #tpu.memory_space<vmem>>, vector<16xi32>,
      %swap3A_172 = vector.shape_cast %swap3A_171 : vector<16xi32> to vector<16xi32>
      %swap3A_173 = vector.shape_cast %and3A_169 : vector<16xi32> to vector<16xi32>
      tpu.vector_store %arg8[%swap3A_170], %swap3A_173 {strides = array<i32>} : memref<64xi32, #tpu.memory_space<vmem>>, vector<16xi32>,
      %shift_right_arithmetic3A_174 = arith.constant 16 : i32
      %shift_right_arithmetic3A_175 = vector.broadcast %shift_right_arithmetic3A_174 : i32 to vector<16xi32>
      %shift_right_arithmetic3A_176 = arith.shrsi %get3A_166, %shift_right_arithmetic3A_175 : vector<16xi32>
      %swap3A_177 = arith.constant 16 : index
      %swap3A_178 = tpu.vector_load %arg10[%swap3A_177] {strides = array<i32>} : memref<64xi32, #tpu.memory_space<vmem>>, vector<16xi32>,
      %swap3A_179 = vector.shape_cast %swap3A_178 : vector<16xi32> to vector<16xi32>
      %swap3A_180 = vector.shape_cast %shift_right_arithmetic3A_176 : vector<16xi32> to vector<16xi32>
      tpu.vector_store %arg10[%swap3A_177], %swap3A_180 {strides = array<i32>} : memref<64xi32, #tpu.memory_space<vmem>>, vector<16xi32>,
      %get3A_181 = arith.constant 32 : index
      %get3A_182 = tpu.vector_load %arg6[%get3A_181] {strides = array<i32>} : memref<64xi32, #tpu.memory_space<vmem>>, vector<16xi32>,
      %get3A_183 = vector.shape_cast %get3A_182 : vector<16xi32> to vector<16xi32>
      %and3A_184 = arith.constant 65535 : i32
      %and3A_185 = vector.broadcast %and3A_184 : i32 to vector<16xi32>
      %and3A_186 = arith.andi %get3A_183, %and3A_185 : vector<16xi32>
      %swap3A_187 = arith.constant 32 : index
      %swap3A_188 = tpu.vector_load %arg8[%swap3A_187] {strides = array<i32>} : memref<64xi32, #tpu.memory_space<vmem>>, vector<16xi32>,
      %swap3A_189 = vector.shape_cast %swap3A_188 : vector<16xi32> to vector<16xi32>
      %swap3A_190 = vector.shape_cast %and3A_186 : vector<16xi32> to vector<16xi32>
      tpu.vector_store %arg8[%swap3A_187], %swap3A_190 {strides = array<i32>} : memref<64xi32, #tpu.memory_space<vmem>>, vector<16xi32>,
      %shift_right_arithmetic3A_191 = arith.constant 16 : i32
      %shift_right_arithmetic3A_192 = vector.broadcast %shift_right_arithmetic3A_191 : i32 to vector<16xi32>
      %shift_right_arithmetic3A_193 = arith.shrsi %get3A_183, %shift_right_arithmetic3A_192 : vector<16xi32>
      %swap3A_194 = arith.constant 32 : index
      %swap3A_195 = tpu.vector_load %arg10[%swap3A_194] {strides = array<i32>} : memref<64xi32, #tpu.memory_space<vmem>>, vector<16xi32>,
      %swap3A_196 = vector.shape_cast %swap3A_195 : vector<16xi32> to vector<16xi32>
      %swap3A_197 = vector.shape_cast %shift_right_arithmetic3A_193 : vector<16xi32> to vector<16xi32>
      tpu.vector_store %arg10[%swap3A_194], %swap3A_197 {strides = array<i32>} : memref<64xi32, #tpu.memory_space<vmem>>, vector<16xi32>,
      %get3A_198 = arith.constant 48 : index
      %get3A_199 = tpu.vector_load %arg6[%get3A_198] {strides = array<i32>} : memref<64xi32, #tpu.memory_space<vmem>>, vector<16xi32>,
      %get3A_200 = vector.shape_cast %get3A_199 : vector<16xi32> to vector<16xi32>
      %and3A_201 = arith.constant 65535 : i32
      %and3A_202 = vector.broadcast %and3A_201 : i32 to vector<16xi32>
      %and3A_203 = arith.andi %get3A_200, %and3A_202 : vector<16xi32>
      %swap3A_204 = arith.constant 48 : index
      %swap3A_205 = tpu.vector_load %arg8[%swap3A_204] {strides = array<i32>} : memref<64xi32, #tpu.memory_space<vmem>>, vector<16xi32>,
      %swap3A_206 = vector.shape_cast %swap3A_205 : vector<16xi32> to vector<16xi32>
      %swap3A_207 = vector.shape_cast %and3A_203 : vector<16xi32> to vector<16xi32>
      tpu.vector_store %arg8[%swap3A_204], %swap3A_207 {strides = array<i32>} : memref<64xi32, #tpu.memory_space<vmem>>, vector<16xi32>,
      %shift_right_arithmetic3A_208 = arith.constant 16 : i32
      %shift_right_arithmetic3A_209 = vector.broadcast %shift_right_arithmetic3A_208 : i32 to vector<16xi32>
      %shift_right_arithmetic3A_210 = arith.shrsi %get3A_200, %shift_right_arithmetic3A_209 : vector<16xi32>
      %swap3A_211 = arith.constant 48 : index
      %swap3A_212 = tpu.vector_load %arg10[%swap3A_211] {strides = array<i32>} : memref<64xi32, #tpu.memory_space<vmem>>, vector<16xi32>,
      %swap3A_213 = vector.shape_cast %swap3A_212 : vector<16xi32> to vector<16xi32>
      %swap3A_214 = vector.shape_cast %shift_right_arithmetic3A_210 : vector<16xi32> to vector<16xi32>
      tpu.vector_store %arg10[%swap3A_211], %swap3A_214 {strides = array<i32>} : memref<64xi32, #tpu.memory_space<vmem>>, vector<16xi32>,
      %dma_start3A = arith.constant 0 : i32
      %dma_start3A_215 = arith.constant 0 : i32
      %dma_start3A_216 = tpu.memref_slice %arg4[%dma_start3A, %dma_start3A_215] : memref<50176x128xf32, #tpu.memory_space<hbm>> -> memref<50176x128xf32, #tpu.memory_space<hbm>>
      tpu.enqueue_indirect_dma source(%dma_start3A_216 : memref<50176x128xf32, #tpu.memory_space<hbm>>) target(%arg12 : memref<64x128xf32, #tpu.memory_space<vmem>>) offsets(%arg8 : memref<64xi32, #tpu.memory_space<vmem>>) semaphore(%arg17 : memref<!tpu.dma_semaphore, #tpu.memory_space<semaphore_mem>>)
      %mul3A_217 = arith.constant 64 : i32
      %mul3A_218 = arith.muli %mul3A_145, %mul3A_217 : i32
      %add3A_219 = arith.addi %mul3A_31, %mul3A_218 : i32
      %add3A_220 = arith.constant 64 : i32
      %add3A_221 = arith.addi %add3A_219, %add3A_220 : i32
      "tpu.region"() ({
        %run_scoped3A = tpu.sem_alloc : memref<!tpu.dma_semaphore, #tpu.memory_space<semaphore_mem>>
        %dma_start3A_299 = tpu.memref_slice %arg2[%add3A_221] : memref<3280896xi32, #tpu.memory_space<hbm>> -> memref<64xi32, #tpu.memory_space<hbm>>
        %dma_start3A_300 = tpu.memref_slice %arg2[%add3A_221] : memref<3280896xi32, #tpu.memory_space<hbm>> -> memref<64xi32, #tpu.memory_space<hbm>>
        tpu.enqueue_dma source(%dma_start3A_300 : memref<64xi32, #tpu.memory_space<hbm>>) target(%arg7 : memref<64xi32, #tpu.memory_space<vmem>>) target_semaphore(%run_scoped3A : memref<!tpu.dma_semaphore, #tpu.memory_space<semaphore_mem>>)
        %dma_wait3A_301 = tpu.memref_slice %arg2[%add3A_221] : memref<3280896xi32, #tpu.memory_space<hbm>> -> memref<64xi32, #tpu.memory_space<hbm>>
        %dma_wait3A_302 = tpu.memref_slice %arg2[%add3A_221] : memref<3280896xi32, #tpu.memory_space<hbm>> -> memref<64xi32, #tpu.memory_space<hbm>>
        tpu.wait_dma2 semaphore(%run_scoped3A : memref<!tpu.dma_semaphore, #tpu.memory_space<semaphore_mem>>) src(%dma_wait3A_302 : memref<64xi32, #tpu.memory_space<hbm>>) dst(%arg7 : memref<64xi32, #tpu.memory_space<vmem>>)
        tpu.yield
      }) : () -> ()
      %get3A_222 = arith.constant 0 : index
      %get3A_223 = tpu.vector_load %arg7[%get3A_222] {strides = array<i32>} : memref<64xi32, #tpu.memory_space<vmem>>, vector<16xi32>,
      %get3A_224 = vector.shape_cast %get3A_223 : vector<16xi32> to vector<16xi32>
      %and3A_225 = arith.constant 65535 : i32
      %and3A_226 = vector.broadcast %and3A_225 : i32 to vector<16xi32>
      %and3A_227 = arith.andi %get3A_224, %and3A_226 : vector<16xi32>
      %swap3A_228 = arith.constant 0 : index
      %swap3A_229 = tpu.vector_load %arg9[%swap3A_228] {strides = array<i32>} : memref<64xi32, #tpu.memory_space<vmem>>, vector<16xi32>,
      %swap3A_230 = vector.shape_cast %swap3A_229 : vector<16xi32> to vector<16xi32>
      %swap3A_231 = vector.shape_cast %and3A_227 : vector<16xi32> to vector<16xi32>
      tpu.vector_store %arg9[%swap3A_228], %swap3A_231 {strides = array<i32>} : memref<64xi32, #tpu.memory_space<vmem>>, vector<16xi32>,
      %shift_right_arithmetic3A_232 = arith.constant 16 : i32
      %shift_right_arithmetic3A_233 = vector.broadcast %shift_right_arithmetic3A_232 : i32 to vector<16xi32>
      %shift_right_arithmetic3A_234 = arith.shrsi %get3A_224, %shift_right_arithmetic3A_233 : vector<16xi32>
      %swap3A_235 = arith.constant 0 : index
      %swap3A_236 = tpu.vector_load %arg11[%swap3A_235] {strides = array<i32>} : memref<64xi32, #tpu.memory_space<vmem>>, vector<16xi32>,
      %swap3A_237 = vector.shape_cast %swap3A_236 : vector<16xi32> to vector<16xi32>
      %swap3A_238 = vector.shape_cast %shift_right_arithmetic3A_234 : vector<16xi32> to vector<16xi32>
      tpu.vector_store %arg11[%swap3A_235], %swap3A_238 {strides = array<i32>} : memref<64xi32, #tpu.memory_space<vmem>>, vector<16xi32>,
      %get3A_239 = arith.constant 16 : index
      %get3A_240 = tpu.vector_load %arg7[%get3A_239] {strides = array<i32>} : memref<64xi32, #tpu.memory_space<vmem>>, vector<16xi32>,
      %get3A_241 = vector.shape_cast %get3A_240 : vector<16xi32> to vector<16xi32>
      %and3A_242 = arith.constant 65535 : i32
      %and3A_243 = vector.broadcast %and3A_242 : i32 to vector<16xi32>
      %and3A_244 = arith.andi %get3A_241, %and3A_243 : vector<16xi32>
      %swap3A_245 = arith.constant 16 : index
      %swap3A_246 = tpu.vector_load %arg9[%swap3A_245] {strides = array<i32>} : memref<64xi32, #tpu.memory_space<vmem>>, vector<16xi32>,
      %swap3A_247 = vector.shape_cast %swap3A_246 : vector<16xi32> to vector<16xi32>
      %swap3A_248 = vector.shape_cast %and3A_244 : vector<16xi32> to vector<16xi32>
      tpu.vector_store %arg9[%swap3A_245], %swap3A_248 {strides = array<i32>} : memref<64xi32, #tpu.memory_space<vmem>>, vector<16xi32>,
      %shift_right_arithmetic3A_249 = arith.constant 16 : i32
      %shift_right_arithmetic3A_250 = vector.broadcast %shift_right_arithmetic3A_249 : i32 to vector<16xi32>
      %shift_right_arithmetic3A_251 = arith.shrsi %get3A_241, %shift_right_arithmetic3A_250 : vector<16xi32>
      %swap3A_252 = arith.constant 16 : index
      %swap3A_253 = tpu.vector_load %arg11[%swap3A_252] {strides = array<i32>} : memref<64xi32, #tpu.memory_space<vmem>>, vector<16xi32>,
      %swap3A_254 = vector.shape_cast %swap3A_253 : vector<16xi32> to vector<16xi32>
      %swap3A_255 = vector.shape_cast %shift_right_arithmetic3A_251 : vector<16xi32> to vector<16xi32>
      tpu.vector_store %arg11[%swap3A_252], %swap3A_255 {strides = array<i32>} : memref<64xi32, #tpu.memory_space<vmem>>, vector<16xi32>,
      %get3A_256 = arith.constant 32 : index
      %get3A_257 = tpu.vector_load %arg7[%get3A_256] {strides = array<i32>} : memref<64xi32, #tpu.memory_space<vmem>>, vector<16xi32>,
      %get3A_258 = vector.shape_cast %get3A_257 : vector<16xi32> to vector<16xi32>
      %and3A_259 = arith.constant 65535 : i32
      %and3A_260 = vector.broadcast %and3A_259 : i32 to vector<16xi32>
      %and3A_261 = arith.andi %get3A_258, %and3A_260 : vector<16xi32>
      %swap3A_262 = arith.constant 32 : index
      %swap3A_263 = tpu.vector_load %arg9[%swap3A_262] {strides = array<i32>} : memref<64xi32, #tpu.memory_space<vmem>>, vector<16xi32>,
      %swap3A_264 = vector.shape_cast %swap3A_263 : vector<16xi32> to vector<16xi32>
      %swap3A_265 = vector.shape_cast %and3A_261 : vector<16xi32> to vector<16xi32>
      tpu.vector_store %arg9[%swap3A_262], %swap3A_265 {strides = array<i32>} : memref<64xi32, #tpu.memory_space<vmem>>, vector<16xi32>,
      %shift_right_arithmetic3A_266 = arith.constant 16 : i32
      %shift_right_arithmetic3A_267 = vector.broadcast %shift_right_arithmetic3A_266 : i32 to vector<16xi32>
      %shift_right_arithmetic3A_268 = arith.shrsi %get3A_258, %shift_right_arithmetic3A_267 : vector<16xi32>
      %swap3A_269 = arith.constant 32 : index
      %swap3A_270 = tpu.vector_load %arg11[%swap3A_269] {strides = array<i32>} : memref<64xi32, #tpu.memory_space<vmem>>, vector<16xi32>,
      %swap3A_271 = vector.shape_cast %swap3A_270 : vector<16xi32> to vector<16xi32>
      %swap3A_272 = vector.shape_cast %shift_right_arithmetic3A_268 : vector<16xi32> to vector<16xi32>
      tpu.vector_store %arg11[%swap3A_269], %swap3A_272 {strides = array<i32>} : memref<64xi32, #tpu.memory_space<vmem>>, vector<16xi32>,
      %get3A_273 = arith.constant 48 : index
      %get3A_274 = tpu.vector_load %arg7[%get3A_273] {strides = array<i32>} : memref<64xi32, #tpu.memory_space<vmem>>, vector<16xi32>,
      %get3A_275 = vector.shape_cast %get3A_274 : vector<16xi32> to vector<16xi32>
      %and3A_276 = arith.constant 65535 : i32
      %and3A_277 = vector.broadcast %and3A_276 : i32 to vector<16xi32>
      %and3A_278 = arith.andi %get3A_275, %and3A_277 : vector<16xi32>
      %swap3A_279 = arith.constant 48 : index
      %swap3A_280 = tpu.vector_load %arg9[%swap3A_279] {strides = array<i32>} : memref<64xi32, #tpu.memory_space<vmem>>, vector<16xi32>,
      %swap3A_281 = vector.shape_cast %swap3A_280 : vector<16xi32> to vector<16xi32>
      %swap3A_282 = vector.shape_cast %and3A_278 : vector<16xi32> to vector<16xi32>
      tpu.vector_store %arg9[%swap3A_279], %swap3A_282 {strides = array<i32>} : memref<64xi32, #tpu.memory_space<vmem>>, vector<16xi32>,
      %shift_right_arithmetic3A_283 = arith.constant 16 : i32
      %shift_right_arithmetic3A_284 = vector.broadcast %shift_right_arithmetic3A_283 : i32 to vector<16xi32>
      %shift_right_arithmetic3A_285 = arith.shrsi %get3A_275, %shift_right_arithmetic3A_284 : vector<16xi32>
      %swap3A_286 = arith.constant 48 : index
      %swap3A_287 = tpu.vector_load %arg11[%swap3A_286] {strides = array<i32>} : memref<64xi32, #tpu.memory_space<vmem>>, vector<16xi32>,
      %swap3A_288 = vector.shape_cast %swap3A_287 : vector<16xi32> to vector<16xi32>
      %swap3A_289 = vector.shape_cast %shift_right_arithmetic3A_285 : vector<16xi32> to vector<16xi32>
      tpu.vector_store %arg11[%swap3A_286], %swap3A_289 {strides = array<i32>} : memref<64xi32, #tpu.memory_space<vmem>>, vector<16xi32>,
      %dma_start3A_290 = arith.constant 0 : i32
      %dma_start3A_291 = arith.constant 0 : i32
      %dma_start3A_292 = tpu.memref_slice %arg4[%dma_start3A_290, %dma_start3A_291] : memref<50176x128xf32, #tpu.memory_space<hbm>> -> memref<50176x128xf32, #tpu.memory_space<hbm>>
      tpu.enqueue_indirect_dma source(%dma_start3A_292 : memref<50176x128xf32, #tpu.memory_space<hbm>>) target(%arg13 : memref<64x128xf32, #tpu.memory_space<vmem>>) offsets(%arg9 : memref<64xi32, #tpu.memory_space<vmem>>) semaphore(%arg18 : memref<!tpu.dma_semaphore, #tpu.memory_space<semaphore_mem>>)
      %dma_wait3A = arith.constant 0 : i32
      %dma_wait3A_293 = arith.constant 0 : i32
      %dma_wait3A_294 = tpu.memref_slice %arg4[%dma_wait3A, %dma_wait3A_293] : memref<50176x128xf32, #tpu.memory_space<hbm>> -> memref<50176x128xf32, #tpu.memory_space<hbm>>
      tpu.wait_indirect_dma semaphore(%arg17 : memref<!tpu.dma_semaphore, #tpu.memory_space<semaphore_mem>>) src(%dma_wait3A_294 : memref<50176x128xf32, #tpu.memory_space<hbm>>) dst(%arg12 : memref<64x128xf32, #tpu.memory_space<vmem>>)
      "tpu.region"() ({
        %run_scoped3A = tpu.sem_alloc : memref<!tpu.dma_semaphore, #tpu.memory_space<semaphore_mem>>
        %dma_start3A_299 = arith.constant 0 : i32
        %dma_start3A_300 = arith.constant 0 : i32
        %dma_start3A_301 = tpu.memref_slice %arg16[%dma_start3A_299, %dma_start3A_300] : memref<12800x128xf32, #tpu.memory_space<vmem_shared>> -> memref<12800x128xf32, #tpu.memory_space<vmem_shared>>
        tpu.enqueue_indirect_dma source(%arg12 : memref<64x128xf32, #tpu.memory_space<vmem>>) target(%dma_start3A_301 : memref<12800x128xf32, #tpu.memory_space<vmem_shared>>) offsets(%arg10 : memref<64xi32, #tpu.memory_space<vmem>>) semaphore(%run_scoped3A : memref<!tpu.dma_semaphore, #tpu.memory_space<semaphore_mem>>) {add = true}
        %dma_wait3A_302 = arith.constant 0 : i32
        %dma_wait3A_303 = arith.constant 0 : i32
        %dma_wait3A_304 = tpu.memref_slice %arg16[%dma_wait3A_302, %dma_wait3A_303] : memref<12800x128xf32, #tpu.memory_space<vmem_shared>> -> memref<12800x128xf32, #tpu.memory_space<vmem_shared>>
        tpu.wait_indirect_dma semaphore(%run_scoped3A : memref<!tpu.dma_semaphore, #tpu.memory_space<semaphore_mem>>) src(%arg12 : memref<64x128xf32, #tpu.memory_space<vmem>>) dst(%dma_wait3A_304 : memref<12800x128xf32, #tpu.memory_space<vmem_shared>>)
        tpu.yield
      }) : () -> ()
      %dma_wait3A_295 = arith.constant 0 : i32
      %dma_wait3A_296 = arith.constant 0 : i32
      %dma_wait3A_297 = tpu.memref_slice %arg4[%dma_wait3A_295, %dma_wait3A_296] : memref<50176x128xf32, #tpu.memory_space<hbm>> -> memref<50176x128xf32, #tpu.memory_space<hbm>>
      tpu.wait_indirect_dma semaphore(%arg18 : memref<!tpu.dma_semaphore, #tpu.memory_space<semaphore_mem>>) src(%dma_wait3A_297 : memref<50176x128xf32, #tpu.memory_space<hbm>>) dst(%arg13 : memref<64x128xf32, #tpu.memory_space<vmem>>)
      "tpu.region"() ({
        %run_scoped3A = tpu.sem_alloc : memref<!tpu.dma_semaphore, #tpu.memory_space<semaphore_mem>>
        %dma_start3A_299 = arith.constant 0 : i32
        %dma_start3A_300 = arith.constant 0 : i32
        %dma_start3A_301 = tpu.memref_slice %arg16[%dma_start3A_299, %dma_start3A_300] : memref<12800x128xf32, #tpu.memory_space<vmem_shared>> -> memref<12800x128xf32, #tpu.memory_space<vmem_shared>>
        tpu.enqueue_indirect_dma source(%arg13 : memref<64x128xf32, #tpu.memory_space<vmem>>) target(%dma_start3A_301 : memref<12800x128xf32, #tpu.memory_space<vmem_shared>>) offsets(%arg11 : memref<64xi32, #tpu.memory_space<vmem>>) semaphore(%run_scoped3A : memref<!tpu.dma_semaphore, #tpu.memory_space<semaphore_mem>>) {add = true}
        %dma_wait3A_302 = arith.constant 0 : i32
        %dma_wait3A_303 = arith.constant 0 : i32
        %dma_wait3A_304 = tpu.memref_slice %arg16[%dma_wait3A_302, %dma_wait3A_303] : memref<12800x128xf32, #tpu.memory_space<vmem_shared>> -> memref<12800x128xf32, #tpu.memory_space<vmem_shared>>
        tpu.wait_indirect_dma semaphore(%run_scoped3A : memref<!tpu.dma_semaphore, #tpu.memory_space<semaphore_mem>>) src(%arg13 : memref<64x128xf32, #tpu.memory_space<vmem>>) dst(%dma_wait3A_304 : memref<12800x128xf32, #tpu.memory_space<vmem_shared>>)
        tpu.yield
      }) : () -> ()
      %while3A_298 = arith.constant 0 : i32
      scf.yield %while3A_298 : i32
    }
    %while3A_57 = arith.constant 1 : i32
    %while3A_58 = scf.for %while3A_142 = %while3A_54 to %while3A_50 step %while3A_57 iter_args(%while3A_143 = %while3A_56) -> (i32)  : i32 {
      %mul3A_144 = arith.constant 2 : i32
      %mul3A_145 = arith.muli %while3A_142, %mul3A_144 : i32
      %mul3A_146 = arith.constant 64 : i32
      %mul3A_147 = arith.muli %mul3A_145, %mul3A_146 : i32
      %add3A_148 = arith.addi %mul3A_31, %mul3A_147 : i32
      "tpu.region"() ({
        %run_scoped3A = tpu.sem_alloc : memref<!tpu.dma_semaphore, #tpu.memory_space<semaphore_mem>>
        %dma_start3A_299 = tpu.memref_slice %arg2[%add3A_148] : memref<3280896xi32, #tpu.memory_space<hbm>> -> memref<64xi32, #tpu.memory_space<hbm>>
        %dma_start3A_300 = tpu.memref_slice %arg2[%add3A_148] : memref<3280896xi32, #tpu.memory_space<hbm>> -> memref<64xi32, #tpu.memory_space<hbm>>
        tpu.enqueue_dma source(%dma_start3A_300 : memref<64xi32, #tpu.memory_space<hbm>>) target(%arg6 : memref<64xi32, #tpu.memory_space<vmem>>) target_semaphore(%run_scoped3A : memref<!tpu.dma_semaphore, #tpu.memory_space<semaphore_mem>>)
        %dma_wait3A_301 = tpu.memref_slice %arg2[%add3A_148] : memref<3280896xi32, #tpu.memory_space<hbm>> -> memref<64xi32, #tpu.memory_space<hbm>>
        %dma_wait3A_302 = tpu.memref_slice %arg2[%add3A_148] : memref<3280896xi32, #tpu.memory_space<hbm>> -> memref<64xi32, #tpu.memory_space<hbm>>
        tpu.wait_dma2 semaphore(%run_scoped3A : memref<!tpu.dma_semaphore, #tpu.memory_space<semaphore_mem>>) src(%dma_wait3A_302 : memref<64xi32, #tpu.memory_space<hbm>>) dst(%arg6 : memref<64xi32, #tpu.memory_space<vmem>>)
        tpu.yield
      }) : () -> ()
      %get3A_149 = arith.constant 0 : index
      %get3A_150 = tpu.vector_load %arg6[%get3A_149] {strides = array<i32>} : memref<64xi32, #tpu.memory_space<vmem>>, vector<16xi32>,
      %get3A_151 = vector.shape_cast %get3A_150 : vector<16xi32> to vector<16xi32>
      %and3A_152 = arith.constant 65535 : i32
      %and3A_153 = vector.broadcast %and3A_152 : i32 to vector<16xi32>
      %and3A_154 = arith.andi %get3A_151, %and3A_153 : vector<16xi32>
      %swap3A = arith.constant 0 : index
      %swap3A_155 = tpu.vector_load %arg8[%swap3A] {strides = array<i32>} : memref<64xi32, #tpu.memory_space<vmem>>, vector<16xi32>,
      %swap3A_156 = vector.shape_cast %swap3A_155 : vector<16xi32> to vector<16xi32>
      %swap3A_157 = vector.shape_cast %and3A_154 : vector<16xi32> to vector<16xi32>
      tpu.vector_store %arg8[%swap3A], %swap3A_157 {strides = array<i32>} : memref<64xi32, #tpu.memory_space<vmem>>, vector<16xi32>,
      %shift_right_arithmetic3A = arith.constant 16 : i32
      %shift_right_arithmetic3A_158 = vector.broadcast %shift_right_arithmetic3A : i32 to vector<16xi32>
      %shift_right_arithmetic3A_159 = arith.shrsi %get3A_151, %shift_right_arithmetic3A_158 : vector<16xi32>
      %swap3A_160 = arith.constant 0 : index
      %swap3A_161 = tpu.vector_load %arg10[%swap3A_160] {strides = array<i32>} : memref<64xi32, #tpu.memory_space<vmem>>, vector<16xi32>,
      %swap3A_162 = vector.shape_cast %swap3A_161 : vector<16xi32> to vector<16xi32>
      %swap3A_163 = vector.shape_cast %shift_right_arithmetic3A_159 : vector<16xi32> to vector<16xi32>
      tpu.vector_store %arg10[%swap3A_160], %swap3A_163 {strides = array<i32>} : memref<64xi32, #tpu.memory_space<vmem>>, vector<16xi32>,
      %get3A_164 = arith.constant 16 : index
      %get3A_165 = tpu.vector_load %arg6[%get3A_164] {strides = array<i32>} : memref<64xi32, #tpu.memory_space<vmem>>, vector<16xi32>,
      %get3A_166 = vector.shape_cast %get3A_165 : vector<16xi32> to vector<16xi32>
      %and3A_167 = arith.constant 65535 : i32
      %and3A_168 = vector.broadcast %and3A_167 : i32 to vector<16xi32>
      %and3A_169 = arith.andi %get3A_166, %and3A_168 : vector<16xi32>
      %swap3A_170 = arith.constant 16 : index
      %swap3A_171 = tpu.vector_load %arg8[%swap3A_170] {strides = array<i32>} : memref<64xi32, #tpu.memory_space<vmem>>, vector<16xi32>,
      %swap3A_172 = vector.shape_cast %swap3A_171 : vector<16xi32> to vector<16xi32>
      %swap3A_173 = vector.shape_cast %and3A_169 : vector<16xi32> to vector<16xi32>
      tpu.vector_store %arg8[%swap3A_170], %swap3A_173 {strides = array<i32>} : memref<64xi32, #tpu.memory_space<vmem>>, vector<16xi32>,
      %shift_right_arithmetic3A_174 = arith.constant 16 : i32
      %shift_right_arithmetic3A_175 = vector.broadcast %shift_right_arithmetic3A_174 : i32 to vector<16xi32>
      %shift_right_arithmetic3A_176 = arith.shrsi %get3A_166, %shift_right_arithmetic3A_175 : vector<16xi32>
      %swap3A_177 = arith.constant 16 : index
      %swap3A_178 = tpu.vector_load %arg10[%swap3A_177] {strides = array<i32>} : memref<64xi32, #tpu.memory_space<vmem>>, vector<16xi32>,
      %swap3A_179 = vector.shape_cast %swap3A_178 : vector<16xi32> to vector<16xi32>
      %swap3A_180 = vector.shape_cast %shift_right_arithmetic3A_176 : vector<16xi32> to vector<16xi32>
      tpu.vector_store %arg10[%swap3A_177], %swap3A_180 {strides = array<i32>} : memref<64xi32, #tpu.memory_space<vmem>>, vector<16xi32>,
      %get3A_181 = arith.constant 32 : index
      %get3A_182 = tpu.vector_load %arg6[%get3A_181] {strides = array<i32>} : memref<64xi32, #tpu.memory_space<vmem>>, vector<16xi32>,
      %get3A_183 = vector.shape_cast %get3A_182 : vector<16xi32> to vector<16xi32>
      %and3A_184 = arith.constant 65535 : i32
      %and3A_185 = vector.broadcast %and3A_184 : i32 to vector<16xi32>
      %and3A_186 = arith.andi %get3A_183, %and3A_185 : vector<16xi32>
      %swap3A_187 = arith.constant 32 : index
      %swap3A_188 = tpu.vector_load %arg8[%swap3A_187] {strides = array<i32>} : memref<64xi32, #tpu.memory_space<vmem>>, vector<16xi32>,
      %swap3A_189 = vector.shape_cast %swap3A_188 : vector<16xi32> to vector<16xi32>
      %swap3A_190 = vector.shape_cast %and3A_186 : vector<16xi32> to vector<16xi32>
      tpu.vector_store %arg8[%swap3A_187], %swap3A_190 {strides = array<i32>} : memref<64xi32, #tpu.memory_space<vmem>>, vector<16xi32>,
      %shift_right_arithmetic3A_191 = arith.constant 16 : i32
      %shift_right_arithmetic3A_192 = vector.broadcast %shift_right_arithmetic3A_191 : i32 to vector<16xi32>
      %shift_right_arithmetic3A_193 = arith.shrsi %get3A_183, %shift_right_arithmetic3A_192 : vector<16xi32>
      %swap3A_194 = arith.constant 32 : index
      %swap3A_195 = tpu.vector_load %arg10[%swap3A_194] {strides = array<i32>} : memref<64xi32, #tpu.memory_space<vmem>>, vector<16xi32>,
      %swap3A_196 = vector.shape_cast %swap3A_195 : vector<16xi32> to vector<16xi32>
      %swap3A_197 = vector.shape_cast %shift_right_arithmetic3A_193 : vector<16xi32> to vector<16xi32>
      tpu.vector_store %arg10[%swap3A_194], %swap3A_197 {strides = array<i32>} : memref<64xi32, #tpu.memory_space<vmem>>, vector<16xi32>,
      %get3A_198 = arith.constant 48 : index
      %get3A_199 = tpu.vector_load %arg6[%get3A_198] {strides = array<i32>} : memref<64xi32, #tpu.memory_space<vmem>>, vector<16xi32>,
      %get3A_200 = vector.shape_cast %get3A_199 : vector<16xi32> to vector<16xi32>
      %and3A_201 = arith.constant 65535 : i32
      %and3A_202 = vector.broadcast %and3A_201 : i32 to vector<16xi32>
      %and3A_203 = arith.andi %get3A_200, %and3A_202 : vector<16xi32>
      %swap3A_204 = arith.constant 48 : index
      %swap3A_205 = tpu.vector_load %arg8[%swap3A_204] {strides = array<i32>} : memref<64xi32, #tpu.memory_space<vmem>>, vector<16xi32>,
      %swap3A_206 = vector.shape_cast %swap3A_205 : vector<16xi32> to vector<16xi32>
      %swap3A_207 = vector.shape_cast %and3A_203 : vector<16xi32> to vector<16xi32>
      tpu.vector_store %arg8[%swap3A_204], %swap3A_207 {strides = array<i32>} : memref<64xi32, #tpu.memory_space<vmem>>, vector<16xi32>,
      %shift_right_arithmetic3A_208 = arith.constant 16 : i32
      %shift_right_arithmetic3A_209 = vector.broadcast %shift_right_arithmetic3A_208 : i32 to vector<16xi32>
      %shift_right_arithmetic3A_210 = arith.shrsi %get3A_200, %shift_right_arithmetic3A_209 : vector<16xi32>
      %swap3A_211 = arith.constant 48 : index
      %swap3A_212 = tpu.vector_load %arg10[%swap3A_211] {strides = array<i32>} : memref<64xi32, #tpu.memory_space<vmem>>, vector<16xi32>,
      %swap3A_213 = vector.shape_cast %swap3A_212 : vector<16xi32> to vector<16xi32>
      %swap3A_214 = vector.shape_cast %shift_right_arithmetic3A_210 : vector<16xi32> to vector<16xi32>
      tpu.vector_store %arg10[%swap3A_211], %swap3A_214 {strides = array<i32>} : memref<64xi32, #tpu.memory_space<vmem>>, vector<16xi32>,
      %dma_start3A = arith.constant 0 : i32
      %dma_start3A_215 = arith.constant 0 : i32
      %dma_start3A_216 = tpu.memref_slice %arg4[%dma_start3A, %dma_start3A_215] : memref<50176x128xf32, #tpu.memory_space<hbm>> -> memref<50176x128xf32, #tpu.memory_space<hbm>>
      tpu.enqueue_indirect_dma source(%dma_start3A_216 : memref<50176x128xf32, #tpu.memory_space<hbm>>) target(%arg12 : memref<64x128xf32, #tpu.memory_space<vmem>>) offsets(%arg8 : memref<64xi32, #tpu.memory_space<vmem>>) semaphore(%arg17 : memref<!tpu.dma_semaphore, #tpu.memory_space<semaphore_mem>>)
      %mul3A_217 = arith.constant 64 : i32
      %mul3A_218 = arith.muli %mul3A_145, %mul3A_217 : i32
      %add3A_219 = arith.addi %mul3A_31, %mul3A_218 : i32
      %add3A_220 = arith.constant 64 : i32
      %add3A_221 = arith.addi %add3A_219, %add3A_220 : i32
      "tpu.region"() ({
        %run_scoped3A = tpu.sem_alloc : memref<!tpu.dma_semaphore, #tpu.memory_space<semaphore_mem>>
        %dma_start3A_299 = tpu.memref_slice %arg2[%add3A_221] : memref<3280896xi32, #tpu.memory_space<hbm>> -> memref<64xi32, #tpu.memory_space<hbm>>
        %dma_start3A_300 = tpu.memref_slice %arg2[%add3A_221] : memref<3280896xi32, #tpu.memory_space<hbm>> -> memref<64xi32, #tpu.memory_space<hbm>>
        tpu.enqueue_dma source(%dma_start3A_300 : memref<64xi32, #tpu.memory_space<hbm>>) target(%arg7 : memref<64xi32, #tpu.memory_space<vmem>>) target_semaphore(%run_scoped3A : memref<!tpu.dma_semaphore, #tpu.memory_space<semaphore_mem>>)
        %dma_wait3A_301 = tpu.memref_slice %arg2[%add3A_221] : memref<3280896xi32, #tpu.memory_space<hbm>> -> memref<64xi32, #tpu.memory_space<hbm>>
        %dma_wait3A_302 = tpu.memref_slice %arg2[%add3A_221] : memref<3280896xi32, #tpu.memory_space<hbm>> -> memref<64xi32, #tpu.memory_space<hbm>>
        tpu.wait_dma2 semaphore(%run_scoped3A : memref<!tpu.dma_semaphore, #tpu.memory_space<semaphore_mem>>) src(%dma_wait3A_302 : memref<64xi32, #tpu.memory_space<hbm>>) dst(%arg7 : memref<64xi32, #tpu.memory_space<vmem>>)
        tpu.yield
      }) : () -> ()
      %get3A_222 = arith.constant 0 : index
      %get3A_223 = tpu.vector_load %arg7[%get3A_222] {strides = array<i32>} : memref<64xi32, #tpu.memory_space<vmem>>, vector<16xi32>,
      %get3A_224 = vector.shape_cast %get3A_223 : vector<16xi32> to vector<16xi32>
      %and3A_225 = arith.constant 65535 : i32
      %and3A_226 = vector.broadcast %and3A_225 : i32 to vector<16xi32>
      %and3A_227 = arith.andi %get3A_224, %and3A_226 : vector<16xi32>
      %swap3A_228 = arith.constant 0 : index
      %swap3A_229 = tpu.vector_load %arg9[%swap3A_228] {strides = array<i32>} : memref<64xi32, #tpu.memory_space<vmem>>, vector<16xi32>,
      %swap3A_230 = vector.shape_cast %swap3A_229 : vector<16xi32> to vector<16xi32>
      %swap3A_231 = vector.shape_cast %and3A_227 : vector<16xi32> to vector<16xi32>
      tpu.vector_store %arg9[%swap3A_228], %swap3A_231 {strides = array<i32>} : memref<64xi32, #tpu.memory_space<vmem>>, vector<16xi32>,
      %shift_right_arithmetic3A_232 = arith.constant 16 : i32
      %shift_right_arithmetic3A_233 = vector.broadcast %shift_right_arithmetic3A_232 : i32 to vector<16xi32>
      %shift_right_arithmetic3A_234 = arith.shrsi %get3A_224, %shift_right_arithmetic3A_233 : vector<16xi32>
      %swap3A_235 = arith.constant 0 : index
      %swap3A_236 = tpu.vector_load %arg11[%swap3A_235] {strides = array<i32>} : memref<64xi32, #tpu.memory_space<vmem>>, vector<16xi32>,
      %swap3A_237 = vector.shape_cast %swap3A_236 : vector<16xi32> to vector<16xi32>
      %swap3A_238 = vector.shape_cast %shift_right_arithmetic3A_234 : vector<16xi32> to vector<16xi32>
      tpu.vector_store %arg11[%swap3A_235], %swap3A_238 {strides = array<i32>} : memref<64xi32, #tpu.memory_space<vmem>>, vector<16xi32>,
      %get3A_239 = arith.constant 16 : index
      %get3A_240 = tpu.vector_load %arg7[%get3A_239] {strides = array<i32>} : memref<64xi32, #tpu.memory_space<vmem>>, vector<16xi32>,
      %get3A_241 = vector.shape_cast %get3A_240 : vector<16xi32> to vector<16xi32>
      %and3A_242 = arith.constant 65535 : i32
      %and3A_243 = vector.broadcast %and3A_242 : i32 to vector<16xi32>
      %and3A_244 = arith.andi %get3A_241, %and3A_243 : vector<16xi32>
      %swap3A_245 = arith.constant 16 : index
      %swap3A_246 = tpu.vector_load %arg9[%swap3A_245] {strides = array<i32>} : memref<64xi32, #tpu.memory_space<vmem>>, vector<16xi32>,
      %swap3A_247 = vector.shape_cast %swap3A_246 : vector<16xi32> to vector<16xi32>
      %swap3A_248 = vector.shape_cast %and3A_244 : vector<16xi32> to vector<16xi32>
      tpu.vector_store %arg9[%swap3A_245], %swap3A_248 {strides = array<i32>} : memref<64xi32, #tpu.memory_space<vmem>>, vector<16xi32>,
      %shift_right_arithmetic3A_249 = arith.constant 16 : i32
      %shift_right_arithmetic3A_250 = vector.broadcast %shift_right_arithmetic3A_249 : i32 to vector<16xi32>
      %shift_right_arithmetic3A_251 = arith.shrsi %get3A_241, %shift_right_arithmetic3A_250 : vector<16xi32>
      %swap3A_252 = arith.constant 16 : index
      %swap3A_253 = tpu.vector_load %arg11[%swap3A_252] {strides = array<i32>} : memref<64xi32, #tpu.memory_space<vmem>>, vector<16xi32>,
      %swap3A_254 = vector.shape_cast %swap3A_253 : vector<16xi32> to vector<16xi32>
      %swap3A_255 = vector.shape_cast %shift_right_arithmetic3A_251 : vector<16xi32> to vector<16xi32>
      tpu.vector_store %arg11[%swap3A_252], %swap3A_255 {strides = array<i32>} : memref<64xi32, #tpu.memory_space<vmem>>, vector<16xi32>,
      %get3A_256 = arith.constant 32 : index
      %get3A_257 = tpu.vector_load %arg7[%get3A_256] {strides = array<i32>} : memref<64xi32, #tpu.memory_space<vmem>>, vector<16xi32>,
      %get3A_258 = vector.shape_cast %get3A_257 : vector<16xi32> to vector<16xi32>
      %and3A_259 = arith.constant 65535 : i32
      %and3A_260 = vector.broadcast %and3A_259 : i32 to vector<16xi32>
      %and3A_261 = arith.andi %get3A_258, %and3A_260 : vector<16xi32>
      %swap3A_262 = arith.constant 32 : index
      %swap3A_263 = tpu.vector_load %arg9[%swap3A_262] {strides = array<i32>} : memref<64xi32, #tpu.memory_space<vmem>>, vector<16xi32>,
      %swap3A_264 = vector.shape_cast %swap3A_263 : vector<16xi32> to vector<16xi32>
      %swap3A_265 = vector.shape_cast %and3A_261 : vector<16xi32> to vector<16xi32>
      tpu.vector_store %arg9[%swap3A_262], %swap3A_265 {strides = array<i32>} : memref<64xi32, #tpu.memory_space<vmem>>, vector<16xi32>,
      %shift_right_arithmetic3A_266 = arith.constant 16 : i32
      %shift_right_arithmetic3A_267 = vector.broadcast %shift_right_arithmetic3A_266 : i32 to vector<16xi32>
      %shift_right_arithmetic3A_268 = arith.shrsi %get3A_258, %shift_right_arithmetic3A_267 : vector<16xi32>
      %swap3A_269 = arith.constant 32 : index
      %swap3A_270 = tpu.vector_load %arg11[%swap3A_269] {strides = array<i32>} : memref<64xi32, #tpu.memory_space<vmem>>, vector<16xi32>,
      %swap3A_271 = vector.shape_cast %swap3A_270 : vector<16xi32> to vector<16xi32>
      %swap3A_272 = vector.shape_cast %shift_right_arithmetic3A_268 : vector<16xi32> to vector<16xi32>
      tpu.vector_store %arg11[%swap3A_269], %swap3A_272 {strides = array<i32>} : memref<64xi32, #tpu.memory_space<vmem>>, vector<16xi32>,
      %get3A_273 = arith.constant 48 : index
      %get3A_274 = tpu.vector_load %arg7[%get3A_273] {strides = array<i32>} : memref<64xi32, #tpu.memory_space<vmem>>, vector<16xi32>,
      %get3A_275 = vector.shape_cast %get3A_274 : vector<16xi32> to vector<16xi32>
      %and3A_276 = arith.constant 65535 : i32
      %and3A_277 = vector.broadcast %and3A_276 : i32 to vector<16xi32>
      %and3A_278 = arith.andi %get3A_275, %and3A_277 : vector<16xi32>
      %swap3A_279 = arith.constant 48 : index
      %swap3A_280 = tpu.vector_load %arg9[%swap3A_279] {strides = array<i32>} : memref<64xi32, #tpu.memory_space<vmem>>, vector<16xi32>,
      %swap3A_281 = vector.shape_cast %swap3A_280 : vector<16xi32> to vector<16xi32>
      %swap3A_282 = vector.shape_cast %and3A_278 : vector<16xi32> to vector<16xi32>
      tpu.vector_store %arg9[%swap3A_279], %swap3A_282 {strides = array<i32>} : memref<64xi32, #tpu.memory_space<vmem>>, vector<16xi32>,
      %shift_right_arithmetic3A_283 = arith.constant 16 : i32
      %shift_right_arithmetic3A_284 = vector.broadcast %shift_right_arithmetic3A_283 : i32 to vector<16xi32>
      %shift_right_arithmetic3A_285 = arith.shrsi %get3A_275, %shift_right_arithmetic3A_284 : vector<16xi32>
      %swap3A_286 = arith.constant 48 : index
      %swap3A_287 = tpu.vector_load %arg11[%swap3A_286] {strides = array<i32>} : memref<64xi32, #tpu.memory_space<vmem>>, vector<16xi32>,
      %swap3A_288 = vector.shape_cast %swap3A_287 : vector<16xi32> to vector<16xi32>
      %swap3A_289 = vector.shape_cast %shift_right_arithmetic3A_285 : vector<16xi32> to vector<16xi32>
      tpu.vector_store %arg11[%swap3A_286], %swap3A_289 {strides = array<i32>} : memref<64xi32, #tpu.memory_space<vmem>>, vector<16xi32>,
      %dma_start3A_290 = arith.constant 0 : i32
      %dma_start3A_291 = arith.constant 0 : i32
      %dma_start3A_292 = tpu.memref_slice %arg4[%dma_start3A_290, %dma_start3A_291] : memref<50176x128xf32, #tpu.memory_space<hbm>> -> memref<50176x128xf32, #tpu.memory_space<hbm>>
      tpu.enqueue_indirect_dma source(%dma_start3A_292 : memref<50176x128xf32, #tpu.memory_space<hbm>>) target(%arg13 : memref<64x128xf32, #tpu.memory_space<vmem>>) offsets(%arg9 : memref<64xi32, #tpu.memory_space<vmem>>) semaphore(%arg18 : memref<!tpu.dma_semaphore, #tpu.memory_space<semaphore_mem>>)
      %dma_wait3A = arith.constant 0 : i32
      %dma_wait3A_293 = arith.constant 0 : i32
      %dma_wait3A_294 = tpu.memref_slice %arg4[%dma_wait3A, %dma_wait3A_293] : memref<50176x128xf32, #tpu.memory_space<hbm>> -> memref<50176x128xf32, #tpu.memory_space<hbm>>
      tpu.wait_indirect_dma semaphore(%arg17 : memref<!tpu.dma_semaphore, #tpu.memory_space<semaphore_mem>>) src(%dma_wait3A_294 : memref<50176x128xf32, #tpu.memory_space<hbm>>) dst(%arg12 : memref<64x128xf32, #tpu.memory_space<vmem>>)
      "tpu.region"() ({
        %run_scoped3A = tpu.sem_alloc : memref<!tpu.dma_semaphore, #tpu.memory_space<semaphore_mem>>
        %dma_start3A_299 = arith.constant 0 : i32
        %dma_start3A_300 = arith.constant 0 : i32
        %dma_start3A_301 = tpu.memref_slice %arg16[%dma_start3A_299, %dma_start3A_300] : memref<12800x128xf32, #tpu.memory_space<vmem_shared>> -> memref<12800x128xf32, #tpu.memory_space<vmem_shared>>
        tpu.enqueue_indirect_dma source(%arg12 : memref<64x128xf32, #tpu.memory_space<vmem>>) target(%dma_start3A_301 : memref<12800x128xf32, #tpu.memory_space<vmem_shared>>) offsets(%arg10 : memref<64xi32, #tpu.memory_space<vmem>>) semaphore(%run_scoped3A : memref<!tpu.dma_semaphore, #tpu.memory_space<semaphore_mem>>) {add = true}
        %dma_wait3A_302 = arith.constant 0 : i32
        %dma_wait3A_303 = arith.constant 0 : i32
        %dma_wait3A_304 = tpu.memref_slice %arg16[%dma_wait3A_302, %dma_wait3A_303] : memref<12800x128xf32, #tpu.memory_space<vmem_shared>> -> memref<12800x128xf32, #tpu.memory_space<vmem_shared>>
        tpu.wait_indirect_dma semaphore(%run_scoped3A : memref<!tpu.dma_semaphore, #tpu.memory_space<semaphore_mem>>) src(%arg12 : memref<64x128xf32, #tpu.memory_space<vmem>>) dst(%dma_wait3A_304 : memref<12800x128xf32, #tpu.memory_space<vmem_shared>>)
        tpu.yield
      }) : () -> ()
      %dma_wait3A_295 = arith.constant 0 : i32
      %dma_wait3A_296 = arith.constant 0 : i32
      %dma_wait3A_297 = tpu.memref_slice %arg4[%dma_wait3A_295, %dma_wait3A_296] : memref<50176x128xf32, #tpu.memory_space<hbm>> -> memref<50176x128xf32, #tpu.memory_space<hbm>>
      tpu.wait_indirect_dma semaphore(%arg18 : memref<!tpu.dma_semaphore, #tpu.memory_space<semaphore_mem>>) src(%dma_wait3A_297 : memref<50176x128xf32, #tpu.memory_space<hbm>>) dst(%arg13 : memref<64x128xf32, #tpu.memory_space<vmem>>)
      "tpu.region"() ({
        %run_scoped3A = tpu.sem_alloc : memref<!tpu.dma_semaphore, #tpu.memory_space<semaphore_mem>>
        %dma_start3A_299 = arith.constant 0 : i32
        %dma_start3A_300 = arith.constant 0 : i32
        %dma_start3A_301 = tpu.memref_slice %arg16[%dma_start3A_299, %dma_start3A_300] : memref<12800x128xf32, #tpu.memory_space<vmem_shared>> -> memref<12800x128xf32, #tpu.memory_space<vmem_shared>>
        tpu.enqueue_indirect_dma source(%arg13 : memref<64x128xf32, #tpu.memory_space<vmem>>) target(%dma_start3A_301 : memref<12800x128xf32, #tpu.memory_space<vmem_shared>>) offsets(%arg11 : memref<64xi32, #tpu.memory_space<vmem>>) semaphore(%run_scoped3A : memref<!tpu.dma_semaphore, #tpu.memory_space<semaphore_mem>>) {add = true}
        %dma_wait3A_302 = arith.constant 0 : i32
        %dma_wait3A_303 = arith.constant 0 : i32
        %dma_wait3A_304 = tpu.memref_slice %arg16[%dma_wait3A_302, %dma_wait3A_303] : memref<12800x128xf32, #tpu.memory_space<vmem_shared>> -> memref<12800x128xf32, #tpu.memory_space<vmem_shared>>
        tpu.wait_indirect_dma semaphore(%run_scoped3A : memref<!tpu.dma_semaphore, #tpu.memory_space<semaphore_mem>>) src(%arg13 : memref<64x128xf32, #tpu.memory_space<vmem>>) dst(%dma_wait3A_304 : memref<12800x128xf32, #tpu.memory_space<vmem_shared>>)
        tpu.yield
      }) : () -> ()
      %while3A_298 = arith.constant 0 : i32
      scf.yield %while3A_298 : i32
    }
    %barrier3A_59 = arith.constant 0 : index
    tpu.barrier barrier_id(%barrier3A_59)
    %scan3A_60 = arith.constant 0 : i32
    %scan3A_61 = arith.constant 0 : i32
    %scan3A_62 = arith.constant 14 : i32
    %scan3A_63 = arith.addi %scan3A_61, %scan3A_62 : i32
    %scan3A_64 = arith.constant 1 : i32
    %scan3A_65 = scf.for %scan3A_142 = %scan3A_61 to %scan3A_63 step %scan3A_64 iter_args(%scan3A_143 = %scan3A_60) -> (i32)  : i32 {
      %mul3A_144 = arith.constant 784 : i32
      %mul3A_145 = arith.muli %arg1, %mul3A_144 : i32
      %mul3A_146 = arith.constant 56 : i32
      %mul3A_147 = arith.muli %scan3A_142, %mul3A_146 : i32
      %add3A_148 = arith.addi %mul3A_145, %mul3A_147 : i32
      "tpu.region"() ({
        %run_scoped3A = tpu.sem_alloc : memref<!tpu.dma_semaphore, #tpu.memory_space<semaphore_mem>>
        %dma_start3A = arith.constant 0 : i32
        %dma_start3A_156 = arith.constant 0 : i32
        %dma_start3A_157 = tpu.memref_slice %arg12[%dma_start3A, %dma_start3A_156] : memref<64x128xf32, #tpu.memory_space<vmem>> -> memref<56x128xf32, #tpu.memory_space<vmem>>
        %dma_start3A_158 = arith.constant 0 : i32
        %dma_start3A_159 = tpu.memref_slice %arg16[%add3A_148, %dma_start3A_158] : memref<12800x128xf32, #tpu.memory_space<vmem_shared>> -> memref<56x128xf32, #tpu.memory_space<vmem_shared>>
        %dma_start3A_160 = arith.constant 0 : i32
        %dma_start3A_161 = arith.constant 0 : i32
        %dma_start3A_162 = tpu.memref_slice %arg12[%dma_start3A_160, %dma_start3A_161] : memref<64x128xf32, #tpu.memory_space<vmem>> -> memref<56x128xf32, #tpu.memory_space<vmem>>
        %dma_start3A_163 = arith.constant 0 : i32
        %dma_start3A_164 = tpu.memref_slice %arg16[%add3A_148, %dma_start3A_163] : memref<12800x128xf32, #tpu.memory_space<vmem_shared>> -> memref<56x128xf32, #tpu.memory_space<vmem_shared>>
        tpu.enqueue_dma source(%dma_start3A_164 : memref<56x128xf32, #tpu.memory_space<vmem_shared>>) target(%dma_start3A_162 : memref<56x128xf32, #tpu.memory_space<vmem>>) target_semaphore(%run_scoped3A : memref<!tpu.dma_semaphore, #tpu.memory_space<semaphore_mem>>)
        %dma_wait3A = arith.constant 0 : i32
        %dma_wait3A_165 = arith.constant 0 : i32
        %dma_wait3A_166 = tpu.memref_slice %arg12[%dma_wait3A, %dma_wait3A_165] : memref<64x128xf32, #tpu.memory_space<vmem>> -> memref<56x128xf32, #tpu.memory_space<vmem>>
        %dma_wait3A_167 = arith.constant 0 : i32
        %dma_wait3A_168 = tpu.memref_slice %arg16[%add3A_148, %dma_wait3A_167] : memref<12800x128xf32, #tpu.memory_space<vmem_shared>> -> memref<56x128xf32, #tpu.memory_space<vmem_shared>>
        %dma_wait3A_169 = arith.constant 0 : i32
        %dma_wait3A_170 = arith.constant 0 : i32
        %dma_wait3A_171 = tpu.memref_slice %arg12[%dma_wait3A_169, %dma_wait3A_170] : memref<64x128xf32, #tpu.memory_space<vmem>> -> memref<56x128xf32, #tpu.memory_space<vmem>>
        %dma_wait3A_172 = arith.constant 0 : i32
        %dma_wait3A_173 = tpu.memref_slice %arg16[%add3A_148, %dma_wait3A_172] : memref<12800x128xf32, #tpu.memory_space<vmem_shared>> -> memref<56x128xf32, #tpu.memory_space<vmem_shared>>
        tpu.wait_dma2 semaphore(%run_scoped3A : memref<!tpu.dma_semaphore, #tpu.memory_space<semaphore_mem>>) src(%dma_wait3A_173 : memref<56x128xf32, #tpu.memory_space<vmem_shared>>) dst(%dma_wait3A_171 : memref<56x128xf32, #tpu.memory_space<vmem>>)
        tpu.yield
      }) : () -> ()
      %mul3A_149 = arith.constant 784 : i32
      %mul3A_150 = arith.muli %arg1, %mul3A_149 : i32
      %add3A_151 = arith.addi %mul3A_12, %mul3A_150 : i32
      %mul3A_152 = arith.constant 56 : i32
      %mul3A_153 = arith.muli %scan3A_142, %mul3A_152 : i32
      %add3A_154 = arith.addi %add3A_151, %mul3A_153 : i32
      "tpu.region"() ({
        %run_scoped3A = tpu.sem_alloc : memref<!tpu.dma_semaphore, #tpu.memory_space<semaphore_mem>>
        %dma_start3A = arith.constant 0 : i32
        %dma_start3A_156 = arith.constant 0 : i32
        %dma_start3A_157 = tpu.memref_slice %arg12[%dma_start3A, %dma_start3A_156] : memref<64x128xf32, #tpu.memory_space<vmem>> -> memref<56x128xf32, #tpu.memory_space<vmem>>
        %dma_start3A_158 = arith.constant 0 : i32
        %dma_start3A_159 = tpu.memref_slice %arg5[%add3A_154, %dma_start3A_158] : memref<50176x128xf32, #tpu.memory_space<hbm>> -> memref<56x128xf32, #tpu.memory_space<hbm>>
        %dma_start3A_160 = arith.constant 0 : i32
        %dma_start3A_161 = tpu.memref_slice %arg5[%add3A_154, %dma_start3A_160] : memref<50176x128xf32, #tpu.memory_space<hbm>> -> memref<56x128xf32, #tpu.memory_space<hbm>>
        %dma_start3A_162 = arith.constant 0 : i32
        %dma_start3A_163 = arith.constant 0 : i32
        %dma_start3A_164 = tpu.memref_slice %arg12[%dma_start3A_162, %dma_start3A_163] : memref<64x128xf32, #tpu.memory_space<vmem>> -> memref<56x128xf32, #tpu.memory_space<vmem>>
        tpu.enqueue_dma source(%dma_start3A_164 : memref<56x128xf32, #tpu.memory_space<vmem>>) target(%dma_start3A_161 : memref<56x128xf32, #tpu.memory_space<hbm>>) target_semaphore(%run_scoped3A : memref<!tpu.dma_semaphore, #tpu.memory_space<semaphore_mem>>)
        %dma_wait3A = arith.constant 0 : i32
        %dma_wait3A_165 = arith.constant 0 : i32
        %dma_wait3A_166 = tpu.memref_slice %arg12[%dma_wait3A, %dma_wait3A_165] : memref<64x128xf32, #tpu.memory_space<vmem>> -> memref<56x128xf32, #tpu.memory_space<vmem>>
        %dma_wait3A_167 = arith.constant 0 : i32
        %dma_wait3A_168 = tpu.memref_slice %arg5[%add3A_154, %dma_wait3A_167] : memref<50176x128xf32, #tpu.memory_space<hbm>> -> memref<56x128xf32, #tpu.memory_space<hbm>>
        %dma_wait3A_169 = arith.constant 0 : i32
        %dma_wait3A_170 = tpu.memref_slice %arg5[%add3A_154, %dma_wait3A_169] : memref<50176x128xf32, #tpu.memory_space<hbm>> -> memref<56x128xf32, #tpu.memory_space<hbm>>
        %dma_wait3A_171 = arith.constant 0 : i32
        %dma_wait3A_172 = arith.constant 0 : i32
        %dma_wait3A_173 = tpu.memref_slice %arg12[%dma_wait3A_171, %dma_wait3A_172] : memref<64x128xf32, #tpu.memory_space<vmem>> -> memref<56x128xf32, #tpu.memory_space<vmem>>
        tpu.wait_dma2 semaphore(%run_scoped3A : memref<!tpu.dma_semaphore, #tpu.memory_space<semaphore_mem>>) src(%dma_wait3A_173 : memref<56x128xf32, #tpu.memory_space<vmem>>) dst(%dma_wait3A_170 : memref<56x128xf32, #tpu.memory_space<hbm>>)
        tpu.yield
      }) : () -> ()
      %scan3A_155 = arith.constant 0 : i32
      scf.yield %scan3A_155 : i32
    }
    %scan3A_66 = arith.constant 14 : i32
    %barrier3A_67 = arith.constant 0 : index
    tpu.barrier barrier_id(%barrier3A_67)
    %mul3A_68 = arith.constant 2 : i32
    %mul3A_69 = arith.muli %arg0, %mul3A_68 : i32
    %add3A_70 = arith.constant 1 : i32
    %add3A_71 = arith.addi %mul3A_69, %add3A_70 : i32
    %mul3A_72 = arith.constant 12544 : i32
    %mul3A_73 = arith.muli %add3A_71, %mul3A_72 : i32
    %scan3A_74 = arith.constant 0 : i32
    %scan3A_75 = arith.constant 0 : i32
    %scan3A_76 = arith.constant 100 : i32
    %scan3A_77 = arith.addi %scan3A_75, %scan3A_76 : i32
    %scan3A_78 = arith.constant 1 : i32
    %scan3A_79 = scf.for %scan3A_142 = %scan3A_75 to %scan3A_77 step %scan3A_78 iter_args(%scan3A_143 = %scan3A_74) -> (i32)  : i32 {
      %mul3A_144 = arith.constant 800 : i32
      %mul3A_145 = arith.muli %arg1, %mul3A_144 : i32
      %mul3A_146 = arith.constant 8 : i32
      %mul3A_147 = arith.muli %scan3A_142, %mul3A_146 : i32
      %add3A_148 = arith.addi %mul3A_145, %mul3A_147 : i32
      "tpu.region"() ({
        %run_scoped3A = tpu.sem_alloc : memref<!tpu.dma_semaphore, #tpu.memory_space<semaphore_mem>>
        %dma_start3A = arith.constant 0 : i32
        %dma_start3A_150 = tpu.memref_slice %arg16[%add3A_148, %dma_start3A] : memref<12800x128xf32, #tpu.memory_space<vmem_shared>> -> memref<8x128xf32, #tpu.memory_space<vmem_shared>>
        %dma_start3A_151 = arith.constant 0 : i32
        %dma_start3A_152 = tpu.memref_slice %arg16[%add3A_148, %dma_start3A_151] : memref<12800x128xf32, #tpu.memory_space<vmem_shared>> -> memref<8x128xf32, #tpu.memory_space<vmem_shared>>
        tpu.enqueue_dma source(%arg14 : memref<8x128xf32, #tpu.memory_space<vmem>>) target(%dma_start3A_152 : memref<8x128xf32, #tpu.memory_space<vmem_shared>>) target_semaphore(%run_scoped3A : memref<!tpu.dma_semaphore, #tpu.memory_space<semaphore_mem>>)
        %dma_wait3A = arith.constant 0 : i32
        %dma_wait3A_153 = tpu.memref_slice %arg16[%add3A_148, %dma_wait3A] : memref<12800x128xf32, #tpu.memory_space<vmem_shared>> -> memref<8x128xf32, #tpu.memory_space<vmem_shared>>
        %dma_wait3A_154 = arith.constant 0 : i32
        %dma_wait3A_155 = tpu.memref_slice %arg16[%add3A_148, %dma_wait3A_154] : memref<12800x128xf32, #tpu.memory_space<vmem_shared>> -> memref<8x128xf32, #tpu.memory_space<vmem_shared>>
        tpu.wait_dma2 semaphore(%run_scoped3A : memref<!tpu.dma_semaphore, #tpu.memory_space<semaphore_mem>>) src(%arg14 : memref<8x128xf32, #tpu.memory_space<vmem>>) dst(%dma_wait3A_155 : memref<8x128xf32, #tpu.memory_space<vmem_shared>>)
        tpu.yield
      }) : () -> ()
      %scan3A_149 = arith.constant 0 : i32
      scf.yield %scan3A_149 : i32
    }
    %scan3A_80 = arith.constant 100 : i32
    %barrier3A_81 = arith.constant 0 : index
    tpu.barrier barrier_id(%barrier3A_81)
    %mul3A_82 = arith.constant 32 : i32
    %mul3A_83 = arith.muli %add3A, %mul3A_82 : i32
    %add3A_84 = arith.constant 16 : i32
    %add3A_85 = arith.addi %mul3A_83, %add3A_84 : i32
    "tpu.region"() ({
      %run_scoped3A = tpu.sem_alloc : memref<!tpu.dma_semaphore, #tpu.memory_space<semaphore_mem>>
      %dma_start3A = tpu.memref_slice %arg3[%add3A_85] : memref<1024xi32, #tpu.memory_space<hbm>> -> memref<16xi32, #tpu.memory_space<hbm>>
      %dma_start3A_142 = tpu.memref_slice %arg3[%add3A_85] : memref<1024xi32, #tpu.memory_space<hbm>> -> memref<16xi32, #tpu.memory_space<hbm>>
      tpu.enqueue_dma source(%dma_start3A_142 : memref<16xi32, #tpu.memory_space<hbm>>) target(%arg15 : memref<16xi32, #tpu.memory_space<vmem>>) target_semaphore(%run_scoped3A : memref<!tpu.dma_semaphore, #tpu.memory_space<semaphore_mem>>)
      %dma_wait3A = tpu.memref_slice %arg3[%add3A_85] : memref<1024xi32, #tpu.memory_space<hbm>> -> memref<16xi32, #tpu.memory_space<hbm>>
      %dma_wait3A_143 = tpu.memref_slice %arg3[%add3A_85] : memref<1024xi32, #tpu.memory_space<hbm>> -> memref<16xi32, #tpu.memory_space<hbm>>
      tpu.wait_dma2 semaphore(%run_scoped3A : memref<!tpu.dma_semaphore, #tpu.memory_space<semaphore_mem>>) src(%dma_wait3A_143 : memref<16xi32, #tpu.memory_space<hbm>>) dst(%arg15 : memref<16xi32, #tpu.memory_space<vmem>>)
      tpu.yield
    }) : () -> ()
    %get3A_86 = arith.constant 0 : index
    %get3A_87 = tpu.vector_load %arg15[%get3A_86] {strides = array<i32>} : memref<16xi32, #tpu.memory_space<vmem>>, vector<16xi32>,
    %get3A_88 = vector.shape_cast %get3A_87 : vector<16xi32> to vector<16xi32>
    %slice3A_89 = vector.extract_strided_slice %get3A_88 {offsets = [0], sizes = [1], strides = [1]} : vector<16xi32> to vector<1xi32>
    %squeeze3A_90 = vector.extract %slice3A_89[0] : i32 from vector<1xi32>
    %mul3A_91 = arith.constant 2 : i32
    %mul3A_92 = arith.muli %add3A, %mul3A_91 : i32
    %add3A_93 = arith.constant 1 : i32
    %add3A_94 = arith.addi %mul3A_92, %add3A_93 : i32
    %mul3A_95 = arith.constant 51264 : i32
    %mul3A_96 = arith.muli %add3A_94, %mul3A_95 : i32
    %jit3A_97 = arith.constant 2 : i32
    %div3A_98 = arith.divsi %squeeze3A_90, %jit3A_97 : i32
    %sign3A_99 = arith.constant 0 : i32
    %sign3A_100 = arith.cmpi sgt, %squeeze3A_90, %sign3A_99 : i32
    %sign3A_101 = arith.extui %sign3A_100 : i1 to i32
    %sign3A_102 = arith.constant 0 : i32
    %sign3A_103 = arith.cmpi slt, %squeeze3A_90, %sign3A_102 : i32
    %sign3A_104 = arith.extui %sign3A_103 : i1 to i32
    %sign3A_105 = arith.subi %sign3A_101, %sign3A_104 : i32
    %sign3A_106 = arith.constant 0 : i32
    %sign3A_107 = arith.cmpi sgt, %jit3A_97, %sign3A_106 : i32
    %sign3A_108 = arith.extui %sign3A_107 : i1 to i32
    %sign3A_109 = arith.constant 0 : i32
    %sign3A_110 = arith.cmpi slt, %jit3A_97, %sign3A_109 : i32
    %sign3A_111 = arith.extui %sign3A_110 : i1 to i32
    %sign3A_112 = arith.subi %sign3A_108, %sign3A_111 : i32
    %ne3A_113 = arith.cmpi ne, %sign3A_105, %sign3A_112 : i32
    %rem3A_114 = arith.remsi %squeeze3A_90, %jit3A_97 : i32
    %ne3A_115 = arith.constant 0 : i32
    %ne3A_116 = arith.cmpi ne, %rem3A_114, %ne3A_115 : i32
    %and3A_117 = arith.andi %ne3A_113, %ne3A_116 : i1
    %sub3A_118 = arith.constant 1 : i32
    %sub3A_119 = arith.subi %div3A_98, %sub3A_118 : i32
    %select_n3A_120 = arith.select %and3A_117, %sub3A_119, %div3A_98 : i32
    %while3A_121 = arith.constant 0 : i32
    %while3A_122 = arith.constant 0 : i32
    %while3A_123 = arith.subi %select_n3A_120, %while3A_121 : i32
    %while3A_124 = arith.addi %while3A_121, %while3A_123 : i32
    %while3A_125 = arith.constant 1 : i32
    %while3A_126 = arith.divsi %while3A_123, %while3A_125 : i32
    %while3A_127 = arith.muli %while3A_126, %while3A_125 : i32
    %while3A_128 = arith.addi %while3A_121, %while3A_127 : i32
    %while3A_129 = arith.constant 1 : i32
    %while3A_130 = scf.for %while3A_142 = %while3A_121 to %while3A_128 step %while3A_129 iter_args(%while3A_143 = %while3A_122) -> (i32)  : i32 {
      %mul3A_144 = arith.constant 2 : i32
      %mul3A_145 = arith.muli %while3A_142, %mul3A_144 : i32
      %mul3A_146 = arith.constant 64 : i32
      %mul3A_147 = arith.muli %mul3A_145, %mul3A_146 : i32
      %add3A_148 = arith.addi %mul3A_96, %mul3A_147 : i32
      "tpu.region"() ({
        %run_scoped3A = tpu.sem_alloc : memref<!tpu.dma_semaphore, #tpu.memory_space<semaphore_mem>>
        %dma_start3A_299 = tpu.memref_slice %arg2[%add3A_148] : memref<3280896xi32, #tpu.memory_space<hbm>> -> memref<64xi32, #tpu.memory_space<hbm>>
        %dma_start3A_300 = tpu.memref_slice %arg2[%add3A_148] : memref<3280896xi32, #tpu.memory_space<hbm>> -> memref<64xi32, #tpu.memory_space<hbm>>
        tpu.enqueue_dma source(%dma_start3A_300 : memref<64xi32, #tpu.memory_space<hbm>>) target(%arg6 : memref<64xi32, #tpu.memory_space<vmem>>) target_semaphore(%run_scoped3A : memref<!tpu.dma_semaphore, #tpu.memory_space<semaphore_mem>>)
        %dma_wait3A_301 = tpu.memref_slice %arg2[%add3A_148] : memref<3280896xi32, #tpu.memory_space<hbm>> -> memref<64xi32, #tpu.memory_space<hbm>>
        %dma_wait3A_302 = tpu.memref_slice %arg2[%add3A_148] : memref<3280896xi32, #tpu.memory_space<hbm>> -> memref<64xi32, #tpu.memory_space<hbm>>
        tpu.wait_dma2 semaphore(%run_scoped3A : memref<!tpu.dma_semaphore, #tpu.memory_space<semaphore_mem>>) src(%dma_wait3A_302 : memref<64xi32, #tpu.memory_space<hbm>>) dst(%arg6 : memref<64xi32, #tpu.memory_space<vmem>>)
        tpu.yield
      }) : () -> ()
      %get3A_149 = arith.constant 0 : index
      %get3A_150 = tpu.vector_load %arg6[%get3A_149] {strides = array<i32>} : memref<64xi32, #tpu.memory_space<vmem>>, vector<16xi32>,
      %get3A_151 = vector.shape_cast %get3A_150 : vector<16xi32> to vector<16xi32>
      %and3A_152 = arith.constant 65535 : i32
      %and3A_153 = vector.broadcast %and3A_152 : i32 to vector<16xi32>
      %and3A_154 = arith.andi %get3A_151, %and3A_153 : vector<16xi32>
      %swap3A = arith.constant 0 : index
      %swap3A_155 = tpu.vector_load %arg8[%swap3A] {strides = array<i32>} : memref<64xi32, #tpu.memory_space<vmem>>, vector<16xi32>,
      %swap3A_156 = vector.shape_cast %swap3A_155 : vector<16xi32> to vector<16xi32>
      %swap3A_157 = vector.shape_cast %and3A_154 : vector<16xi32> to vector<16xi32>
      tpu.vector_store %arg8[%swap3A], %swap3A_157 {strides = array<i32>} : memref<64xi32, #tpu.memory_space<vmem>>, vector<16xi32>,
      %shift_right_arithmetic3A = arith.constant 16 : i32
      %shift_right_arithmetic3A_158 = vector.broadcast %shift_right_arithmetic3A : i32 to vector<16xi32>
      %shift_right_arithmetic3A_159 = arith.shrsi %get3A_151, %shift_right_arithmetic3A_158 : vector<16xi32>
      %swap3A_160 = arith.constant 0 : index
      %swap3A_161 = tpu.vector_load %arg10[%swap3A_160] {strides = array<i32>} : memref<64xi32, #tpu.memory_space<vmem>>, vector<16xi32>,
      %swap3A_162 = vector.shape_cast %swap3A_161 : vector<16xi32> to vector<16xi32>
      %swap3A_163 = vector.shape_cast %shift_right_arithmetic3A_159 : vector<16xi32> to vector<16xi32>
      tpu.vector_store %arg10[%swap3A_160], %swap3A_163 {strides = array<i32>} : memref<64xi32, #tpu.memory_space<vmem>>, vector<16xi32>,
      %get3A_164 = arith.constant 16 : index
      %get3A_165 = tpu.vector_load %arg6[%get3A_164] {strides = array<i32>} : memref<64xi32, #tpu.memory_space<vmem>>, vector<16xi32>,
      %get3A_166 = vector.shape_cast %get3A_165 : vector<16xi32> to vector<16xi32>
      %and3A_167 = arith.constant 65535 : i32
      %and3A_168 = vector.broadcast %and3A_167 : i32 to vector<16xi32>
      %and3A_169 = arith.andi %get3A_166, %and3A_168 : vector<16xi32>
      %swap3A_170 = arith.constant 16 : index
      %swap3A_171 = tpu.vector_load %arg8[%swap3A_170] {strides = array<i32>} : memref<64xi32, #tpu.memory_space<vmem>>, vector<16xi32>,
      %swap3A_172 = vector.shape_cast %swap3A_171 : vector<16xi32> to vector<16xi32>
      %swap3A_173 = vector.shape_cast %and3A_169 : vector<16xi32> to vector<16xi32>
      tpu.vector_store %arg8[%swap3A_170], %swap3A_173 {strides = array<i32>} : memref<64xi32, #tpu.memory_space<vmem>>, vector<16xi32>,
      %shift_right_arithmetic3A_174 = arith.constant 16 : i32
      %shift_right_arithmetic3A_175 = vector.broadcast %shift_right_arithmetic3A_174 : i32 to vector<16xi32>
      %shift_right_arithmetic3A_176 = arith.shrsi %get3A_166, %shift_right_arithmetic3A_175 : vector<16xi32>
      %swap3A_177 = arith.constant 16 : index
      %swap3A_178 = tpu.vector_load %arg10[%swap3A_177] {strides = array<i32>} : memref<64xi32, #tpu.memory_space<vmem>>, vector<16xi32>,
      %swap3A_179 = vector.shape_cast %swap3A_178 : vector<16xi32> to vector<16xi32>
      %swap3A_180 = vector.shape_cast %shift_right_arithmetic3A_176 : vector<16xi32> to vector<16xi32>
      tpu.vector_store %arg10[%swap3A_177], %swap3A_180 {strides = array<i32>} : memref<64xi32, #tpu.memory_space<vmem>>, vector<16xi32>,
      %get3A_181 = arith.constant 32 : index
      %get3A_182 = tpu.vector_load %arg6[%get3A_181] {strides = array<i32>} : memref<64xi32, #tpu.memory_space<vmem>>, vector<16xi32>,
      %get3A_183 = vector.shape_cast %get3A_182 : vector<16xi32> to vector<16xi32>
      %and3A_184 = arith.constant 65535 : i32
      %and3A_185 = vector.broadcast %and3A_184 : i32 to vector<16xi32>
      %and3A_186 = arith.andi %get3A_183, %and3A_185 : vector<16xi32>
      %swap3A_187 = arith.constant 32 : index
      %swap3A_188 = tpu.vector_load %arg8[%swap3A_187] {strides = array<i32>} : memref<64xi32, #tpu.memory_space<vmem>>, vector<16xi32>,
      %swap3A_189 = vector.shape_cast %swap3A_188 : vector<16xi32> to vector<16xi32>
      %swap3A_190 = vector.shape_cast %and3A_186 : vector<16xi32> to vector<16xi32>
      tpu.vector_store %arg8[%swap3A_187], %swap3A_190 {strides = array<i32>} : memref<64xi32, #tpu.memory_space<vmem>>, vector<16xi32>,
      %shift_right_arithmetic3A_191 = arith.constant 16 : i32
      %shift_right_arithmetic3A_192 = vector.broadcast %shift_right_arithmetic3A_191 : i32 to vector<16xi32>
      %shift_right_arithmetic3A_193 = arith.shrsi %get3A_183, %shift_right_arithmetic3A_192 : vector<16xi32>
      %swap3A_194 = arith.constant 32 : index
      %swap3A_195 = tpu.vector_load %arg10[%swap3A_194] {strides = array<i32>} : memref<64xi32, #tpu.memory_space<vmem>>, vector<16xi32>,
      %swap3A_196 = vector.shape_cast %swap3A_195 : vector<16xi32> to vector<16xi32>
      %swap3A_197 = vector.shape_cast %shift_right_arithmetic3A_193 : vector<16xi32> to vector<16xi32>
      tpu.vector_store %arg10[%swap3A_194], %swap3A_197 {strides = array<i32>} : memref<64xi32, #tpu.memory_space<vmem>>, vector<16xi32>,
      %get3A_198 = arith.constant 48 : index
      %get3A_199 = tpu.vector_load %arg6[%get3A_198] {strides = array<i32>} : memref<64xi32, #tpu.memory_space<vmem>>, vector<16xi32>,
      %get3A_200 = vector.shape_cast %get3A_199 : vector<16xi32> to vector<16xi32>
      %and3A_201 = arith.constant 65535 : i32
      %and3A_202 = vector.broadcast %and3A_201 : i32 to vector<16xi32>
      %and3A_203 = arith.andi %get3A_200, %and3A_202 : vector<16xi32>
      %swap3A_204 = arith.constant 48 : index
      %swap3A_205 = tpu.vector_load %arg8[%swap3A_204] {strides = array<i32>} : memref<64xi32, #tpu.memory_space<vmem>>, vector<16xi32>,
      %swap3A_206 = vector.shape_cast %swap3A_205 : vector<16xi32> to vector<16xi32>
      %swap3A_207 = vector.shape_cast %and3A_203 : vector<16xi32> to vector<16xi32>
      tpu.vector_store %arg8[%swap3A_204], %swap3A_207 {strides = array<i32>} : memref<64xi32, #tpu.memory_space<vmem>>, vector<16xi32>,
      %shift_right_arithmetic3A_208 = arith.constant 16 : i32
      %shift_right_arithmetic3A_209 = vector.broadcast %shift_right_arithmetic3A_208 : i32 to vector<16xi32>
      %shift_right_arithmetic3A_210 = arith.shrsi %get3A_200, %shift_right_arithmetic3A_209 : vector<16xi32>
      %swap3A_211 = arith.constant 48 : index
      %swap3A_212 = tpu.vector_load %arg10[%swap3A_211] {strides = array<i32>} : memref<64xi32, #tpu.memory_space<vmem>>, vector<16xi32>,
      %swap3A_213 = vector.shape_cast %swap3A_212 : vector<16xi32> to vector<16xi32>
      %swap3A_214 = vector.shape_cast %shift_right_arithmetic3A_210 : vector<16xi32> to vector<16xi32>
      tpu.vector_store %arg10[%swap3A_211], %swap3A_214 {strides = array<i32>} : memref<64xi32, #tpu.memory_space<vmem>>, vector<16xi32>,
      %dma_start3A = arith.constant 0 : i32
      %dma_start3A_215 = arith.constant 0 : i32
      %dma_start3A_216 = tpu.memref_slice %arg4[%dma_start3A, %dma_start3A_215] : memref<50176x128xf32, #tpu.memory_space<hbm>> -> memref<50176x128xf32, #tpu.memory_space<hbm>>
      tpu.enqueue_indirect_dma source(%dma_start3A_216 : memref<50176x128xf32, #tpu.memory_space<hbm>>) target(%arg12 : memref<64x128xf32, #tpu.memory_space<vmem>>) offsets(%arg8 : memref<64xi32, #tpu.memory_space<vmem>>) semaphore(%arg17 : memref<!tpu.dma_semaphore, #tpu.memory_space<semaphore_mem>>)
      %mul3A_217 = arith.constant 64 : i32
      %mul3A_218 = arith.muli %mul3A_145, %mul3A_217 : i32
      %add3A_219 = arith.addi %mul3A_96, %mul3A_218 : i32
      %add3A_220 = arith.constant 64 : i32
      %add3A_221 = arith.addi %add3A_219, %add3A_220 : i32
      "tpu.region"() ({
        %run_scoped3A = tpu.sem_alloc : memref<!tpu.dma_semaphore, #tpu.memory_space<semaphore_mem>>
        %dma_start3A_299 = tpu.memref_slice %arg2[%add3A_221] : memref<3280896xi32, #tpu.memory_space<hbm>> -> memref<64xi32, #tpu.memory_space<hbm>>
        %dma_start3A_300 = tpu.memref_slice %arg2[%add3A_221] : memref<3280896xi32, #tpu.memory_space<hbm>> -> memref<64xi32, #tpu.memory_space<hbm>>
        tpu.enqueue_dma source(%dma_start3A_300 : memref<64xi32, #tpu.memory_space<hbm>>) target(%arg7 : memref<64xi32, #tpu.memory_space<vmem>>) target_semaphore(%run_scoped3A : memref<!tpu.dma_semaphore, #tpu.memory_space<semaphore_mem>>)
        %dma_wait3A_301 = tpu.memref_slice %arg2[%add3A_221] : memref<3280896xi32, #tpu.memory_space<hbm>> -> memref<64xi32, #tpu.memory_space<hbm>>
        %dma_wait3A_302 = tpu.memref_slice %arg2[%add3A_221] : memref<3280896xi32, #tpu.memory_space<hbm>> -> memref<64xi32, #tpu.memory_space<hbm>>
        tpu.wait_dma2 semaphore(%run_scoped3A : memref<!tpu.dma_semaphore, #tpu.memory_space<semaphore_mem>>) src(%dma_wait3A_302 : memref<64xi32, #tpu.memory_space<hbm>>) dst(%arg7 : memref<64xi32, #tpu.memory_space<vmem>>)
        tpu.yield
      }) : () -> ()
      %get3A_222 = arith.constant 0 : index
      %get3A_223 = tpu.vector_load %arg7[%get3A_222] {strides = array<i32>} : memref<64xi32, #tpu.memory_space<vmem>>, vector<16xi32>,
      %get3A_224 = vector.shape_cast %get3A_223 : vector<16xi32> to vector<16xi32>
      %and3A_225 = arith.constant 65535 : i32
      %and3A_226 = vector.broadcast %and3A_225 : i32 to vector<16xi32>
      %and3A_227 = arith.andi %get3A_224, %and3A_226 : vector<16xi32>
      %swap3A_228 = arith.constant 0 : index
      %swap3A_229 = tpu.vector_load %arg9[%swap3A_228] {strides = array<i32>} : memref<64xi32, #tpu.memory_space<vmem>>, vector<16xi32>,
      %swap3A_230 = vector.shape_cast %swap3A_229 : vector<16xi32> to vector<16xi32>
      %swap3A_231 = vector.shape_cast %and3A_227 : vector<16xi32> to vector<16xi32>
      tpu.vector_store %arg9[%swap3A_228], %swap3A_231 {strides = array<i32>} : memref<64xi32, #tpu.memory_space<vmem>>, vector<16xi32>,
      %shift_right_arithmetic3A_232 = arith.constant 16 : i32
      %shift_right_arithmetic3A_233 = vector.broadcast %shift_right_arithmetic3A_232 : i32 to vector<16xi32>
      %shift_right_arithmetic3A_234 = arith.shrsi %get3A_224, %shift_right_arithmetic3A_233 : vector<16xi32>
      %swap3A_235 = arith.constant 0 : index
      %swap3A_236 = tpu.vector_load %arg11[%swap3A_235] {strides = array<i32>} : memref<64xi32, #tpu.memory_space<vmem>>, vector<16xi32>,
      %swap3A_237 = vector.shape_cast %swap3A_236 : vector<16xi32> to vector<16xi32>
      %swap3A_238 = vector.shape_cast %shift_right_arithmetic3A_234 : vector<16xi32> to vector<16xi32>
      tpu.vector_store %arg11[%swap3A_235], %swap3A_238 {strides = array<i32>} : memref<64xi32, #tpu.memory_space<vmem>>, vector<16xi32>,
      %get3A_239 = arith.constant 16 : index
      %get3A_240 = tpu.vector_load %arg7[%get3A_239] {strides = array<i32>} : memref<64xi32, #tpu.memory_space<vmem>>, vector<16xi32>,
      %get3A_241 = vector.shape_cast %get3A_240 : vector<16xi32> to vector<16xi32>
      %and3A_242 = arith.constant 65535 : i32
      %and3A_243 = vector.broadcast %and3A_242 : i32 to vector<16xi32>
      %and3A_244 = arith.andi %get3A_241, %and3A_243 : vector<16xi32>
      %swap3A_245 = arith.constant 16 : index
      %swap3A_246 = tpu.vector_load %arg9[%swap3A_245] {strides = array<i32>} : memref<64xi32, #tpu.memory_space<vmem>>, vector<16xi32>,
      %swap3A_247 = vector.shape_cast %swap3A_246 : vector<16xi32> to vector<16xi32>
      %swap3A_248 = vector.shape_cast %and3A_244 : vector<16xi32> to vector<16xi32>
      tpu.vector_store %arg9[%swap3A_245], %swap3A_248 {strides = array<i32>} : memref<64xi32, #tpu.memory_space<vmem>>, vector<16xi32>,
      %shift_right_arithmetic3A_249 = arith.constant 16 : i32
      %shift_right_arithmetic3A_250 = vector.broadcast %shift_right_arithmetic3A_249 : i32 to vector<16xi32>
      %shift_right_arithmetic3A_251 = arith.shrsi %get3A_241, %shift_right_arithmetic3A_250 : vector<16xi32>
      %swap3A_252 = arith.constant 16 : index
      %swap3A_253 = tpu.vector_load %arg11[%swap3A_252] {strides = array<i32>} : memref<64xi32, #tpu.memory_space<vmem>>, vector<16xi32>,
      %swap3A_254 = vector.shape_cast %swap3A_253 : vector<16xi32> to vector<16xi32>
      %swap3A_255 = vector.shape_cast %shift_right_arithmetic3A_251 : vector<16xi32> to vector<16xi32>
      tpu.vector_store %arg11[%swap3A_252], %swap3A_255 {strides = array<i32>} : memref<64xi32, #tpu.memory_space<vmem>>, vector<16xi32>,
      %get3A_256 = arith.constant 32 : index
      %get3A_257 = tpu.vector_load %arg7[%get3A_256] {strides = array<i32>} : memref<64xi32, #tpu.memory_space<vmem>>, vector<16xi32>,
      %get3A_258 = vector.shape_cast %get3A_257 : vector<16xi32> to vector<16xi32>
      %and3A_259 = arith.constant 65535 : i32
      %and3A_260 = vector.broadcast %and3A_259 : i32 to vector<16xi32>
      %and3A_261 = arith.andi %get3A_258, %and3A_260 : vector<16xi32>
      %swap3A_262 = arith.constant 32 : index
      %swap3A_263 = tpu.vector_load %arg9[%swap3A_262] {strides = array<i32>} : memref<64xi32, #tpu.memory_space<vmem>>, vector<16xi32>,
      %swap3A_264 = vector.shape_cast %swap3A_263 : vector<16xi32> to vector<16xi32>
      %swap3A_265 = vector.shape_cast %and3A_261 : vector<16xi32> to vector<16xi32>
      tpu.vector_store %arg9[%swap3A_262], %swap3A_265 {strides = array<i32>} : memref<64xi32, #tpu.memory_space<vmem>>, vector<16xi32>,
      %shift_right_arithmetic3A_266 = arith.constant 16 : i32
      %shift_right_arithmetic3A_267 = vector.broadcast %shift_right_arithmetic3A_266 : i32 to vector<16xi32>
      %shift_right_arithmetic3A_268 = arith.shrsi %get3A_258, %shift_right_arithmetic3A_267 : vector<16xi32>
      %swap3A_269 = arith.constant 32 : index
      %swap3A_270 = tpu.vector_load %arg11[%swap3A_269] {strides = array<i32>} : memref<64xi32, #tpu.memory_space<vmem>>, vector<16xi32>,
      %swap3A_271 = vector.shape_cast %swap3A_270 : vector<16xi32> to vector<16xi32>
      %swap3A_272 = vector.shape_cast %shift_right_arithmetic3A_268 : vector<16xi32> to vector<16xi32>
      tpu.vector_store %arg11[%swap3A_269], %swap3A_272 {strides = array<i32>} : memref<64xi32, #tpu.memory_space<vmem>>, vector<16xi32>,
      %get3A_273 = arith.constant 48 : index
      %get3A_274 = tpu.vector_load %arg7[%get3A_273] {strides = array<i32>} : memref<64xi32, #tpu.memory_space<vmem>>, vector<16xi32>,
      %get3A_275 = vector.shape_cast %get3A_274 : vector<16xi32> to vector<16xi32>
      %and3A_276 = arith.constant 65535 : i32
      %and3A_277 = vector.broadcast %and3A_276 : i32 to vector<16xi32>
      %and3A_278 = arith.andi %get3A_275, %and3A_277 : vector<16xi32>
      %swap3A_279 = arith.constant 48 : index
      %swap3A_280 = tpu.vector_load %arg9[%swap3A_279] {strides = array<i32>} : memref<64xi32, #tpu.memory_space<vmem>>, vector<16xi32>,
      %swap3A_281 = vector.shape_cast %swap3A_280 : vector<16xi32> to vector<16xi32>
      %swap3A_282 = vector.shape_cast %and3A_278 : vector<16xi32> to vector<16xi32>
      tpu.vector_store %arg9[%swap3A_279], %swap3A_282 {strides = array<i32>} : memref<64xi32, #tpu.memory_space<vmem>>, vector<16xi32>,
      %shift_right_arithmetic3A_283 = arith.constant 16 : i32
      %shift_right_arithmetic3A_284 = vector.broadcast %shift_right_arithmetic3A_283 : i32 to vector<16xi32>
      %shift_right_arithmetic3A_285 = arith.shrsi %get3A_275, %shift_right_arithmetic3A_284 : vector<16xi32>
      %swap3A_286 = arith.constant 48 : index
      %swap3A_287 = tpu.vector_load %arg11[%swap3A_286] {strides = array<i32>} : memref<64xi32, #tpu.memory_space<vmem>>, vector<16xi32>,
      %swap3A_288 = vector.shape_cast %swap3A_287 : vector<16xi32> to vector<16xi32>
      %swap3A_289 = vector.shape_cast %shift_right_arithmetic3A_285 : vector<16xi32> to vector<16xi32>
      tpu.vector_store %arg11[%swap3A_286], %swap3A_289 {strides = array<i32>} : memref<64xi32, #tpu.memory_space<vmem>>, vector<16xi32>,
      %dma_start3A_290 = arith.constant 0 : i32
      %dma_start3A_291 = arith.constant 0 : i32
      %dma_start3A_292 = tpu.memref_slice %arg4[%dma_start3A_290, %dma_start3A_291] : memref<50176x128xf32, #tpu.memory_space<hbm>> -> memref<50176x128xf32, #tpu.memory_space<hbm>>
      tpu.enqueue_indirect_dma source(%dma_start3A_292 : memref<50176x128xf32, #tpu.memory_space<hbm>>) target(%arg13 : memref<64x128xf32, #tpu.memory_space<vmem>>) offsets(%arg9 : memref<64xi32, #tpu.memory_space<vmem>>) semaphore(%arg18 : memref<!tpu.dma_semaphore, #tpu.memory_space<semaphore_mem>>)
      %dma_wait3A = arith.constant 0 : i32
      %dma_wait3A_293 = arith.constant 0 : i32
      %dma_wait3A_294 = tpu.memref_slice %arg4[%dma_wait3A, %dma_wait3A_293] : memref<50176x128xf32, #tpu.memory_space<hbm>> -> memref<50176x128xf32, #tpu.memory_space<hbm>>
      tpu.wait_indirect_dma semaphore(%arg17 : memref<!tpu.dma_semaphore, #tpu.memory_space<semaphore_mem>>) src(%dma_wait3A_294 : memref<50176x128xf32, #tpu.memory_space<hbm>>) dst(%arg12 : memref<64x128xf32, #tpu.memory_space<vmem>>)
      "tpu.region"() ({
        %run_scoped3A = tpu.sem_alloc : memref<!tpu.dma_semaphore, #tpu.memory_space<semaphore_mem>>
        %dma_start3A_299 = arith.constant 0 : i32
        %dma_start3A_300 = arith.constant 0 : i32
        %dma_start3A_301 = tpu.memref_slice %arg16[%dma_start3A_299, %dma_start3A_300] : memref<12800x128xf32, #tpu.memory_space<vmem_shared>> -> memref<12800x128xf32, #tpu.memory_space<vmem_shared>>
        tpu.enqueue_indirect_dma source(%arg12 : memref<64x128xf32, #tpu.memory_space<vmem>>) target(%dma_start3A_301 : memref<12800x128xf32, #tpu.memory_space<vmem_shared>>) offsets(%arg10 : memref<64xi32, #tpu.memory_space<vmem>>) semaphore(%run_scoped3A : memref<!tpu.dma_semaphore, #tpu.memory_space<semaphore_mem>>) {add = true}
        %dma_wait3A_302 = arith.constant 0 : i32
        %dma_wait3A_303 = arith.constant 0 : i32
        %dma_wait3A_304 = tpu.memref_slice %arg16[%dma_wait3A_302, %dma_wait3A_303] : memref<12800x128xf32, #tpu.memory_space<vmem_shared>> -> memref<12800x128xf32, #tpu.memory_space<vmem_shared>>
        tpu.wait_indirect_dma semaphore(%run_scoped3A : memref<!tpu.dma_semaphore, #tpu.memory_space<semaphore_mem>>) src(%arg12 : memref<64x128xf32, #tpu.memory_space<vmem>>) dst(%dma_wait3A_304 : memref<12800x128xf32, #tpu.memory_space<vmem_shared>>)
        tpu.yield
      }) : () -> ()
      %dma_wait3A_295 = arith.constant 0 : i32
      %dma_wait3A_296 = arith.constant 0 : i32
      %dma_wait3A_297 = tpu.memref_slice %arg4[%dma_wait3A_295, %dma_wait3A_296] : memref<50176x128xf32, #tpu.memory_space<hbm>> -> memref<50176x128xf32, #tpu.memory_space<hbm>>
      tpu.wait_indirect_dma semaphore(%arg18 : memref<!tpu.dma_semaphore, #tpu.memory_space<semaphore_mem>>) src(%dma_wait3A_297 : memref<50176x128xf32, #tpu.memory_space<hbm>>) dst(%arg13 : memref<64x128xf32, #tpu.memory_space<vmem>>)
      "tpu.region"() ({
        %run_scoped3A = tpu.sem_alloc : memref<!tpu.dma_semaphore, #tpu.memory_space<semaphore_mem>>
        %dma_start3A_299 = arith.constant 0 : i32
        %dma_start3A_300 = arith.constant 0 : i32
        %dma_start3A_301 = tpu.memref_slice %arg16[%dma_start3A_299, %dma_start3A_300] : memref<12800x128xf32, #tpu.memory_space<vmem_shared>> -> memref<12800x128xf32, #tpu.memory_space<vmem_shared>>
        tpu.enqueue_indirect_dma source(%arg13 : memref<64x128xf32, #tpu.memory_space<vmem>>) target(%dma_start3A_301 : memref<12800x128xf32, #tpu.memory_space<vmem_shared>>) offsets(%arg11 : memref<64xi32, #tpu.memory_space<vmem>>) semaphore(%run_scoped3A : memref<!tpu.dma_semaphore, #tpu.memory_space<semaphore_mem>>) {add = true}
        %dma_wait3A_302 = arith.constant 0 : i32
        %dma_wait3A_303 = arith.constant 0 : i32
        %dma_wait3A_304 = tpu.memref_slice %arg16[%dma_wait3A_302, %dma_wait3A_303] : memref<12800x128xf32, #tpu.memory_space<vmem_shared>> -> memref<12800x128xf32, #tpu.memory_space<vmem_shared>>
        tpu.wait_indirect_dma semaphore(%run_scoped3A : memref<!tpu.dma_semaphore, #tpu.memory_space<semaphore_mem>>) src(%arg13 : memref<64x128xf32, #tpu.memory_space<vmem>>) dst(%dma_wait3A_304 : memref<12800x128xf32, #tpu.memory_space<vmem_shared>>)
        tpu.yield
      }) : () -> ()
      %while3A_298 = arith.constant 0 : i32
      scf.yield %while3A_298 : i32
    }
    %while3A_131 = arith.constant 1 : i32
    %while3A_132 = scf.for %while3A_142 = %while3A_128 to %while3A_124 step %while3A_131 iter_args(%while3A_143 = %while3A_130) -> (i32)  : i32 {
      %mul3A_144 = arith.constant 2 : i32
      %mul3A_145 = arith.muli %while3A_142, %mul3A_144 : i32
      %mul3A_146 = arith.constant 64 : i32
      %mul3A_147 = arith.muli %mul3A_145, %mul3A_146 : i32
      %add3A_148 = arith.addi %mul3A_96, %mul3A_147 : i32
      "tpu.region"() ({
        %run_scoped3A = tpu.sem_alloc : memref<!tpu.dma_semaphore, #tpu.memory_space<semaphore_mem>>
        %dma_start3A_299 = tpu.memref_slice %arg2[%add3A_148] : memref<3280896xi32, #tpu.memory_space<hbm>> -> memref<64xi32, #tpu.memory_space<hbm>>
        %dma_start3A_300 = tpu.memref_slice %arg2[%add3A_148] : memref<3280896xi32, #tpu.memory_space<hbm>> -> memref<64xi32, #tpu.memory_space<hbm>>
        tpu.enqueue_dma source(%dma_start3A_300 : memref<64xi32, #tpu.memory_space<hbm>>) target(%arg6 : memref<64xi32, #tpu.memory_space<vmem>>) target_semaphore(%run_scoped3A : memref<!tpu.dma_semaphore, #tpu.memory_space<semaphore_mem>>)
        %dma_wait3A_301 = tpu.memref_slice %arg2[%add3A_148] : memref<3280896xi32, #tpu.memory_space<hbm>> -> memref<64xi32, #tpu.memory_space<hbm>>
        %dma_wait3A_302 = tpu.memref_slice %arg2[%add3A_148] : memref<3280896xi32, #tpu.memory_space<hbm>> -> memref<64xi32, #tpu.memory_space<hbm>>
        tpu.wait_dma2 semaphore(%run_scoped3A : memref<!tpu.dma_semaphore, #tpu.memory_space<semaphore_mem>>) src(%dma_wait3A_302 : memref<64xi32, #tpu.memory_space<hbm>>) dst(%arg6 : memref<64xi32, #tpu.memory_space<vmem>>)
        tpu.yield
      }) : () -> ()
      %get3A_149 = arith.constant 0 : index
      %get3A_150 = tpu.vector_load %arg6[%get3A_149] {strides = array<i32>} : memref<64xi32, #tpu.memory_space<vmem>>, vector<16xi32>,
      %get3A_151 = vector.shape_cast %get3A_150 : vector<16xi32> to vector<16xi32>
      %and3A_152 = arith.constant 65535 : i32
      %and3A_153 = vector.broadcast %and3A_152 : i32 to vector<16xi32>
      %and3A_154 = arith.andi %get3A_151, %and3A_153 : vector<16xi32>
      %swap3A = arith.constant 0 : index
      %swap3A_155 = tpu.vector_load %arg8[%swap3A] {strides = array<i32>} : memref<64xi32, #tpu.memory_space<vmem>>, vector<16xi32>,
      %swap3A_156 = vector.shape_cast %swap3A_155 : vector<16xi32> to vector<16xi32>
      %swap3A_157 = vector.shape_cast %and3A_154 : vector<16xi32> to vector<16xi32>
      tpu.vector_store %arg8[%swap3A], %swap3A_157 {strides = array<i32>} : memref<64xi32, #tpu.memory_space<vmem>>, vector<16xi32>,
      %shift_right_arithmetic3A = arith.constant 16 : i32
      %shift_right_arithmetic3A_158 = vector.broadcast %shift_right_arithmetic3A : i32 to vector<16xi32>
      %shift_right_arithmetic3A_159 = arith.shrsi %get3A_151, %shift_right_arithmetic3A_158 : vector<16xi32>
      %swap3A_160 = arith.constant 0 : index
      %swap3A_161 = tpu.vector_load %arg10[%swap3A_160] {strides = array<i32>} : memref<64xi32, #tpu.memory_space<vmem>>, vector<16xi32>,
      %swap3A_162 = vector.shape_cast %swap3A_161 : vector<16xi32> to vector<16xi32>
      %swap3A_163 = vector.shape_cast %shift_right_arithmetic3A_159 : vector<16xi32> to vector<16xi32>
      tpu.vector_store %arg10[%swap3A_160], %swap3A_163 {strides = array<i32>} : memref<64xi32, #tpu.memory_space<vmem>>, vector<16xi32>,
      %get3A_164 = arith.constant 16 : index
      %get3A_165 = tpu.vector_load %arg6[%get3A_164] {strides = array<i32>} : memref<64xi32, #tpu.memory_space<vmem>>, vector<16xi32>,
      %get3A_166 = vector.shape_cast %get3A_165 : vector<16xi32> to vector<16xi32>
      %and3A_167 = arith.constant 65535 : i32
      %and3A_168 = vector.broadcast %and3A_167 : i32 to vector<16xi32>
      %and3A_169 = arith.andi %get3A_166, %and3A_168 : vector<16xi32>
      %swap3A_170 = arith.constant 16 : index
      %swap3A_171 = tpu.vector_load %arg8[%swap3A_170] {strides = array<i32>} : memref<64xi32, #tpu.memory_space<vmem>>, vector<16xi32>,
      %swap3A_172 = vector.shape_cast %swap3A_171 : vector<16xi32> to vector<16xi32>
      %swap3A_173 = vector.shape_cast %and3A_169 : vector<16xi32> to vector<16xi32>
      tpu.vector_store %arg8[%swap3A_170], %swap3A_173 {strides = array<i32>} : memref<64xi32, #tpu.memory_space<vmem>>, vector<16xi32>,
      %shift_right_arithmetic3A_174 = arith.constant 16 : i32
      %shift_right_arithmetic3A_175 = vector.broadcast %shift_right_arithmetic3A_174 : i32 to vector<16xi32>
      %shift_right_arithmetic3A_176 = arith.shrsi %get3A_166, %shift_right_arithmetic3A_175 : vector<16xi32>
      %swap3A_177 = arith.constant 16 : index
      %swap3A_178 = tpu.vector_load %arg10[%swap3A_177] {strides = array<i32>} : memref<64xi32, #tpu.memory_space<vmem>>, vector<16xi32>,
      %swap3A_179 = vector.shape_cast %swap3A_178 : vector<16xi32> to vector<16xi32>
      %swap3A_180 = vector.shape_cast %shift_right_arithmetic3A_176 : vector<16xi32> to vector<16xi32>
      tpu.vector_store %arg10[%swap3A_177], %swap3A_180 {strides = array<i32>} : memref<64xi32, #tpu.memory_space<vmem>>, vector<16xi32>,
      %get3A_181 = arith.constant 32 : index
      %get3A_182 = tpu.vector_load %arg6[%get3A_181] {strides = array<i32>} : memref<64xi32, #tpu.memory_space<vmem>>, vector<16xi32>,
      %get3A_183 = vector.shape_cast %get3A_182 : vector<16xi32> to vector<16xi32>
      %and3A_184 = arith.constant 65535 : i32
      %and3A_185 = vector.broadcast %and3A_184 : i32 to vector<16xi32>
      %and3A_186 = arith.andi %get3A_183, %and3A_185 : vector<16xi32>
      %swap3A_187 = arith.constant 32 : index
      %swap3A_188 = tpu.vector_load %arg8[%swap3A_187] {strides = array<i32>} : memref<64xi32, #tpu.memory_space<vmem>>, vector<16xi32>,
      %swap3A_189 = vector.shape_cast %swap3A_188 : vector<16xi32> to vector<16xi32>
      %swap3A_190 = vector.shape_cast %and3A_186 : vector<16xi32> to vector<16xi32>
      tpu.vector_store %arg8[%swap3A_187], %swap3A_190 {strides = array<i32>} : memref<64xi32, #tpu.memory_space<vmem>>, vector<16xi32>,
      %shift_right_arithmetic3A_191 = arith.constant 16 : i32
      %shift_right_arithmetic3A_192 = vector.broadcast %shift_right_arithmetic3A_191 : i32 to vector<16xi32>
      %shift_right_arithmetic3A_193 = arith.shrsi %get3A_183, %shift_right_arithmetic3A_192 : vector<16xi32>
      %swap3A_194 = arith.constant 32 : index
      %swap3A_195 = tpu.vector_load %arg10[%swap3A_194] {strides = array<i32>} : memref<64xi32, #tpu.memory_space<vmem>>, vector<16xi32>,
      %swap3A_196 = vector.shape_cast %swap3A_195 : vector<16xi32> to vector<16xi32>
      %swap3A_197 = vector.shape_cast %shift_right_arithmetic3A_193 : vector<16xi32> to vector<16xi32>
      tpu.vector_store %arg10[%swap3A_194], %swap3A_197 {strides = array<i32>} : memref<64xi32, #tpu.memory_space<vmem>>, vector<16xi32>,
      %get3A_198 = arith.constant 48 : index
      %get3A_199 = tpu.vector_load %arg6[%get3A_198] {strides = array<i32>} : memref<64xi32, #tpu.memory_space<vmem>>, vector<16xi32>,
      %get3A_200 = vector.shape_cast %get3A_199 : vector<16xi32> to vector<16xi32>
      %and3A_201 = arith.constant 65535 : i32
      %and3A_202 = vector.broadcast %and3A_201 : i32 to vector<16xi32>
      %and3A_203 = arith.andi %get3A_200, %and3A_202 : vector<16xi32>
      %swap3A_204 = arith.constant 48 : index
      %swap3A_205 = tpu.vector_load %arg8[%swap3A_204] {strides = array<i32>} : memref<64xi32, #tpu.memory_space<vmem>>, vector<16xi32>,
      %swap3A_206 = vector.shape_cast %swap3A_205 : vector<16xi32> to vector<16xi32>
      %swap3A_207 = vector.shape_cast %and3A_203 : vector<16xi32> to vector<16xi32>
      tpu.vector_store %arg8[%swap3A_204], %swap3A_207 {strides = array<i32>} : memref<64xi32, #tpu.memory_space<vmem>>, vector<16xi32>,
      %shift_right_arithmetic3A_208 = arith.constant 16 : i32
      %shift_right_arithmetic3A_209 = vector.broadcast %shift_right_arithmetic3A_208 : i32 to vector<16xi32>
      %shift_right_arithmetic3A_210 = arith.shrsi %get3A_200, %shift_right_arithmetic3A_209 : vector<16xi32>
      %swap3A_211 = arith.constant 48 : index
      %swap3A_212 = tpu.vector_load %arg10[%swap3A_211] {strides = array<i32>} : memref<64xi32, #tpu.memory_space<vmem>>, vector<16xi32>,
      %swap3A_213 = vector.shape_cast %swap3A_212 : vector<16xi32> to vector<16xi32>
      %swap3A_214 = vector.shape_cast %shift_right_arithmetic3A_210 : vector<16xi32> to vector<16xi32>
      tpu.vector_store %arg10[%swap3A_211], %swap3A_214 {strides = array<i32>} : memref<64xi32, #tpu.memory_space<vmem>>, vector<16xi32>,
      %dma_start3A = arith.constant 0 : i32
      %dma_start3A_215 = arith.constant 0 : i32
      %dma_start3A_216 = tpu.memref_slice %arg4[%dma_start3A, %dma_start3A_215] : memref<50176x128xf32, #tpu.memory_space<hbm>> -> memref<50176x128xf32, #tpu.memory_space<hbm>>
      tpu.enqueue_indirect_dma source(%dma_start3A_216 : memref<50176x128xf32, #tpu.memory_space<hbm>>) target(%arg12 : memref<64x128xf32, #tpu.memory_space<vmem>>) offsets(%arg8 : memref<64xi32, #tpu.memory_space<vmem>>) semaphore(%arg17 : memref<!tpu.dma_semaphore, #tpu.memory_space<semaphore_mem>>)
      %mul3A_217 = arith.constant 64 : i32
      %mul3A_218 = arith.muli %mul3A_145, %mul3A_217 : i32
      %add3A_219 = arith.addi %mul3A_96, %mul3A_218 : i32
      %add3A_220 = arith.constant 64 : i32
      %add3A_221 = arith.addi %add3A_219, %add3A_220 : i32
      "tpu.region"() ({
        %run_scoped3A = tpu.sem_alloc : memref<!tpu.dma_semaphore, #tpu.memory_space<semaphore_mem>>
        %dma_start3A_299 = tpu.memref_slice %arg2[%add3A_221] : memref<3280896xi32, #tpu.memory_space<hbm>> -> memref<64xi32, #tpu.memory_space<hbm>>
        %dma_start3A_300 = tpu.memref_slice %arg2[%add3A_221] : memref<3280896xi32, #tpu.memory_space<hbm>> -> memref<64xi32, #tpu.memory_space<hbm>>
        tpu.enqueue_dma source(%dma_start3A_300 : memref<64xi32, #tpu.memory_space<hbm>>) target(%arg7 : memref<64xi32, #tpu.memory_space<vmem>>) target_semaphore(%run_scoped3A : memref<!tpu.dma_semaphore, #tpu.memory_space<semaphore_mem>>)
        %dma_wait3A_301 = tpu.memref_slice %arg2[%add3A_221] : memref<3280896xi32, #tpu.memory_space<hbm>> -> memref<64xi32, #tpu.memory_space<hbm>>
        %dma_wait3A_302 = tpu.memref_slice %arg2[%add3A_221] : memref<3280896xi32, #tpu.memory_space<hbm>> -> memref<64xi32, #tpu.memory_space<hbm>>
        tpu.wait_dma2 semaphore(%run_scoped3A : memref<!tpu.dma_semaphore, #tpu.memory_space<semaphore_mem>>) src(%dma_wait3A_302 : memref<64xi32, #tpu.memory_space<hbm>>) dst(%arg7 : memref<64xi32, #tpu.memory_space<vmem>>)
        tpu.yield
      }) : () -> ()
      %get3A_222 = arith.constant 0 : index
      %get3A_223 = tpu.vector_load %arg7[%get3A_222] {strides = array<i32>} : memref<64xi32, #tpu.memory_space<vmem>>, vector<16xi32>,
      %get3A_224 = vector.shape_cast %get3A_223 : vector<16xi32> to vector<16xi32>
      %and3A_225 = arith.constant 65535 : i32
      %and3A_226 = vector.broadcast %and3A_225 : i32 to vector<16xi32>
      %and3A_227 = arith.andi %get3A_224, %and3A_226 : vector<16xi32>
      %swap3A_228 = arith.constant 0 : index
      %swap3A_229 = tpu.vector_load %arg9[%swap3A_228] {strides = array<i32>} : memref<64xi32, #tpu.memory_space<vmem>>, vector<16xi32>,
      %swap3A_230 = vector.shape_cast %swap3A_229 : vector<16xi32> to vector<16xi32>
      %swap3A_231 = vector.shape_cast %and3A_227 : vector<16xi32> to vector<16xi32>
      tpu.vector_store %arg9[%swap3A_228], %swap3A_231 {strides = array<i32>} : memref<64xi32, #tpu.memory_space<vmem>>, vector<16xi32>,
      %shift_right_arithmetic3A_232 = arith.constant 16 : i32
      %shift_right_arithmetic3A_233 = vector.broadcast %shift_right_arithmetic3A_232 : i32 to vector<16xi32>
      %shift_right_arithmetic3A_234 = arith.shrsi %get3A_224, %shift_right_arithmetic3A_233 : vector<16xi32>
      %swap3A_235 = arith.constant 0 : index
      %swap3A_236 = tpu.vector_load %arg11[%swap3A_235] {strides = array<i32>} : memref<64xi32, #tpu.memory_space<vmem>>, vector<16xi32>,
      %swap3A_237 = vector.shape_cast %swap3A_236 : vector<16xi32> to vector<16xi32>
      %swap3A_238 = vector.shape_cast %shift_right_arithmetic3A_234 : vector<16xi32> to vector<16xi32>
      tpu.vector_store %arg11[%swap3A_235], %swap3A_238 {strides = array<i32>} : memref<64xi32, #tpu.memory_space<vmem>>, vector<16xi32>,
      %get3A_239 = arith.constant 16 : index
      %get3A_240 = tpu.vector_load %arg7[%get3A_239] {strides = array<i32>} : memref<64xi32, #tpu.memory_space<vmem>>, vector<16xi32>,
      %get3A_241 = vector.shape_cast %get3A_240 : vector<16xi32> to vector<16xi32>
      %and3A_242 = arith.constant 65535 : i32
      %and3A_243 = vector.broadcast %and3A_242 : i32 to vector<16xi32>
      %and3A_244 = arith.andi %get3A_241, %and3A_243 : vector<16xi32>
      %swap3A_245 = arith.constant 16 : index
      %swap3A_246 = tpu.vector_load %arg9[%swap3A_245] {strides = array<i32>} : memref<64xi32, #tpu.memory_space<vmem>>, vector<16xi32>,
      %swap3A_247 = vector.shape_cast %swap3A_246 : vector<16xi32> to vector<16xi32>
      %swap3A_248 = vector.shape_cast %and3A_244 : vector<16xi32> to vector<16xi32>
      tpu.vector_store %arg9[%swap3A_245], %swap3A_248 {strides = array<i32>} : memref<64xi32, #tpu.memory_space<vmem>>, vector<16xi32>,
      %shift_right_arithmetic3A_249 = arith.constant 16 : i32
      %shift_right_arithmetic3A_250 = vector.broadcast %shift_right_arithmetic3A_249 : i32 to vector<16xi32>
      %shift_right_arithmetic3A_251 = arith.shrsi %get3A_241, %shift_right_arithmetic3A_250 : vector<16xi32>
      %swap3A_252 = arith.constant 16 : index
      %swap3A_253 = tpu.vector_load %arg11[%swap3A_252] {strides = array<i32>} : memref<64xi32, #tpu.memory_space<vmem>>, vector<16xi32>,
      %swap3A_254 = vector.shape_cast %swap3A_253 : vector<16xi32> to vector<16xi32>
      %swap3A_255 = vector.shape_cast %shift_right_arithmetic3A_251 : vector<16xi32> to vector<16xi32>
      tpu.vector_store %arg11[%swap3A_252], %swap3A_255 {strides = array<i32>} : memref<64xi32, #tpu.memory_space<vmem>>, vector<16xi32>,
      %get3A_256 = arith.constant 32 : index
      %get3A_257 = tpu.vector_load %arg7[%get3A_256] {strides = array<i32>} : memref<64xi32, #tpu.memory_space<vmem>>, vector<16xi32>,
      %get3A_258 = vector.shape_cast %get3A_257 : vector<16xi32> to vector<16xi32>
      %and3A_259 = arith.constant 65535 : i32
      %and3A_260 = vector.broadcast %and3A_259 : i32 to vector<16xi32>
      %and3A_261 = arith.andi %get3A_258, %and3A_260 : vector<16xi32>
      %swap3A_262 = arith.constant 32 : index
      %swap3A_263 = tpu.vector_load %arg9[%swap3A_262] {strides = array<i32>} : memref<64xi32, #tpu.memory_space<vmem>>, vector<16xi32>,
      %swap3A_264 = vector.shape_cast %swap3A_263 : vector<16xi32> to vector<16xi32>
      %swap3A_265 = vector.shape_cast %and3A_261 : vector<16xi32> to vector<16xi32>
      tpu.vector_store %arg9[%swap3A_262], %swap3A_265 {strides = array<i32>} : memref<64xi32, #tpu.memory_space<vmem>>, vector<16xi32>,
      %shift_right_arithmetic3A_266 = arith.constant 16 : i32
      %shift_right_arithmetic3A_267 = vector.broadcast %shift_right_arithmetic3A_266 : i32 to vector<16xi32>
      %shift_right_arithmetic3A_268 = arith.shrsi %get3A_258, %shift_right_arithmetic3A_267 : vector<16xi32>
      %swap3A_269 = arith.constant 32 : index
      %swap3A_270 = tpu.vector_load %arg11[%swap3A_269] {strides = array<i32>} : memref<64xi32, #tpu.memory_space<vmem>>, vector<16xi32>,
      %swap3A_271 = vector.shape_cast %swap3A_270 : vector<16xi32> to vector<16xi32>
      %swap3A_272 = vector.shape_cast %shift_right_arithmetic3A_268 : vector<16xi32> to vector<16xi32>
      tpu.vector_store %arg11[%swap3A_269], %swap3A_272 {strides = array<i32>} : memref<64xi32, #tpu.memory_space<vmem>>, vector<16xi32>,
      %get3A_273 = arith.constant 48 : index
      %get3A_274 = tpu.vector_load %arg7[%get3A_273] {strides = array<i32>} : memref<64xi32, #tpu.memory_space<vmem>>, vector<16xi32>,
      %get3A_275 = vector.shape_cast %get3A_274 : vector<16xi32> to vector<16xi32>
      %and3A_276 = arith.constant 65535 : i32
      %and3A_277 = vector.broadcast %and3A_276 : i32 to vector<16xi32>
      %and3A_278 = arith.andi %get3A_275, %and3A_277 : vector<16xi32>
      %swap3A_279 = arith.constant 48 : index
      %swap3A_280 = tpu.vector_load %arg9[%swap3A_279] {strides = array<i32>} : memref<64xi32, #tpu.memory_space<vmem>>, vector<16xi32>,
      %swap3A_281 = vector.shape_cast %swap3A_280 : vector<16xi32> to vector<16xi32>
      %swap3A_282 = vector.shape_cast %and3A_278 : vector<16xi32> to vector<16xi32>
      tpu.vector_store %arg9[%swap3A_279], %swap3A_282 {strides = array<i32>} : memref<64xi32, #tpu.memory_space<vmem>>, vector<16xi32>,
      %shift_right_arithmetic3A_283 = arith.constant 16 : i32
      %shift_right_arithmetic3A_284 = vector.broadcast %shift_right_arithmetic3A_283 : i32 to vector<16xi32>
      %shift_right_arithmetic3A_285 = arith.shrsi %get3A_275, %shift_right_arithmetic3A_284 : vector<16xi32>
      %swap3A_286 = arith.constant 48 : index
      %swap3A_287 = tpu.vector_load %arg11[%swap3A_286] {strides = array<i32>} : memref<64xi32, #tpu.memory_space<vmem>>, vector<16xi32>,
      %swap3A_288 = vector.shape_cast %swap3A_287 : vector<16xi32> to vector<16xi32>
      %swap3A_289 = vector.shape_cast %shift_right_arithmetic3A_285 : vector<16xi32> to vector<16xi32>
      tpu.vector_store %arg11[%swap3A_286], %swap3A_289 {strides = array<i32>} : memref<64xi32, #tpu.memory_space<vmem>>, vector<16xi32>,
      %dma_start3A_290 = arith.constant 0 : i32
      %dma_start3A_291 = arith.constant 0 : i32
      %dma_start3A_292 = tpu.memref_slice %arg4[%dma_start3A_290, %dma_start3A_291] : memref<50176x128xf32, #tpu.memory_space<hbm>> -> memref<50176x128xf32, #tpu.memory_space<hbm>>
      tpu.enqueue_indirect_dma source(%dma_start3A_292 : memref<50176x128xf32, #tpu.memory_space<hbm>>) target(%arg13 : memref<64x128xf32, #tpu.memory_space<vmem>>) offsets(%arg9 : memref<64xi32, #tpu.memory_space<vmem>>) semaphore(%arg18 : memref<!tpu.dma_semaphore, #tpu.memory_space<semaphore_mem>>)
      %dma_wait3A = arith.constant 0 : i32
      %dma_wait3A_293 = arith.constant 0 : i32
      %dma_wait3A_294 = tpu.memref_slice %arg4[%dma_wait3A, %dma_wait3A_293] : memref<50176x128xf32, #tpu.memory_space<hbm>> -> memref<50176x128xf32, #tpu.memory_space<hbm>>
      tpu.wait_indirect_dma semaphore(%arg17 : memref<!tpu.dma_semaphore, #tpu.memory_space<semaphore_mem>>) src(%dma_wait3A_294 : memref<50176x128xf32, #tpu.memory_space<hbm>>) dst(%arg12 : memref<64x128xf32, #tpu.memory_space<vmem>>)
      "tpu.region"() ({
        %run_scoped3A = tpu.sem_alloc : memref<!tpu.dma_semaphore, #tpu.memory_space<semaphore_mem>>
        %dma_start3A_299 = arith.constant 0 : i32
        %dma_start3A_300 = arith.constant 0 : i32
        %dma_start3A_301 = tpu.memref_slice %arg16[%dma_start3A_299, %dma_start3A_300] : memref<12800x128xf32, #tpu.memory_space<vmem_shared>> -> memref<12800x128xf32, #tpu.memory_space<vmem_shared>>
        tpu.enqueue_indirect_dma source(%arg12 : memref<64x128xf32, #tpu.memory_space<vmem>>) target(%dma_start3A_301 : memref<12800x128xf32, #tpu.memory_space<vmem_shared>>) offsets(%arg10 : memref<64xi32, #tpu.memory_space<vmem>>) semaphore(%run_scoped3A : memref<!tpu.dma_semaphore, #tpu.memory_space<semaphore_mem>>) {add = true}
        %dma_wait3A_302 = arith.constant 0 : i32
        %dma_wait3A_303 = arith.constant 0 : i32
        %dma_wait3A_304 = tpu.memref_slice %arg16[%dma_wait3A_302, %dma_wait3A_303] : memref<12800x128xf32, #tpu.memory_space<vmem_shared>> -> memref<12800x128xf32, #tpu.memory_space<vmem_shared>>
        tpu.wait_indirect_dma semaphore(%run_scoped3A : memref<!tpu.dma_semaphore, #tpu.memory_space<semaphore_mem>>) src(%arg12 : memref<64x128xf32, #tpu.memory_space<vmem>>) dst(%dma_wait3A_304 : memref<12800x128xf32, #tpu.memory_space<vmem_shared>>)
        tpu.yield
      }) : () -> ()
      %dma_wait3A_295 = arith.constant 0 : i32
      %dma_wait3A_296 = arith.constant 0 : i32
      %dma_wait3A_297 = tpu.memref_slice %arg4[%dma_wait3A_295, %dma_wait3A_296] : memref<50176x128xf32, #tpu.memory_space<hbm>> -> memref<50176x128xf32, #tpu.memory_space<hbm>>
      tpu.wait_indirect_dma semaphore(%arg18 : memref<!tpu.dma_semaphore, #tpu.memory_space<semaphore_mem>>) src(%dma_wait3A_297 : memref<50176x128xf32, #tpu.memory_space<hbm>>) dst(%arg13 : memref<64x128xf32, #tpu.memory_space<vmem>>)
      "tpu.region"() ({
        %run_scoped3A = tpu.sem_alloc : memref<!tpu.dma_semaphore, #tpu.memory_space<semaphore_mem>>
        %dma_start3A_299 = arith.constant 0 : i32
        %dma_start3A_300 = arith.constant 0 : i32
        %dma_start3A_301 = tpu.memref_slice %arg16[%dma_start3A_299, %dma_start3A_300] : memref<12800x128xf32, #tpu.memory_space<vmem_shared>> -> memref<12800x128xf32, #tpu.memory_space<vmem_shared>>
        tpu.enqueue_indirect_dma source(%arg13 : memref<64x128xf32, #tpu.memory_space<vmem>>) target(%dma_start3A_301 : memref<12800x128xf32, #tpu.memory_space<vmem_shared>>) offsets(%arg11 : memref<64xi32, #tpu.memory_space<vmem>>) semaphore(%run_scoped3A : memref<!tpu.dma_semaphore, #tpu.memory_space<semaphore_mem>>) {add = true}
        %dma_wait3A_302 = arith.constant 0 : i32
        %dma_wait3A_303 = arith.constant 0 : i32
        %dma_wait3A_304 = tpu.memref_slice %arg16[%dma_wait3A_302, %dma_wait3A_303] : memref<12800x128xf32, #tpu.memory_space<vmem_shared>> -> memref<12800x128xf32, #tpu.memory_space<vmem_shared>>
        tpu.wait_indirect_dma semaphore(%run_scoped3A : memref<!tpu.dma_semaphore, #tpu.memory_space<semaphore_mem>>) src(%arg13 : memref<64x128xf32, #tpu.memory_space<vmem>>) dst(%dma_wait3A_304 : memref<12800x128xf32, #tpu.memory_space<vmem_shared>>)
        tpu.yield
      }) : () -> ()
      %while3A_298 = arith.constant 0 : i32
      scf.yield %while3A_298 : i32
    }
    %barrier3A_133 = arith.constant 0 : index
    tpu.barrier barrier_id(%barrier3A_133)
    %scan3A_134 = arith.constant 0 : i32
    %scan3A_135 = arith.constant 0 : i32
    %scan3A_136 = arith.constant 14 : i32
    %scan3A_137 = arith.addi %scan3A_135, %scan3A_136 : i32
    %scan3A_138 = arith.constant 1 : i32
    %scan3A_139 = scf.for %scan3A_142 = %scan3A_135 to %scan3A_137 step %scan3A_138 iter_args(%scan3A_143 = %scan3A_134) -> (i32)  : i32 {
      %mul3A_144 = arith.constant 784 : i32
      %mul3A_145 = arith.muli %arg1, %mul3A_144 : i32
      %mul3A_146 = arith.constant 56 : i32
      %mul3A_147 = arith.muli %scan3A_142, %mul3A_146 : i32
      %add3A_148 = arith.addi %mul3A_145, %mul3A_147 : i32
      "tpu.region"() ({
        %run_scoped3A = tpu.sem_alloc : memref<!tpu.dma_semaphore, #tpu.memory_space<semaphore_mem>>
        %dma_start3A = arith.constant 0 : i32
        %dma_start3A_156 = arith.constant 0 : i32
        %dma_start3A_157 = tpu.memref_slice %arg12[%dma_start3A, %dma_start3A_156] : memref<64x128xf32, #tpu.memory_space<vmem>> -> memref<56x128xf32, #tpu.memory_space<vmem>>
        %dma_start3A_158 = arith.constant 0 : i32
        %dma_start3A_159 = tpu.memref_slice %arg16[%add3A_148, %dma_start3A_158] : memref<12800x128xf32, #tpu.memory_space<vmem_shared>> -> memref<56x128xf32, #tpu.memory_space<vmem_shared>>
        %dma_start3A_160 = arith.constant 0 : i32
        %dma_start3A_161 = arith.constant 0 : i32
        %dma_start3A_162 = tpu.memref_slice %arg12[%dma_start3A_160, %dma_start3A_161] : memref<64x128xf32, #tpu.memory_space<vmem>> -> memref<56x128xf32, #tpu.memory_space<vmem>>
        %dma_start3A_163 = arith.constant 0 : i32
        %dma_start3A_164 = tpu.memref_slice %arg16[%add3A_148, %dma_start3A_163] : memref<12800x128xf32, #tpu.memory_space<vmem_shared>> -> memref<56x128xf32, #tpu.memory_space<vmem_shared>>
        tpu.enqueue_dma source(%dma_start3A_164 : memref<56x128xf32, #tpu.memory_space<vmem_shared>>) target(%dma_start3A_162 : memref<56x128xf32, #tpu.memory_space<vmem>>) target_semaphore(%run_scoped3A : memref<!tpu.dma_semaphore, #tpu.memory_space<semaphore_mem>>)
        %dma_wait3A = arith.constant 0 : i32
        %dma_wait3A_165 = arith.constant 0 : i32
        %dma_wait3A_166 = tpu.memref_slice %arg12[%dma_wait3A, %dma_wait3A_165] : memref<64x128xf32, #tpu.memory_space<vmem>> -> memref<56x128xf32, #tpu.memory_space<vmem>>
        %dma_wait3A_167 = arith.constant 0 : i32
        %dma_wait3A_168 = tpu.memref_slice %arg16[%add3A_148, %dma_wait3A_167] : memref<12800x128xf32, #tpu.memory_space<vmem_shared>> -> memref<56x128xf32, #tpu.memory_space<vmem_shared>>
        %dma_wait3A_169 = arith.constant 0 : i32
        %dma_wait3A_170 = arith.constant 0 : i32
        %dma_wait3A_171 = tpu.memref_slice %arg12[%dma_wait3A_169, %dma_wait3A_170] : memref<64x128xf32, #tpu.memory_space<vmem>> -> memref<56x128xf32, #tpu.memory_space<vmem>>
        %dma_wait3A_172 = arith.constant 0 : i32
        %dma_wait3A_173 = tpu.memref_slice %arg16[%add3A_148, %dma_wait3A_172] : memref<12800x128xf32, #tpu.memory_space<vmem_shared>> -> memref<56x128xf32, #tpu.memory_space<vmem_shared>>
        tpu.wait_dma2 semaphore(%run_scoped3A : memref<!tpu.dma_semaphore, #tpu.memory_space<semaphore_mem>>) src(%dma_wait3A_173 : memref<56x128xf32, #tpu.memory_space<vmem_shared>>) dst(%dma_wait3A_171 : memref<56x128xf32, #tpu.memory_space<vmem>>)
        tpu.yield
      }) : () -> ()
      %mul3A_149 = arith.constant 784 : i32
      %mul3A_150 = arith.muli %arg1, %mul3A_149 : i32
      %add3A_151 = arith.addi %mul3A_73, %mul3A_150 : i32
      %mul3A_152 = arith.constant 56 : i32
      %mul3A_153 = arith.muli %scan3A_142, %mul3A_152 : i32
      %add3A_154 = arith.addi %add3A_151, %mul3A_153 : i32
      "tpu.region"() ({
        %run_scoped3A = tpu.sem_alloc : memref<!tpu.dma_semaphore, #tpu.memory_space<semaphore_mem>>
        %dma_start3A = arith.constant 0 : i32
        %dma_start3A_156 = arith.constant 0 : i32
        %dma_start3A_157 = tpu.memref_slice %arg12[%dma_start3A, %dma_start3A_156] : memref<64x128xf32, #tpu.memory_space<vmem>> -> memref<56x128xf32, #tpu.memory_space<vmem>>
        %dma_start3A_158 = arith.constant 0 : i32
        %dma_start3A_159 = tpu.memref_slice %arg5[%add3A_154, %dma_start3A_158] : memref<50176x128xf32, #tpu.memory_space<hbm>> -> memref<56x128xf32, #tpu.memory_space<hbm>>
        %dma_start3A_160 = arith.constant 0 : i32
        %dma_start3A_161 = tpu.memref_slice %arg5[%add3A_154, %dma_start3A_160] : memref<50176x128xf32, #tpu.memory_space<hbm>> -> memref<56x128xf32, #tpu.memory_space<hbm>>
        %dma_start3A_162 = arith.constant 0 : i32
        %dma_start3A_163 = arith.constant 0 : i32
        %dma_start3A_164 = tpu.memref_slice %arg12[%dma_start3A_162, %dma_start3A_163] : memref<64x128xf32, #tpu.memory_space<vmem>> -> memref<56x128xf32, #tpu.memory_space<vmem>>
        tpu.enqueue_dma source(%dma_start3A_164 : memref<56x128xf32, #tpu.memory_space<vmem>>) target(%dma_start3A_161 : memref<56x128xf32, #tpu.memory_space<hbm>>) target_semaphore(%run_scoped3A : memref<!tpu.dma_semaphore, #tpu.memory_space<semaphore_mem>>)
        %dma_wait3A = arith.constant 0 : i32
        %dma_wait3A_165 = arith.constant 0 : i32
        %dma_wait3A_166 = tpu.memref_slice %arg12[%dma_wait3A, %dma_wait3A_165] : memref<64x128xf32, #tpu.memory_space<vmem>> -> memref<56x128xf32, #tpu.memory_space<vmem>>
        %dma_wait3A_167 = arith.constant 0 : i32
        %dma_wait3A_168 = tpu.memref_slice %arg5[%add3A_154, %dma_wait3A_167] : memref<50176x128xf32, #tpu.memory_space<hbm>> -> memref<56x128xf32, #tpu.memory_space<hbm>>
        %dma_wait3A_169 = arith.constant 0 : i32
        %dma_wait3A_170 = tpu.memref_slice %arg5[%add3A_154, %dma_wait3A_169] : memref<50176x128xf32, #tpu.memory_space<hbm>> -> memref<56x128xf32, #tpu.memory_space<hbm>>
        %dma_wait3A_171 = arith.constant 0 : i32
        %dma_wait3A_172 = arith.constant 0 : i32
        %dma_wait3A_173 = tpu.memref_slice %arg12[%dma_wait3A_171, %dma_wait3A_172] : memref<64x128xf32, #tpu.memory_space<vmem>> -> memref<56x128xf32, #tpu.memory_space<vmem>>
        tpu.wait_dma2 semaphore(%run_scoped3A : memref<!tpu.dma_semaphore, #tpu.memory_space<semaphore_mem>>) src(%dma_wait3A_173 : memref<56x128xf32, #tpu.memory_space<vmem>>) dst(%dma_wait3A_170 : memref<56x128xf32, #tpu.memory_space<hbm>>)
        tpu.yield
      }) : () -> ()
      %scan3A_155 = arith.constant 0 : i32
      scf.yield %scan3A_155 : i32
    }
    %scan3A_140 = arith.constant 14 : i32
    %barrier3A_141 = arith.constant 0 : index
    tpu.barrier barrier_id(%barrier3A_141)
    return
  }
}

#map = affine_map<(d0, d1) -> (0, 0)>
#map1 = affine_map<(d0, d1) -> (0)>
module attributes {stable_mosaic.version = 14 : i64} {
  func.func @k(%arg0: i32, %arg1: i32, %arg2: memref<6400x128xi32, #tpu.memory_space<hbm>>, %arg3: memref<100352xf32, #tpu.memory_space<hbm>>, %arg4: memref<200x128xi32, #tpu.memory_space<vmem>>, %arg5: memref<128xf32, #tpu.memory_space<vmem>>, %arg6: memref<392xf32, #tpu.memory_space<vmem>>, %arg7: memref<50176xf32, #tpu.memory_space<vmem_shared>>, %arg8: memref<!tpu.dma_semaphore, #tpu.memory_space<semaphore_mem>>, %arg9: memref<!tpu.dma_semaphore, #tpu.memory_space<semaphore_mem>>) attributes {dimension_semantics = [#tpu.dimension_semantics<core_parallel>, #tpu.dimension_semantics<subcore_parallel>], iteration_bounds = array<i64: 2, 16>, scalar_prefetch = 0 : i64, scratch_operands = 6 : i64, tpu.core_type = #tpu.core_type<sc_vector_subcore>, window_params = [{transform_indices = #map}, {transform_indices = #map1}]} {
    %mul3A = arith.constant 16 : i32
    %mul3A_0 = arith.muli %arg0, %mul3A : i32
    %add3A = arith.addi %mul3A_0, %arg1 : i32
    %scan3A = arith.constant 0 : i32
    %scan3A_1 = arith.constant 0 : i32
    %scan3A_2 = arith.constant 24 : i32
    %scan3A_3 = arith.addi %scan3A_1, %scan3A_2 : i32
    %scan3A_4 = arith.constant 1 : i32
    %scan3A_5 = scf.for %scan3A_77 = %scan3A_1 to %scan3A_3 step %scan3A_4 iter_args(%scan3A_78 = %scan3A) -> (i32)  : i32 {
      %broadcast_in_dim3A_79 = arith.constant 0.000000e+00 : f32
      %broadcast_in_dim3A_80 = vector.broadcast %broadcast_in_dim3A_79 : f32 to vector<16xf32>
      %mul3A_81 = arith.constant 16 : i32
      %mul3A_82 = arith.muli %scan3A_77, %mul3A_81 : i32
      %swap3A_83 = arith.index_cast %mul3A_82 : i32 to index
      %swap3A_84 = tpu.vector_load %arg6[%swap3A_83] {strides = array<i32>} : memref<392xf32, #tpu.memory_space<vmem>>, vector<16xf32>,
      %swap3A_85 = vector.shape_cast %swap3A_84 : vector<16xf32> to vector<16xf32>
      %swap3A_86 = vector.shape_cast %broadcast_in_dim3A_80 : vector<16xf32> to vector<16xf32>
      tpu.vector_store %arg6[%swap3A_83], %swap3A_86 {strides = array<i32>} : memref<392xf32, #tpu.memory_space<vmem>>, vector<16xf32>,
      %scan3A_87 = arith.constant 0 : i32
      scf.yield %scan3A_87 : i32
    }
    %scan3A_6 = arith.constant 24 : i32
    %scan3A_7 = arith.constant 0 : i32
    %scan3A_8 = arith.constant 0 : i32
    %scan3A_9 = arith.constant 8 : i32
    %scan3A_10 = arith.addi %scan3A_8, %scan3A_9 : i32
    %scan3A_11 = arith.constant 1 : i32
    %scan3A_12 = scf.for %scan3A_77 = %scan3A_8 to %scan3A_10 step %scan3A_11 iter_args(%scan3A_78 = %scan3A_7) -> (i32)  : i32 {
      %mul3A_79 = arith.constant 3136 : i32
      %mul3A_80 = arith.muli %arg1, %mul3A_79 : i32
      %mul3A_81 = arith.constant 392 : i32
      %mul3A_82 = arith.muli %scan3A_77, %mul3A_81 : i32
      %add3A_83 = arith.addi %mul3A_80, %mul3A_82 : i32
      "tpu.region"() ({
        %run_scoped3A = tpu.sem_alloc : memref<!tpu.dma_semaphore, #tpu.memory_space<semaphore_mem>>
        %dma_start3A = tpu.memref_slice %arg7[%add3A_83] : memref<50176xf32, #tpu.memory_space<vmem_shared>> -> memref<392xf32, #tpu.memory_space<vmem_shared>>
        %dma_start3A_85 = tpu.memref_slice %arg7[%add3A_83] : memref<50176xf32, #tpu.memory_space<vmem_shared>> -> memref<392xf32, #tpu.memory_space<vmem_shared>>
        tpu.enqueue_dma source(%arg6 : memref<392xf32, #tpu.memory_space<vmem>>) target(%dma_start3A_85 : memref<392xf32, #tpu.memory_space<vmem_shared>>) target_semaphore(%run_scoped3A : memref<!tpu.dma_semaphore, #tpu.memory_space<semaphore_mem>>)
        %dma_wait3A = tpu.memref_slice %arg7[%add3A_83] : memref<50176xf32, #tpu.memory_space<vmem_shared>> -> memref<392xf32, #tpu.memory_space<vmem_shared>>
        %dma_wait3A_86 = tpu.memref_slice %arg7[%add3A_83] : memref<50176xf32, #tpu.memory_space<vmem_shared>> -> memref<392xf32, #tpu.memory_space<vmem_shared>>
        tpu.wait_dma2 semaphore(%run_scoped3A : memref<!tpu.dma_semaphore, #tpu.memory_space<semaphore_mem>>) src(%arg6 : memref<392xf32, #tpu.memory_space<vmem>>) dst(%dma_wait3A_86 : memref<392xf32, #tpu.memory_space<vmem_shared>>)
        tpu.yield
      }) : () -> ()
      %scan3A_84 = arith.constant 0 : i32
      scf.yield %scan3A_84 : i32
    }
    %scan3A_13 = arith.constant 8 : i32
    %broadcast_in_dim3A = arith.constant 1.000000e+00 : f32
    %broadcast_in_dim3A_14 = vector.broadcast %broadcast_in_dim3A : f32 to vector<16xf32>
    %swap3A = arith.constant 0 : index
    %swap3A_15 = tpu.vector_load %arg5[%swap3A] {strides = array<i32>} : memref<128xf32, #tpu.memory_space<vmem>>, vector<16xf32>,
    %swap3A_16 = vector.shape_cast %swap3A_15 : vector<16xf32> to vector<16xf32>
    %swap3A_17 = vector.shape_cast %broadcast_in_dim3A_14 : vector<16xf32> to vector<16xf32>
    tpu.vector_store %arg5[%swap3A], %swap3A_17 {strides = array<i32>} : memref<128xf32, #tpu.memory_space<vmem>>, vector<16xf32>,
    %broadcast_in_dim3A_18 = arith.constant 1.000000e+00 : f32
    %broadcast_in_dim3A_19 = vector.broadcast %broadcast_in_dim3A_18 : f32 to vector<16xf32>
    %swap3A_20 = arith.constant 16 : index
    %swap3A_21 = tpu.vector_load %arg5[%swap3A_20] {strides = array<i32>} : memref<128xf32, #tpu.memory_space<vmem>>, vector<16xf32>,
    %swap3A_22 = vector.shape_cast %swap3A_21 : vector<16xf32> to vector<16xf32>
    %swap3A_23 = vector.shape_cast %broadcast_in_dim3A_19 : vector<16xf32> to vector<16xf32>
    tpu.vector_store %arg5[%swap3A_20], %swap3A_23 {strides = array<i32>} : memref<128xf32, #tpu.memory_space<vmem>>, vector<16xf32>,
    %broadcast_in_dim3A_24 = arith.constant 1.000000e+00 : f32
    %broadcast_in_dim3A_25 = vector.broadcast %broadcast_in_dim3A_24 : f32 to vector<16xf32>
    %swap3A_26 = arith.constant 32 : index
    %swap3A_27 = tpu.vector_load %arg5[%swap3A_26] {strides = array<i32>} : memref<128xf32, #tpu.memory_space<vmem>>, vector<16xf32>,
    %swap3A_28 = vector.shape_cast %swap3A_27 : vector<16xf32> to vector<16xf32>
    %swap3A_29 = vector.shape_cast %broadcast_in_dim3A_25 : vector<16xf32> to vector<16xf32>
    tpu.vector_store %arg5[%swap3A_26], %swap3A_29 {strides = array<i32>} : memref<128xf32, #tpu.memory_space<vmem>>, vector<16xf32>,
    %broadcast_in_dim3A_30 = arith.constant 1.000000e+00 : f32
    %broadcast_in_dim3A_31 = vector.broadcast %broadcast_in_dim3A_30 : f32 to vector<16xf32>
    %swap3A_32 = arith.constant 48 : index
    %swap3A_33 = tpu.vector_load %arg5[%swap3A_32] {strides = array<i32>} : memref<128xf32, #tpu.memory_space<vmem>>, vector<16xf32>,
    %swap3A_34 = vector.shape_cast %swap3A_33 : vector<16xf32> to vector<16xf32>
    %swap3A_35 = vector.shape_cast %broadcast_in_dim3A_31 : vector<16xf32> to vector<16xf32>
    tpu.vector_store %arg5[%swap3A_32], %swap3A_35 {strides = array<i32>} : memref<128xf32, #tpu.memory_space<vmem>>, vector<16xf32>,
    %broadcast_in_dim3A_36 = arith.constant 1.000000e+00 : f32
    %broadcast_in_dim3A_37 = vector.broadcast %broadcast_in_dim3A_36 : f32 to vector<16xf32>
    %swap3A_38 = arith.constant 64 : index
    %swap3A_39 = tpu.vector_load %arg5[%swap3A_38] {strides = array<i32>} : memref<128xf32, #tpu.memory_space<vmem>>, vector<16xf32>,
    %swap3A_40 = vector.shape_cast %swap3A_39 : vector<16xf32> to vector<16xf32>
    %swap3A_41 = vector.shape_cast %broadcast_in_dim3A_37 : vector<16xf32> to vector<16xf32>
    tpu.vector_store %arg5[%swap3A_38], %swap3A_41 {strides = array<i32>} : memref<128xf32, #tpu.memory_space<vmem>>, vector<16xf32>,
    %broadcast_in_dim3A_42 = arith.constant 1.000000e+00 : f32
    %broadcast_in_dim3A_43 = vector.broadcast %broadcast_in_dim3A_42 : f32 to vector<16xf32>
    %swap3A_44 = arith.constant 80 : index
    %swap3A_45 = tpu.vector_load %arg5[%swap3A_44] {strides = array<i32>} : memref<128xf32, #tpu.memory_space<vmem>>, vector<16xf32>,
    %swap3A_46 = vector.shape_cast %swap3A_45 : vector<16xf32> to vector<16xf32>
    %swap3A_47 = vector.shape_cast %broadcast_in_dim3A_43 : vector<16xf32> to vector<16xf32>
    tpu.vector_store %arg5[%swap3A_44], %swap3A_47 {strides = array<i32>} : memref<128xf32, #tpu.memory_space<vmem>>, vector<16xf32>,
    %broadcast_in_dim3A_48 = arith.constant 1.000000e+00 : f32
    %broadcast_in_dim3A_49 = vector.broadcast %broadcast_in_dim3A_48 : f32 to vector<16xf32>
    %swap3A_50 = arith.constant 96 : index
    %swap3A_51 = tpu.vector_load %arg5[%swap3A_50] {strides = array<i32>} : memref<128xf32, #tpu.memory_space<vmem>>, vector<16xf32>,
    %swap3A_52 = vector.shape_cast %swap3A_51 : vector<16xf32> to vector<16xf32>
    %swap3A_53 = vector.shape_cast %broadcast_in_dim3A_49 : vector<16xf32> to vector<16xf32>
    tpu.vector_store %arg5[%swap3A_50], %swap3A_53 {strides = array<i32>} : memref<128xf32, #tpu.memory_space<vmem>>, vector<16xf32>,
    %broadcast_in_dim3A_54 = arith.constant 1.000000e+00 : f32
    %broadcast_in_dim3A_55 = vector.broadcast %broadcast_in_dim3A_54 : f32 to vector<16xf32>
    %swap3A_56 = arith.constant 112 : index
    %swap3A_57 = tpu.vector_load %arg5[%swap3A_56] {strides = array<i32>} : memref<128xf32, #tpu.memory_space<vmem>>, vector<16xf32>,
    %swap3A_58 = vector.shape_cast %swap3A_57 : vector<16xf32> to vector<16xf32>
    %swap3A_59 = vector.shape_cast %broadcast_in_dim3A_55 : vector<16xf32> to vector<16xf32>
    tpu.vector_store %arg5[%swap3A_56], %swap3A_59 {strides = array<i32>} : memref<128xf32, #tpu.memory_space<vmem>>, vector<16xf32>,
    %mul3A_60 = arith.constant 200 : i32
    %mul3A_61 = arith.muli %add3A, %mul3A_60 : i32
    "tpu.region"() ({
      %run_scoped3A = tpu.sem_alloc : memref<!tpu.dma_semaphore, #tpu.memory_space<semaphore_mem>>
      %dma_start3A = arith.constant 0 : i32
      %dma_start3A_77 = tpu.memref_slice %arg2[%mul3A_61, %dma_start3A] : memref<6400x128xi32, #tpu.memory_space<hbm>> -> memref<200x128xi32, #tpu.memory_space<hbm>>
      %dma_start3A_78 = arith.constant 0 : i32
      %dma_start3A_79 = tpu.memref_slice %arg2[%mul3A_61, %dma_start3A_78] : memref<6400x128xi32, #tpu.memory_space<hbm>> -> memref<200x128xi32, #tpu.memory_space<hbm>>
      tpu.enqueue_dma source(%dma_start3A_79 : memref<200x128xi32, #tpu.memory_space<hbm>>) target(%arg4 : memref<200x128xi32, #tpu.memory_space<vmem>>) target_semaphore(%run_scoped3A : memref<!tpu.dma_semaphore, #tpu.memory_space<semaphore_mem>>)
      %dma_wait3A = arith.constant 0 : i32
      %dma_wait3A_80 = tpu.memref_slice %arg2[%mul3A_61, %dma_wait3A] : memref<6400x128xi32, #tpu.memory_space<hbm>> -> memref<200x128xi32, #tpu.memory_space<hbm>>
      %dma_wait3A_81 = arith.constant 0 : i32
      %dma_wait3A_82 = tpu.memref_slice %arg2[%mul3A_61, %dma_wait3A_81] : memref<6400x128xi32, #tpu.memory_space<hbm>> -> memref<200x128xi32, #tpu.memory_space<hbm>>
      tpu.wait_dma2 semaphore(%run_scoped3A : memref<!tpu.dma_semaphore, #tpu.memory_space<semaphore_mem>>) src(%dma_wait3A_82 : memref<200x128xi32, #tpu.memory_space<hbm>>) dst(%arg4 : memref<200x128xi32, #tpu.memory_space<vmem>>)
      tpu.yield
    }) : () -> ()
    %barrier3A = arith.constant 0 : index
    tpu.barrier barrier_id(%barrier3A)
    %scan3A_62 = arith.constant 0 : i32
    %scan3A_63 = arith.constant 0 : i32
    %scan3A_64 = arith.constant 100 : i32
    %scan3A_65 = arith.addi %scan3A_63, %scan3A_64 : i32
    %scan3A_66 = arith.constant 1 : i32
    %scan3A_67 = scf.for %scan3A_77 = %scan3A_63 to %scan3A_65 step %scan3A_66 iter_args(%scan3A_78 = %scan3A_62) -> (i32)  : i32 {
      %mul3A_79 = arith.constant 2 : i32
      %mul3A_80 = arith.muli %scan3A_77, %mul3A_79 : i32
      %dma_start3A = arith.constant 0 : i32
      %dma_start3A_81 = tpu.memref_slice %arg4[%mul3A_80, %dma_start3A] : memref<200x128xi32, #tpu.memory_space<vmem>> -> memref<1x128xi32, #tpu.memory_space<vmem>>
      %dma_start3A_82 = tpu.memref_squeeze %dma_start3A_81 : memref<1x128xi32, #tpu.memory_space<vmem>> -> memref<128xi32, #tpu.memory_space<vmem>>
      %dma_start3A_83 = arith.constant 0 : i32
      %dma_start3A_84 = tpu.memref_slice %arg7[%dma_start3A_83] : memref<50176xf32, #tpu.memory_space<vmem_shared>> -> memref<50176xf32, #tpu.memory_space<vmem_shared>>
      tpu.enqueue_indirect_dma source(%arg5 : memref<128xf32, #tpu.memory_space<vmem>>) target(%dma_start3A_84 : memref<50176xf32, #tpu.memory_space<vmem_shared>>) offsets(%dma_start3A_82 : memref<128xi32, #tpu.memory_space<vmem>>) semaphore(%arg8 : memref<!tpu.dma_semaphore, #tpu.memory_space<semaphore_mem>>) {add = true}
      %mul3A_85 = arith.constant 2 : i32
      %mul3A_86 = arith.muli %scan3A_77, %mul3A_85 : i32
      %add3A_87 = arith.constant 1 : i32
      %add3A_88 = arith.addi %mul3A_86, %add3A_87 : i32
      %dma_start3A_89 = arith.constant 0 : i32
      %dma_start3A_90 = tpu.memref_slice %arg4[%add3A_88, %dma_start3A_89] : memref<200x128xi32, #tpu.memory_space<vmem>> -> memref<1x128xi32, #tpu.memory_space<vmem>>
      %dma_start3A_91 = tpu.memref_squeeze %dma_start3A_90 : memref<1x128xi32, #tpu.memory_space<vmem>> -> memref<128xi32, #tpu.memory_space<vmem>>
      %dma_start3A_92 = arith.constant 0 : i32
      %dma_start3A_93 = tpu.memref_slice %arg7[%dma_start3A_92] : memref<50176xf32, #tpu.memory_space<vmem_shared>> -> memref<50176xf32, #tpu.memory_space<vmem_shared>>
      tpu.enqueue_indirect_dma source(%arg5 : memref<128xf32, #tpu.memory_space<vmem>>) target(%dma_start3A_93 : memref<50176xf32, #tpu.memory_space<vmem_shared>>) offsets(%dma_start3A_91 : memref<128xi32, #tpu.memory_space<vmem>>) semaphore(%arg9 : memref<!tpu.dma_semaphore, #tpu.memory_space<semaphore_mem>>) {add = true}
      %dma_wait3A = arith.constant 0 : i32
      %dma_wait3A_94 = tpu.memref_slice %arg4[%mul3A_80, %dma_wait3A] : memref<200x128xi32, #tpu.memory_space<vmem>> -> memref<1x128xi32, #tpu.memory_space<vmem>>
      %dma_wait3A_95 = tpu.memref_squeeze %dma_wait3A_94 : memref<1x128xi32, #tpu.memory_space<vmem>> -> memref<128xi32, #tpu.memory_space<vmem>>
      %dma_wait3A_96 = arith.constant 0 : i32
      %dma_wait3A_97 = tpu.memref_slice %arg7[%dma_wait3A_96] : memref<50176xf32, #tpu.memory_space<vmem_shared>> -> memref<50176xf32, #tpu.memory_space<vmem_shared>>
      tpu.wait_indirect_dma semaphore(%arg8 : memref<!tpu.dma_semaphore, #tpu.memory_space<semaphore_mem>>) src(%arg5 : memref<128xf32, #tpu.memory_space<vmem>>) dst(%dma_wait3A_97 : memref<50176xf32, #tpu.memory_space<vmem_shared>>)
      %dma_wait3A_98 = arith.constant 0 : i32
      %dma_wait3A_99 = tpu.memref_slice %arg4[%add3A_88, %dma_wait3A_98] : memref<200x128xi32, #tpu.memory_space<vmem>> -> memref<1x128xi32, #tpu.memory_space<vmem>>
      %dma_wait3A_100 = tpu.memref_squeeze %dma_wait3A_99 : memref<1x128xi32, #tpu.memory_space<vmem>> -> memref<128xi32, #tpu.memory_space<vmem>>
      %dma_wait3A_101 = arith.constant 0 : i32
      %dma_wait3A_102 = tpu.memref_slice %arg7[%dma_wait3A_101] : memref<50176xf32, #tpu.memory_space<vmem_shared>> -> memref<50176xf32, #tpu.memory_space<vmem_shared>>
      tpu.wait_indirect_dma semaphore(%arg9 : memref<!tpu.dma_semaphore, #tpu.memory_space<semaphore_mem>>) src(%arg5 : memref<128xf32, #tpu.memory_space<vmem>>) dst(%dma_wait3A_102 : memref<50176xf32, #tpu.memory_space<vmem_shared>>)
      %scan3A_103 = arith.constant 0 : i32
      scf.yield %scan3A_103 : i32
    }
    %scan3A_68 = arith.constant 100 : i32
    %barrier3A_69 = arith.constant 0 : index
    tpu.barrier barrier_id(%barrier3A_69)
    %scan3A_70 = arith.constant 0 : i32
    %scan3A_71 = arith.constant 0 : i32
    %scan3A_72 = arith.constant 8 : i32
    %scan3A_73 = arith.addi %scan3A_71, %scan3A_72 : i32
    %scan3A_74 = arith.constant 1 : i32
    %scan3A_75 = scf.for %scan3A_77 = %scan3A_71 to %scan3A_73 step %scan3A_74 iter_args(%scan3A_78 = %scan3A_70) -> (i32)  : i32 {
      %mul3A_79 = arith.constant 3136 : i32
      %mul3A_80 = arith.muli %arg1, %mul3A_79 : i32
      %mul3A_81 = arith.constant 392 : i32
      %mul3A_82 = arith.muli %scan3A_77, %mul3A_81 : i32
      %add3A_83 = arith.addi %mul3A_80, %mul3A_82 : i32
      "tpu.region"() ({
        %run_scoped3A = tpu.sem_alloc : memref<!tpu.dma_semaphore, #tpu.memory_space<semaphore_mem>>
        %dma_start3A = tpu.memref_slice %arg7[%add3A_83] : memref<50176xf32, #tpu.memory_space<vmem_shared>> -> memref<392xf32, #tpu.memory_space<vmem_shared>>
        %dma_start3A_93 = tpu.memref_slice %arg7[%add3A_83] : memref<50176xf32, #tpu.memory_space<vmem_shared>> -> memref<392xf32, #tpu.memory_space<vmem_shared>>
        tpu.enqueue_dma source(%dma_start3A_93 : memref<392xf32, #tpu.memory_space<vmem_shared>>) target(%arg6 : memref<392xf32, #tpu.memory_space<vmem>>) target_semaphore(%run_scoped3A : memref<!tpu.dma_semaphore, #tpu.memory_space<semaphore_mem>>)
        %dma_wait3A = tpu.memref_slice %arg7[%add3A_83] : memref<50176xf32, #tpu.memory_space<vmem_shared>> -> memref<392xf32, #tpu.memory_space<vmem_shared>>
        %dma_wait3A_94 = tpu.memref_slice %arg7[%add3A_83] : memref<50176xf32, #tpu.memory_space<vmem_shared>> -> memref<392xf32, #tpu.memory_space<vmem_shared>>
        tpu.wait_dma2 semaphore(%run_scoped3A : memref<!tpu.dma_semaphore, #tpu.memory_space<semaphore_mem>>) src(%dma_wait3A_94 : memref<392xf32, #tpu.memory_space<vmem_shared>>) dst(%arg6 : memref<392xf32, #tpu.memory_space<vmem>>)
        tpu.yield
      }) : () -> ()
      %mul3A_84 = arith.constant 50176 : i32
      %mul3A_85 = arith.muli %arg0, %mul3A_84 : i32
      %mul3A_86 = arith.constant 3136 : i32
      %mul3A_87 = arith.muli %arg1, %mul3A_86 : i32
      %add3A_88 = arith.addi %mul3A_85, %mul3A_87 : i32
      %mul3A_89 = arith.constant 392 : i32
      %mul3A_90 = arith.muli %scan3A_77, %mul3A_89 : i32
      %add3A_91 = arith.addi %add3A_88, %mul3A_90 : i32
      "tpu.region"() ({
        %run_scoped3A = tpu.sem_alloc : memref<!tpu.dma_semaphore, #tpu.memory_space<semaphore_mem>>
        %dma_start3A = tpu.memref_slice %arg3[%add3A_91] : memref<100352xf32, #tpu.memory_space<hbm>> -> memref<392xf32, #tpu.memory_space<hbm>>
        %dma_start3A_93 = tpu.memref_slice %arg3[%add3A_91] : memref<100352xf32, #tpu.memory_space<hbm>> -> memref<392xf32, #tpu.memory_space<hbm>>
        tpu.enqueue_dma source(%arg6 : memref<392xf32, #tpu.memory_space<vmem>>) target(%dma_start3A_93 : memref<392xf32, #tpu.memory_space<hbm>>) target_semaphore(%run_scoped3A : memref<!tpu.dma_semaphore, #tpu.memory_space<semaphore_mem>>)
        %dma_wait3A = tpu.memref_slice %arg3[%add3A_91] : memref<100352xf32, #tpu.memory_space<hbm>> -> memref<392xf32, #tpu.memory_space<hbm>>
        %dma_wait3A_94 = tpu.memref_slice %arg3[%add3A_91] : memref<100352xf32, #tpu.memory_space<hbm>> -> memref<392xf32, #tpu.memory_space<hbm>>
        tpu.wait_dma2 semaphore(%run_scoped3A : memref<!tpu.dma_semaphore, #tpu.memory_space<semaphore_mem>>) src(%arg6 : memref<392xf32, #tpu.memory_space<vmem>>) dst(%dma_wait3A_94 : memref<392xf32, #tpu.memory_space<hbm>>)
        tpu.yield
      }) : () -> ()
      %scan3A_92 = arith.constant 0 : i32
      scf.yield %scan3A_92 : i32
    }
    %scan3A_76 = arith.constant 8 : i32
    return
  }
}

#map = affine_map<(d0, d1) -> (0)>
module attributes {stable_mosaic.version = 14 : i64} {
  func.func @k(%arg0: i32, %arg1: i32, %arg2: memref<819200xi32, #tpu.memory_space<hbm>>, %arg3: memref<819200xi32, #tpu.memory_space<hbm>>, %arg4: memref<3280896xi32, #tpu.memory_space<hbm>>, %arg5: memref<1024xi32, #tpu.memory_space<hbm>>, %arg6: memref<2048xi32, #tpu.memory_space<vmem>>, %arg7: memref<2048xi32, #tpu.memory_space<vmem>>, %arg8: memref<2144xi32, #tpu.memory_space<vmem>>, %arg9: memref<2144xi32, #tpu.memory_space<vmem>>, %arg10: memref<16xi32, #tpu.memory_space<vmem>>) attributes {dimension_semantics = [#tpu.dimension_semantics<core_parallel>, #tpu.dimension_semantics<subcore_parallel>], iteration_bounds = array<i64: 2, 16>, scalar_prefetch = 0 : i64, scratch_operands = 5 : i64, tpu.core_type = #tpu.core_type<sc_vector_subcore>, window_params = [{transform_indices = #map}, {transform_indices = #map}, {transform_indices = #map}, {transform_indices = #map}]} {
    %mul3A = arith.constant 16 : i32
    %mul3A_0 = arith.muli %arg0, %mul3A : i32
    %add3A = arith.addi %mul3A_0, %arg1 : i32
    %mul3A_1 = arith.constant 2 : i32
    %mul3A_2 = arith.muli %arg0, %mul3A_1 : i32
    %mul3A_3 = arith.constant 12544 : i32
    %mul3A_4 = arith.muli %mul3A_2, %mul3A_3 : i32
    %add3A_5 = arith.constant 12544 : i32
    %add3A_6 = arith.addi %mul3A_4, %add3A_5 : i32
    %add3A_7 = arith.constant 12544 : i32
    %add3A_8 = arith.addi %add3A_6, %add3A_7 : i32
    %mul3A_9 = arith.constant 2 : i32
    %mul3A_10 = arith.muli %add3A, %mul3A_9 : i32
    %mul3A_11 = arith.constant 51264 : i32
    %mul3A_12 = arith.muli %mul3A_10, %mul3A_11 : i32
    %mul3A_13 = arith.constant 2 : i32
    %mul3A_14 = arith.muli %add3A, %mul3A_13 : i32
    %add3A_15 = arith.constant 1 : i32
    %add3A_16 = arith.addi %mul3A_14, %add3A_15 : i32
    %mul3A_17 = arith.constant 51264 : i32
    %mul3A_18 = arith.muli %add3A_16, %mul3A_17 : i32
    %broadcast_in_dim3A = arith.constant 822083584 : i32
    %broadcast_in_dim3A_19 = vector.broadcast %broadcast_in_dim3A : i32 to vector<16xi32>
    %scan3A = arith.constant 0 : i32
    %scan3A_20 = arith.constant 0 : i32
    %scan3A_21 = arith.constant 0 : i32
    %scan3A_22 = arith.constant 25 : i32
    %scan3A_23 = arith.addi %scan3A_21, %scan3A_22 : i32
    %scan3A_24 = arith.constant 1 : i32
    %scan3A_25:2 = scf.for %scan3A_118 = %scan3A_21 to %scan3A_23 step %scan3A_24 iter_args(%scan3A_119 = %scan3A, %scan3A_120 = %scan3A_20) -> (i32, i32)  : i32 {
      %mul3A_121 = arith.constant 51200 : i32
      %mul3A_122 = arith.muli %arg1, %mul3A_121 : i32
      %mul3A_123 = arith.constant 2048 : i32
      %mul3A_124 = arith.muli %scan3A_118, %mul3A_123 : i32
      %add3A_125 = arith.addi %mul3A_122, %mul3A_124 : i32
      "tpu.region"() ({
        %run_scoped3A = tpu.sem_alloc : memref<!tpu.dma_semaphore, #tpu.memory_space<semaphore_mem>>
        %dma_start3A = tpu.memref_slice %arg2[%add3A_125] : memref<819200xi32, #tpu.memory_space<hbm>> -> memref<2048xi32, #tpu.memory_space<hbm>>
        %dma_start3A_259 = tpu.memref_slice %arg2[%add3A_125] : memref<819200xi32, #tpu.memory_space<hbm>> -> memref<2048xi32, #tpu.memory_space<hbm>>
        tpu.enqueue_dma source(%dma_start3A_259 : memref<2048xi32, #tpu.memory_space<hbm>>) target(%arg6 : memref<2048xi32, #tpu.memory_space<vmem>>) target_semaphore(%run_scoped3A : memref<!tpu.dma_semaphore, #tpu.memory_space<semaphore_mem>>)
        %dma_wait3A = tpu.memref_slice %arg2[%add3A_125] : memref<819200xi32, #tpu.memory_space<hbm>> -> memref<2048xi32, #tpu.memory_space<hbm>>
        %dma_wait3A_260 = tpu.memref_slice %arg2[%add3A_125] : memref<819200xi32, #tpu.memory_space<hbm>> -> memref<2048xi32, #tpu.memory_space<hbm>>
        tpu.wait_dma2 semaphore(%run_scoped3A : memref<!tpu.dma_semaphore, #tpu.memory_space<semaphore_mem>>) src(%dma_wait3A_260 : memref<2048xi32, #tpu.memory_space<hbm>>) dst(%arg6 : memref<2048xi32, #tpu.memory_space<vmem>>)
        tpu.yield
      }) : () -> ()
      "tpu.region"() ({
        %run_scoped3A = tpu.sem_alloc : memref<!tpu.dma_semaphore, #tpu.memory_space<semaphore_mem>>
        %dma_start3A = tpu.memref_slice %arg3[%add3A_125] : memref<819200xi32, #tpu.memory_space<hbm>> -> memref<2048xi32, #tpu.memory_space<hbm>>
        %dma_start3A_259 = tpu.memref_slice %arg3[%add3A_125] : memref<819200xi32, #tpu.memory_space<hbm>> -> memref<2048xi32, #tpu.memory_space<hbm>>
        tpu.enqueue_dma source(%dma_start3A_259 : memref<2048xi32, #tpu.memory_space<hbm>>) target(%arg7 : memref<2048xi32, #tpu.memory_space<vmem>>) target_semaphore(%run_scoped3A : memref<!tpu.dma_semaphore, #tpu.memory_space<semaphore_mem>>)
        %dma_wait3A = tpu.memref_slice %arg3[%add3A_125] : memref<819200xi32, #tpu.memory_space<hbm>> -> memref<2048xi32, #tpu.memory_space<hbm>>
        %dma_wait3A_260 = tpu.memref_slice %arg3[%add3A_125] : memref<819200xi32, #tpu.memory_space<hbm>> -> memref<2048xi32, #tpu.memory_space<hbm>>
        tpu.wait_dma2 semaphore(%run_scoped3A : memref<!tpu.dma_semaphore, #tpu.memory_space<semaphore_mem>>) src(%dma_wait3A_260 : memref<2048xi32, #tpu.memory_space<hbm>>) dst(%arg7 : memref<2048xi32, #tpu.memory_space<vmem>>)
        tpu.yield
      }) : () -> ()
      %scan3A_126 = arith.constant 0 : i32
      %scan3A_127 = arith.constant 0 : i32
      %scan3A_128 = arith.constant 0 : i32
      %scan3A_129 = arith.constant 128 : i32
      %scan3A_130 = arith.addi %scan3A_128, %scan3A_129 : i32
      %scan3A_131 = arith.constant 1 : i32
      %scan3A_132:2 = scf.for %scan3A_259 = %scan3A_128 to %scan3A_130 step %scan3A_131 iter_args(%scan3A_260 = %scan3A_126, %scan3A_261 = %scan3A_127) -> (i32, i32)  : i32 {
        %mul3A_262 = arith.constant 16 : i32
        %mul3A_263 = arith.muli %scan3A_259, %mul3A_262 : i32
        %get3A = arith.index_cast %mul3A_263 : i32 to index
        %get3A_264 = tpu.vector_load %arg6[%get3A] {strides = array<i32>} : memref<2048xi32, #tpu.memory_space<vmem>>, vector<16xi32>,
        %get3A_265 = vector.shape_cast %get3A_264 : vector<16xi32> to vector<16xi32>
        %mul3A_266 = arith.constant 16 : i32
        %mul3A_267 = arith.muli %scan3A_259, %mul3A_266 : i32
        %get3A_268 = arith.index_cast %mul3A_267 : i32 to index
        %get3A_269 = tpu.vector_load %arg7[%get3A_268] {strides = array<i32>} : memref<2048xi32, #tpu.memory_space<vmem>>, vector<16xi32>,
        %get3A_270 = vector.shape_cast %get3A_269 : vector<16xi32> to vector<16xi32>
        %ge3A = vector.broadcast %mul3A_4 : i32 to vector<16xi32>
        %ge3A_271 = arith.cmpi sge, %get3A_270, %ge3A : vector<16xi32>
        %lt3A = vector.broadcast %add3A_6 : i32 to vector<16xi32>
        %lt3A_272 = arith.cmpi slt, %get3A_270, %lt3A : vector<16xi32>
        %and3A_273 = arith.andi %ge3A_271, %lt3A_272 : vector<16xi1>
        %ge3A_274 = vector.broadcast %add3A_6 : i32 to vector<16xi32>
        %ge3A_275 = arith.cmpi sge, %get3A_270, %ge3A_274 : vector<16xi32>
        %lt3A_276 = vector.broadcast %add3A_8 : i32 to vector<16xi32>
        %lt3A_277 = arith.cmpi slt, %get3A_270, %lt3A_276 : vector<16xi32>
        %and3A_278 = arith.andi %ge3A_275, %lt3A_277 : vector<16xi1>
        %sub3A_279 = vector.broadcast %mul3A_4 : i32 to vector<16xi32>
        %sub3A_280 = arith.subi %get3A_270, %sub3A_279 : vector<16xi32>
        %jit3A_281 = arith.constant 12544 : i32
        %broadcast_in_dim3A_282 = vector.broadcast %jit3A_281 : i32 to vector<16xi32>
        %select_n3A_283 = arith.select %and3A_273, %sub3A_280, %broadcast_in_dim3A_282 : vector<16xi1>, vector<16xi32>
        %shift_left3A = arith.constant 16 : i32
        %shift_left3A_284 = vector.broadcast %shift_left3A : i32 to vector<16xi32>
        %shift_left3A_285 = arith.shli %select_n3A_283, %shift_left3A_284 : vector<16xi32>
        %or3A = arith.ori %get3A_265, %shift_left3A_285 : vector<16xi32>
        %sub3A_286 = vector.broadcast %add3A_6 : i32 to vector<16xi32>
        %sub3A_287 = arith.subi %get3A_270, %sub3A_286 : vector<16xi32>
        %jit3A_288 = arith.constant 12544 : i32
        %broadcast_in_dim3A_289 = vector.broadcast %jit3A_288 : i32 to vector<16xi32>
        %select_n3A_290 = arith.select %and3A_278, %sub3A_287, %broadcast_in_dim3A_289 : vector<16xi1>, vector<16xi32>
        %shift_left3A_291 = arith.constant 16 : i32
        %shift_left3A_292 = vector.broadcast %shift_left3A_291 : i32 to vector<16xi32>
        %shift_left3A_293 = arith.shli %select_n3A_290, %shift_left3A_292 : vector<16xi32>
        %or3A_294 = arith.ori %get3A_265, %shift_left3A_293 : vector<16xi32>
        %broadcast_in_dim3A_295 = arith.constant 0 : i32
        %broadcast_in_dim3A_296 = vector.broadcast %broadcast_in_dim3A_295 : i32 to vector<16xi32>
        %slice3A = vector.extract_strided_slice %or3A {offsets = [0], sizes = [1], strides = [1]} : vector<16xi32> to vector<1xi32>
        %squeeze3A = vector.extract %slice3A[0] : i32 from vector<1xi32>
        %add3A_297 = vector.broadcast %squeeze3A : i32 to vector<16xi32>
        %add3A_298 = arith.addi %broadcast_in_dim3A_296, %add3A_297 : vector<16xi32>
        %swap3A_299 = arith.index_cast %scan3A_260 : i32 to index
        %swap3A_300 = tpu.vector_load %arg8[%swap3A_299] {strides = array<i32>} : memref<2144xi32, #tpu.memory_space<vmem>>, vector<16xi32>,
        %swap3A_301 = vector.shape_cast %swap3A_300 : vector<16xi32> to vector<16xi32>
        %swap3A_302 = vector.shape_cast %add3A_298 : vector<16xi32> to vector<16xi32>
        tpu.vector_store %arg8[%swap3A_299], %swap3A_302 {strides = array<i32>} : memref<2144xi32, #tpu.memory_space<vmem>>, vector<16xi32>,
        %broadcast_in_dim3A_303 = arith.constant 0 : i32
        %broadcast_in_dim3A_304 = vector.broadcast %broadcast_in_dim3A_303 : i32 to vector<16xi32>
        %slice3A_305 = vector.extract_strided_slice %or3A_294 {offsets = [0], sizes = [1], strides = [1]} : vector<16xi32> to vector<1xi32>
        %squeeze3A_306 = vector.extract %slice3A_305[0] : i32 from vector<1xi32>
        %add3A_307 = vector.broadcast %squeeze3A_306 : i32 to vector<16xi32>
        %add3A_308 = arith.addi %broadcast_in_dim3A_304, %add3A_307 : vector<16xi32>
        %swap3A_309 = arith.index_cast %scan3A_261 : i32 to index
        %swap3A_310 = tpu.vector_load %arg9[%swap3A_309] {strides = array<i32>} : memref<2144xi32, #tpu.memory_space<vmem>>, vector<16xi32>,
        %swap3A_311 = vector.shape_cast %swap3A_310 : vector<16xi32> to vector<16xi32>
        %swap3A_312 = vector.shape_cast %add3A_308 : vector<16xi32> to vector<16xi32>
        tpu.vector_store %arg9[%swap3A_309], %swap3A_312 {strides = array<i32>} : memref<2144xi32, #tpu.memory_space<vmem>>, vector<16xi32>,
        %slice3A_313 = vector.extract_strided_slice %get3A_270 {offsets = [0], sizes = [1], strides = [1]} : vector<16xi32> to vector<1xi32>
        %squeeze3A_314 = vector.extract %slice3A_313[0] : i32 from vector<1xi32>
        %ge3A_315 = arith.cmpi sge, %squeeze3A_314, %mul3A_4 : i32
        %lt3A_316 = arith.cmpi slt, %squeeze3A_314, %add3A_6 : i32
        %and3A_317 = arith.andi %ge3A_315, %lt3A_316 : i1
        %jit3A_318 = arith.constant 1 : i32
        %jit3A_319 = arith.constant 0 : i32
        %select_n3A_320 = arith.select %and3A_317, %jit3A_318, %jit3A_319 : i32
        %add3A_321 = arith.addi %scan3A_260, %select_n3A_320 : i32
        %ge3A_322 = arith.cmpi sge, %squeeze3A_314, %add3A_6 : i32
        %lt3A_323 = arith.cmpi slt, %squeeze3A_314, %add3A_8 : i32
        %and3A_324 = arith.andi %ge3A_322, %lt3A_323 : i1
        %jit3A_325 = arith.constant 1 : i32
        %jit3A_326 = arith.constant 0 : i32
        %select_n3A_327 = arith.select %and3A_324, %jit3A_325, %jit3A_326 : i32
        %add3A_328 = arith.addi %scan3A_261, %select_n3A_327 : i32
        %broadcast_in_dim3A_329 = arith.constant 0 : i32
        %broadcast_in_dim3A_330 = vector.broadcast %broadcast_in_dim3A_329 : i32 to vector<16xi32>
        %slice3A_331 = vector.extract_strided_slice %or3A {offsets = [1], sizes = [1], strides = [1]} : vector<16xi32> to vector<1xi32>
        %squeeze3A_332 = vector.extract %slice3A_331[0] : i32 from vector<1xi32>
        %add3A_333 = vector.broadcast %squeeze3A_332 : i32 to vector<16xi32>
        %add3A_334 = arith.addi %broadcast_in_dim3A_330, %add3A_333 : vector<16xi32>
        %swap3A_335 = arith.index_cast %add3A_321 : i32 to index
        %swap3A_336 = tpu.vector_load %arg8[%swap3A_335] {strides = array<i32>} : memref<2144xi32, #tpu.memory_space<vmem>>, vector<16xi32>,
        %swap3A_337 = vector.shape_cast %swap3A_336 : vector<16xi32> to vector<16xi32>
        %swap3A_338 = vector.shape_cast %add3A_334 : vector<16xi32> to vector<16xi32>
        tpu.vector_store %arg8[%swap3A_335], %swap3A_338 {strides = array<i32>} : memref<2144xi32, #tpu.memory_space<vmem>>, vector<16xi32>,
        %broadcast_in_dim3A_339 = arith.constant 0 : i32
        %broadcast_in_dim3A_340 = vector.broadcast %broadcast_in_dim3A_339 : i32 to vector<16xi32>
        %slice3A_341 = vector.extract_strided_slice %or3A_294 {offsets = [1], sizes = [1], strides = [1]} : vector<16xi32> to vector<1xi32>
        %squeeze3A_342 = vector.extract %slice3A_341[0] : i32 from vector<1xi32>
        %add3A_343 = vector.broadcast %squeeze3A_342 : i32 to vector<16xi32>
        %add3A_344 = arith.addi %broadcast_in_dim3A_340, %add3A_343 : vector<16xi32>
        %swap3A_345 = arith.index_cast %add3A_328 : i32 to index
        %swap3A_346 = tpu.vector_load %arg9[%swap3A_345] {strides = array<i32>} : memref<2144xi32, #tpu.memory_space<vmem>>, vector<16xi32>,
        %swap3A_347 = vector.shape_cast %swap3A_346 : vector<16xi32> to vector<16xi32>
        %swap3A_348 = vector.shape_cast %add3A_344 : vector<16xi32> to vector<16xi32>
        tpu.vector_store %arg9[%swap3A_345], %swap3A_348 {strides = array<i32>} : memref<2144xi32, #tpu.memory_space<vmem>>, vector<16xi32>,
        %slice3A_349 = vector.extract_strided_slice %get3A_270 {offsets = [1], sizes = [1], strides = [1]} : vector<16xi32> to vector<1xi32>
        %squeeze3A_350 = vector.extract %slice3A_349[0] : i32 from vector<1xi32>
        %ge3A_351 = arith.cmpi sge, %squeeze3A_350, %mul3A_4 : i32
        %lt3A_352 = arith.cmpi slt, %squeeze3A_350, %add3A_6 : i32
        %and3A_353 = arith.andi %ge3A_351, %lt3A_352 : i1
        %jit3A_354 = arith.constant 1 : i32
        %jit3A_355 = arith.constant 0 : i32
        %select_n3A_356 = arith.select %and3A_353, %jit3A_354, %jit3A_355 : i32
        %add3A_357 = arith.addi %add3A_321, %select_n3A_356 : i32
        %ge3A_358 = arith.cmpi sge, %squeeze3A_350, %add3A_6 : i32
        %lt3A_359 = arith.cmpi slt, %squeeze3A_350, %add3A_8 : i32
        %and3A_360 = arith.andi %ge3A_358, %lt3A_359 : i1
        %jit3A_361 = arith.constant 1 : i32
        %jit3A_362 = arith.constant 0 : i32
        %select_n3A_363 = arith.select %and3A_360, %jit3A_361, %jit3A_362 : i32
        %add3A_364 = arith.addi %add3A_328, %select_n3A_363 : i32
        %broadcast_in_dim3A_365 = arith.constant 0 : i32
        %broadcast_in_dim3A_366 = vector.broadcast %broadcast_in_dim3A_365 : i32 to vector<16xi32>
        %slice3A_367 = vector.extract_strided_slice %or3A {offsets = [2], sizes = [1], strides = [1]} : vector<16xi32> to vector<1xi32>
        %squeeze3A_368 = vector.extract %slice3A_367[0] : i32 from vector<1xi32>
        %add3A_369 = vector.broadcast %squeeze3A_368 : i32 to vector<16xi32>
        %add3A_370 = arith.addi %broadcast_in_dim3A_366, %add3A_369 : vector<16xi32>
        %swap3A_371 = arith.index_cast %add3A_357 : i32 to index
        %swap3A_372 = tpu.vector_load %arg8[%swap3A_371] {strides = array<i32>} : memref<2144xi32, #tpu.memory_space<vmem>>, vector<16xi32>,
        %swap3A_373 = vector.shape_cast %swap3A_372 : vector<16xi32> to vector<16xi32>
        %swap3A_374 = vector.shape_cast %add3A_370 : vector<16xi32> to vector<16xi32>
        tpu.vector_store %arg8[%swap3A_371], %swap3A_374 {strides = array<i32>} : memref<2144xi32, #tpu.memory_space<vmem>>, vector<16xi32>,
        %broadcast_in_dim3A_375 = arith.constant 0 : i32
        %broadcast_in_dim3A_376 = vector.broadcast %broadcast_in_dim3A_375 : i32 to vector<16xi32>
        %slice3A_377 = vector.extract_strided_slice %or3A_294 {offsets = [2], sizes = [1], strides = [1]} : vector<16xi32> to vector<1xi32>
        %squeeze3A_378 = vector.extract %slice3A_377[0] : i32 from vector<1xi32>
        %add3A_379 = vector.broadcast %squeeze3A_378 : i32 to vector<16xi32>
        %add3A_380 = arith.addi %broadcast_in_dim3A_376, %add3A_379 : vector<16xi32>
        %swap3A_381 = arith.index_cast %add3A_364 : i32 to index
        %swap3A_382 = tpu.vector_load %arg9[%swap3A_381] {strides = array<i32>} : memref<2144xi32, #tpu.memory_space<vmem>>, vector<16xi32>,
        %swap3A_383 = vector.shape_cast %swap3A_382 : vector<16xi32> to vector<16xi32>
        %swap3A_384 = vector.shape_cast %add3A_380 : vector<16xi32> to vector<16xi32>
        tpu.vector_store %arg9[%swap3A_381], %swap3A_384 {strides = array<i32>} : memref<2144xi32, #tpu.memory_space<vmem>>, vector<16xi32>,
        %slice3A_385 = vector.extract_strided_slice %get3A_270 {offsets = [2], sizes = [1], strides = [1]} : vector<16xi32> to vector<1xi32>
        %squeeze3A_386 = vector.extract %slice3A_385[0] : i32 from vector<1xi32>
        %ge3A_387 = arith.cmpi sge, %squeeze3A_386, %mul3A_4 : i32
        %lt3A_388 = arith.cmpi slt, %squeeze3A_386, %add3A_6 : i32
        %and3A_389 = arith.andi %ge3A_387, %lt3A_388 : i1
        %jit3A_390 = arith.constant 1 : i32
        %jit3A_391 = arith.constant 0 : i32
        %select_n3A_392 = arith.select %and3A_389, %jit3A_390, %jit3A_391 : i32
        %add3A_393 = arith.addi %add3A_357, %select_n3A_392 : i32
        %ge3A_394 = arith.cmpi sge, %squeeze3A_386, %add3A_6 : i32
        %lt3A_395 = arith.cmpi slt, %squeeze3A_386, %add3A_8 : i32
        %and3A_396 = arith.andi %ge3A_394, %lt3A_395 : i1
        %jit3A_397 = arith.constant 1 : i32
        %jit3A_398 = arith.constant 0 : i32
        %select_n3A_399 = arith.select %and3A_396, %jit3A_397, %jit3A_398 : i32
        %add3A_400 = arith.addi %add3A_364, %select_n3A_399 : i32
        %broadcast_in_dim3A_401 = arith.constant 0 : i32
        %broadcast_in_dim3A_402 = vector.broadcast %broadcast_in_dim3A_401 : i32 to vector<16xi32>
        %slice3A_403 = vector.extract_strided_slice %or3A {offsets = [3], sizes = [1], strides = [1]} : vector<16xi32> to vector<1xi32>
        %squeeze3A_404 = vector.extract %slice3A_403[0] : i32 from vector<1xi32>
        %add3A_405 = vector.broadcast %squeeze3A_404 : i32 to vector<16xi32>
        %add3A_406 = arith.addi %broadcast_in_dim3A_402, %add3A_405 : vector<16xi32>
        %swap3A_407 = arith.index_cast %add3A_393 : i32 to index
        %swap3A_408 = tpu.vector_load %arg8[%swap3A_407] {strides = array<i32>} : memref<2144xi32, #tpu.memory_space<vmem>>, vector<16xi32>,
        %swap3A_409 = vector.shape_cast %swap3A_408 : vector<16xi32> to vector<16xi32>
        %swap3A_410 = vector.shape_cast %add3A_406 : vector<16xi32> to vector<16xi32>
        tpu.vector_store %arg8[%swap3A_407], %swap3A_410 {strides = array<i32>} : memref<2144xi32, #tpu.memory_space<vmem>>, vector<16xi32>,
        %broadcast_in_dim3A_411 = arith.constant 0 : i32
        %broadcast_in_dim3A_412 = vector.broadcast %broadcast_in_dim3A_411 : i32 to vector<16xi32>
        %slice3A_413 = vector.extract_strided_slice %or3A_294 {offsets = [3], sizes = [1], strides = [1]} : vector<16xi32> to vector<1xi32>
        %squeeze3A_414 = vector.extract %slice3A_413[0] : i32 from vector<1xi32>
        %add3A_415 = vector.broadcast %squeeze3A_414 : i32 to vector<16xi32>
        %add3A_416 = arith.addi %broadcast_in_dim3A_412, %add3A_415 : vector<16xi32>
        %swap3A_417 = arith.index_cast %add3A_400 : i32 to index
        %swap3A_418 = tpu.vector_load %arg9[%swap3A_417] {strides = array<i32>} : memref<2144xi32, #tpu.memory_space<vmem>>, vector<16xi32>,
        %swap3A_419 = vector.shape_cast %swap3A_418 : vector<16xi32> to vector<16xi32>
        %swap3A_420 = vector.shape_cast %add3A_416 : vector<16xi32> to vector<16xi32>
        tpu.vector_store %arg9[%swap3A_417], %swap3A_420 {strides = array<i32>} : memref<2144xi32, #tpu.memory_space<vmem>>, vector<16xi32>,
        %slice3A_421 = vector.extract_strided_slice %get3A_270 {offsets = [3], sizes = [1], strides = [1]} : vector<16xi32> to vector<1xi32>
        %squeeze3A_422 = vector.extract %slice3A_421[0] : i32 from vector<1xi32>
        %ge3A_423 = arith.cmpi sge, %squeeze3A_422, %mul3A_4 : i32
        %lt3A_424 = arith.cmpi slt, %squeeze3A_422, %add3A_6 : i32
        %and3A_425 = arith.andi %ge3A_423, %lt3A_424 : i1
        %jit3A_426 = arith.constant 1 : i32
        %jit3A_427 = arith.constant 0 : i32
        %select_n3A_428 = arith.select %and3A_425, %jit3A_426, %jit3A_427 : i32
        %add3A_429 = arith.addi %add3A_393, %select_n3A_428 : i32
        %ge3A_430 = arith.cmpi sge, %squeeze3A_422, %add3A_6 : i32
        %lt3A_431 = arith.cmpi slt, %squeeze3A_422, %add3A_8 : i32
        %and3A_432 = arith.andi %ge3A_430, %lt3A_431 : i1
        %jit3A_433 = arith.constant 1 : i32
        %jit3A_434 = arith.constant 0 : i32
        %select_n3A_435 = arith.select %and3A_432, %jit3A_433, %jit3A_434 : i32
        %add3A_436 = arith.addi %add3A_400, %select_n3A_435 : i32
        %broadcast_in_dim3A_437 = arith.constant 0 : i32
        %broadcast_in_dim3A_438 = vector.broadcast %broadcast_in_dim3A_437 : i32 to vector<16xi32>
        %slice3A_439 = vector.extract_strided_slice %or3A {offsets = [4], sizes = [1], strides = [1]} : vector<16xi32> to vector<1xi32>
        %squeeze3A_440 = vector.extract %slice3A_439[0] : i32 from vector<1xi32>
        %add3A_441 = vector.broadcast %squeeze3A_440 : i32 to vector<16xi32>
        %add3A_442 = arith.addi %broadcast_in_dim3A_438, %add3A_441 : vector<16xi32>
        %swap3A_443 = arith.index_cast %add3A_429 : i32 to index
        %swap3A_444 = tpu.vector_load %arg8[%swap3A_443] {strides = array<i32>} : memref<2144xi32, #tpu.memory_space<vmem>>, vector<16xi32>,
        %swap3A_445 = vector.shape_cast %swap3A_444 : vector<16xi32> to vector<16xi32>
        %swap3A_446 = vector.shape_cast %add3A_442 : vector<16xi32> to vector<16xi32>
        tpu.vector_store %arg8[%swap3A_443], %swap3A_446 {strides = array<i32>} : memref<2144xi32, #tpu.memory_space<vmem>>, vector<16xi32>,
        %broadcast_in_dim3A_447 = arith.constant 0 : i32
        %broadcast_in_dim3A_448 = vector.broadcast %broadcast_in_dim3A_447 : i32 to vector<16xi32>
        %slice3A_449 = vector.extract_strided_slice %or3A_294 {offsets = [4], sizes = [1], strides = [1]} : vector<16xi32> to vector<1xi32>
        %squeeze3A_450 = vector.extract %slice3A_449[0] : i32 from vector<1xi32>
        %add3A_451 = vector.broadcast %squeeze3A_450 : i32 to vector<16xi32>
        %add3A_452 = arith.addi %broadcast_in_dim3A_448, %add3A_451 : vector<16xi32>
        %swap3A_453 = arith.index_cast %add3A_436 : i32 to index
        %swap3A_454 = tpu.vector_load %arg9[%swap3A_453] {strides = array<i32>} : memref<2144xi32, #tpu.memory_space<vmem>>, vector<16xi32>,
        %swap3A_455 = vector.shape_cast %swap3A_454 : vector<16xi32> to vector<16xi32>
        %swap3A_456 = vector.shape_cast %add3A_452 : vector<16xi32> to vector<16xi32>
        tpu.vector_store %arg9[%swap3A_453], %swap3A_456 {strides = array<i32>} : memref<2144xi32, #tpu.memory_space<vmem>>, vector<16xi32>,
        %slice3A_457 = vector.extract_strided_slice %get3A_270 {offsets = [4], sizes = [1], strides = [1]} : vector<16xi32> to vector<1xi32>
        %squeeze3A_458 = vector.extract %slice3A_457[0] : i32 from vector<1xi32>
        %ge3A_459 = arith.cmpi sge, %squeeze3A_458, %mul3A_4 : i32
        %lt3A_460 = arith.cmpi slt, %squeeze3A_458, %add3A_6 : i32
        %and3A_461 = arith.andi %ge3A_459, %lt3A_460 : i1
        %jit3A_462 = arith.constant 1 : i32
        %jit3A_463 = arith.constant 0 : i32
        %select_n3A_464 = arith.select %and3A_461, %jit3A_462, %jit3A_463 : i32
        %add3A_465 = arith.addi %add3A_429, %select_n3A_464 : i32
        %ge3A_466 = arith.cmpi sge, %squeeze3A_458, %add3A_6 : i32
        %lt3A_467 = arith.cmpi slt, %squeeze3A_458, %add3A_8 : i32
        %and3A_468 = arith.andi %ge3A_466, %lt3A_467 : i1
        %jit3A_469 = arith.constant 1 : i32
        %jit3A_470 = arith.constant 0 : i32
        %select_n3A_471 = arith.select %and3A_468, %jit3A_469, %jit3A_470 : i32
        %add3A_472 = arith.addi %add3A_436, %select_n3A_471 : i32
        %broadcast_in_dim3A_473 = arith.constant 0 : i32
        %broadcast_in_dim3A_474 = vector.broadcast %broadcast_in_dim3A_473 : i32 to vector<16xi32>
        %slice3A_475 = vector.extract_strided_slice %or3A {offsets = [5], sizes = [1], strides = [1]} : vector<16xi32> to vector<1xi32>
        %squeeze3A_476 = vector.extract %slice3A_475[0] : i32 from vector<1xi32>
        %add3A_477 = vector.broadcast %squeeze3A_476 : i32 to vector<16xi32>
        %add3A_478 = arith.addi %broadcast_in_dim3A_474, %add3A_477 : vector<16xi32>
        %swap3A_479 = arith.index_cast %add3A_465 : i32 to index
        %swap3A_480 = tpu.vector_load %arg8[%swap3A_479] {strides = array<i32>} : memref<2144xi32, #tpu.memory_space<vmem>>, vector<16xi32>,
        %swap3A_481 = vector.shape_cast %swap3A_480 : vector<16xi32> to vector<16xi32>
        %swap3A_482 = vector.shape_cast %add3A_478 : vector<16xi32> to vector<16xi32>
        tpu.vector_store %arg8[%swap3A_479], %swap3A_482 {strides = array<i32>} : memref<2144xi32, #tpu.memory_space<vmem>>, vector<16xi32>,
        %broadcast_in_dim3A_483 = arith.constant 0 : i32
        %broadcast_in_dim3A_484 = vector.broadcast %broadcast_in_dim3A_483 : i32 to vector<16xi32>
        %slice3A_485 = vector.extract_strided_slice %or3A_294 {offsets = [5], sizes = [1], strides = [1]} : vector<16xi32> to vector<1xi32>
        %squeeze3A_486 = vector.extract %slice3A_485[0] : i32 from vector<1xi32>
        %add3A_487 = vector.broadcast %squeeze3A_486 : i32 to vector<16xi32>
        %add3A_488 = arith.addi %broadcast_in_dim3A_484, %add3A_487 : vector<16xi32>
        %swap3A_489 = arith.index_cast %add3A_472 : i32 to index
        %swap3A_490 = tpu.vector_load %arg9[%swap3A_489] {strides = array<i32>} : memref<2144xi32, #tpu.memory_space<vmem>>, vector<16xi32>,
        %swap3A_491 = vector.shape_cast %swap3A_490 : vector<16xi32> to vector<16xi32>
        %swap3A_492 = vector.shape_cast %add3A_488 : vector<16xi32> to vector<16xi32>
        tpu.vector_store %arg9[%swap3A_489], %swap3A_492 {strides = array<i32>} : memref<2144xi32, #tpu.memory_space<vmem>>, vector<16xi32>,
        %slice3A_493 = vector.extract_strided_slice %get3A_270 {offsets = [5], sizes = [1], strides = [1]} : vector<16xi32> to vector<1xi32>
        %squeeze3A_494 = vector.extract %slice3A_493[0] : i32 from vector<1xi32>
        %ge3A_495 = arith.cmpi sge, %squeeze3A_494, %mul3A_4 : i32
        %lt3A_496 = arith.cmpi slt, %squeeze3A_494, %add3A_6 : i32
        %and3A_497 = arith.andi %ge3A_495, %lt3A_496 : i1
        %jit3A_498 = arith.constant 1 : i32
        %jit3A_499 = arith.constant 0 : i32
        %select_n3A_500 = arith.select %and3A_497, %jit3A_498, %jit3A_499 : i32
        %add3A_501 = arith.addi %add3A_465, %select_n3A_500 : i32
        %ge3A_502 = arith.cmpi sge, %squeeze3A_494, %add3A_6 : i32
        %lt3A_503 = arith.cmpi slt, %squeeze3A_494, %add3A_8 : i32
        %and3A_504 = arith.andi %ge3A_502, %lt3A_503 : i1
        %jit3A_505 = arith.constant 1 : i32
        %jit3A_506 = arith.constant 0 : i32
        %select_n3A_507 = arith.select %and3A_504, %jit3A_505, %jit3A_506 : i32
        %add3A_508 = arith.addi %add3A_472, %select_n3A_507 : i32
        %broadcast_in_dim3A_509 = arith.constant 0 : i32
        %broadcast_in_dim3A_510 = vector.broadcast %broadcast_in_dim3A_509 : i32 to vector<16xi32>
        %slice3A_511 = vector.extract_strided_slice %or3A {offsets = [6], sizes = [1], strides = [1]} : vector<16xi32> to vector<1xi32>
        %squeeze3A_512 = vector.extract %slice3A_511[0] : i32 from vector<1xi32>
        %add3A_513 = vector.broadcast %squeeze3A_512 : i32 to vector<16xi32>
        %add3A_514 = arith.addi %broadcast_in_dim3A_510, %add3A_513 : vector<16xi32>
        %swap3A_515 = arith.index_cast %add3A_501 : i32 to index
        %swap3A_516 = tpu.vector_load %arg8[%swap3A_515] {strides = array<i32>} : memref<2144xi32, #tpu.memory_space<vmem>>, vector<16xi32>,
        %swap3A_517 = vector.shape_cast %swap3A_516 : vector<16xi32> to vector<16xi32>
        %swap3A_518 = vector.shape_cast %add3A_514 : vector<16xi32> to vector<16xi32>
        tpu.vector_store %arg8[%swap3A_515], %swap3A_518 {strides = array<i32>} : memref<2144xi32, #tpu.memory_space<vmem>>, vector<16xi32>,
        %broadcast_in_dim3A_519 = arith.constant 0 : i32
        %broadcast_in_dim3A_520 = vector.broadcast %broadcast_in_dim3A_519 : i32 to vector<16xi32>
        %slice3A_521 = vector.extract_strided_slice %or3A_294 {offsets = [6], sizes = [1], strides = [1]} : vector<16xi32> to vector<1xi32>
        %squeeze3A_522 = vector.extract %slice3A_521[0] : i32 from vector<1xi32>
        %add3A_523 = vector.broadcast %squeeze3A_522 : i32 to vector<16xi32>
        %add3A_524 = arith.addi %broadcast_in_dim3A_520, %add3A_523 : vector<16xi32>
        %swap3A_525 = arith.index_cast %add3A_508 : i32 to index
        %swap3A_526 = tpu.vector_load %arg9[%swap3A_525] {strides = array<i32>} : memref<2144xi32, #tpu.memory_space<vmem>>, vector<16xi32>,
        %swap3A_527 = vector.shape_cast %swap3A_526 : vector<16xi32> to vector<16xi32>
        %swap3A_528 = vector.shape_cast %add3A_524 : vector<16xi32> to vector<16xi32>
        tpu.vector_store %arg9[%swap3A_525], %swap3A_528 {strides = array<i32>} : memref<2144xi32, #tpu.memory_space<vmem>>, vector<16xi32>,
        %slice3A_529 = vector.extract_strided_slice %get3A_270 {offsets = [6], sizes = [1], strides = [1]} : vector<16xi32> to vector<1xi32>
        %squeeze3A_530 = vector.extract %slice3A_529[0] : i32 from vector<1xi32>
        %ge3A_531 = arith.cmpi sge, %squeeze3A_530, %mul3A_4 : i32
        %lt3A_532 = arith.cmpi slt, %squeeze3A_530, %add3A_6 : i32
        %and3A_533 = arith.andi %ge3A_531, %lt3A_532 : i1
        %jit3A_534 = arith.constant 1 : i32
        %jit3A_535 = arith.constant 0 : i32
        %select_n3A_536 = arith.select %and3A_533, %jit3A_534, %jit3A_535 : i32
        %add3A_537 = arith.addi %add3A_501, %select_n3A_536 : i32
        %ge3A_538 = arith.cmpi sge, %squeeze3A_530, %add3A_6 : i32
        %lt3A_539 = arith.cmpi slt, %squeeze3A_530, %add3A_8 : i32
        %and3A_540 = arith.andi %ge3A_538, %lt3A_539 : i1
        %jit3A_541 = arith.constant 1 : i32
        %jit3A_542 = arith.constant 0 : i32
        %select_n3A_543 = arith.select %and3A_540, %jit3A_541, %jit3A_542 : i32
        %add3A_544 = arith.addi %add3A_508, %select_n3A_543 : i32
        %broadcast_in_dim3A_545 = arith.constant 0 : i32
        %broadcast_in_dim3A_546 = vector.broadcast %broadcast_in_dim3A_545 : i32 to vector<16xi32>
        %slice3A_547 = vector.extract_strided_slice %or3A {offsets = [7], sizes = [1], strides = [1]} : vector<16xi32> to vector<1xi32>
        %squeeze3A_548 = vector.extract %slice3A_547[0] : i32 from vector<1xi32>
        %add3A_549 = vector.broadcast %squeeze3A_548 : i32 to vector<16xi32>
        %add3A_550 = arith.addi %broadcast_in_dim3A_546, %add3A_549 : vector<16xi32>
        %swap3A_551 = arith.index_cast %add3A_537 : i32 to index
        %swap3A_552 = tpu.vector_load %arg8[%swap3A_551] {strides = array<i32>} : memref<2144xi32, #tpu.memory_space<vmem>>, vector<16xi32>,
        %swap3A_553 = vector.shape_cast %swap3A_552 : vector<16xi32> to vector<16xi32>
        %swap3A_554 = vector.shape_cast %add3A_550 : vector<16xi32> to vector<16xi32>
        tpu.vector_store %arg8[%swap3A_551], %swap3A_554 {strides = array<i32>} : memref<2144xi32, #tpu.memory_space<vmem>>, vector<16xi32>,
        %broadcast_in_dim3A_555 = arith.constant 0 : i32
        %broadcast_in_dim3A_556 = vector.broadcast %broadcast_in_dim3A_555 : i32 to vector<16xi32>
        %slice3A_557 = vector.extract_strided_slice %or3A_294 {offsets = [7], sizes = [1], strides = [1]} : vector<16xi32> to vector<1xi32>
        %squeeze3A_558 = vector.extract %slice3A_557[0] : i32 from vector<1xi32>
        %add3A_559 = vector.broadcast %squeeze3A_558 : i32 to vector<16xi32>
        %add3A_560 = arith.addi %broadcast_in_dim3A_556, %add3A_559 : vector<16xi32>
        %swap3A_561 = arith.index_cast %add3A_544 : i32 to index
        %swap3A_562 = tpu.vector_load %arg9[%swap3A_561] {strides = array<i32>} : memref<2144xi32, #tpu.memory_space<vmem>>, vector<16xi32>,
        %swap3A_563 = vector.shape_cast %swap3A_562 : vector<16xi32> to vector<16xi32>
        %swap3A_564 = vector.shape_cast %add3A_560 : vector<16xi32> to vector<16xi32>
        tpu.vector_store %arg9[%swap3A_561], %swap3A_564 {strides = array<i32>} : memref<2144xi32, #tpu.memory_space<vmem>>, vector<16xi32>,
        %slice3A_565 = vector.extract_strided_slice %get3A_270 {offsets = [7], sizes = [1], strides = [1]} : vector<16xi32> to vector<1xi32>
        %squeeze3A_566 = vector.extract %slice3A_565[0] : i32 from vector<1xi32>
        %ge3A_567 = arith.cmpi sge, %squeeze3A_566, %mul3A_4 : i32
        %lt3A_568 = arith.cmpi slt, %squeeze3A_566, %add3A_6 : i32
        %and3A_569 = arith.andi %ge3A_567, %lt3A_568 : i1
        %jit3A_570 = arith.constant 1 : i32
        %jit3A_571 = arith.constant 0 : i32
        %select_n3A_572 = arith.select %and3A_569, %jit3A_570, %jit3A_571 : i32
        %add3A_573 = arith.addi %add3A_537, %select_n3A_572 : i32
        %ge3A_574 = arith.cmpi sge, %squeeze3A_566, %add3A_6 : i32
        %lt3A_575 = arith.cmpi slt, %squeeze3A_566, %add3A_8 : i32
        %and3A_576 = arith.andi %ge3A_574, %lt3A_575 : i1
        %jit3A_577 = arith.constant 1 : i32
        %jit3A_578 = arith.constant 0 : i32
        %select_n3A_579 = arith.select %and3A_576, %jit3A_577, %jit3A_578 : i32
        %add3A_580 = arith.addi %add3A_544, %select_n3A_579 : i32
        %broadcast_in_dim3A_581 = arith.constant 0 : i32
        %broadcast_in_dim3A_582 = vector.broadcast %broadcast_in_dim3A_581 : i32 to vector<16xi32>
        %slice3A_583 = vector.extract_strided_slice %or3A {offsets = [8], sizes = [1], strides = [1]} : vector<16xi32> to vector<1xi32>
        %squeeze3A_584 = vector.extract %slice3A_583[0] : i32 from vector<1xi32>
        %add3A_585 = vector.broadcast %squeeze3A_584 : i32 to vector<16xi32>
        %add3A_586 = arith.addi %broadcast_in_dim3A_582, %add3A_585 : vector<16xi32>
        %swap3A_587 = arith.index_cast %add3A_573 : i32 to index
        %swap3A_588 = tpu.vector_load %arg8[%swap3A_587] {strides = array<i32>} : memref<2144xi32, #tpu.memory_space<vmem>>, vector<16xi32>,
        %swap3A_589 = vector.shape_cast %swap3A_588 : vector<16xi32> to vector<16xi32>
        %swap3A_590 = vector.shape_cast %add3A_586 : vector<16xi32> to vector<16xi32>
        tpu.vector_store %arg8[%swap3A_587], %swap3A_590 {strides = array<i32>} : memref<2144xi32, #tpu.memory_space<vmem>>, vector<16xi32>,
        %broadcast_in_dim3A_591 = arith.constant 0 : i32
        %broadcast_in_dim3A_592 = vector.broadcast %broadcast_in_dim3A_591 : i32 to vector<16xi32>
        %slice3A_593 = vector.extract_strided_slice %or3A_294 {offsets = [8], sizes = [1], strides = [1]} : vector<16xi32> to vector<1xi32>
        %squeeze3A_594 = vector.extract %slice3A_593[0] : i32 from vector<1xi32>
        %add3A_595 = vector.broadcast %squeeze3A_594 : i32 to vector<16xi32>
        %add3A_596 = arith.addi %broadcast_in_dim3A_592, %add3A_595 : vector<16xi32>
        %swap3A_597 = arith.index_cast %add3A_580 : i32 to index
        %swap3A_598 = tpu.vector_load %arg9[%swap3A_597] {strides = array<i32>} : memref<2144xi32, #tpu.memory_space<vmem>>, vector<16xi32>,
        %swap3A_599 = vector.shape_cast %swap3A_598 : vector<16xi32> to vector<16xi32>
        %swap3A_600 = vector.shape_cast %add3A_596 : vector<16xi32> to vector<16xi32>
        tpu.vector_store %arg9[%swap3A_597], %swap3A_600 {strides = array<i32>} : memref<2144xi32, #tpu.memory_space<vmem>>, vector<16xi32>,
        %slice3A_601 = vector.extract_strided_slice %get3A_270 {offsets = [8], sizes = [1], strides = [1]} : vector<16xi32> to vector<1xi32>
        %squeeze3A_602 = vector.extract %slice3A_601[0] : i32 from vector<1xi32>
        %ge3A_603 = arith.cmpi sge, %squeeze3A_602, %mul3A_4 : i32
        %lt3A_604 = arith.cmpi slt, %squeeze3A_602, %add3A_6 : i32
        %and3A_605 = arith.andi %ge3A_603, %lt3A_604 : i1
        %jit3A_606 = arith.constant 1 : i32
        %jit3A_607 = arith.constant 0 : i32
        %select_n3A_608 = arith.select %and3A_605, %jit3A_606, %jit3A_607 : i32
        %add3A_609 = arith.addi %add3A_573, %select_n3A_608 : i32
        %ge3A_610 = arith.cmpi sge, %squeeze3A_602, %add3A_6 : i32
        %lt3A_611 = arith.cmpi slt, %squeeze3A_602, %add3A_8 : i32
        %and3A_612 = arith.andi %ge3A_610, %lt3A_611 : i1
        %jit3A_613 = arith.constant 1 : i32
        %jit3A_614 = arith.constant 0 : i32
        %select_n3A_615 = arith.select %and3A_612, %jit3A_613, %jit3A_614 : i32
        %add3A_616 = arith.addi %add3A_580, %select_n3A_615 : i32
        %broadcast_in_dim3A_617 = arith.constant 0 : i32
        %broadcast_in_dim3A_618 = vector.broadcast %broadcast_in_dim3A_617 : i32 to vector<16xi32>
        %slice3A_619 = vector.extract_strided_slice %or3A {offsets = [9], sizes = [1], strides = [1]} : vector<16xi32> to vector<1xi32>
        %squeeze3A_620 = vector.extract %slice3A_619[0] : i32 from vector<1xi32>
        %add3A_621 = vector.broadcast %squeeze3A_620 : i32 to vector<16xi32>
        %add3A_622 = arith.addi %broadcast_in_dim3A_618, %add3A_621 : vector<16xi32>
        %swap3A_623 = arith.index_cast %add3A_609 : i32 to index
        %swap3A_624 = tpu.vector_load %arg8[%swap3A_623] {strides = array<i32>} : memref<2144xi32, #tpu.memory_space<vmem>>, vector<16xi32>,
        %swap3A_625 = vector.shape_cast %swap3A_624 : vector<16xi32> to vector<16xi32>
        %swap3A_626 = vector.shape_cast %add3A_622 : vector<16xi32> to vector<16xi32>
        tpu.vector_store %arg8[%swap3A_623], %swap3A_626 {strides = array<i32>} : memref<2144xi32, #tpu.memory_space<vmem>>, vector<16xi32>,
        %broadcast_in_dim3A_627 = arith.constant 0 : i32
        %broadcast_in_dim3A_628 = vector.broadcast %broadcast_in_dim3A_627 : i32 to vector<16xi32>
        %slice3A_629 = vector.extract_strided_slice %or3A_294 {offsets = [9], sizes = [1], strides = [1]} : vector<16xi32> to vector<1xi32>
        %squeeze3A_630 = vector.extract %slice3A_629[0] : i32 from vector<1xi32>
        %add3A_631 = vector.broadcast %squeeze3A_630 : i32 to vector<16xi32>
        %add3A_632 = arith.addi %broadcast_in_dim3A_628, %add3A_631 : vector<16xi32>
        %swap3A_633 = arith.index_cast %add3A_616 : i32 to index
        %swap3A_634 = tpu.vector_load %arg9[%swap3A_633] {strides = array<i32>} : memref<2144xi32, #tpu.memory_space<vmem>>, vector<16xi32>,
        %swap3A_635 = vector.shape_cast %swap3A_634 : vector<16xi32> to vector<16xi32>
        %swap3A_636 = vector.shape_cast %add3A_632 : vector<16xi32> to vector<16xi32>
        tpu.vector_store %arg9[%swap3A_633], %swap3A_636 {strides = array<i32>} : memref<2144xi32, #tpu.memory_space<vmem>>, vector<16xi32>,
        %slice3A_637 = vector.extract_strided_slice %get3A_270 {offsets = [9], sizes = [1], strides = [1]} : vector<16xi32> to vector<1xi32>
        %squeeze3A_638 = vector.extract %slice3A_637[0] : i32 from vector<1xi32>
        %ge3A_639 = arith.cmpi sge, %squeeze3A_638, %mul3A_4 : i32
        %lt3A_640 = arith.cmpi slt, %squeeze3A_638, %add3A_6 : i32
        %and3A_641 = arith.andi %ge3A_639, %lt3A_640 : i1
        %jit3A_642 = arith.constant 1 : i32
        %jit3A_643 = arith.constant 0 : i32
        %select_n3A_644 = arith.select %and3A_641, %jit3A_642, %jit3A_643 : i32
        %add3A_645 = arith.addi %add3A_609, %select_n3A_644 : i32
        %ge3A_646 = arith.cmpi sge, %squeeze3A_638, %add3A_6 : i32
        %lt3A_647 = arith.cmpi slt, %squeeze3A_638, %add3A_8 : i32
        %and3A_648 = arith.andi %ge3A_646, %lt3A_647 : i1
        %jit3A_649 = arith.constant 1 : i32
        %jit3A_650 = arith.constant 0 : i32
        %select_n3A_651 = arith.select %and3A_648, %jit3A_649, %jit3A_650 : i32
        %add3A_652 = arith.addi %add3A_616, %select_n3A_651 : i32
        %broadcast_in_dim3A_653 = arith.constant 0 : i32
        %broadcast_in_dim3A_654 = vector.broadcast %broadcast_in_dim3A_653 : i32 to vector<16xi32>
        %slice3A_655 = vector.extract_strided_slice %or3A {offsets = [10], sizes = [1], strides = [1]} : vector<16xi32> to vector<1xi32>
        %squeeze3A_656 = vector.extract %slice3A_655[0] : i32 from vector<1xi32>
        %add3A_657 = vector.broadcast %squeeze3A_656 : i32 to vector<16xi32>
        %add3A_658 = arith.addi %broadcast_in_dim3A_654, %add3A_657 : vector<16xi32>
        %swap3A_659 = arith.index_cast %add3A_645 : i32 to index
        %swap3A_660 = tpu.vector_load %arg8[%swap3A_659] {strides = array<i32>} : memref<2144xi32, #tpu.memory_space<vmem>>, vector<16xi32>,
        %swap3A_661 = vector.shape_cast %swap3A_660 : vector<16xi32> to vector<16xi32>
        %swap3A_662 = vector.shape_cast %add3A_658 : vector<16xi32> to vector<16xi32>
        tpu.vector_store %arg8[%swap3A_659], %swap3A_662 {strides = array<i32>} : memref<2144xi32, #tpu.memory_space<vmem>>, vector<16xi32>,
        %broadcast_in_dim3A_663 = arith.constant 0 : i32
        %broadcast_in_dim3A_664 = vector.broadcast %broadcast_in_dim3A_663 : i32 to vector<16xi32>
        %slice3A_665 = vector.extract_strided_slice %or3A_294 {offsets = [10], sizes = [1], strides = [1]} : vector<16xi32> to vector<1xi32>
        %squeeze3A_666 = vector.extract %slice3A_665[0] : i32 from vector<1xi32>
        %add3A_667 = vector.broadcast %squeeze3A_666 : i32 to vector<16xi32>
        %add3A_668 = arith.addi %broadcast_in_dim3A_664, %add3A_667 : vector<16xi32>
        %swap3A_669 = arith.index_cast %add3A_652 : i32 to index
        %swap3A_670 = tpu.vector_load %arg9[%swap3A_669] {strides = array<i32>} : memref<2144xi32, #tpu.memory_space<vmem>>, vector<16xi32>,
        %swap3A_671 = vector.shape_cast %swap3A_670 : vector<16xi32> to vector<16xi32>
        %swap3A_672 = vector.shape_cast %add3A_668 : vector<16xi32> to vector<16xi32>
        tpu.vector_store %arg9[%swap3A_669], %swap3A_672 {strides = array<i32>} : memref<2144xi32, #tpu.memory_space<vmem>>, vector<16xi32>,
        %slice3A_673 = vector.extract_strided_slice %get3A_270 {offsets = [10], sizes = [1], strides = [1]} : vector<16xi32> to vector<1xi32>
        %squeeze3A_674 = vector.extract %slice3A_673[0] : i32 from vector<1xi32>
        %ge3A_675 = arith.cmpi sge, %squeeze3A_674, %mul3A_4 : i32
        %lt3A_676 = arith.cmpi slt, %squeeze3A_674, %add3A_6 : i32
        %and3A_677 = arith.andi %ge3A_675, %lt3A_676 : i1
        %jit3A_678 = arith.constant 1 : i32
        %jit3A_679 = arith.constant 0 : i32
        %select_n3A_680 = arith.select %and3A_677, %jit3A_678, %jit3A_679 : i32
        %add3A_681 = arith.addi %add3A_645, %select_n3A_680 : i32
        %ge3A_682 = arith.cmpi sge, %squeeze3A_674, %add3A_6 : i32
        %lt3A_683 = arith.cmpi slt, %squeeze3A_674, %add3A_8 : i32
        %and3A_684 = arith.andi %ge3A_682, %lt3A_683 : i1
        %jit3A_685 = arith.constant 1 : i32
        %jit3A_686 = arith.constant 0 : i32
        %select_n3A_687 = arith.select %and3A_684, %jit3A_685, %jit3A_686 : i32
        %add3A_688 = arith.addi %add3A_652, %select_n3A_687 : i32
        %broadcast_in_dim3A_689 = arith.constant 0 : i32
        %broadcast_in_dim3A_690 = vector.broadcast %broadcast_in_dim3A_689 : i32 to vector<16xi32>
        %slice3A_691 = vector.extract_strided_slice %or3A {offsets = [11], sizes = [1], strides = [1]} : vector<16xi32> to vector<1xi32>
        %squeeze3A_692 = vector.extract %slice3A_691[0] : i32 from vector<1xi32>
        %add3A_693 = vector.broadcast %squeeze3A_692 : i32 to vector<16xi32>
        %add3A_694 = arith.addi %broadcast_in_dim3A_690, %add3A_693 : vector<16xi32>
        %swap3A_695 = arith.index_cast %add3A_681 : i32 to index
        %swap3A_696 = tpu.vector_load %arg8[%swap3A_695] {strides = array<i32>} : memref<2144xi32, #tpu.memory_space<vmem>>, vector<16xi32>,
        %swap3A_697 = vector.shape_cast %swap3A_696 : vector<16xi32> to vector<16xi32>
        %swap3A_698 = vector.shape_cast %add3A_694 : vector<16xi32> to vector<16xi32>
        tpu.vector_store %arg8[%swap3A_695], %swap3A_698 {strides = array<i32>} : memref<2144xi32, #tpu.memory_space<vmem>>, vector<16xi32>,
        %broadcast_in_dim3A_699 = arith.constant 0 : i32
        %broadcast_in_dim3A_700 = vector.broadcast %broadcast_in_dim3A_699 : i32 to vector<16xi32>
        %slice3A_701 = vector.extract_strided_slice %or3A_294 {offsets = [11], sizes = [1], strides = [1]} : vector<16xi32> to vector<1xi32>
        %squeeze3A_702 = vector.extract %slice3A_701[0] : i32 from vector<1xi32>
        %add3A_703 = vector.broadcast %squeeze3A_702 : i32 to vector<16xi32>
        %add3A_704 = arith.addi %broadcast_in_dim3A_700, %add3A_703 : vector<16xi32>
        %swap3A_705 = arith.index_cast %add3A_688 : i32 to index
        %swap3A_706 = tpu.vector_load %arg9[%swap3A_705] {strides = array<i32>} : memref<2144xi32, #tpu.memory_space<vmem>>, vector<16xi32>,
        %swap3A_707 = vector.shape_cast %swap3A_706 : vector<16xi32> to vector<16xi32>
        %swap3A_708 = vector.shape_cast %add3A_704 : vector<16xi32> to vector<16xi32>
        tpu.vector_store %arg9[%swap3A_705], %swap3A_708 {strides = array<i32>} : memref<2144xi32, #tpu.memory_space<vmem>>, vector<16xi32>,
        %slice3A_709 = vector.extract_strided_slice %get3A_270 {offsets = [11], sizes = [1], strides = [1]} : vector<16xi32> to vector<1xi32>
        %squeeze3A_710 = vector.extract %slice3A_709[0] : i32 from vector<1xi32>
        %ge3A_711 = arith.cmpi sge, %squeeze3A_710, %mul3A_4 : i32
        %lt3A_712 = arith.cmpi slt, %squeeze3A_710, %add3A_6 : i32
        %and3A_713 = arith.andi %ge3A_711, %lt3A_712 : i1
        %jit3A_714 = arith.constant 1 : i32
        %jit3A_715 = arith.constant 0 : i32
        %select_n3A_716 = arith.select %and3A_713, %jit3A_714, %jit3A_715 : i32
        %add3A_717 = arith.addi %add3A_681, %select_n3A_716 : i32
        %ge3A_718 = arith.cmpi sge, %squeeze3A_710, %add3A_6 : i32
        %lt3A_719 = arith.cmpi slt, %squeeze3A_710, %add3A_8 : i32
        %and3A_720 = arith.andi %ge3A_718, %lt3A_719 : i1
        %jit3A_721 = arith.constant 1 : i32
        %jit3A_722 = arith.constant 0 : i32
        %select_n3A_723 = arith.select %and3A_720, %jit3A_721, %jit3A_722 : i32
        %add3A_724 = arith.addi %add3A_688, %select_n3A_723 : i32
        %broadcast_in_dim3A_725 = arith.constant 0 : i32
        %broadcast_in_dim3A_726 = vector.broadcast %broadcast_in_dim3A_725 : i32 to vector<16xi32>
        %slice3A_727 = vector.extract_strided_slice %or3A {offsets = [12], sizes = [1], strides = [1]} : vector<16xi32> to vector<1xi32>
        %squeeze3A_728 = vector.extract %slice3A_727[0] : i32 from vector<1xi32>
        %add3A_729 = vector.broadcast %squeeze3A_728 : i32 to vector<16xi32>
        %add3A_730 = arith.addi %broadcast_in_dim3A_726, %add3A_729 : vector<16xi32>
        %swap3A_731 = arith.index_cast %add3A_717 : i32 to index
        %swap3A_732 = tpu.vector_load %arg8[%swap3A_731] {strides = array<i32>} : memref<2144xi32, #tpu.memory_space<vmem>>, vector<16xi32>,
        %swap3A_733 = vector.shape_cast %swap3A_732 : vector<16xi32> to vector<16xi32>
        %swap3A_734 = vector.shape_cast %add3A_730 : vector<16xi32> to vector<16xi32>
        tpu.vector_store %arg8[%swap3A_731], %swap3A_734 {strides = array<i32>} : memref<2144xi32, #tpu.memory_space<vmem>>, vector<16xi32>,
        %broadcast_in_dim3A_735 = arith.constant 0 : i32
        %broadcast_in_dim3A_736 = vector.broadcast %broadcast_in_dim3A_735 : i32 to vector<16xi32>
        %slice3A_737 = vector.extract_strided_slice %or3A_294 {offsets = [12], sizes = [1], strides = [1]} : vector<16xi32> to vector<1xi32>
        %squeeze3A_738 = vector.extract %slice3A_737[0] : i32 from vector<1xi32>
        %add3A_739 = vector.broadcast %squeeze3A_738 : i32 to vector<16xi32>
        %add3A_740 = arith.addi %broadcast_in_dim3A_736, %add3A_739 : vector<16xi32>
        %swap3A_741 = arith.index_cast %add3A_724 : i32 to index
        %swap3A_742 = tpu.vector_load %arg9[%swap3A_741] {strides = array<i32>} : memref<2144xi32, #tpu.memory_space<vmem>>, vector<16xi32>,
        %swap3A_743 = vector.shape_cast %swap3A_742 : vector<16xi32> to vector<16xi32>
        %swap3A_744 = vector.shape_cast %add3A_740 : vector<16xi32> to vector<16xi32>
        tpu.vector_store %arg9[%swap3A_741], %swap3A_744 {strides = array<i32>} : memref<2144xi32, #tpu.memory_space<vmem>>, vector<16xi32>,
        %slice3A_745 = vector.extract_strided_slice %get3A_270 {offsets = [12], sizes = [1], strides = [1]} : vector<16xi32> to vector<1xi32>
        %squeeze3A_746 = vector.extract %slice3A_745[0] : i32 from vector<1xi32>
        %ge3A_747 = arith.cmpi sge, %squeeze3A_746, %mul3A_4 : i32
        %lt3A_748 = arith.cmpi slt, %squeeze3A_746, %add3A_6 : i32
        %and3A_749 = arith.andi %ge3A_747, %lt3A_748 : i1
        %jit3A_750 = arith.constant 1 : i32
        %jit3A_751 = arith.constant 0 : i32
        %select_n3A_752 = arith.select %and3A_749, %jit3A_750, %jit3A_751 : i32
        %add3A_753 = arith.addi %add3A_717, %select_n3A_752 : i32
        %ge3A_754 = arith.cmpi sge, %squeeze3A_746, %add3A_6 : i32
        %lt3A_755 = arith.cmpi slt, %squeeze3A_746, %add3A_8 : i32
        %and3A_756 = arith.andi %ge3A_754, %lt3A_755 : i1
        %jit3A_757 = arith.constant 1 : i32
        %jit3A_758 = arith.constant 0 : i32
        %select_n3A_759 = arith.select %and3A_756, %jit3A_757, %jit3A_758 : i32
        %add3A_760 = arith.addi %add3A_724, %select_n3A_759 : i32
        %broadcast_in_dim3A_761 = arith.constant 0 : i32
        %broadcast_in_dim3A_762 = vector.broadcast %broadcast_in_dim3A_761 : i32 to vector<16xi32>
        %slice3A_763 = vector.extract_strided_slice %or3A {offsets = [13], sizes = [1], strides = [1]} : vector<16xi32> to vector<1xi32>
        %squeeze3A_764 = vector.extract %slice3A_763[0] : i32 from vector<1xi32>
        %add3A_765 = vector.broadcast %squeeze3A_764 : i32 to vector<16xi32>
        %add3A_766 = arith.addi %broadcast_in_dim3A_762, %add3A_765 : vector<16xi32>
        %swap3A_767 = arith.index_cast %add3A_753 : i32 to index
        %swap3A_768 = tpu.vector_load %arg8[%swap3A_767] {strides = array<i32>} : memref<2144xi32, #tpu.memory_space<vmem>>, vector<16xi32>,
        %swap3A_769 = vector.shape_cast %swap3A_768 : vector<16xi32> to vector<16xi32>
        %swap3A_770 = vector.shape_cast %add3A_766 : vector<16xi32> to vector<16xi32>
        tpu.vector_store %arg8[%swap3A_767], %swap3A_770 {strides = array<i32>} : memref<2144xi32, #tpu.memory_space<vmem>>, vector<16xi32>,
        %broadcast_in_dim3A_771 = arith.constant 0 : i32
        %broadcast_in_dim3A_772 = vector.broadcast %broadcast_in_dim3A_771 : i32 to vector<16xi32>
        %slice3A_773 = vector.extract_strided_slice %or3A_294 {offsets = [13], sizes = [1], strides = [1]} : vector<16xi32> to vector<1xi32>
        %squeeze3A_774 = vector.extract %slice3A_773[0] : i32 from vector<1xi32>
        %add3A_775 = vector.broadcast %squeeze3A_774 : i32 to vector<16xi32>
        %add3A_776 = arith.addi %broadcast_in_dim3A_772, %add3A_775 : vector<16xi32>
        %swap3A_777 = arith.index_cast %add3A_760 : i32 to index
        %swap3A_778 = tpu.vector_load %arg9[%swap3A_777] {strides = array<i32>} : memref<2144xi32, #tpu.memory_space<vmem>>, vector<16xi32>,
        %swap3A_779 = vector.shape_cast %swap3A_778 : vector<16xi32> to vector<16xi32>
        %swap3A_780 = vector.shape_cast %add3A_776 : vector<16xi32> to vector<16xi32>
        tpu.vector_store %arg9[%swap3A_777], %swap3A_780 {strides = array<i32>} : memref<2144xi32, #tpu.memory_space<vmem>>, vector<16xi32>,
        %slice3A_781 = vector.extract_strided_slice %get3A_270 {offsets = [13], sizes = [1], strides = [1]} : vector<16xi32> to vector<1xi32>
        %squeeze3A_782 = vector.extract %slice3A_781[0] : i32 from vector<1xi32>
        %ge3A_783 = arith.cmpi sge, %squeeze3A_782, %mul3A_4 : i32
        %lt3A_784 = arith.cmpi slt, %squeeze3A_782, %add3A_6 : i32
        %and3A_785 = arith.andi %ge3A_783, %lt3A_784 : i1
        %jit3A_786 = arith.constant 1 : i32
        %jit3A_787 = arith.constant 0 : i32
        %select_n3A_788 = arith.select %and3A_785, %jit3A_786, %jit3A_787 : i32
        %add3A_789 = arith.addi %add3A_753, %select_n3A_788 : i32
        %ge3A_790 = arith.cmpi sge, %squeeze3A_782, %add3A_6 : i32
        %lt3A_791 = arith.cmpi slt, %squeeze3A_782, %add3A_8 : i32
        %and3A_792 = arith.andi %ge3A_790, %lt3A_791 : i1
        %jit3A_793 = arith.constant 1 : i32
        %jit3A_794 = arith.constant 0 : i32
        %select_n3A_795 = arith.select %and3A_792, %jit3A_793, %jit3A_794 : i32
        %add3A_796 = arith.addi %add3A_760, %select_n3A_795 : i32
        %broadcast_in_dim3A_797 = arith.constant 0 : i32
        %broadcast_in_dim3A_798 = vector.broadcast %broadcast_in_dim3A_797 : i32 to vector<16xi32>
        %slice3A_799 = vector.extract_strided_slice %or3A {offsets = [14], sizes = [1], strides = [1]} : vector<16xi32> to vector<1xi32>
        %squeeze3A_800 = vector.extract %slice3A_799[0] : i32 from vector<1xi32>
        %add3A_801 = vector.broadcast %squeeze3A_800 : i32 to vector<16xi32>
        %add3A_802 = arith.addi %broadcast_in_dim3A_798, %add3A_801 : vector<16xi32>
        %swap3A_803 = arith.index_cast %add3A_789 : i32 to index
        %swap3A_804 = tpu.vector_load %arg8[%swap3A_803] {strides = array<i32>} : memref<2144xi32, #tpu.memory_space<vmem>>, vector<16xi32>,
        %swap3A_805 = vector.shape_cast %swap3A_804 : vector<16xi32> to vector<16xi32>
        %swap3A_806 = vector.shape_cast %add3A_802 : vector<16xi32> to vector<16xi32>
        tpu.vector_store %arg8[%swap3A_803], %swap3A_806 {strides = array<i32>} : memref<2144xi32, #tpu.memory_space<vmem>>, vector<16xi32>,
        %broadcast_in_dim3A_807 = arith.constant 0 : i32
        %broadcast_in_dim3A_808 = vector.broadcast %broadcast_in_dim3A_807 : i32 to vector<16xi32>
        %slice3A_809 = vector.extract_strided_slice %or3A_294 {offsets = [14], sizes = [1], strides = [1]} : vector<16xi32> to vector<1xi32>
        %squeeze3A_810 = vector.extract %slice3A_809[0] : i32 from vector<1xi32>
        %add3A_811 = vector.broadcast %squeeze3A_810 : i32 to vector<16xi32>
        %add3A_812 = arith.addi %broadcast_in_dim3A_808, %add3A_811 : vector<16xi32>
        %swap3A_813 = arith.index_cast %add3A_796 : i32 to index
        %swap3A_814 = tpu.vector_load %arg9[%swap3A_813] {strides = array<i32>} : memref<2144xi32, #tpu.memory_space<vmem>>, vector<16xi32>,
        %swap3A_815 = vector.shape_cast %swap3A_814 : vector<16xi32> to vector<16xi32>
        %swap3A_816 = vector.shape_cast %add3A_812 : vector<16xi32> to vector<16xi32>
        tpu.vector_store %arg9[%swap3A_813], %swap3A_816 {strides = array<i32>} : memref<2144xi32, #tpu.memory_space<vmem>>, vector<16xi32>,
        %slice3A_817 = vector.extract_strided_slice %get3A_270 {offsets = [14], sizes = [1], strides = [1]} : vector<16xi32> to vector<1xi32>
        %squeeze3A_818 = vector.extract %slice3A_817[0] : i32 from vector<1xi32>
        %ge3A_819 = arith.cmpi sge, %squeeze3A_818, %mul3A_4 : i32
        %lt3A_820 = arith.cmpi slt, %squeeze3A_818, %add3A_6 : i32
        %and3A_821 = arith.andi %ge3A_819, %lt3A_820 : i1
        %jit3A_822 = arith.constant 1 : i32
        %jit3A_823 = arith.constant 0 : i32
        %select_n3A_824 = arith.select %and3A_821, %jit3A_822, %jit3A_823 : i32
        %add3A_825 = arith.addi %add3A_789, %select_n3A_824 : i32
        %ge3A_826 = arith.cmpi sge, %squeeze3A_818, %add3A_6 : i32
        %lt3A_827 = arith.cmpi slt, %squeeze3A_818, %add3A_8 : i32
        %and3A_828 = arith.andi %ge3A_826, %lt3A_827 : i1
        %jit3A_829 = arith.constant 1 : i32
        %jit3A_830 = arith.constant 0 : i32
        %select_n3A_831 = arith.select %and3A_828, %jit3A_829, %jit3A_830 : i32
        %add3A_832 = arith.addi %add3A_796, %select_n3A_831 : i32
        %broadcast_in_dim3A_833 = arith.constant 0 : i32
        %broadcast_in_dim3A_834 = vector.broadcast %broadcast_in_dim3A_833 : i32 to vector<16xi32>
        %slice3A_835 = vector.extract_strided_slice %or3A {offsets = [15], sizes = [1], strides = [1]} : vector<16xi32> to vector<1xi32>
        %squeeze3A_836 = vector.extract %slice3A_835[0] : i32 from vector<1xi32>
        %add3A_837 = vector.broadcast %squeeze3A_836 : i32 to vector<16xi32>
        %add3A_838 = arith.addi %broadcast_in_dim3A_834, %add3A_837 : vector<16xi32>
        %swap3A_839 = arith.index_cast %add3A_825 : i32 to index
        %swap3A_840 = tpu.vector_load %arg8[%swap3A_839] {strides = array<i32>} : memref<2144xi32, #tpu.memory_space<vmem>>, vector<16xi32>,
        %swap3A_841 = vector.shape_cast %swap3A_840 : vector<16xi32> to vector<16xi32>
        %swap3A_842 = vector.shape_cast %add3A_838 : vector<16xi32> to vector<16xi32>
        tpu.vector_store %arg8[%swap3A_839], %swap3A_842 {strides = array<i32>} : memref<2144xi32, #tpu.memory_space<vmem>>, vector<16xi32>,
        %broadcast_in_dim3A_843 = arith.constant 0 : i32
        %broadcast_in_dim3A_844 = vector.broadcast %broadcast_in_dim3A_843 : i32 to vector<16xi32>
        %slice3A_845 = vector.extract_strided_slice %or3A_294 {offsets = [15], sizes = [1], strides = [1]} : vector<16xi32> to vector<1xi32>
        %squeeze3A_846 = vector.extract %slice3A_845[0] : i32 from vector<1xi32>
        %add3A_847 = vector.broadcast %squeeze3A_846 : i32 to vector<16xi32>
        %add3A_848 = arith.addi %broadcast_in_dim3A_844, %add3A_847 : vector<16xi32>
        %swap3A_849 = arith.index_cast %add3A_832 : i32 to index
        %swap3A_850 = tpu.vector_load %arg9[%swap3A_849] {strides = array<i32>} : memref<2144xi32, #tpu.memory_space<vmem>>, vector<16xi32>,
        %swap3A_851 = vector.shape_cast %swap3A_850 : vector<16xi32> to vector<16xi32>
        %swap3A_852 = vector.shape_cast %add3A_848 : vector<16xi32> to vector<16xi32>
        tpu.vector_store %arg9[%swap3A_849], %swap3A_852 {strides = array<i32>} : memref<2144xi32, #tpu.memory_space<vmem>>, vector<16xi32>,
        %slice3A_853 = vector.extract_strided_slice %get3A_270 {offsets = [15], sizes = [1], strides = [1]} : vector<16xi32> to vector<1xi32>
        %squeeze3A_854 = vector.extract %slice3A_853[0] : i32 from vector<1xi32>
        %ge3A_855 = arith.cmpi sge, %squeeze3A_854, %mul3A_4 : i32
        %lt3A_856 = arith.cmpi slt, %squeeze3A_854, %add3A_6 : i32
        %and3A_857 = arith.andi %ge3A_855, %lt3A_856 : i1
        %jit3A_858 = arith.constant 1 : i32
        %jit3A_859 = arith.constant 0 : i32
        %select_n3A_860 = arith.select %and3A_857, %jit3A_858, %jit3A_859 : i32
        %add3A_861 = arith.addi %add3A_825, %select_n3A_860 : i32
        %ge3A_862 = arith.cmpi sge, %squeeze3A_854, %add3A_6 : i32
        %lt3A_863 = arith.cmpi slt, %squeeze3A_854, %add3A_8 : i32
        %and3A_864 = arith.andi %ge3A_862, %lt3A_863 : i1
        %jit3A_865 = arith.constant 1 : i32
        %jit3A_866 = arith.constant 0 : i32
        %select_n3A_867 = arith.select %and3A_864, %jit3A_865, %jit3A_866 : i32
        %add3A_868 = arith.addi %add3A_832, %select_n3A_867 : i32
        scf.yield %add3A_861, %add3A_868 : i32, i32
      }
      %scan3A_133 = arith.constant 128 : i32
      %add3A_134 = arith.constant 0 : i32
      %add3A_135 = arith.addi %scan3A_132#0, %add3A_134 : i32
      %swap3A_136 = arith.index_cast %add3A_135 : i32 to index
      %swap3A_137 = tpu.vector_load %arg8[%swap3A_136] {strides = array<i32>} : memref<2144xi32, #tpu.memory_space<vmem>>, vector<16xi32>,
      %swap3A_138 = vector.shape_cast %swap3A_137 : vector<16xi32> to vector<16xi32>
      %swap3A_139 = vector.shape_cast %broadcast_in_dim3A_19 : vector<16xi32> to vector<16xi32>
      tpu.vector_store %arg8[%swap3A_136], %swap3A_139 {strides = array<i32>} : memref<2144xi32, #tpu.memory_space<vmem>>, vector<16xi32>,
      %add3A_140 = arith.constant 0 : i32
      %add3A_141 = arith.addi %scan3A_132#1, %add3A_140 : i32
      %swap3A_142 = arith.index_cast %add3A_141 : i32 to index
      %swap3A_143 = tpu.vector_load %arg9[%swap3A_142] {strides = array<i32>} : memref<2144xi32, #tpu.memory_space<vmem>>, vector<16xi32>,
      %swap3A_144 = vector.shape_cast %swap3A_143 : vector<16xi32> to vector<16xi32>
      %swap3A_145 = vector.shape_cast %broadcast_in_dim3A_19 : vector<16xi32> to vector<16xi32>
      tpu.vector_store %arg9[%swap3A_142], %swap3A_145 {strides = array<i32>} : memref<2144xi32, #tpu.memory_space<vmem>>, vector<16xi32>,
      %add3A_146 = arith.constant 16 : i32
      %add3A_147 = arith.addi %scan3A_132#0, %add3A_146 : i32
      %swap3A_148 = arith.index_cast %add3A_147 : i32 to index
      %swap3A_149 = tpu.vector_load %arg8[%swap3A_148] {strides = array<i32>} : memref<2144xi32, #tpu.memory_space<vmem>>, vector<16xi32>,
      %swap3A_150 = vector.shape_cast %swap3A_149 : vector<16xi32> to vector<16xi32>
      %swap3A_151 = vector.shape_cast %broadcast_in_dim3A_19 : vector<16xi32> to vector<16xi32>
      tpu.vector_store %arg8[%swap3A_148], %swap3A_151 {strides = array<i32>} : memref<2144xi32, #tpu.memory_space<vmem>>, vector<16xi32>,
      %add3A_152 = arith.constant 16 : i32
      %add3A_153 = arith.addi %scan3A_132#1, %add3A_152 : i32
      %swap3A_154 = arith.index_cast %add3A_153 : i32 to index
      %swap3A_155 = tpu.vector_load %arg9[%swap3A_154] {strides = array<i32>} : memref<2144xi32, #tpu.memory_space<vmem>>, vector<16xi32>,
      %swap3A_156 = vector.shape_cast %swap3A_155 : vector<16xi32> to vector<16xi32>
      %swap3A_157 = vector.shape_cast %broadcast_in_dim3A_19 : vector<16xi32> to vector<16xi32>
      tpu.vector_store %arg9[%swap3A_154], %swap3A_157 {strides = array<i32>} : memref<2144xi32, #tpu.memory_space<vmem>>, vector<16xi32>,
      %add3A_158 = arith.constant 32 : i32
      %add3A_159 = arith.addi %scan3A_132#0, %add3A_158 : i32
      %swap3A_160 = arith.index_cast %add3A_159 : i32 to index
      %swap3A_161 = tpu.vector_load %arg8[%swap3A_160] {strides = array<i32>} : memref<2144xi32, #tpu.memory_space<vmem>>, vector<16xi32>,
      %swap3A_162 = vector.shape_cast %swap3A_161 : vector<16xi32> to vector<16xi32>
      %swap3A_163 = vector.shape_cast %broadcast_in_dim3A_19 : vector<16xi32> to vector<16xi32>
      tpu.vector_store %arg8[%swap3A_160], %swap3A_163 {strides = array<i32>} : memref<2144xi32, #tpu.memory_space<vmem>>, vector<16xi32>,
      %add3A_164 = arith.constant 32 : i32
      %add3A_165 = arith.addi %scan3A_132#1, %add3A_164 : i32
      %swap3A_166 = arith.index_cast %add3A_165 : i32 to index
      %swap3A_167 = tpu.vector_load %arg9[%swap3A_166] {strides = array<i32>} : memref<2144xi32, #tpu.memory_space<vmem>>, vector<16xi32>,
      %swap3A_168 = vector.shape_cast %swap3A_167 : vector<16xi32> to vector<16xi32>
      %swap3A_169 = vector.shape_cast %broadcast_in_dim3A_19 : vector<16xi32> to vector<16xi32>
      tpu.vector_store %arg9[%swap3A_166], %swap3A_169 {strides = array<i32>} : memref<2144xi32, #tpu.memory_space<vmem>>, vector<16xi32>,
      %add3A_170 = arith.constant 48 : i32
      %add3A_171 = arith.addi %scan3A_132#0, %add3A_170 : i32
      %swap3A_172 = arith.index_cast %add3A_171 : i32 to index
      %swap3A_173 = tpu.vector_load %arg8[%swap3A_172] {strides = array<i32>} : memref<2144xi32, #tpu.memory_space<vmem>>, vector<16xi32>,
      %swap3A_174 = vector.shape_cast %swap3A_173 : vector<16xi32> to vector<16xi32>
      %swap3A_175 = vector.shape_cast %broadcast_in_dim3A_19 : vector<16xi32> to vector<16xi32>
      tpu.vector_store %arg8[%swap3A_172], %swap3A_175 {strides = array<i32>} : memref<2144xi32, #tpu.memory_space<vmem>>, vector<16xi32>,
      %add3A_176 = arith.constant 48 : i32
      %add3A_177 = arith.addi %scan3A_132#1, %add3A_176 : i32
      %swap3A_178 = arith.index_cast %add3A_177 : i32 to index
      %swap3A_179 = tpu.vector_load %arg9[%swap3A_178] {strides = array<i32>} : memref<2144xi32, #tpu.memory_space<vmem>>, vector<16xi32>,
      %swap3A_180 = vector.shape_cast %swap3A_179 : vector<16xi32> to vector<16xi32>
      %swap3A_181 = vector.shape_cast %broadcast_in_dim3A_19 : vector<16xi32> to vector<16xi32>
      tpu.vector_store %arg9[%swap3A_178], %swap3A_181 {strides = array<i32>} : memref<2144xi32, #tpu.memory_space<vmem>>, vector<16xi32>,
      %add3A_182 = arith.constant 63 : i32
      %add3A_183 = arith.addi %scan3A_132#0, %add3A_182 : i32
      %jit3A_184 = arith.constant 64 : i32
      %div3A_185 = arith.divsi %add3A_183, %jit3A_184 : i32
      %sign3A_186 = arith.constant 0 : i32
      %sign3A_187 = arith.cmpi sgt, %add3A_183, %sign3A_186 : i32
      %sign3A_188 = arith.extui %sign3A_187 : i1 to i32
      %sign3A_189 = arith.constant 0 : i32
      %sign3A_190 = arith.cmpi slt, %add3A_183, %sign3A_189 : i32
      %sign3A_191 = arith.extui %sign3A_190 : i1 to i32
      %sign3A_192 = arith.subi %sign3A_188, %sign3A_191 : i32
      %sign3A_193 = arith.constant 0 : i32
      %sign3A_194 = arith.cmpi sgt, %jit3A_184, %sign3A_193 : i32
      %sign3A_195 = arith.extui %sign3A_194 : i1 to i32
      %sign3A_196 = arith.constant 0 : i32
      %sign3A_197 = arith.cmpi slt, %jit3A_184, %sign3A_196 : i32
      %sign3A_198 = arith.extui %sign3A_197 : i1 to i32
      %sign3A_199 = arith.subi %sign3A_195, %sign3A_198 : i32
      %ne3A_200 = arith.cmpi ne, %sign3A_192, %sign3A_199 : i32
      %rem3A_201 = arith.remsi %add3A_183, %jit3A_184 : i32
      %ne3A_202 = arith.constant 0 : i32
      %ne3A_203 = arith.cmpi ne, %rem3A_201, %ne3A_202 : i32
      %and3A_204 = arith.andi %ne3A_200, %ne3A_203 : i1
      %sub3A_205 = arith.constant 1 : i32
      %sub3A_206 = arith.subi %div3A_185, %sub3A_205 : i32
      %select_n3A_207 = arith.select %and3A_204, %sub3A_206, %div3A_185 : i32
      %add3A_208 = arith.constant 63 : i32
      %add3A_209 = arith.addi %scan3A_132#1, %add3A_208 : i32
      %jit3A_210 = arith.constant 64 : i32
      %div3A_211 = arith.divsi %add3A_209, %jit3A_210 : i32
      %sign3A_212 = arith.constant 0 : i32
      %sign3A_213 = arith.cmpi sgt, %add3A_209, %sign3A_212 : i32
      %sign3A_214 = arith.extui %sign3A_213 : i1 to i32
      %sign3A_215 = arith.constant 0 : i32
      %sign3A_216 = arith.cmpi slt, %add3A_209, %sign3A_215 : i32
      %sign3A_217 = arith.extui %sign3A_216 : i1 to i32
      %sign3A_218 = arith.subi %sign3A_214, %sign3A_217 : i32
      %sign3A_219 = arith.constant 0 : i32
      %sign3A_220 = arith.cmpi sgt, %jit3A_210, %sign3A_219 : i32
      %sign3A_221 = arith.extui %sign3A_220 : i1 to i32
      %sign3A_222 = arith.constant 0 : i32
      %sign3A_223 = arith.cmpi slt, %jit3A_210, %sign3A_222 : i32
      %sign3A_224 = arith.extui %sign3A_223 : i1 to i32
      %sign3A_225 = arith.subi %sign3A_221, %sign3A_224 : i32
      %ne3A_226 = arith.cmpi ne, %sign3A_218, %sign3A_225 : i32
      %rem3A_227 = arith.remsi %add3A_209, %jit3A_210 : i32
      %ne3A_228 = arith.constant 0 : i32
      %ne3A_229 = arith.cmpi ne, %rem3A_227, %ne3A_228 : i32
      %and3A_230 = arith.andi %ne3A_226, %ne3A_229 : i1
      %sub3A_231 = arith.constant 1 : i32
      %sub3A_232 = arith.subi %div3A_211, %sub3A_231 : i32
      %select_n3A_233 = arith.select %and3A_230, %sub3A_232, %div3A_211 : i32
      %while3A = arith.constant 0 : i32
      %while3A_234 = arith.constant 0 : i32
      %while3A_235 = arith.subi %select_n3A_207, %while3A : i32
      %while3A_236 = arith.addi %while3A, %while3A_235 : i32
      %while3A_237 = arith.constant 1 : i32
      %while3A_238 = arith.divsi %while3A_235, %while3A_237 : i32
      %while3A_239 = arith.muli %while3A_238, %while3A_237 : i32
      %while3A_240 = arith.addi %while3A, %while3A_239 : i32
      %while3A_241 = arith.constant 1 : i32
      %while3A_242 = scf.for %while3A_259 = %while3A to %while3A_240 step %while3A_241 iter_args(%while3A_260 = %while3A_234) -> (i32)  : i32 {
        %mul3A_261 = arith.constant 64 : i32
        %mul3A_262 = arith.muli %while3A_259, %mul3A_261 : i32
        %add3A_263 = arith.addi %scan3A_119, %while3A_259 : i32
        %mul3A_264 = arith.constant 64 : i32
        %mul3A_265 = arith.muli %add3A_263, %mul3A_264 : i32
        %add3A_266 = arith.addi %mul3A_12, %mul3A_265 : i32
        "tpu.region"() ({
          %run_scoped3A = tpu.sem_alloc : memref<!tpu.dma_semaphore, #tpu.memory_space<semaphore_mem>>
          %dma_start3A = tpu.memref_slice %arg8[%mul3A_262] : memref<2144xi32, #tpu.memory_space<vmem>> -> memref<64xi32, #tpu.memory_space<vmem>>
          %dma_start3A_268 = tpu.memref_slice %arg4[%add3A_266] : memref<3280896xi32, #tpu.memory_space<hbm>> -> memref<64xi32, #tpu.memory_space<hbm>>
          %dma_start3A_269 = tpu.memref_slice %arg4[%add3A_266] : memref<3280896xi32, #tpu.memory_space<hbm>> -> memref<64xi32, #tpu.memory_space<hbm>>
          %dma_start3A_270 = tpu.memref_slice %arg8[%mul3A_262] : memref<2144xi32, #tpu.memory_space<vmem>> -> memref<64xi32, #tpu.memory_space<vmem>>
          tpu.enqueue_dma source(%dma_start3A_270 : memref<64xi32, #tpu.memory_space<vmem>>) target(%dma_start3A_269 : memref<64xi32, #tpu.memory_space<hbm>>) target_semaphore(%run_scoped3A : memref<!tpu.dma_semaphore, #tpu.memory_space<semaphore_mem>>)
          %dma_wait3A = tpu.memref_slice %arg8[%mul3A_262] : memref<2144xi32, #tpu.memory_space<vmem>> -> memref<64xi32, #tpu.memory_space<vmem>>
          %dma_wait3A_271 = tpu.memref_slice %arg4[%add3A_266] : memref<3280896xi32, #tpu.memory_space<hbm>> -> memref<64xi32, #tpu.memory_space<hbm>>
          %dma_wait3A_272 = tpu.memref_slice %arg4[%add3A_266] : memref<3280896xi32, #tpu.memory_space<hbm>> -> memref<64xi32, #tpu.memory_space<hbm>>
          %dma_wait3A_273 = tpu.memref_slice %arg8[%mul3A_262] : memref<2144xi32, #tpu.memory_space<vmem>> -> memref<64xi32, #tpu.memory_space<vmem>>
          tpu.wait_dma2 semaphore(%run_scoped3A : memref<!tpu.dma_semaphore, #tpu.memory_space<semaphore_mem>>) src(%dma_wait3A_273 : memref<64xi32, #tpu.memory_space<vmem>>) dst(%dma_wait3A_272 : memref<64xi32, #tpu.memory_space<hbm>>)
          tpu.yield
        }) : () -> ()
        %while3A_267 = arith.constant 0 : i32
        scf.yield %while3A_267 : i32
      }
      %while3A_243 = arith.constant 1 : i32
      %while3A_244 = scf.for %while3A_259 = %while3A_240 to %while3A_236 step %while3A_243 iter_args(%while3A_260 = %while3A_242) -> (i32)  : i32 {
        %mul3A_261 = arith.constant 64 : i32
        %mul3A_262 = arith.muli %while3A_259, %mul3A_261 : i32
        %add3A_263 = arith.addi %scan3A_119, %while3A_259 : i32
        %mul3A_264 = arith.constant 64 : i32
        %mul3A_265 = arith.muli %add3A_263, %mul3A_264 : i32
        %add3A_266 = arith.addi %mul3A_12, %mul3A_265 : i32
        "tpu.region"() ({
          %run_scoped3A = tpu.sem_alloc : memref<!tpu.dma_semaphore, #tpu.memory_space<semaphore_mem>>
          %dma_start3A = tpu.memref_slice %arg8[%mul3A_262] : memref<2144xi32, #tpu.memory_space<vmem>> -> memref<64xi32, #tpu.memory_space<vmem>>
          %dma_start3A_268 = tpu.memref_slice %arg4[%add3A_266] : memref<3280896xi32, #tpu.memory_space<hbm>> -> memref<64xi32, #tpu.memory_space<hbm>>
          %dma_start3A_269 = tpu.memref_slice %arg4[%add3A_266] : memref<3280896xi32, #tpu.memory_space<hbm>> -> memref<64xi32, #tpu.memory_space<hbm>>
          %dma_start3A_270 = tpu.memref_slice %arg8[%mul3A_262] : memref<2144xi32, #tpu.memory_space<vmem>> -> memref<64xi32, #tpu.memory_space<vmem>>
          tpu.enqueue_dma source(%dma_start3A_270 : memref<64xi32, #tpu.memory_space<vmem>>) target(%dma_start3A_269 : memref<64xi32, #tpu.memory_space<hbm>>) target_semaphore(%run_scoped3A : memref<!tpu.dma_semaphore, #tpu.memory_space<semaphore_mem>>)
          %dma_wait3A = tpu.memref_slice %arg8[%mul3A_262] : memref<2144xi32, #tpu.memory_space<vmem>> -> memref<64xi32, #tpu.memory_space<vmem>>
          %dma_wait3A_271 = tpu.memref_slice %arg4[%add3A_266] : memref<3280896xi32, #tpu.memory_space<hbm>> -> memref<64xi32, #tpu.memory_space<hbm>>
          %dma_wait3A_272 = tpu.memref_slice %arg4[%add3A_266] : memref<3280896xi32, #tpu.memory_space<hbm>> -> memref<64xi32, #tpu.memory_space<hbm>>
          %dma_wait3A_273 = tpu.memref_slice %arg8[%mul3A_262] : memref<2144xi32, #tpu.memory_space<vmem>> -> memref<64xi32, #tpu.memory_space<vmem>>
          tpu.wait_dma2 semaphore(%run_scoped3A : memref<!tpu.dma_semaphore, #tpu.memory_space<semaphore_mem>>) src(%dma_wait3A_273 : memref<64xi32, #tpu.memory_space<vmem>>) dst(%dma_wait3A_272 : memref<64xi32, #tpu.memory_space<hbm>>)
          tpu.yield
        }) : () -> ()
        %while3A_267 = arith.constant 0 : i32
        scf.yield %while3A_267 : i32
      }
      %while3A_245 = arith.constant 0 : i32
      %while3A_246 = arith.constant 0 : i32
      %while3A_247 = arith.subi %select_n3A_233, %while3A_245 : i32
      %while3A_248 = arith.addi %while3A_245, %while3A_247 : i32
      %while3A_249 = arith.constant 1 : i32
      %while3A_250 = arith.divsi %while3A_247, %while3A_249 : i32
      %while3A_251 = arith.muli %while3A_250, %while3A_249 : i32
      %while3A_252 = arith.addi %while3A_245, %while3A_251 : i32
      %while3A_253 = arith.constant 1 : i32
      %while3A_254 = scf.for %while3A_259 = %while3A_245 to %while3A_252 step %while3A_253 iter_args(%while3A_260 = %while3A_246) -> (i32)  : i32 {
        %mul3A_261 = arith.constant 64 : i32
        %mul3A_262 = arith.muli %while3A_259, %mul3A_261 : i32
        %add3A_263 = arith.addi %scan3A_120, %while3A_259 : i32
        %mul3A_264 = arith.constant 64 : i32
        %mul3A_265 = arith.muli %add3A_263, %mul3A_264 : i32
        %add3A_266 = arith.addi %mul3A_18, %mul3A_265 : i32
        "tpu.region"() ({
          %run_scoped3A = tpu.sem_alloc : memref<!tpu.dma_semaphore, #tpu.memory_space<semaphore_mem>>
          %dma_start3A = tpu.memref_slice %arg9[%mul3A_262] : memref<2144xi32, #tpu.memory_space<vmem>> -> memref<64xi32, #tpu.memory_space<vmem>>
          %dma_start3A_268 = tpu.memref_slice %arg4[%add3A_266] : memref<3280896xi32, #tpu.memory_space<hbm>> -> memref<64xi32, #tpu.memory_space<hbm>>
          %dma_start3A_269 = tpu.memref_slice %arg4[%add3A_266] : memref<3280896xi32, #tpu.memory_space<hbm>> -> memref<64xi32, #tpu.memory_space<hbm>>
          %dma_start3A_270 = tpu.memref_slice %arg9[%mul3A_262] : memref<2144xi32, #tpu.memory_space<vmem>> -> memref<64xi32, #tpu.memory_space<vmem>>
          tpu.enqueue_dma source(%dma_start3A_270 : memref<64xi32, #tpu.memory_space<vmem>>) target(%dma_start3A_269 : memref<64xi32, #tpu.memory_space<hbm>>) target_semaphore(%run_scoped3A : memref<!tpu.dma_semaphore, #tpu.memory_space<semaphore_mem>>)
          %dma_wait3A = tpu.memref_slice %arg9[%mul3A_262] : memref<2144xi32, #tpu.memory_space<vmem>> -> memref<64xi32, #tpu.memory_space<vmem>>
          %dma_wait3A_271 = tpu.memref_slice %arg4[%add3A_266] : memref<3280896xi32, #tpu.memory_space<hbm>> -> memref<64xi32, #tpu.memory_space<hbm>>
          %dma_wait3A_272 = tpu.memref_slice %arg4[%add3A_266] : memref<3280896xi32, #tpu.memory_space<hbm>> -> memref<64xi32, #tpu.memory_space<hbm>>
          %dma_wait3A_273 = tpu.memref_slice %arg9[%mul3A_262] : memref<2144xi32, #tpu.memory_space<vmem>> -> memref<64xi32, #tpu.memory_space<vmem>>
          tpu.wait_dma2 semaphore(%run_scoped3A : memref<!tpu.dma_semaphore, #tpu.memory_space<semaphore_mem>>) src(%dma_wait3A_273 : memref<64xi32, #tpu.memory_space<vmem>>) dst(%dma_wait3A_272 : memref<64xi32, #tpu.memory_space<hbm>>)
          tpu.yield
        }) : () -> ()
        %while3A_267 = arith.constant 0 : i32
        scf.yield %while3A_267 : i32
      }
      %while3A_255 = arith.constant 1 : i32
      %while3A_256 = scf.for %while3A_259 = %while3A_252 to %while3A_248 step %while3A_255 iter_args(%while3A_260 = %while3A_254) -> (i32)  : i32 {
        %mul3A_261 = arith.constant 64 : i32
        %mul3A_262 = arith.muli %while3A_259, %mul3A_261 : i32
        %add3A_263 = arith.addi %scan3A_120, %while3A_259 : i32
        %mul3A_264 = arith.constant 64 : i32
        %mul3A_265 = arith.muli %add3A_263, %mul3A_264 : i32
        %add3A_266 = arith.addi %mul3A_18, %mul3A_265 : i32
        "tpu.region"() ({
          %run_scoped3A = tpu.sem_alloc : memref<!tpu.dma_semaphore, #tpu.memory_space<semaphore_mem>>
          %dma_start3A = tpu.memref_slice %arg9[%mul3A_262] : memref<2144xi32, #tpu.memory_space<vmem>> -> memref<64xi32, #tpu.memory_space<vmem>>
          %dma_start3A_268 = tpu.memref_slice %arg4[%add3A_266] : memref<3280896xi32, #tpu.memory_space<hbm>> -> memref<64xi32, #tpu.memory_space<hbm>>
          %dma_start3A_269 = tpu.memref_slice %arg4[%add3A_266] : memref<3280896xi32, #tpu.memory_space<hbm>> -> memref<64xi32, #tpu.memory_space<hbm>>
          %dma_start3A_270 = tpu.memref_slice %arg9[%mul3A_262] : memref<2144xi32, #tpu.memory_space<vmem>> -> memref<64xi32, #tpu.memory_space<vmem>>
          tpu.enqueue_dma source(%dma_start3A_270 : memref<64xi32, #tpu.memory_space<vmem>>) target(%dma_start3A_269 : memref<64xi32, #tpu.memory_space<hbm>>) target_semaphore(%run_scoped3A : memref<!tpu.dma_semaphore, #tpu.memory_space<semaphore_mem>>)
          %dma_wait3A = tpu.memref_slice %arg9[%mul3A_262] : memref<2144xi32, #tpu.memory_space<vmem>> -> memref<64xi32, #tpu.memory_space<vmem>>
          %dma_wait3A_271 = tpu.memref_slice %arg4[%add3A_266] : memref<3280896xi32, #tpu.memory_space<hbm>> -> memref<64xi32, #tpu.memory_space<hbm>>
          %dma_wait3A_272 = tpu.memref_slice %arg4[%add3A_266] : memref<3280896xi32, #tpu.memory_space<hbm>> -> memref<64xi32, #tpu.memory_space<hbm>>
          %dma_wait3A_273 = tpu.memref_slice %arg9[%mul3A_262] : memref<2144xi32, #tpu.memory_space<vmem>> -> memref<64xi32, #tpu.memory_space<vmem>>
          tpu.wait_dma2 semaphore(%run_scoped3A : memref<!tpu.dma_semaphore, #tpu.memory_space<semaphore_mem>>) src(%dma_wait3A_273 : memref<64xi32, #tpu.memory_space<vmem>>) dst(%dma_wait3A_272 : memref<64xi32, #tpu.memory_space<hbm>>)
          tpu.yield
        }) : () -> ()
        %while3A_267 = arith.constant 0 : i32
        scf.yield %while3A_267 : i32
      }
      %add3A_257 = arith.addi %scan3A_119, %select_n3A_207 : i32
      %add3A_258 = arith.addi %scan3A_120, %select_n3A_233 : i32
      scf.yield %add3A_257, %add3A_258 : i32, i32
    }
    %scan3A_26 = arith.constant 25 : i32
    %swap3A = arith.constant 0 : index
    %swap3A_27 = tpu.vector_load %arg8[%swap3A] {strides = array<i32>} : memref<2144xi32, #tpu.memory_space<vmem>>, vector<16xi32>,
    %swap3A_28 = vector.shape_cast %swap3A_27 : vector<16xi32> to vector<16xi32>
    %swap3A_29 = vector.shape_cast %broadcast_in_dim3A_19 : vector<16xi32> to vector<16xi32>
    tpu.vector_store %arg8[%swap3A], %swap3A_29 {strides = array<i32>} : memref<2144xi32, #tpu.memory_space<vmem>>, vector<16xi32>,
    %swap3A_30 = arith.constant 16 : index
    %swap3A_31 = tpu.vector_load %arg8[%swap3A_30] {strides = array<i32>} : memref<2144xi32, #tpu.memory_space<vmem>>, vector<16xi32>,
    %swap3A_32 = vector.shape_cast %swap3A_31 : vector<16xi32> to vector<16xi32>
    %swap3A_33 = vector.shape_cast %broadcast_in_dim3A_19 : vector<16xi32> to vector<16xi32>
    tpu.vector_store %arg8[%swap3A_30], %swap3A_33 {strides = array<i32>} : memref<2144xi32, #tpu.memory_space<vmem>>, vector<16xi32>,
    %swap3A_34 = arith.constant 32 : index
    %swap3A_35 = tpu.vector_load %arg8[%swap3A_34] {strides = array<i32>} : memref<2144xi32, #tpu.memory_space<vmem>>, vector<16xi32>,
    %swap3A_36 = vector.shape_cast %swap3A_35 : vector<16xi32> to vector<16xi32>
    %swap3A_37 = vector.shape_cast %broadcast_in_dim3A_19 : vector<16xi32> to vector<16xi32>
    tpu.vector_store %arg8[%swap3A_34], %swap3A_37 {strides = array<i32>} : memref<2144xi32, #tpu.memory_space<vmem>>, vector<16xi32>,
    %swap3A_38 = arith.constant 48 : index
    %swap3A_39 = tpu.vector_load %arg8[%swap3A_38] {strides = array<i32>} : memref<2144xi32, #tpu.memory_space<vmem>>, vector<16xi32>,
    %swap3A_40 = vector.shape_cast %swap3A_39 : vector<16xi32> to vector<16xi32>
    %swap3A_41 = vector.shape_cast %broadcast_in_dim3A_19 : vector<16xi32> to vector<16xi32>
    tpu.vector_store %arg8[%swap3A_38], %swap3A_41 {strides = array<i32>} : memref<2144xi32, #tpu.memory_space<vmem>>, vector<16xi32>,
    %mul3A_42 = arith.constant 64 : i32
    %mul3A_43 = arith.muli %scan3A_25#0, %mul3A_42 : i32
    %add3A_44 = arith.addi %mul3A_12, %mul3A_43 : i32
    "tpu.region"() ({
      %run_scoped3A = tpu.sem_alloc : memref<!tpu.dma_semaphore, #tpu.memory_space<semaphore_mem>>
      %dma_start3A = arith.constant 0 : i32
      %dma_start3A_118 = tpu.memref_slice %arg8[%dma_start3A] : memref<2144xi32, #tpu.memory_space<vmem>> -> memref<64xi32, #tpu.memory_space<vmem>>
      %dma_start3A_119 = tpu.memref_slice %arg4[%add3A_44] : memref<3280896xi32, #tpu.memory_space<hbm>> -> memref<64xi32, #tpu.memory_space<hbm>>
      %dma_start3A_120 = tpu.memref_slice %arg4[%add3A_44] : memref<3280896xi32, #tpu.memory_space<hbm>> -> memref<64xi32, #tpu.memory_space<hbm>>
      %dma_start3A_121 = arith.constant 0 : i32
      %dma_start3A_122 = tpu.memref_slice %arg8[%dma_start3A_121] : memref<2144xi32, #tpu.memory_space<vmem>> -> memref<64xi32, #tpu.memory_space<vmem>>
      tpu.enqueue_dma source(%dma_start3A_122 : memref<64xi32, #tpu.memory_space<vmem>>) target(%dma_start3A_120 : memref<64xi32, #tpu.memory_space<hbm>>) target_semaphore(%run_scoped3A : memref<!tpu.dma_semaphore, #tpu.memory_space<semaphore_mem>>)
      %dma_wait3A = arith.constant 0 : i32
      %dma_wait3A_123 = tpu.memref_slice %arg8[%dma_wait3A] : memref<2144xi32, #tpu.memory_space<vmem>> -> memref<64xi32, #tpu.memory_space<vmem>>
      %dma_wait3A_124 = tpu.memref_slice %arg4[%add3A_44] : memref<3280896xi32, #tpu.memory_space<hbm>> -> memref<64xi32, #tpu.memory_space<hbm>>
      %dma_wait3A_125 = tpu.memref_slice %arg4[%add3A_44] : memref<3280896xi32, #tpu.memory_space<hbm>> -> memref<64xi32, #tpu.memory_space<hbm>>
      %dma_wait3A_126 = arith.constant 0 : i32
      %dma_wait3A_127 = tpu.memref_slice %arg8[%dma_wait3A_126] : memref<2144xi32, #tpu.memory_space<vmem>> -> memref<64xi32, #tpu.memory_space<vmem>>
      tpu.wait_dma2 semaphore(%run_scoped3A : memref<!tpu.dma_semaphore, #tpu.memory_space<semaphore_mem>>) src(%dma_wait3A_127 : memref<64xi32, #tpu.memory_space<vmem>>) dst(%dma_wait3A_125 : memref<64xi32, #tpu.memory_space<hbm>>)
      tpu.yield
    }) : () -> ()
    %mul3A_45 = arith.constant 64 : i32
    %mul3A_46 = arith.muli %scan3A_25#1, %mul3A_45 : i32
    %add3A_47 = arith.addi %mul3A_18, %mul3A_46 : i32
    "tpu.region"() ({
      %run_scoped3A = tpu.sem_alloc : memref<!tpu.dma_semaphore, #tpu.memory_space<semaphore_mem>>
      %dma_start3A = arith.constant 0 : i32
      %dma_start3A_118 = tpu.memref_slice %arg8[%dma_start3A] : memref<2144xi32, #tpu.memory_space<vmem>> -> memref<64xi32, #tpu.memory_space<vmem>>
      %dma_start3A_119 = tpu.memref_slice %arg4[%add3A_47] : memref<3280896xi32, #tpu.memory_space<hbm>> -> memref<64xi32, #tpu.memory_space<hbm>>
      %dma_start3A_120 = tpu.memref_slice %arg4[%add3A_47] : memref<3280896xi32, #tpu.memory_space<hbm>> -> memref<64xi32, #tpu.memory_space<hbm>>
      %dma_start3A_121 = arith.constant 0 : i32
      %dma_start3A_122 = tpu.memref_slice %arg8[%dma_start3A_121] : memref<2144xi32, #tpu.memory_space<vmem>> -> memref<64xi32, #tpu.memory_space<vmem>>
      tpu.enqueue_dma source(%dma_start3A_122 : memref<64xi32, #tpu.memory_space<vmem>>) target(%dma_start3A_120 : memref<64xi32, #tpu.memory_space<hbm>>) target_semaphore(%run_scoped3A : memref<!tpu.dma_semaphore, #tpu.memory_space<semaphore_mem>>)
      %dma_wait3A = arith.constant 0 : i32
      %dma_wait3A_123 = tpu.memref_slice %arg8[%dma_wait3A] : memref<2144xi32, #tpu.memory_space<vmem>> -> memref<64xi32, #tpu.memory_space<vmem>>
      %dma_wait3A_124 = tpu.memref_slice %arg4[%add3A_47] : memref<3280896xi32, #tpu.memory_space<hbm>> -> memref<64xi32, #tpu.memory_space<hbm>>
      %dma_wait3A_125 = tpu.memref_slice %arg4[%add3A_47] : memref<3280896xi32, #tpu.memory_space<hbm>> -> memref<64xi32, #tpu.memory_space<hbm>>
      %dma_wait3A_126 = arith.constant 0 : i32
      %dma_wait3A_127 = tpu.memref_slice %arg8[%dma_wait3A_126] : memref<2144xi32, #tpu.memory_space<vmem>> -> memref<64xi32, #tpu.memory_space<vmem>>
      tpu.wait_dma2 semaphore(%run_scoped3A : memref<!tpu.dma_semaphore, #tpu.memory_space<semaphore_mem>>) src(%dma_wait3A_127 : memref<64xi32, #tpu.memory_space<vmem>>) dst(%dma_wait3A_125 : memref<64xi32, #tpu.memory_space<hbm>>)
      tpu.yield
    }) : () -> ()
    %add3A_48 = arith.constant 1 : i32
    %add3A_49 = arith.addi %scan3A_25#0, %add3A_48 : i32
    %jit3A = arith.constant 2 : i32
    %div3A = arith.divsi %add3A_49, %jit3A : i32
    %sign3A = arith.constant 0 : i32
    %sign3A_50 = arith.cmpi sgt, %add3A_49, %sign3A : i32
    %sign3A_51 = arith.extui %sign3A_50 : i1 to i32
    %sign3A_52 = arith.constant 0 : i32
    %sign3A_53 = arith.cmpi slt, %add3A_49, %sign3A_52 : i32
    %sign3A_54 = arith.extui %sign3A_53 : i1 to i32
    %sign3A_55 = arith.subi %sign3A_51, %sign3A_54 : i32
    %sign3A_56 = arith.constant 0 : i32
    %sign3A_57 = arith.cmpi sgt, %jit3A, %sign3A_56 : i32
    %sign3A_58 = arith.extui %sign3A_57 : i1 to i32
    %sign3A_59 = arith.constant 0 : i32
    %sign3A_60 = arith.cmpi slt, %jit3A, %sign3A_59 : i32
    %sign3A_61 = arith.extui %sign3A_60 : i1 to i32
    %sign3A_62 = arith.subi %sign3A_58, %sign3A_61 : i32
    %ne3A = arith.cmpi ne, %sign3A_55, %sign3A_62 : i32
    %rem3A = arith.remsi %add3A_49, %jit3A : i32
    %ne3A_63 = arith.constant 0 : i32
    %ne3A_64 = arith.cmpi ne, %rem3A, %ne3A_63 : i32
    %and3A = arith.andi %ne3A, %ne3A_64 : i1
    %sub3A = arith.constant 1 : i32
    %sub3A_65 = arith.subi %div3A, %sub3A : i32
    %select_n3A = arith.select %and3A, %sub3A_65, %div3A : i32
    %mul3A_66 = arith.constant 2 : i32
    %mul3A_67 = arith.muli %select_n3A, %mul3A_66 : i32
    %add3A_68 = arith.constant 1 : i32
    %add3A_69 = arith.addi %scan3A_25#1, %add3A_68 : i32
    %jit3A_70 = arith.constant 2 : i32
    %div3A_71 = arith.divsi %add3A_69, %jit3A_70 : i32
    %sign3A_72 = arith.constant 0 : i32
    %sign3A_73 = arith.cmpi sgt, %add3A_69, %sign3A_72 : i32
    %sign3A_74 = arith.extui %sign3A_73 : i1 to i32
    %sign3A_75 = arith.constant 0 : i32
    %sign3A_76 = arith.cmpi slt, %add3A_69, %sign3A_75 : i32
    %sign3A_77 = arith.extui %sign3A_76 : i1 to i32
    %sign3A_78 = arith.subi %sign3A_74, %sign3A_77 : i32
    %sign3A_79 = arith.constant 0 : i32
    %sign3A_80 = arith.cmpi sgt, %jit3A_70, %sign3A_79 : i32
    %sign3A_81 = arith.extui %sign3A_80 : i1 to i32
    %sign3A_82 = arith.constant 0 : i32
    %sign3A_83 = arith.cmpi slt, %jit3A_70, %sign3A_82 : i32
    %sign3A_84 = arith.extui %sign3A_83 : i1 to i32
    %sign3A_85 = arith.subi %sign3A_81, %sign3A_84 : i32
    %ne3A_86 = arith.cmpi ne, %sign3A_78, %sign3A_85 : i32
    %rem3A_87 = arith.remsi %add3A_69, %jit3A_70 : i32
    %ne3A_88 = arith.constant 0 : i32
    %ne3A_89 = arith.cmpi ne, %rem3A_87, %ne3A_88 : i32
    %and3A_90 = arith.andi %ne3A_86, %ne3A_89 : i1
    %sub3A_91 = arith.constant 1 : i32
    %sub3A_92 = arith.subi %div3A_71, %sub3A_91 : i32
    %select_n3A_93 = arith.select %and3A_90, %sub3A_92, %div3A_71 : i32
    %mul3A_94 = arith.constant 2 : i32
    %mul3A_95 = arith.muli %select_n3A_93, %mul3A_94 : i32
    %broadcast_in_dim3A_96 = arith.constant 0 : i32
    %broadcast_in_dim3A_97 = vector.broadcast %broadcast_in_dim3A_96 : i32 to vector<16xi32>
    %add3A_98 = vector.broadcast %mul3A_67 : i32 to vector<16xi32>
    %add3A_99 = arith.addi %broadcast_in_dim3A_97, %add3A_98 : vector<16xi32>
    %swap3A_100 = arith.constant 0 : index
    %swap3A_101 = tpu.vector_load %arg10[%swap3A_100] {strides = array<i32>} : memref<16xi32, #tpu.memory_space<vmem>>, vector<16xi32>,
    %swap3A_102 = vector.shape_cast %swap3A_101 : vector<16xi32> to vector<16xi32>
    %swap3A_103 = vector.shape_cast %add3A_99 : vector<16xi32> to vector<16xi32>
    tpu.vector_store %arg10[%swap3A_100], %swap3A_103 {strides = array<i32>} : memref<16xi32, #tpu.memory_space<vmem>>, vector<16xi32>,
    %mul3A_104 = arith.constant 32 : i32
    %mul3A_105 = arith.muli %add3A, %mul3A_104 : i32
    "tpu.region"() ({
      %run_scoped3A = tpu.sem_alloc : memref<!tpu.dma_semaphore, #tpu.memory_space<semaphore_mem>>
      %dma_start3A = tpu.memref_slice %arg5[%mul3A_105] : memref<1024xi32, #tpu.memory_space<hbm>> -> memref<16xi32, #tpu.memory_space<hbm>>
      %dma_start3A_118 = tpu.memref_slice %arg5[%mul3A_105] : memref<1024xi32, #tpu.memory_space<hbm>> -> memref<16xi32, #tpu.memory_space<hbm>>
      tpu.enqueue_dma source(%arg10 : memref<16xi32, #tpu.memory_space<vmem>>) target(%dma_start3A_118 : memref<16xi32, #tpu.memory_space<hbm>>) target_semaphore(%run_scoped3A : memref<!tpu.dma_semaphore, #tpu.memory_space<semaphore_mem>>)
      %dma_wait3A = tpu.memref_slice %arg5[%mul3A_105] : memref<1024xi32, #tpu.memory_space<hbm>> -> memref<16xi32, #tpu.memory_space<hbm>>
      %dma_wait3A_119 = tpu.memref_slice %arg5[%mul3A_105] : memref<1024xi32, #tpu.memory_space<hbm>> -> memref<16xi32, #tpu.memory_space<hbm>>
      tpu.wait_dma2 semaphore(%run_scoped3A : memref<!tpu.dma_semaphore, #tpu.memory_space<semaphore_mem>>) src(%arg10 : memref<16xi32, #tpu.memory_space<vmem>>) dst(%dma_wait3A_119 : memref<16xi32, #tpu.memory_space<hbm>>)
      tpu.yield
    }) : () -> ()
    %broadcast_in_dim3A_106 = arith.constant 0 : i32
    %broadcast_in_dim3A_107 = vector.broadcast %broadcast_in_dim3A_106 : i32 to vector<16xi32>
    %add3A_108 = vector.broadcast %mul3A_95 : i32 to vector<16xi32>
    %add3A_109 = arith.addi %broadcast_in_dim3A_107, %add3A_108 : vector<16xi32>
    %swap3A_110 = arith.constant 0 : index
    %swap3A_111 = tpu.vector_load %arg10[%swap3A_110] {strides = array<i32>} : memref<16xi32, #tpu.memory_space<vmem>>, vector<16xi32>,
    %swap3A_112 = vector.shape_cast %swap3A_111 : vector<16xi32> to vector<16xi32>
    %swap3A_113 = vector.shape_cast %add3A_109 : vector<16xi32> to vector<16xi32>
    tpu.vector_store %arg10[%swap3A_110], %swap3A_113 {strides = array<i32>} : memref<16xi32, #tpu.memory_space<vmem>>, vector<16xi32>,
    %mul3A_114 = arith.constant 32 : i32
    %mul3A_115 = arith.muli %add3A, %mul3A_114 : i32
    %add3A_116 = arith.constant 16 : i32
    %add3A_117 = arith.addi %mul3A_115, %add3A_116 : i32
    "tpu.region"() ({
      %run_scoped3A = tpu.sem_alloc : memref<!tpu.dma_semaphore, #tpu.memory_space<semaphore_mem>>
      %dma_start3A = tpu.memref_slice %arg5[%add3A_117] : memref<1024xi32, #tpu.memory_space<hbm>> -> memref<16xi32, #tpu.memory_space<hbm>>
      %dma_start3A_118 = tpu.memref_slice %arg5[%add3A_117] : memref<1024xi32, #tpu.memory_space<hbm>> -> memref<16xi32, #tpu.memory_space<hbm>>
      tpu.enqueue_dma source(%arg10 : memref<16xi32, #tpu.memory_space<vmem>>) target(%dma_start3A_118 : memref<16xi32, #tpu.memory_space<hbm>>) target_semaphore(%run_scoped3A : memref<!tpu.dma_semaphore, #tpu.memory_space<semaphore_mem>>)
      %dma_wait3A = tpu.memref_slice %arg5[%add3A_117] : memref<1024xi32, #tpu.memory_space<hbm>> -> memref<16xi32, #tpu.memory_space<hbm>>
      %dma_wait3A_119 = tpu.memref_slice %arg5[%add3A_117] : memref<1024xi32, #tpu.memory_space<hbm>> -> memref<16xi32, #tpu.memory_space<hbm>>
      tpu.wait_dma2 semaphore(%run_scoped3A : memref<!tpu.dma_semaphore, #tpu.memory_space<semaphore_mem>>) src(%arg10 : memref<16xi32, #tpu.memory_space<vmem>>) dst(%dma_wait3A_119 : memref<16xi32, #tpu.memory_space<hbm>>)
      tpu.yield
    }) : () -> ()
    return
  }
}

#map = affine_map<(d0, d1) -> (0)>
#map1 = affine_map<(d0, d1) -> (0, 0)>
module attributes {stable_mosaic.version = 14 : i64} {
  func.func @k(%arg0: i32, %arg1: i32, %arg2: memref<3280896xi32, #tpu.memory_space<hbm>>, %arg3: memref<1024xi32, #tpu.memory_space<hbm>>, %arg4: memref<50176x128xf32, #tpu.memory_space<hbm>>, %arg5: memref<50176x128xf32, #tpu.memory_space<hbm>>, %arg6: memref<64xi32, #tpu.memory_space<vmem>>, %arg7: memref<64xi32, #tpu.memory_space<vmem>>, %arg8: memref<64xi32, #tpu.memory_space<vmem>>, %arg9: memref<64xi32, #tpu.memory_space<vmem>>, %arg10: memref<64xi32, #tpu.memory_space<vmem>>, %arg11: memref<64xi32, #tpu.memory_space<vmem>>, %arg12: memref<64x128xf32, #tpu.memory_space<vmem>>, %arg13: memref<64x128xf32, #tpu.memory_space<vmem>>, %arg14: memref<8x128xf32, #tpu.memory_space<vmem>>, %arg15: memref<16xi32, #tpu.memory_space<vmem>>, %arg16: memref<12800x128xf32, #tpu.memory_space<vmem_shared>>, %arg17: memref<!tpu.dma_semaphore, #tpu.memory_space<semaphore_mem>>, %arg18: memref<!tpu.dma_semaphore, #tpu.memory_space<semaphore_mem>>) attributes {dimension_semantics = [#tpu.dimension_semantics<core_parallel>, #tpu.dimension_semantics<subcore_parallel>], iteration_bounds = array<i64: 2, 16>, scalar_prefetch = 0 : i64, scratch_operands = 13 : i64, tpu.core_type = #tpu.core_type<sc_vector_subcore>, window_params = [{transform_indices = #map}, {transform_indices = #map}, {transform_indices = #map1}, {transform_indices = #map1}]} {
    %mul3A = arith.constant 16 : i32
    %mul3A_0 = arith.muli %arg0, %mul3A : i32
    %add3A = arith.addi %mul3A_0, %arg1 : i32
    %scan3A = arith.constant 0 : i32
    %scan3A_1 = arith.constant 0 : i32
    %scan3A_2 = arith.constant 8 : i32
    %scan3A_3 = arith.addi %scan3A_1, %scan3A_2 : i32
    %scan3A_4 = arith.constant 1 : i32
    %scan3A_5 = scf.for %scan3A_142 = %scan3A_1 to %scan3A_3 step %scan3A_4 iter_args(%scan3A_143 = %scan3A) -> (i32)  : i32 {
      %broadcast_in_dim3A = arith.constant 0.000000e+00 : f32
      %broadcast_in_dim3A_144 = vector.broadcast %broadcast_in_dim3A : f32 to vector<16xf32>
      %swap3A = arith.index_cast %scan3A_142 : i32 to index
      %swap3A_145 = arith.constant 0 : index
      %swap3A_146 = tpu.vector_load %arg14[%swap3A, %swap3A_145] {strides = array<i32>} : memref<8x128xf32, #tpu.memory_space<vmem>>, vector<1x16xf32>,
      %swap3A_147 = vector.shape_cast %swap3A_146 : vector<1x16xf32> to vector<16xf32>
      %swap3A_148 = vector.shape_cast %broadcast_in_dim3A_144 : vector<16xf32> to vector<1x16xf32>
      tpu.vector_store %arg14[%swap3A, %swap3A_145], %swap3A_148 {strides = array<i32>} : memref<8x128xf32, #tpu.memory_space<vmem>>, vector<1x16xf32>,
      %broadcast_in_dim3A_149 = arith.constant 0.000000e+00 : f32
      %broadcast_in_dim3A_150 = vector.broadcast %broadcast_in_dim3A_149 : f32 to vector<16xf32>
      %swap3A_151 = arith.index_cast %scan3A_142 : i32 to index
      %swap3A_152 = arith.constant 16 : index
      %swap3A_153 = tpu.vector_load %arg14[%swap3A_151, %swap3A_152] {strides = array<i32>} : memref<8x128xf32, #tpu.memory_space<vmem>>, vector<1x16xf32>,
      %swap3A_154 = vector.shape_cast %swap3A_153 : vector<1x16xf32> to vector<16xf32>
      %swap3A_155 = vector.shape_cast %broadcast_in_dim3A_150 : vector<16xf32> to vector<1x16xf32>
      tpu.vector_store %arg14[%swap3A_151, %swap3A_152], %swap3A_155 {strides = array<i32>} : memref<8x128xf32, #tpu.memory_space<vmem>>, vector<1x16xf32>,
      %broadcast_in_dim3A_156 = arith.constant 0.000000e+00 : f32
      %broadcast_in_dim3A_157 = vector.broadcast %broadcast_in_dim3A_156 : f32 to vector<16xf32>
      %swap3A_158 = arith.index_cast %scan3A_142 : i32 to index
      %swap3A_159 = arith.constant 32 : index
      %swap3A_160 = tpu.vector_load %arg14[%swap3A_158, %swap3A_159] {strides = array<i32>} : memref<8x128xf32, #tpu.memory_space<vmem>>, vector<1x16xf32>,
      %swap3A_161 = vector.shape_cast %swap3A_160 : vector<1x16xf32> to vector<16xf32>
      %swap3A_162 = vector.shape_cast %broadcast_in_dim3A_157 : vector<16xf32> to vector<1x16xf32>
      tpu.vector_store %arg14[%swap3A_158, %swap3A_159], %swap3A_162 {strides = array<i32>} : memref<8x128xf32, #tpu.memory_space<vmem>>, vector<1x16xf32>,
      %broadcast_in_dim3A_163 = arith.constant 0.000000e+00 : f32
      %broadcast_in_dim3A_164 = vector.broadcast %broadcast_in_dim3A_163 : f32 to vector<16xf32>
      %swap3A_165 = arith.index_cast %scan3A_142 : i32 to index
      %swap3A_166 = arith.constant 48 : index
      %swap3A_167 = tpu.vector_load %arg14[%swap3A_165, %swap3A_166] {strides = array<i32>} : memref<8x128xf32, #tpu.memory_space<vmem>>, vector<1x16xf32>,
      %swap3A_168 = vector.shape_cast %swap3A_167 : vector<1x16xf32> to vector<16xf32>
      %swap3A_169 = vector.shape_cast %broadcast_in_dim3A_164 : vector<16xf32> to vector<1x16xf32>
      tpu.vector_store %arg14[%swap3A_165, %swap3A_166], %swap3A_169 {strides = array<i32>} : memref<8x128xf32, #tpu.memory_space<vmem>>, vector<1x16xf32>,
      %broadcast_in_dim3A_170 = arith.constant 0.000000e+00 : f32
      %broadcast_in_dim3A_171 = vector.broadcast %broadcast_in_dim3A_170 : f32 to vector<16xf32>
      %swap3A_172 = arith.index_cast %scan3A_142 : i32 to index
      %swap3A_173 = arith.constant 64 : index
      %swap3A_174 = tpu.vector_load %arg14[%swap3A_172, %swap3A_173] {strides = array<i32>} : memref<8x128xf32, #tpu.memory_space<vmem>>, vector<1x16xf32>,
      %swap3A_175 = vector.shape_cast %swap3A_174 : vector<1x16xf32> to vector<16xf32>
      %swap3A_176 = vector.shape_cast %broadcast_in_dim3A_171 : vector<16xf32> to vector<1x16xf32>
      tpu.vector_store %arg14[%swap3A_172, %swap3A_173], %swap3A_176 {strides = array<i32>} : memref<8x128xf32, #tpu.memory_space<vmem>>, vector<1x16xf32>,
      %broadcast_in_dim3A_177 = arith.constant 0.000000e+00 : f32
      %broadcast_in_dim3A_178 = vector.broadcast %broadcast_in_dim3A_177 : f32 to vector<16xf32>
      %swap3A_179 = arith.index_cast %scan3A_142 : i32 to index
      %swap3A_180 = arith.constant 80 : index
      %swap3A_181 = tpu.vector_load %arg14[%swap3A_179, %swap3A_180] {strides = array<i32>} : memref<8x128xf32, #tpu.memory_space<vmem>>, vector<1x16xf32>,
      %swap3A_182 = vector.shape_cast %swap3A_181 : vector<1x16xf32> to vector<16xf32>
      %swap3A_183 = vector.shape_cast %broadcast_in_dim3A_178 : vector<16xf32> to vector<1x16xf32>
      tpu.vector_store %arg14[%swap3A_179, %swap3A_180], %swap3A_183 {strides = array<i32>} : memref<8x128xf32, #tpu.memory_space<vmem>>, vector<1x16xf32>,
      %broadcast_in_dim3A_184 = arith.constant 0.000000e+00 : f32
      %broadcast_in_dim3A_185 = vector.broadcast %broadcast_in_dim3A_184 : f32 to vector<16xf32>
      %swap3A_186 = arith.index_cast %scan3A_142 : i32 to index
      %swap3A_187 = arith.constant 96 : index
      %swap3A_188 = tpu.vector_load %arg14[%swap3A_186, %swap3A_187] {strides = array<i32>} : memref<8x128xf32, #tpu.memory_space<vmem>>, vector<1x16xf32>,
      %swap3A_189 = vector.shape_cast %swap3A_188 : vector<1x16xf32> to vector<16xf32>
      %swap3A_190 = vector.shape_cast %broadcast_in_dim3A_185 : vector<16xf32> to vector<1x16xf32>
      tpu.vector_store %arg14[%swap3A_186, %swap3A_187], %swap3A_190 {strides = array<i32>} : memref<8x128xf32, #tpu.memory_space<vmem>>, vector<1x16xf32>,
      %broadcast_in_dim3A_191 = arith.constant 0.000000e+00 : f32
      %broadcast_in_dim3A_192 = vector.broadcast %broadcast_in_dim3A_191 : f32 to vector<16xf32>
      %swap3A_193 = arith.index_cast %scan3A_142 : i32 to index
      %swap3A_194 = arith.constant 112 : index
      %swap3A_195 = tpu.vector_load %arg14[%swap3A_193, %swap3A_194] {strides = array<i32>} : memref<8x128xf32, #tpu.memory_space<vmem>>, vector<1x16xf32>,
      %swap3A_196 = vector.shape_cast %swap3A_195 : vector<1x16xf32> to vector<16xf32>
      %swap3A_197 = vector.shape_cast %broadcast_in_dim3A_192 : vector<16xf32> to vector<1x16xf32>
      tpu.vector_store %arg14[%swap3A_193, %swap3A_194], %swap3A_197 {strides = array<i32>} : memref<8x128xf32, #tpu.memory_space<vmem>>, vector<1x16xf32>,
      %scan3A_198 = arith.constant 0 : i32
      scf.yield %scan3A_198 : i32
    }
    %scan3A_6 = arith.constant 8 : i32
    %mul3A_7 = arith.constant 2 : i32
    %mul3A_8 = arith.muli %arg0, %mul3A_7 : i32
    %add3A_9 = arith.constant 0 : i32
    %add3A_10 = arith.addi %mul3A_8, %add3A_9 : i32
    %mul3A_11 = arith.constant 12544 : i32
    %mul3A_12 = arith.muli %add3A_10, %mul3A_11 : i32
    %scan3A_13 = arith.constant 0 : i32
    %scan3A_14 = arith.constant 0 : i32
    %scan3A_15 = arith.constant 100 : i32
    %scan3A_16 = arith.addi %scan3A_14, %scan3A_15 : i32
    %scan3A_17 = arith.constant 1 : i32
    %scan3A_18 = scf.for %scan3A_142 = %scan3A_14 to %scan3A_16 step %scan3A_17 iter_args(%scan3A_143 = %scan3A_13) -> (i32)  : i32 {
      %mul3A_144 = arith.constant 800 : i32
      %mul3A_145 = arith.muli %arg1, %mul3A_144 : i32
      %mul3A_146 = arith.constant 8 : i32
      %mul3A_147 = arith.muli %scan3A_142, %mul3A_146 : i32
      %add3A_148 = arith.addi %mul3A_145, %mul3A_147 : i32
      "tpu.region"() ({
        %run_scoped3A = tpu.sem_alloc : memref<!tpu.dma_semaphore, #tpu.memory_space<semaphore_mem>>
        %dma_start3A = arith.constant 0 : i32
        %dma_start3A_150 = tpu.memref_slice %arg16[%add3A_148, %dma_start3A] : memref<12800x128xf32, #tpu.memory_space<vmem_shared>> -> memref<8x128xf32, #tpu.memory_space<vmem_shared>>
        %dma_start3A_151 = arith.constant 0 : i32
        %dma_start3A_152 = tpu.memref_slice %arg16[%add3A_148, %dma_start3A_151] : memref<12800x128xf32, #tpu.memory_space<vmem_shared>> -> memref<8x128xf32, #tpu.memory_space<vmem_shared>>
        tpu.enqueue_dma source(%arg14 : memref<8x128xf32, #tpu.memory_space<vmem>>) target(%dma_start3A_152 : memref<8x128xf32, #tpu.memory_space<vmem_shared>>) target_semaphore(%run_scoped3A : memref<!tpu.dma_semaphore, #tpu.memory_space<semaphore_mem>>)
        %dma_wait3A = arith.constant 0 : i32
        %dma_wait3A_153 = tpu.memref_slice %arg16[%add3A_148, %dma_wait3A] : memref<12800x128xf32, #tpu.memory_space<vmem_shared>> -> memref<8x128xf32, #tpu.memory_space<vmem_shared>>
        %dma_wait3A_154 = arith.constant 0 : i32
        %dma_wait3A_155 = tpu.memref_slice %arg16[%add3A_148, %dma_wait3A_154] : memref<12800x128xf32, #tpu.memory_space<vmem_shared>> -> memref<8x128xf32, #tpu.memory_space<vmem_shared>>
        tpu.wait_dma2 semaphore(%run_scoped3A : memref<!tpu.dma_semaphore, #tpu.memory_space<semaphore_mem>>) src(%arg14 : memref<8x128xf32, #tpu.memory_space<vmem>>) dst(%dma_wait3A_155 : memref<8x128xf32, #tpu.memory_space<vmem_shared>>)
        tpu.yield
      }) : () -> ()
      %scan3A_149 = arith.constant 0 : i32
      scf.yield %scan3A_149 : i32
    }
    %scan3A_19 = arith.constant 100 : i32
    %barrier3A = arith.constant 0 : index
    tpu.barrier barrier_id(%barrier3A)
    %mul3A_20 = arith.constant 32 : i32
    %mul3A_21 = arith.muli %add3A, %mul3A_20 : i32
    %add3A_22 = arith.constant 0 : i32
    %add3A_23 = arith.addi %mul3A_21, %add3A_22 : i32
    "tpu.region"() ({
      %run_scoped3A = tpu.sem_alloc : memref<!tpu.dma_semaphore, #tpu.memory_space<semaphore_mem>>
      %dma_start3A = tpu.memref_slice %arg3[%add3A_23] : memref<1024xi32, #tpu.memory_space<hbm>> -> memref<16xi32, #tpu.memory_space<hbm>>
      %dma_start3A_142 = tpu.memref_slice %arg3[%add3A_23] : memref<1024xi32, #tpu.memory_space<hbm>> -> memref<16xi32, #tpu.memory_space<hbm>>
      tpu.enqueue_dma source(%dma_start3A_142 : memref<16xi32, #tpu.memory_space<hbm>>) target(%arg15 : memref<16xi32, #tpu.memory_space<vmem>>) target_semaphore(%run_scoped3A : memref<!tpu.dma_semaphore, #tpu.memory_space<semaphore_mem>>)
      %dma_wait3A = tpu.memref_slice %arg3[%add3A_23] : memref<1024xi32, #tpu.memory_space<hbm>> -> memref<16xi32, #tpu.memory_space<hbm>>
      %dma_wait3A_143 = tpu.memref_slice %arg3[%add3A_23] : memref<1024xi32, #tpu.memory_space<hbm>> -> memref<16xi32, #tpu.memory_space<hbm>>
      tpu.wait_dma2 semaphore(%run_scoped3A : memref<!tpu.dma_semaphore, #tpu.memory_space<semaphore_mem>>) src(%dma_wait3A_143 : memref<16xi32, #tpu.memory_space<hbm>>) dst(%arg15 : memref<16xi32, #tpu.memory_space<vmem>>)
      tpu.yield
    }) : () -> ()
    %get3A = arith.constant 0 : index
    %get3A_24 = tpu.vector_load %arg15[%get3A] {strides = array<i32>} : memref<16xi32, #tpu.memory_space<vmem>>, vector<16xi32>,
    %get3A_25 = vector.shape_cast %get3A_24 : vector<16xi32> to vector<16xi32>
    %slice3A = vector.extract_strided_slice %get3A_25 {offsets = [0], sizes = [1], strides = [1]} : vector<16xi32> to vector<1xi32>
    %squeeze3A = vector.extract %slice3A[0] : i32 from vector<1xi32>
    %mul3A_26 = arith.constant 2 : i32
    %mul3A_27 = arith.muli %add3A, %mul3A_26 : i32
    %add3A_28 = arith.constant 0 : i32
    %add3A_29 = arith.addi %mul3A_27, %add3A_28 : i32
    %mul3A_30 = arith.constant 51264 : i32
    %mul3A_31 = arith.muli %add3A_29, %mul3A_30 : i32
    %jit3A = arith.constant 2 : i32
    %div3A = arith.divsi %squeeze3A, %jit3A : i32
    %sign3A = arith.constant 0 : i32
    %sign3A_32 = arith.cmpi sgt, %squeeze3A, %sign3A : i32
    %sign3A_33 = arith.extui %sign3A_32 : i1 to i32
    %sign3A_34 = arith.constant 0 : i32
    %sign3A_35 = arith.cmpi slt, %squeeze3A, %sign3A_34 : i32
    %sign3A_36 = arith.extui %sign3A_35 : i1 to i32
    %sign3A_37 = arith.subi %sign3A_33, %sign3A_36 : i32
    %sign3A_38 = arith.constant 0 : i32
    %sign3A_39 = arith.cmpi sgt, %jit3A, %sign3A_38 : i32
    %sign3A_40 = arith.extui %sign3A_39 : i1 to i32
    %sign3A_41 = arith.constant 0 : i32
    %sign3A_42 = arith.cmpi slt, %jit3A, %sign3A_41 : i32
    %sign3A_43 = arith.extui %sign3A_42 : i1 to i32
    %sign3A_44 = arith.subi %sign3A_40, %sign3A_43 : i32
    %ne3A = arith.cmpi ne, %sign3A_37, %sign3A_44 : i32
    %rem3A = arith.remsi %squeeze3A, %jit3A : i32
    %ne3A_45 = arith.constant 0 : i32
    %ne3A_46 = arith.cmpi ne, %rem3A, %ne3A_45 : i32
    %and3A = arith.andi %ne3A, %ne3A_46 : i1
    %sub3A = arith.constant 1 : i32
    %sub3A_47 = arith.subi %div3A, %sub3A : i32
    %select_n3A = arith.select %and3A, %sub3A_47, %div3A : i32
    %while3A = arith.constant 0 : i32
    %while3A_48 = arith.constant 0 : i32
    %while3A_49 = arith.subi %select_n3A, %while3A : i32
    %while3A_50 = arith.addi %while3A, %while3A_49 : i32
    %while3A_51 = arith.constant 1 : i32
    %while3A_52 = arith.divsi %while3A_49, %while3A_51 : i32
    %while3A_53 = arith.muli %while3A_52, %while3A_51 : i32
    %while3A_54 = arith.addi %while3A, %while3A_53 : i32
    %while3A_55 = arith.constant 1 : i32
    %while3A_56 = scf.for %while3A_142 = %while3A to %while3A_54 step %while3A_55 iter_args(%while3A_143 = %while3A_48) -> (i32)  : i32 {
      %mul3A_144 = arith.constant 2 : i32
      %mul3A_145 = arith.muli %while3A_142, %mul3A_144 : i32
      %mul3A_146 = arith.constant 64 : i32
      %mul3A_147 = arith.muli %mul3A_145, %mul3A_146 : i32
      %add3A_148 = arith.addi %mul3A_31, %mul3A_147 : i32
      "tpu.region"() ({
        %run_scoped3A = tpu.sem_alloc : memref<!tpu.dma_semaphore, #tpu.memory_space<semaphore_mem>>
        %dma_start3A_299 = tpu.memref_slice %arg2[%add3A_148] : memref<3280896xi32, #tpu.memory_space<hbm>> -> memref<64xi32, #tpu.memory_space<hbm>>
        %dma_start3A_300 = tpu.memref_slice %arg2[%add3A_148] : memref<3280896xi32, #tpu.memory_space<hbm>> -> memref<64xi32, #tpu.memory_space<hbm>>
        tpu.enqueue_dma source(%dma_start3A_300 : memref<64xi32, #tpu.memory_space<hbm>>) target(%arg6 : memref<64xi32, #tpu.memory_space<vmem>>) target_semaphore(%run_scoped3A : memref<!tpu.dma_semaphore, #tpu.memory_space<semaphore_mem>>)
        %dma_wait3A_301 = tpu.memref_slice %arg2[%add3A_148] : memref<3280896xi32, #tpu.memory_space<hbm>> -> memref<64xi32, #tpu.memory_space<hbm>>
        %dma_wait3A_302 = tpu.memref_slice %arg2[%add3A_148] : memref<3280896xi32, #tpu.memory_space<hbm>> -> memref<64xi32, #tpu.memory_space<hbm>>
        tpu.wait_dma2 semaphore(%run_scoped3A : memref<!tpu.dma_semaphore, #tpu.memory_space<semaphore_mem>>) src(%dma_wait3A_302 : memref<64xi32, #tpu.memory_space<hbm>>) dst(%arg6 : memref<64xi32, #tpu.memory_space<vmem>>)
        tpu.yield
      }) : () -> ()
      %get3A_149 = arith.constant 0 : index
      %get3A_150 = tpu.vector_load %arg6[%get3A_149] {strides = array<i32>} : memref<64xi32, #tpu.memory_space<vmem>>, vector<16xi32>,
      %get3A_151 = vector.shape_cast %get3A_150 : vector<16xi32> to vector<16xi32>
      %and3A_152 = arith.constant 65535 : i32
      %and3A_153 = vector.broadcast %and3A_152 : i32 to vector<16xi32>
      %and3A_154 = arith.andi %get3A_151, %and3A_153 : vector<16xi32>
      %swap3A = arith.constant 0 : index
      %swap3A_155 = tpu.vector_load %arg8[%swap3A] {strides = array<i32>} : memref<64xi32, #tpu.memory_space<vmem>>, vector<16xi32>,
      %swap3A_156 = vector.shape_cast %swap3A_155 : vector<16xi32> to vector<16xi32>
      %swap3A_157 = vector.shape_cast %and3A_154 : vector<16xi32> to vector<16xi32>
      tpu.vector_store %arg8[%swap3A], %swap3A_157 {strides = array<i32>} : memref<64xi32, #tpu.memory_space<vmem>>, vector<16xi32>,
      %shift_right_arithmetic3A = arith.constant 16 : i32
      %shift_right_arithmetic3A_158 = vector.broadcast %shift_right_arithmetic3A : i32 to vector<16xi32>
      %shift_right_arithmetic3A_159 = arith.shrsi %get3A_151, %shift_right_arithmetic3A_158 : vector<16xi32>
      %swap3A_160 = arith.constant 0 : index
      %swap3A_161 = tpu.vector_load %arg10[%swap3A_160] {strides = array<i32>} : memref<64xi32, #tpu.memory_space<vmem>>, vector<16xi32>,
      %swap3A_162 = vector.shape_cast %swap3A_161 : vector<16xi32> to vector<16xi32>
      %swap3A_163 = vector.shape_cast %shift_right_arithmetic3A_159 : vector<16xi32> to vector<16xi32>
      tpu.vector_store %arg10[%swap3A_160], %swap3A_163 {strides = array<i32>} : memref<64xi32, #tpu.memory_space<vmem>>, vector<16xi32>,
      %get3A_164 = arith.constant 16 : index
      %get3A_165 = tpu.vector_load %arg6[%get3A_164] {strides = array<i32>} : memref<64xi32, #tpu.memory_space<vmem>>, vector<16xi32>,
      %get3A_166 = vector.shape_cast %get3A_165 : vector<16xi32> to vector<16xi32>
      %and3A_167 = arith.constant 65535 : i32
      %and3A_168 = vector.broadcast %and3A_167 : i32 to vector<16xi32>
      %and3A_169 = arith.andi %get3A_166, %and3A_168 : vector<16xi32>
      %swap3A_170 = arith.constant 16 : index
      %swap3A_171 = tpu.vector_load %arg8[%swap3A_170] {strides = array<i32>} : memref<64xi32, #tpu.memory_space<vmem>>, vector<16xi32>,
      %swap3A_172 = vector.shape_cast %swap3A_171 : vector<16xi32> to vector<16xi32>
      %swap3A_173 = vector.shape_cast %and3A_169 : vector<16xi32> to vector<16xi32>
      tpu.vector_store %arg8[%swap3A_170], %swap3A_173 {strides = array<i32>} : memref<64xi32, #tpu.memory_space<vmem>>, vector<16xi32>,
      %shift_right_arithmetic3A_174 = arith.constant 16 : i32
      %shift_right_arithmetic3A_175 = vector.broadcast %shift_right_arithmetic3A_174 : i32 to vector<16xi32>
      %shift_right_arithmetic3A_176 = arith.shrsi %get3A_166, %shift_right_arithmetic3A_175 : vector<16xi32>
      %swap3A_177 = arith.constant 16 : index
      %swap3A_178 = tpu.vector_load %arg10[%swap3A_177] {strides = array<i32>} : memref<64xi32, #tpu.memory_space<vmem>>, vector<16xi32>,
      %swap3A_179 = vector.shape_cast %swap3A_178 : vector<16xi32> to vector<16xi32>
      %swap3A_180 = vector.shape_cast %shift_right_arithmetic3A_176 : vector<16xi32> to vector<16xi32>
      tpu.vector_store %arg10[%swap3A_177], %swap3A_180 {strides = array<i32>} : memref<64xi32, #tpu.memory_space<vmem>>, vector<16xi32>,
      %get3A_181 = arith.constant 32 : index
      %get3A_182 = tpu.vector_load %arg6[%get3A_181] {strides = array<i32>} : memref<64xi32, #tpu.memory_space<vmem>>, vector<16xi32>,
      %get3A_183 = vector.shape_cast %get3A_182 : vector<16xi32> to vector<16xi32>
      %and3A_184 = arith.constant 65535 : i32
      %and3A_185 = vector.broadcast %and3A_184 : i32 to vector<16xi32>
      %and3A_186 = arith.andi %get3A_183, %and3A_185 : vector<16xi32>
      %swap3A_187 = arith.constant 32 : index
      %swap3A_188 = tpu.vector_load %arg8[%swap3A_187] {strides = array<i32>} : memref<64xi32, #tpu.memory_space<vmem>>, vector<16xi32>,
      %swap3A_189 = vector.shape_cast %swap3A_188 : vector<16xi32> to vector<16xi32>
      %swap3A_190 = vector.shape_cast %and3A_186 : vector<16xi32> to vector<16xi32>
      tpu.vector_store %arg8[%swap3A_187], %swap3A_190 {strides = array<i32>} : memref<64xi32, #tpu.memory_space<vmem>>, vector<16xi32>,
      %shift_right_arithmetic3A_191 = arith.constant 16 : i32
      %shift_right_arithmetic3A_192 = vector.broadcast %shift_right_arithmetic3A_191 : i32 to vector<16xi32>
      %shift_right_arithmetic3A_193 = arith.shrsi %get3A_183, %shift_right_arithmetic3A_192 : vector<16xi32>
      %swap3A_194 = arith.constant 32 : index
      %swap3A_195 = tpu.vector_load %arg10[%swap3A_194] {strides = array<i32>} : memref<64xi32, #tpu.memory_space<vmem>>, vector<16xi32>,
      %swap3A_196 = vector.shape_cast %swap3A_195 : vector<16xi32> to vector<16xi32>
      %swap3A_197 = vector.shape_cast %shift_right_arithmetic3A_193 : vector<16xi32> to vector<16xi32>
      tpu.vector_store %arg10[%swap3A_194], %swap3A_197 {strides = array<i32>} : memref<64xi32, #tpu.memory_space<vmem>>, vector<16xi32>,
      %get3A_198 = arith.constant 48 : index
      %get3A_199 = tpu.vector_load %arg6[%get3A_198] {strides = array<i32>} : memref<64xi32, #tpu.memory_space<vmem>>, vector<16xi32>,
      %get3A_200 = vector.shape_cast %get3A_199 : vector<16xi32> to vector<16xi32>
      %and3A_201 = arith.constant 65535 : i32
      %and3A_202 = vector.broadcast %and3A_201 : i32 to vector<16xi32>
      %and3A_203 = arith.andi %get3A_200, %and3A_202 : vector<16xi32>
      %swap3A_204 = arith.constant 48 : index
      %swap3A_205 = tpu.vector_load %arg8[%swap3A_204] {strides = array<i32>} : memref<64xi32, #tpu.memory_space<vmem>>, vector<16xi32>,
      %swap3A_206 = vector.shape_cast %swap3A_205 : vector<16xi32> to vector<16xi32>
      %swap3A_207 = vector.shape_cast %and3A_203 : vector<16xi32> to vector<16xi32>
      tpu.vector_store %arg8[%swap3A_204], %swap3A_207 {strides = array<i32>} : memref<64xi32, #tpu.memory_space<vmem>>, vector<16xi32>,
      %shift_right_arithmetic3A_208 = arith.constant 16 : i32
      %shift_right_arithmetic3A_209 = vector.broadcast %shift_right_arithmetic3A_208 : i32 to vector<16xi32>
      %shift_right_arithmetic3A_210 = arith.shrsi %get3A_200, %shift_right_arithmetic3A_209 : vector<16xi32>
      %swap3A_211 = arith.constant 48 : index
      %swap3A_212 = tpu.vector_load %arg10[%swap3A_211] {strides = array<i32>} : memref<64xi32, #tpu.memory_space<vmem>>, vector<16xi32>,
      %swap3A_213 = vector.shape_cast %swap3A_212 : vector<16xi32> to vector<16xi32>
      %swap3A_214 = vector.shape_cast %shift_right_arithmetic3A_210 : vector<16xi32> to vector<16xi32>
      tpu.vector_store %arg10[%swap3A_211], %swap3A_214 {strides = array<i32>} : memref<64xi32, #tpu.memory_space<vmem>>, vector<16xi32>,
      %dma_start3A = arith.constant 0 : i32
      %dma_start3A_215 = arith.constant 0 : i32
      %dma_start3A_216 = tpu.memref_slice %arg4[%dma_start3A, %dma_start3A_215] : memref<50176x128xf32, #tpu.memory_space<hbm>> -> memref<50176x128xf32, #tpu.memory_space<hbm>>
      tpu.enqueue_indirect_dma source(%dma_start3A_216 : memref<50176x128xf32, #tpu.memory_space<hbm>>) target(%arg12 : memref<64x128xf32, #tpu.memory_space<vmem>>) offsets(%arg8 : memref<64xi32, #tpu.memory_space<vmem>>) semaphore(%arg17 : memref<!tpu.dma_semaphore, #tpu.memory_space<semaphore_mem>>)
      %mul3A_217 = arith.constant 64 : i32
      %mul3A_218 = arith.muli %mul3A_145, %mul3A_217 : i32
      %add3A_219 = arith.addi %mul3A_31, %mul3A_218 : i32
      %add3A_220 = arith.constant 64 : i32
      %add3A_221 = arith.addi %add3A_219, %add3A_220 : i32
      "tpu.region"() ({
        %run_scoped3A = tpu.sem_alloc : memref<!tpu.dma_semaphore, #tpu.memory_space<semaphore_mem>>
        %dma_start3A_299 = tpu.memref_slice %arg2[%add3A_221] : memref<3280896xi32, #tpu.memory_space<hbm>> -> memref<64xi32, #tpu.memory_space<hbm>>
        %dma_start3A_300 = tpu.memref_slice %arg2[%add3A_221] : memref<3280896xi32, #tpu.memory_space<hbm>> -> memref<64xi32, #tpu.memory_space<hbm>>
        tpu.enqueue_dma source(%dma_start3A_300 : memref<64xi32, #tpu.memory_space<hbm>>) target(%arg7 : memref<64xi32, #tpu.memory_space<vmem>>) target_semaphore(%run_scoped3A : memref<!tpu.dma_semaphore, #tpu.memory_space<semaphore_mem>>)
        %dma_wait3A_301 = tpu.memref_slice %arg2[%add3A_221] : memref<3280896xi32, #tpu.memory_space<hbm>> -> memref<64xi32, #tpu.memory_space<hbm>>
        %dma_wait3A_302 = tpu.memref_slice %arg2[%add3A_221] : memref<3280896xi32, #tpu.memory_space<hbm>> -> memref<64xi32, #tpu.memory_space<hbm>>
        tpu.wait_dma2 semaphore(%run_scoped3A : memref<!tpu.dma_semaphore, #tpu.memory_space<semaphore_mem>>) src(%dma_wait3A_302 : memref<64xi32, #tpu.memory_space<hbm>>) dst(%arg7 : memref<64xi32, #tpu.memory_space<vmem>>)
        tpu.yield
      }) : () -> ()
      %get3A_222 = arith.constant 0 : index
      %get3A_223 = tpu.vector_load %arg7[%get3A_222] {strides = array<i32>} : memref<64xi32, #tpu.memory_space<vmem>>, vector<16xi32>,
      %get3A_224 = vector.shape_cast %get3A_223 : vector<16xi32> to vector<16xi32>
      %and3A_225 = arith.constant 65535 : i32
      %and3A_226 = vector.broadcast %and3A_225 : i32 to vector<16xi32>
      %and3A_227 = arith.andi %get3A_224, %and3A_226 : vector<16xi32>
      %swap3A_228 = arith.constant 0 : index
      %swap3A_229 = tpu.vector_load %arg9[%swap3A_228] {strides = array<i32>} : memref<64xi32, #tpu.memory_space<vmem>>, vector<16xi32>,
      %swap3A_230 = vector.shape_cast %swap3A_229 : vector<16xi32> to vector<16xi32>
      %swap3A_231 = vector.shape_cast %and3A_227 : vector<16xi32> to vector<16xi32>
      tpu.vector_store %arg9[%swap3A_228], %swap3A_231 {strides = array<i32>} : memref<64xi32, #tpu.memory_space<vmem>>, vector<16xi32>,
      %shift_right_arithmetic3A_232 = arith.constant 16 : i32
      %shift_right_arithmetic3A_233 = vector.broadcast %shift_right_arithmetic3A_232 : i32 to vector<16xi32>
      %shift_right_arithmetic3A_234 = arith.shrsi %get3A_224, %shift_right_arithmetic3A_233 : vector<16xi32>
      %swap3A_235 = arith.constant 0 : index
      %swap3A_236 = tpu.vector_load %arg11[%swap3A_235] {strides = array<i32>} : memref<64xi32, #tpu.memory_space<vmem>>, vector<16xi32>,
      %swap3A_237 = vector.shape_cast %swap3A_236 : vector<16xi32> to vector<16xi32>
      %swap3A_238 = vector.shape_cast %shift_right_arithmetic3A_234 : vector<16xi32> to vector<16xi32>
      tpu.vector_store %arg11[%swap3A_235], %swap3A_238 {strides = array<i32>} : memref<64xi32, #tpu.memory_space<vmem>>, vector<16xi32>,
      %get3A_239 = arith.constant 16 : index
      %get3A_240 = tpu.vector_load %arg7[%get3A_239] {strides = array<i32>} : memref<64xi32, #tpu.memory_space<vmem>>, vector<16xi32>,
      %get3A_241 = vector.shape_cast %get3A_240 : vector<16xi32> to vector<16xi32>
      %and3A_242 = arith.constant 65535 : i32
      %and3A_243 = vector.broadcast %and3A_242 : i32 to vector<16xi32>
      %and3A_244 = arith.andi %get3A_241, %and3A_243 : vector<16xi32>
      %swap3A_245 = arith.constant 16 : index
      %swap3A_246 = tpu.vector_load %arg9[%swap3A_245] {strides = array<i32>} : memref<64xi32, #tpu.memory_space<vmem>>, vector<16xi32>,
      %swap3A_247 = vector.shape_cast %swap3A_246 : vector<16xi32> to vector<16xi32>
      %swap3A_248 = vector.shape_cast %and3A_244 : vector<16xi32> to vector<16xi32>
      tpu.vector_store %arg9[%swap3A_245], %swap3A_248 {strides = array<i32>} : memref<64xi32, #tpu.memory_space<vmem>>, vector<16xi32>,
      %shift_right_arithmetic3A_249 = arith.constant 16 : i32
      %shift_right_arithmetic3A_250 = vector.broadcast %shift_right_arithmetic3A_249 : i32 to vector<16xi32>
      %shift_right_arithmetic3A_251 = arith.shrsi %get3A_241, %shift_right_arithmetic3A_250 : vector<16xi32>
      %swap3A_252 = arith.constant 16 : index
      %swap3A_253 = tpu.vector_load %arg11[%swap3A_252] {strides = array<i32>} : memref<64xi32, #tpu.memory_space<vmem>>, vector<16xi32>,
      %swap3A_254 = vector.shape_cast %swap3A_253 : vector<16xi32> to vector<16xi32>
      %swap3A_255 = vector.shape_cast %shift_right_arithmetic3A_251 : vector<16xi32> to vector<16xi32>
      tpu.vector_store %arg11[%swap3A_252], %swap3A_255 {strides = array<i32>} : memref<64xi32, #tpu.memory_space<vmem>>, vector<16xi32>,
      %get3A_256 = arith.constant 32 : index
      %get3A_257 = tpu.vector_load %arg7[%get3A_256] {strides = array<i32>} : memref<64xi32, #tpu.memory_space<vmem>>, vector<16xi32>,
      %get3A_258 = vector.shape_cast %get3A_257 : vector<16xi32> to vector<16xi32>
      %and3A_259 = arith.constant 65535 : i32
      %and3A_260 = vector.broadcast %and3A_259 : i32 to vector<16xi32>
      %and3A_261 = arith.andi %get3A_258, %and3A_260 : vector<16xi32>
      %swap3A_262 = arith.constant 32 : index
      %swap3A_263 = tpu.vector_load %arg9[%swap3A_262] {strides = array<i32>} : memref<64xi32, #tpu.memory_space<vmem>>, vector<16xi32>,
      %swap3A_264 = vector.shape_cast %swap3A_263 : vector<16xi32> to vector<16xi32>
      %swap3A_265 = vector.shape_cast %and3A_261 : vector<16xi32> to vector<16xi32>
      tpu.vector_store %arg9[%swap3A_262], %swap3A_265 {strides = array<i32>} : memref<64xi32, #tpu.memory_space<vmem>>, vector<16xi32>,
      %shift_right_arithmetic3A_266 = arith.constant 16 : i32
      %shift_right_arithmetic3A_267 = vector.broadcast %shift_right_arithmetic3A_266 : i32 to vector<16xi32>
      %shift_right_arithmetic3A_268 = arith.shrsi %get3A_258, %shift_right_arithmetic3A_267 : vector<16xi32>
      %swap3A_269 = arith.constant 32 : index
      %swap3A_270 = tpu.vector_load %arg11[%swap3A_269] {strides = array<i32>} : memref<64xi32, #tpu.memory_space<vmem>>, vector<16xi32>,
      %swap3A_271 = vector.shape_cast %swap3A_270 : vector<16xi32> to vector<16xi32>
      %swap3A_272 = vector.shape_cast %shift_right_arithmetic3A_268 : vector<16xi32> to vector<16xi32>
      tpu.vector_store %arg11[%swap3A_269], %swap3A_272 {strides = array<i32>} : memref<64xi32, #tpu.memory_space<vmem>>, vector<16xi32>,
      %get3A_273 = arith.constant 48 : index
      %get3A_274 = tpu.vector_load %arg7[%get3A_273] {strides = array<i32>} : memref<64xi32, #tpu.memory_space<vmem>>, vector<16xi32>,
      %get3A_275 = vector.shape_cast %get3A_274 : vector<16xi32> to vector<16xi32>
      %and3A_276 = arith.constant 65535 : i32
      %and3A_277 = vector.broadcast %and3A_276 : i32 to vector<16xi32>
      %and3A_278 = arith.andi %get3A_275, %and3A_277 : vector<16xi32>
      %swap3A_279 = arith.constant 48 : index
      %swap3A_280 = tpu.vector_load %arg9[%swap3A_279] {strides = array<i32>} : memref<64xi32, #tpu.memory_space<vmem>>, vector<16xi32>,
      %swap3A_281 = vector.shape_cast %swap3A_280 : vector<16xi32> to vector<16xi32>
      %swap3A_282 = vector.shape_cast %and3A_278 : vector<16xi32> to vector<16xi32>
      tpu.vector_store %arg9[%swap3A_279], %swap3A_282 {strides = array<i32>} : memref<64xi32, #tpu.memory_space<vmem>>, vector<16xi32>,
      %shift_right_arithmetic3A_283 = arith.constant 16 : i32
      %shift_right_arithmetic3A_284 = vector.broadcast %shift_right_arithmetic3A_283 : i32 to vector<16xi32>
      %shift_right_arithmetic3A_285 = arith.shrsi %get3A_275, %shift_right_arithmetic3A_284 : vector<16xi32>
      %swap3A_286 = arith.constant 48 : index
      %swap3A_287 = tpu.vector_load %arg11[%swap3A_286] {strides = array<i32>} : memref<64xi32, #tpu.memory_space<vmem>>, vector<16xi32>,
      %swap3A_288 = vector.shape_cast %swap3A_287 : vector<16xi32> to vector<16xi32>
      %swap3A_289 = vector.shape_cast %shift_right_arithmetic3A_285 : vector<16xi32> to vector<16xi32>
      tpu.vector_store %arg11[%swap3A_286], %swap3A_289 {strides = array<i32>} : memref<64xi32, #tpu.memory_space<vmem>>, vector<16xi32>,
      %dma_start3A_290 = arith.constant 0 : i32
      %dma_start3A_291 = arith.constant 0 : i32
      %dma_start3A_292 = tpu.memref_slice %arg4[%dma_start3A_290, %dma_start3A_291] : memref<50176x128xf32, #tpu.memory_space<hbm>> -> memref<50176x128xf32, #tpu.memory_space<hbm>>
      tpu.enqueue_indirect_dma source(%dma_start3A_292 : memref<50176x128xf32, #tpu.memory_space<hbm>>) target(%arg13 : memref<64x128xf32, #tpu.memory_space<vmem>>) offsets(%arg9 : memref<64xi32, #tpu.memory_space<vmem>>) semaphore(%arg18 : memref<!tpu.dma_semaphore, #tpu.memory_space<semaphore_mem>>)
      %dma_wait3A = arith.constant 0 : i32
      %dma_wait3A_293 = arith.constant 0 : i32
      %dma_wait3A_294 = tpu.memref_slice %arg4[%dma_wait3A, %dma_wait3A_293] : memref<50176x128xf32, #tpu.memory_space<hbm>> -> memref<50176x128xf32, #tpu.memory_space<hbm>>
      tpu.wait_indirect_dma semaphore(%arg17 : memref<!tpu.dma_semaphore, #tpu.memory_space<semaphore_mem>>) src(%dma_wait3A_294 : memref<50176x128xf32, #tpu.memory_space<hbm>>) dst(%arg12 : memref<64x128xf32, #tpu.memory_space<vmem>>)
      "tpu.region"() ({
        %run_scoped3A = tpu.sem_alloc : memref<!tpu.dma_semaphore, #tpu.memory_space<semaphore_mem>>
        %dma_start3A_299 = arith.constant 0 : i32
        %dma_start3A_300 = arith.constant 0 : i32
        %dma_start3A_301 = tpu.memref_slice %arg16[%dma_start3A_299, %dma_start3A_300] : memref<12800x128xf32, #tpu.memory_space<vmem_shared>> -> memref<12800x128xf32, #tpu.memory_space<vmem_shared>>
        tpu.enqueue_indirect_dma source(%arg12 : memref<64x128xf32, #tpu.memory_space<vmem>>) target(%dma_start3A_301 : memref<12800x128xf32, #tpu.memory_space<vmem_shared>>) offsets(%arg10 : memref<64xi32, #tpu.memory_space<vmem>>) semaphore(%run_scoped3A : memref<!tpu.dma_semaphore, #tpu.memory_space<semaphore_mem>>) {add = true}
        %dma_wait3A_302 = arith.constant 0 : i32
        %dma_wait3A_303 = arith.constant 0 : i32
        %dma_wait3A_304 = tpu.memref_slice %arg16[%dma_wait3A_302, %dma_wait3A_303] : memref<12800x128xf32, #tpu.memory_space<vmem_shared>> -> memref<12800x128xf32, #tpu.memory_space<vmem_shared>>
        tpu.wait_indirect_dma semaphore(%run_scoped3A : memref<!tpu.dma_semaphore, #tpu.memory_space<semaphore_mem>>) src(%arg12 : memref<64x128xf32, #tpu.memory_space<vmem>>) dst(%dma_wait3A_304 : memref<12800x128xf32, #tpu.memory_space<vmem_shared>>)
        tpu.yield
      }) : () -> ()
      %dma_wait3A_295 = arith.constant 0 : i32
      %dma_wait3A_296 = arith.constant 0 : i32
      %dma_wait3A_297 = tpu.memref_slice %arg4[%dma_wait3A_295, %dma_wait3A_296] : memref<50176x128xf32, #tpu.memory_space<hbm>> -> memref<50176x128xf32, #tpu.memory_space<hbm>>
      tpu.wait_indirect_dma semaphore(%arg18 : memref<!tpu.dma_semaphore, #tpu.memory_space<semaphore_mem>>) src(%dma_wait3A_297 : memref<50176x128xf32, #tpu.memory_space<hbm>>) dst(%arg13 : memref<64x128xf32, #tpu.memory_space<vmem>>)
      "tpu.region"() ({
        %run_scoped3A = tpu.sem_alloc : memref<!tpu.dma_semaphore, #tpu.memory_space<semaphore_mem>>
        %dma_start3A_299 = arith.constant 0 : i32
        %dma_start3A_300 = arith.constant 0 : i32
        %dma_start3A_301 = tpu.memref_slice %arg16[%dma_start3A_299, %dma_start3A_300] : memref<12800x128xf32, #tpu.memory_space<vmem_shared>> -> memref<12800x128xf32, #tpu.memory_space<vmem_shared>>
        tpu.enqueue_indirect_dma source(%arg13 : memref<64x128xf32, #tpu.memory_space<vmem>>) target(%dma_start3A_301 : memref<12800x128xf32, #tpu.memory_space<vmem_shared>>) offsets(%arg11 : memref<64xi32, #tpu.memory_space<vmem>>) semaphore(%run_scoped3A : memref<!tpu.dma_semaphore, #tpu.memory_space<semaphore_mem>>) {add = true}
        %dma_wait3A_302 = arith.constant 0 : i32
        %dma_wait3A_303 = arith.constant 0 : i32
        %dma_wait3A_304 = tpu.memref_slice %arg16[%dma_wait3A_302, %dma_wait3A_303] : memref<12800x128xf32, #tpu.memory_space<vmem_shared>> -> memref<12800x128xf32, #tpu.memory_space<vmem_shared>>
        tpu.wait_indirect_dma semaphore(%run_scoped3A : memref<!tpu.dma_semaphore, #tpu.memory_space<semaphore_mem>>) src(%arg13 : memref<64x128xf32, #tpu.memory_space<vmem>>) dst(%dma_wait3A_304 : memref<12800x128xf32, #tpu.memory_space<vmem_shared>>)
        tpu.yield
      }) : () -> ()
      %while3A_298 = arith.constant 0 : i32
      scf.yield %while3A_298 : i32
    }
    %while3A_57 = arith.constant 1 : i32
    %while3A_58 = scf.for %while3A_142 = %while3A_54 to %while3A_50 step %while3A_57 iter_args(%while3A_143 = %while3A_56) -> (i32)  : i32 {
      %mul3A_144 = arith.constant 2 : i32
      %mul3A_145 = arith.muli %while3A_142, %mul3A_144 : i32
      %mul3A_146 = arith.constant 64 : i32
      %mul3A_147 = arith.muli %mul3A_145, %mul3A_146 : i32
      %add3A_148 = arith.addi %mul3A_31, %mul3A_147 : i32
      "tpu.region"() ({
        %run_scoped3A = tpu.sem_alloc : memref<!tpu.dma_semaphore, #tpu.memory_space<semaphore_mem>>
        %dma_start3A_299 = tpu.memref_slice %arg2[%add3A_148] : memref<3280896xi32, #tpu.memory_space<hbm>> -> memref<64xi32, #tpu.memory_space<hbm>>
        %dma_start3A_300 = tpu.memref_slice %arg2[%add3A_148] : memref<3280896xi32, #tpu.memory_space<hbm>> -> memref<64xi32, #tpu.memory_space<hbm>>
        tpu.enqueue_dma source(%dma_start3A_300 : memref<64xi32, #tpu.memory_space<hbm>>) target(%arg6 : memref<64xi32, #tpu.memory_space<vmem>>) target_semaphore(%run_scoped3A : memref<!tpu.dma_semaphore, #tpu.memory_space<semaphore_mem>>)
        %dma_wait3A_301 = tpu.memref_slice %arg2[%add3A_148] : memref<3280896xi32, #tpu.memory_space<hbm>> -> memref<64xi32, #tpu.memory_space<hbm>>
        %dma_wait3A_302 = tpu.memref_slice %arg2[%add3A_148] : memref<3280896xi32, #tpu.memory_space<hbm>> -> memref<64xi32, #tpu.memory_space<hbm>>
        tpu.wait_dma2 semaphore(%run_scoped3A : memref<!tpu.dma_semaphore, #tpu.memory_space<semaphore_mem>>) src(%dma_wait3A_302 : memref<64xi32, #tpu.memory_space<hbm>>) dst(%arg6 : memref<64xi32, #tpu.memory_space<vmem>>)
        tpu.yield
      }) : () -> ()
      %get3A_149 = arith.constant 0 : index
      %get3A_150 = tpu.vector_load %arg6[%get3A_149] {strides = array<i32>} : memref<64xi32, #tpu.memory_space<vmem>>, vector<16xi32>,
      %get3A_151 = vector.shape_cast %get3A_150 : vector<16xi32> to vector<16xi32>
      %and3A_152 = arith.constant 65535 : i32
      %and3A_153 = vector.broadcast %and3A_152 : i32 to vector<16xi32>
      %and3A_154 = arith.andi %get3A_151, %and3A_153 : vector<16xi32>
      %swap3A = arith.constant 0 : index
      %swap3A_155 = tpu.vector_load %arg8[%swap3A] {strides = array<i32>} : memref<64xi32, #tpu.memory_space<vmem>>, vector<16xi32>,
      %swap3A_156 = vector.shape_cast %swap3A_155 : vector<16xi32> to vector<16xi32>
      %swap3A_157 = vector.shape_cast %and3A_154 : vector<16xi32> to vector<16xi32>
      tpu.vector_store %arg8[%swap3A], %swap3A_157 {strides = array<i32>} : memref<64xi32, #tpu.memory_space<vmem>>, vector<16xi32>,
      %shift_right_arithmetic3A = arith.constant 16 : i32
      %shift_right_arithmetic3A_158 = vector.broadcast %shift_right_arithmetic3A : i32 to vector<16xi32>
      %shift_right_arithmetic3A_159 = arith.shrsi %get3A_151, %shift_right_arithmetic3A_158 : vector<16xi32>
      %swap3A_160 = arith.constant 0 : index
      %swap3A_161 = tpu.vector_load %arg10[%swap3A_160] {strides = array<i32>} : memref<64xi32, #tpu.memory_space<vmem>>, vector<16xi32>,
      %swap3A_162 = vector.shape_cast %swap3A_161 : vector<16xi32> to vector<16xi32>
      %swap3A_163 = vector.shape_cast %shift_right_arithmetic3A_159 : vector<16xi32> to vector<16xi32>
      tpu.vector_store %arg10[%swap3A_160], %swap3A_163 {strides = array<i32>} : memref<64xi32, #tpu.memory_space<vmem>>, vector<16xi32>,
      %get3A_164 = arith.constant 16 : index
      %get3A_165 = tpu.vector_load %arg6[%get3A_164] {strides = array<i32>} : memref<64xi32, #tpu.memory_space<vmem>>, vector<16xi32>,
      %get3A_166 = vector.shape_cast %get3A_165 : vector<16xi32> to vector<16xi32>
      %and3A_167 = arith.constant 65535 : i32
      %and3A_168 = vector.broadcast %and3A_167 : i32 to vector<16xi32>
      %and3A_169 = arith.andi %get3A_166, %and3A_168 : vector<16xi32>
      %swap3A_170 = arith.constant 16 : index
      %swap3A_171 = tpu.vector_load %arg8[%swap3A_170] {strides = array<i32>} : memref<64xi32, #tpu.memory_space<vmem>>, vector<16xi32>,
      %swap3A_172 = vector.shape_cast %swap3A_171 : vector<16xi32> to vector<16xi32>
      %swap3A_173 = vector.shape_cast %and3A_169 : vector<16xi32> to vector<16xi32>
      tpu.vector_store %arg8[%swap3A_170], %swap3A_173 {strides = array<i32>} : memref<64xi32, #tpu.memory_space<vmem>>, vector<16xi32>,
      %shift_right_arithmetic3A_174 = arith.constant 16 : i32
      %shift_right_arithmetic3A_175 = vector.broadcast %shift_right_arithmetic3A_174 : i32 to vector<16xi32>
      %shift_right_arithmetic3A_176 = arith.shrsi %get3A_166, %shift_right_arithmetic3A_175 : vector<16xi32>
      %swap3A_177 = arith.constant 16 : index
      %swap3A_178 = tpu.vector_load %arg10[%swap3A_177] {strides = array<i32>} : memref<64xi32, #tpu.memory_space<vmem>>, vector<16xi32>,
      %swap3A_179 = vector.shape_cast %swap3A_178 : vector<16xi32> to vector<16xi32>
      %swap3A_180 = vector.shape_cast %shift_right_arithmetic3A_176 : vector<16xi32> to vector<16xi32>
      tpu.vector_store %arg10[%swap3A_177], %swap3A_180 {strides = array<i32>} : memref<64xi32, #tpu.memory_space<vmem>>, vector<16xi32>,
      %get3A_181 = arith.constant 32 : index
      %get3A_182 = tpu.vector_load %arg6[%get3A_181] {strides = array<i32>} : memref<64xi32, #tpu.memory_space<vmem>>, vector<16xi32>,
      %get3A_183 = vector.shape_cast %get3A_182 : vector<16xi32> to vector<16xi32>
      %and3A_184 = arith.constant 65535 : i32
      %and3A_185 = vector.broadcast %and3A_184 : i32 to vector<16xi32>
      %and3A_186 = arith.andi %get3A_183, %and3A_185 : vector<16xi32>
      %swap3A_187 = arith.constant 32 : index
      %swap3A_188 = tpu.vector_load %arg8[%swap3A_187] {strides = array<i32>} : memref<64xi32, #tpu.memory_space<vmem>>, vector<16xi32>,
      %swap3A_189 = vector.shape_cast %swap3A_188 : vector<16xi32> to vector<16xi32>
      %swap3A_190 = vector.shape_cast %and3A_186 : vector<16xi32> to vector<16xi32>
      tpu.vector_store %arg8[%swap3A_187], %swap3A_190 {strides = array<i32>} : memref<64xi32, #tpu.memory_space<vmem>>, vector<16xi32>,
      %shift_right_arithmetic3A_191 = arith.constant 16 : i32
      %shift_right_arithmetic3A_192 = vector.broadcast %shift_right_arithmetic3A_191 : i32 to vector<16xi32>
      %shift_right_arithmetic3A_193 = arith.shrsi %get3A_183, %shift_right_arithmetic3A_192 : vector<16xi32>
      %swap3A_194 = arith.constant 32 : index
      %swap3A_195 = tpu.vector_load %arg10[%swap3A_194] {strides = array<i32>} : memref<64xi32, #tpu.memory_space<vmem>>, vector<16xi32>,
      %swap3A_196 = vector.shape_cast %swap3A_195 : vector<16xi32> to vector<16xi32>
      %swap3A_197 = vector.shape_cast %shift_right_arithmetic3A_193 : vector<16xi32> to vector<16xi32>
      tpu.vector_store %arg10[%swap3A_194], %swap3A_197 {strides = array<i32>} : memref<64xi32, #tpu.memory_space<vmem>>, vector<16xi32>,
      %get3A_198 = arith.constant 48 : index
      %get3A_199 = tpu.vector_load %arg6[%get3A_198] {strides = array<i32>} : memref<64xi32, #tpu.memory_space<vmem>>, vector<16xi32>,
      %get3A_200 = vector.shape_cast %get3A_199 : vector<16xi32> to vector<16xi32>
      %and3A_201 = arith.constant 65535 : i32
      %and3A_202 = vector.broadcast %and3A_201 : i32 to vector<16xi32>
      %and3A_203 = arith.andi %get3A_200, %and3A_202 : vector<16xi32>
      %swap3A_204 = arith.constant 48 : index
      %swap3A_205 = tpu.vector_load %arg8[%swap3A_204] {strides = array<i32>} : memref<64xi32, #tpu.memory_space<vmem>>, vector<16xi32>,
      %swap3A_206 = vector.shape_cast %swap3A_205 : vector<16xi32> to vector<16xi32>
      %swap3A_207 = vector.shape_cast %and3A_203 : vector<16xi32> to vector<16xi32>
      tpu.vector_store %arg8[%swap3A_204], %swap3A_207 {strides = array<i32>} : memref<64xi32, #tpu.memory_space<vmem>>, vector<16xi32>,
      %shift_right_arithmetic3A_208 = arith.constant 16 : i32
      %shift_right_arithmetic3A_209 = vector.broadcast %shift_right_arithmetic3A_208 : i32 to vector<16xi32>
      %shift_right_arithmetic3A_210 = arith.shrsi %get3A_200, %shift_right_arithmetic3A_209 : vector<16xi32>
      %swap3A_211 = arith.constant 48 : index
      %swap3A_212 = tpu.vector_load %arg10[%swap3A_211] {strides = array<i32>} : memref<64xi32, #tpu.memory_space<vmem>>, vector<16xi32>,
      %swap3A_213 = vector.shape_cast %swap3A_212 : vector<16xi32> to vector<16xi32>
      %swap3A_214 = vector.shape_cast %shift_right_arithmetic3A_210 : vector<16xi32> to vector<16xi32>
      tpu.vector_store %arg10[%swap3A_211], %swap3A_214 {strides = array<i32>} : memref<64xi32, #tpu.memory_space<vmem>>, vector<16xi32>,
      %dma_start3A = arith.constant 0 : i32
      %dma_start3A_215 = arith.constant 0 : i32
      %dma_start3A_216 = tpu.memref_slice %arg4[%dma_start3A, %dma_start3A_215] : memref<50176x128xf32, #tpu.memory_space<hbm>> -> memref<50176x128xf32, #tpu.memory_space<hbm>>
      tpu.enqueue_indirect_dma source(%dma_start3A_216 : memref<50176x128xf32, #tpu.memory_space<hbm>>) target(%arg12 : memref<64x128xf32, #tpu.memory_space<vmem>>) offsets(%arg8 : memref<64xi32, #tpu.memory_space<vmem>>) semaphore(%arg17 : memref<!tpu.dma_semaphore, #tpu.memory_space<semaphore_mem>>)
      %mul3A_217 = arith.constant 64 : i32
      %mul3A_218 = arith.muli %mul3A_145, %mul3A_217 : i32
      %add3A_219 = arith.addi %mul3A_31, %mul3A_218 : i32
      %add3A_220 = arith.constant 64 : i32
      %add3A_221 = arith.addi %add3A_219, %add3A_220 : i32
      "tpu.region"() ({
        %run_scoped3A = tpu.sem_alloc : memref<!tpu.dma_semaphore, #tpu.memory_space<semaphore_mem>>
        %dma_start3A_299 = tpu.memref_slice %arg2[%add3A_221] : memref<3280896xi32, #tpu.memory_space<hbm>> -> memref<64xi32, #tpu.memory_space<hbm>>
        %dma_start3A_300 = tpu.memref_slice %arg2[%add3A_221] : memref<3280896xi32, #tpu.memory_space<hbm>> -> memref<64xi32, #tpu.memory_space<hbm>>
        tpu.enqueue_dma source(%dma_start3A_300 : memref<64xi32, #tpu.memory_space<hbm>>) target(%arg7 : memref<64xi32, #tpu.memory_space<vmem>>) target_semaphore(%run_scoped3A : memref<!tpu.dma_semaphore, #tpu.memory_space<semaphore_mem>>)
        %dma_wait3A_301 = tpu.memref_slice %arg2[%add3A_221] : memref<3280896xi32, #tpu.memory_space<hbm>> -> memref<64xi32, #tpu.memory_space<hbm>>
        %dma_wait3A_302 = tpu.memref_slice %arg2[%add3A_221] : memref<3280896xi32, #tpu.memory_space<hbm>> -> memref<64xi32, #tpu.memory_space<hbm>>
        tpu.wait_dma2 semaphore(%run_scoped3A : memref<!tpu.dma_semaphore, #tpu.memory_space<semaphore_mem>>) src(%dma_wait3A_302 : memref<64xi32, #tpu.memory_space<hbm>>) dst(%arg7 : memref<64xi32, #tpu.memory_space<vmem>>)
        tpu.yield
      }) : () -> ()
      %get3A_222 = arith.constant 0 : index
      %get3A_223 = tpu.vector_load %arg7[%get3A_222] {strides = array<i32>} : memref<64xi32, #tpu.memory_space<vmem>>, vector<16xi32>,
      %get3A_224 = vector.shape_cast %get3A_223 : vector<16xi32> to vector<16xi32>
      %and3A_225 = arith.constant 65535 : i32
      %and3A_226 = vector.broadcast %and3A_225 : i32 to vector<16xi32>
      %and3A_227 = arith.andi %get3A_224, %and3A_226 : vector<16xi32>
      %swap3A_228 = arith.constant 0 : index
      %swap3A_229 = tpu.vector_load %arg9[%swap3A_228] {strides = array<i32>} : memref<64xi32, #tpu.memory_space<vmem>>, vector<16xi32>,
      %swap3A_230 = vector.shape_cast %swap3A_229 : vector<16xi32> to vector<16xi32>
      %swap3A_231 = vector.shape_cast %and3A_227 : vector<16xi32> to vector<16xi32>
      tpu.vector_store %arg9[%swap3A_228], %swap3A_231 {strides = array<i32>} : memref<64xi32, #tpu.memory_space<vmem>>, vector<16xi32>,
      %shift_right_arithmetic3A_232 = arith.constant 16 : i32
      %shift_right_arithmetic3A_233 = vector.broadcast %shift_right_arithmetic3A_232 : i32 to vector<16xi32>
      %shift_right_arithmetic3A_234 = arith.shrsi %get3A_224, %shift_right_arithmetic3A_233 : vector<16xi32>
      %swap3A_235 = arith.constant 0 : index
      %swap3A_236 = tpu.vector_load %arg11[%swap3A_235] {strides = array<i32>} : memref<64xi32, #tpu.memory_space<vmem>>, vector<16xi32>,
      %swap3A_237 = vector.shape_cast %swap3A_236 : vector<16xi32> to vector<16xi32>
      %swap3A_238 = vector.shape_cast %shift_right_arithmetic3A_234 : vector<16xi32> to vector<16xi32>
      tpu.vector_store %arg11[%swap3A_235], %swap3A_238 {strides = array<i32>} : memref<64xi32, #tpu.memory_space<vmem>>, vector<16xi32>,
      %get3A_239 = arith.constant 16 : index
      %get3A_240 = tpu.vector_load %arg7[%get3A_239] {strides = array<i32>} : memref<64xi32, #tpu.memory_space<vmem>>, vector<16xi32>,
      %get3A_241 = vector.shape_cast %get3A_240 : vector<16xi32> to vector<16xi32>
      %and3A_242 = arith.constant 65535 : i32
      %and3A_243 = vector.broadcast %and3A_242 : i32 to vector<16xi32>
      %and3A_244 = arith.andi %get3A_241, %and3A_243 : vector<16xi32>
      %swap3A_245 = arith.constant 16 : index
      %swap3A_246 = tpu.vector_load %arg9[%swap3A_245] {strides = array<i32>} : memref<64xi32, #tpu.memory_space<vmem>>, vector<16xi32>,
      %swap3A_247 = vector.shape_cast %swap3A_246 : vector<16xi32> to vector<16xi32>
      %swap3A_248 = vector.shape_cast %and3A_244 : vector<16xi32> to vector<16xi32>
      tpu.vector_store %arg9[%swap3A_245], %swap3A_248 {strides = array<i32>} : memref<64xi32, #tpu.memory_space<vmem>>, vector<16xi32>,
      %shift_right_arithmetic3A_249 = arith.constant 16 : i32
      %shift_right_arithmetic3A_250 = vector.broadcast %shift_right_arithmetic3A_249 : i32 to vector<16xi32>
      %shift_right_arithmetic3A_251 = arith.shrsi %get3A_241, %shift_right_arithmetic3A_250 : vector<16xi32>
      %swap3A_252 = arith.constant 16 : index
      %swap3A_253 = tpu.vector_load %arg11[%swap3A_252] {strides = array<i32>} : memref<64xi32, #tpu.memory_space<vmem>>, vector<16xi32>,
      %swap3A_254 = vector.shape_cast %swap3A_253 : vector<16xi32> to vector<16xi32>
      %swap3A_255 = vector.shape_cast %shift_right_arithmetic3A_251 : vector<16xi32> to vector<16xi32>
      tpu.vector_store %arg11[%swap3A_252], %swap3A_255 {strides = array<i32>} : memref<64xi32, #tpu.memory_space<vmem>>, vector<16xi32>,
      %get3A_256 = arith.constant 32 : index
      %get3A_257 = tpu.vector_load %arg7[%get3A_256] {strides = array<i32>} : memref<64xi32, #tpu.memory_space<vmem>>, vector<16xi32>,
      %get3A_258 = vector.shape_cast %get3A_257 : vector<16xi32> to vector<16xi32>
      %and3A_259 = arith.constant 65535 : i32
      %and3A_260 = vector.broadcast %and3A_259 : i32 to vector<16xi32>
      %and3A_261 = arith.andi %get3A_258, %and3A_260 : vector<16xi32>
      %swap3A_262 = arith.constant 32 : index
      %swap3A_263 = tpu.vector_load %arg9[%swap3A_262] {strides = array<i32>} : memref<64xi32, #tpu.memory_space<vmem>>, vector<16xi32>,
      %swap3A_264 = vector.shape_cast %swap3A_263 : vector<16xi32> to vector<16xi32>
      %swap3A_265 = vector.shape_cast %and3A_261 : vector<16xi32> to vector<16xi32>
      tpu.vector_store %arg9[%swap3A_262], %swap3A_265 {strides = array<i32>} : memref<64xi32, #tpu.memory_space<vmem>>, vector<16xi32>,
      %shift_right_arithmetic3A_266 = arith.constant 16 : i32
      %shift_right_arithmetic3A_267 = vector.broadcast %shift_right_arithmetic3A_266 : i32 to vector<16xi32>
      %shift_right_arithmetic3A_268 = arith.shrsi %get3A_258, %shift_right_arithmetic3A_267 : vector<16xi32>
      %swap3A_269 = arith.constant 32 : index
      %swap3A_270 = tpu.vector_load %arg11[%swap3A_269] {strides = array<i32>} : memref<64xi32, #tpu.memory_space<vmem>>, vector<16xi32>,
      %swap3A_271 = vector.shape_cast %swap3A_270 : vector<16xi32> to vector<16xi32>
      %swap3A_272 = vector.shape_cast %shift_right_arithmetic3A_268 : vector<16xi32> to vector<16xi32>
      tpu.vector_store %arg11[%swap3A_269], %swap3A_272 {strides = array<i32>} : memref<64xi32, #tpu.memory_space<vmem>>, vector<16xi32>,
      %get3A_273 = arith.constant 48 : index
      %get3A_274 = tpu.vector_load %arg7[%get3A_273] {strides = array<i32>} : memref<64xi32, #tpu.memory_space<vmem>>, vector<16xi32>,
      %get3A_275 = vector.shape_cast %get3A_274 : vector<16xi32> to vector<16xi32>
      %and3A_276 = arith.constant 65535 : i32
      %and3A_277 = vector.broadcast %and3A_276 : i32 to vector<16xi32>
      %and3A_278 = arith.andi %get3A_275, %and3A_277 : vector<16xi32>
      %swap3A_279 = arith.constant 48 : index
      %swap3A_280 = tpu.vector_load %arg9[%swap3A_279] {strides = array<i32>} : memref<64xi32, #tpu.memory_space<vmem>>, vector<16xi32>,
      %swap3A_281 = vector.shape_cast %swap3A_280 : vector<16xi32> to vector<16xi32>
      %swap3A_282 = vector.shape_cast %and3A_278 : vector<16xi32> to vector<16xi32>
      tpu.vector_store %arg9[%swap3A_279], %swap3A_282 {strides = array<i32>} : memref<64xi32, #tpu.memory_space<vmem>>, vector<16xi32>,
      %shift_right_arithmetic3A_283 = arith.constant 16 : i32
      %shift_right_arithmetic3A_284 = vector.broadcast %shift_right_arithmetic3A_283 : i32 to vector<16xi32>
      %shift_right_arithmetic3A_285 = arith.shrsi %get3A_275, %shift_right_arithmetic3A_284 : vector<16xi32>
      %swap3A_286 = arith.constant 48 : index
      %swap3A_287 = tpu.vector_load %arg11[%swap3A_286] {strides = array<i32>} : memref<64xi32, #tpu.memory_space<vmem>>, vector<16xi32>,
      %swap3A_288 = vector.shape_cast %swap3A_287 : vector<16xi32> to vector<16xi32>
      %swap3A_289 = vector.shape_cast %shift_right_arithmetic3A_285 : vector<16xi32> to vector<16xi32>
      tpu.vector_store %arg11[%swap3A_286], %swap3A_289 {strides = array<i32>} : memref<64xi32, #tpu.memory_space<vmem>>, vector<16xi32>,
      %dma_start3A_290 = arith.constant 0 : i32
      %dma_start3A_291 = arith.constant 0 : i32
      %dma_start3A_292 = tpu.memref_slice %arg4[%dma_start3A_290, %dma_start3A_291] : memref<50176x128xf32, #tpu.memory_space<hbm>> -> memref<50176x128xf32, #tpu.memory_space<hbm>>
      tpu.enqueue_indirect_dma source(%dma_start3A_292 : memref<50176x128xf32, #tpu.memory_space<hbm>>) target(%arg13 : memref<64x128xf32, #tpu.memory_space<vmem>>) offsets(%arg9 : memref<64xi32, #tpu.memory_space<vmem>>) semaphore(%arg18 : memref<!tpu.dma_semaphore, #tpu.memory_space<semaphore_mem>>)
      %dma_wait3A = arith.constant 0 : i32
      %dma_wait3A_293 = arith.constant 0 : i32
      %dma_wait3A_294 = tpu.memref_slice %arg4[%dma_wait3A, %dma_wait3A_293] : memref<50176x128xf32, #tpu.memory_space<hbm>> -> memref<50176x128xf32, #tpu.memory_space<hbm>>
      tpu.wait_indirect_dma semaphore(%arg17 : memref<!tpu.dma_semaphore, #tpu.memory_space<semaphore_mem>>) src(%dma_wait3A_294 : memref<50176x128xf32, #tpu.memory_space<hbm>>) dst(%arg12 : memref<64x128xf32, #tpu.memory_space<vmem>>)
      "tpu.region"() ({
        %run_scoped3A = tpu.sem_alloc : memref<!tpu.dma_semaphore, #tpu.memory_space<semaphore_mem>>
        %dma_start3A_299 = arith.constant 0 : i32
        %dma_start3A_300 = arith.constant 0 : i32
        %dma_start3A_301 = tpu.memref_slice %arg16[%dma_start3A_299, %dma_start3A_300] : memref<12800x128xf32, #tpu.memory_space<vmem_shared>> -> memref<12800x128xf32, #tpu.memory_space<vmem_shared>>
        tpu.enqueue_indirect_dma source(%arg12 : memref<64x128xf32, #tpu.memory_space<vmem>>) target(%dma_start3A_301 : memref<12800x128xf32, #tpu.memory_space<vmem_shared>>) offsets(%arg10 : memref<64xi32, #tpu.memory_space<vmem>>) semaphore(%run_scoped3A : memref<!tpu.dma_semaphore, #tpu.memory_space<semaphore_mem>>) {add = true}
        %dma_wait3A_302 = arith.constant 0 : i32
        %dma_wait3A_303 = arith.constant 0 : i32
        %dma_wait3A_304 = tpu.memref_slice %arg16[%dma_wait3A_302, %dma_wait3A_303] : memref<12800x128xf32, #tpu.memory_space<vmem_shared>> -> memref<12800x128xf32, #tpu.memory_space<vmem_shared>>
        tpu.wait_indirect_dma semaphore(%run_scoped3A : memref<!tpu.dma_semaphore, #tpu.memory_space<semaphore_mem>>) src(%arg12 : memref<64x128xf32, #tpu.memory_space<vmem>>) dst(%dma_wait3A_304 : memref<12800x128xf32, #tpu.memory_space<vmem_shared>>)
        tpu.yield
      }) : () -> ()
      %dma_wait3A_295 = arith.constant 0 : i32
      %dma_wait3A_296 = arith.constant 0 : i32
      %dma_wait3A_297 = tpu.memref_slice %arg4[%dma_wait3A_295, %dma_wait3A_296] : memref<50176x128xf32, #tpu.memory_space<hbm>> -> memref<50176x128xf32, #tpu.memory_space<hbm>>
      tpu.wait_indirect_dma semaphore(%arg18 : memref<!tpu.dma_semaphore, #tpu.memory_space<semaphore_mem>>) src(%dma_wait3A_297 : memref<50176x128xf32, #tpu.memory_space<hbm>>) dst(%arg13 : memref<64x128xf32, #tpu.memory_space<vmem>>)
      "tpu.region"() ({
        %run_scoped3A = tpu.sem_alloc : memref<!tpu.dma_semaphore, #tpu.memory_space<semaphore_mem>>
        %dma_start3A_299 = arith.constant 0 : i32
        %dma_start3A_300 = arith.constant 0 : i32
        %dma_start3A_301 = tpu.memref_slice %arg16[%dma_start3A_299, %dma_start3A_300] : memref<12800x128xf32, #tpu.memory_space<vmem_shared>> -> memref<12800x128xf32, #tpu.memory_space<vmem_shared>>
        tpu.enqueue_indirect_dma source(%arg13 : memref<64x128xf32, #tpu.memory_space<vmem>>) target(%dma_start3A_301 : memref<12800x128xf32, #tpu.memory_space<vmem_shared>>) offsets(%arg11 : memref<64xi32, #tpu.memory_space<vmem>>) semaphore(%run_scoped3A : memref<!tpu.dma_semaphore, #tpu.memory_space<semaphore_mem>>) {add = true}
        %dma_wait3A_302 = arith.constant 0 : i32
        %dma_wait3A_303 = arith.constant 0 : i32
        %dma_wait3A_304 = tpu.memref_slice %arg16[%dma_wait3A_302, %dma_wait3A_303] : memref<12800x128xf32, #tpu.memory_space<vmem_shared>> -> memref<12800x128xf32, #tpu.memory_space<vmem_shared>>
        tpu.wait_indirect_dma semaphore(%run_scoped3A : memref<!tpu.dma_semaphore, #tpu.memory_space<semaphore_mem>>) src(%arg13 : memref<64x128xf32, #tpu.memory_space<vmem>>) dst(%dma_wait3A_304 : memref<12800x128xf32, #tpu.memory_space<vmem_shared>>)
        tpu.yield
      }) : () -> ()
      %while3A_298 = arith.constant 0 : i32
      scf.yield %while3A_298 : i32
    }
    %barrier3A_59 = arith.constant 0 : index
    tpu.barrier barrier_id(%barrier3A_59)
    %scan3A_60 = arith.constant 0 : i32
    %scan3A_61 = arith.constant 0 : i32
    %scan3A_62 = arith.constant 14 : i32
    %scan3A_63 = arith.addi %scan3A_61, %scan3A_62 : i32
    %scan3A_64 = arith.constant 1 : i32
    %scan3A_65 = scf.for %scan3A_142 = %scan3A_61 to %scan3A_63 step %scan3A_64 iter_args(%scan3A_143 = %scan3A_60) -> (i32)  : i32 {
      %mul3A_144 = arith.constant 784 : i32
      %mul3A_145 = arith.muli %arg1, %mul3A_144 : i32
      %mul3A_146 = arith.constant 56 : i32
      %mul3A_147 = arith.muli %scan3A_142, %mul3A_146 : i32
      %add3A_148 = arith.addi %mul3A_145, %mul3A_147 : i32
      "tpu.region"() ({
        %run_scoped3A = tpu.sem_alloc : memref<!tpu.dma_semaphore, #tpu.memory_space<semaphore_mem>>
        %dma_start3A = arith.constant 0 : i32
        %dma_start3A_156 = arith.constant 0 : i32
        %dma_start3A_157 = tpu.memref_slice %arg12[%dma_start3A, %dma_start3A_156] : memref<64x128xf32, #tpu.memory_space<vmem>> -> memref<56x128xf32, #tpu.memory_space<vmem>>
        %dma_start3A_158 = arith.constant 0 : i32
        %dma_start3A_159 = tpu.memref_slice %arg16[%add3A_148, %dma_start3A_158] : memref<12800x128xf32, #tpu.memory_space<vmem_shared>> -> memref<56x128xf32, #tpu.memory_space<vmem_shared>>
        %dma_start3A_160 = arith.constant 0 : i32
        %dma_start3A_161 = arith.constant 0 : i32
        %dma_start3A_162 = tpu.memref_slice %arg12[%dma_start3A_160, %dma_start3A_161] : memref<64x128xf32, #tpu.memory_space<vmem>> -> memref<56x128xf32, #tpu.memory_space<vmem>>
        %dma_start3A_163 = arith.constant 0 : i32
        %dma_start3A_164 = tpu.memref_slice %arg16[%add3A_148, %dma_start3A_163] : memref<12800x128xf32, #tpu.memory_space<vmem_shared>> -> memref<56x128xf32, #tpu.memory_space<vmem_shared>>
        tpu.enqueue_dma source(%dma_start3A_164 : memref<56x128xf32, #tpu.memory_space<vmem_shared>>) target(%dma_start3A_162 : memref<56x128xf32, #tpu.memory_space<vmem>>) target_semaphore(%run_scoped3A : memref<!tpu.dma_semaphore, #tpu.memory_space<semaphore_mem>>)
        %dma_wait3A = arith.constant 0 : i32
        %dma_wait3A_165 = arith.constant 0 : i32
        %dma_wait3A_166 = tpu.memref_slice %arg12[%dma_wait3A, %dma_wait3A_165] : memref<64x128xf32, #tpu.memory_space<vmem>> -> memref<56x128xf32, #tpu.memory_space<vmem>>
        %dma_wait3A_167 = arith.constant 0 : i32
        %dma_wait3A_168 = tpu.memref_slice %arg16[%add3A_148, %dma_wait3A_167] : memref<12800x128xf32, #tpu.memory_space<vmem_shared>> -> memref<56x128xf32, #tpu.memory_space<vmem_shared>>
        %dma_wait3A_169 = arith.constant 0 : i32
        %dma_wait3A_170 = arith.constant 0 : i32
        %dma_wait3A_171 = tpu.memref_slice %arg12[%dma_wait3A_169, %dma_wait3A_170] : memref<64x128xf32, #tpu.memory_space<vmem>> -> memref<56x128xf32, #tpu.memory_space<vmem>>
        %dma_wait3A_172 = arith.constant 0 : i32
        %dma_wait3A_173 = tpu.memref_slice %arg16[%add3A_148, %dma_wait3A_172] : memref<12800x128xf32, #tpu.memory_space<vmem_shared>> -> memref<56x128xf32, #tpu.memory_space<vmem_shared>>
        tpu.wait_dma2 semaphore(%run_scoped3A : memref<!tpu.dma_semaphore, #tpu.memory_space<semaphore_mem>>) src(%dma_wait3A_173 : memref<56x128xf32, #tpu.memory_space<vmem_shared>>) dst(%dma_wait3A_171 : memref<56x128xf32, #tpu.memory_space<vmem>>)
        tpu.yield
      }) : () -> ()
      %mul3A_149 = arith.constant 784 : i32
      %mul3A_150 = arith.muli %arg1, %mul3A_149 : i32
      %add3A_151 = arith.addi %mul3A_12, %mul3A_150 : i32
      %mul3A_152 = arith.constant 56 : i32
      %mul3A_153 = arith.muli %scan3A_142, %mul3A_152 : i32
      %add3A_154 = arith.addi %add3A_151, %mul3A_153 : i32
      "tpu.region"() ({
        %run_scoped3A = tpu.sem_alloc : memref<!tpu.dma_semaphore, #tpu.memory_space<semaphore_mem>>
        %dma_start3A = arith.constant 0 : i32
        %dma_start3A_156 = arith.constant 0 : i32
        %dma_start3A_157 = tpu.memref_slice %arg12[%dma_start3A, %dma_start3A_156] : memref<64x128xf32, #tpu.memory_space<vmem>> -> memref<56x128xf32, #tpu.memory_space<vmem>>
        %dma_start3A_158 = arith.constant 0 : i32
        %dma_start3A_159 = tpu.memref_slice %arg5[%add3A_154, %dma_start3A_158] : memref<50176x128xf32, #tpu.memory_space<hbm>> -> memref<56x128xf32, #tpu.memory_space<hbm>>
        %dma_start3A_160 = arith.constant 0 : i32
        %dma_start3A_161 = tpu.memref_slice %arg5[%add3A_154, %dma_start3A_160] : memref<50176x128xf32, #tpu.memory_space<hbm>> -> memref<56x128xf32, #tpu.memory_space<hbm>>
        %dma_start3A_162 = arith.constant 0 : i32
        %dma_start3A_163 = arith.constant 0 : i32
        %dma_start3A_164 = tpu.memref_slice %arg12[%dma_start3A_162, %dma_start3A_163] : memref<64x128xf32, #tpu.memory_space<vmem>> -> memref<56x128xf32, #tpu.memory_space<vmem>>
        tpu.enqueue_dma source(%dma_start3A_164 : memref<56x128xf32, #tpu.memory_space<vmem>>) target(%dma_start3A_161 : memref<56x128xf32, #tpu.memory_space<hbm>>) target_semaphore(%run_scoped3A : memref<!tpu.dma_semaphore, #tpu.memory_space<semaphore_mem>>)
        %dma_wait3A = arith.constant 0 : i32
        %dma_wait3A_165 = arith.constant 0 : i32
        %dma_wait3A_166 = tpu.memref_slice %arg12[%dma_wait3A, %dma_wait3A_165] : memref<64x128xf32, #tpu.memory_space<vmem>> -> memref<56x128xf32, #tpu.memory_space<vmem>>
        %dma_wait3A_167 = arith.constant 0 : i32
        %dma_wait3A_168 = tpu.memref_slice %arg5[%add3A_154, %dma_wait3A_167] : memref<50176x128xf32, #tpu.memory_space<hbm>> -> memref<56x128xf32, #tpu.memory_space<hbm>>
        %dma_wait3A_169 = arith.constant 0 : i32
        %dma_wait3A_170 = tpu.memref_slice %arg5[%add3A_154, %dma_wait3A_169] : memref<50176x128xf32, #tpu.memory_space<hbm>> -> memref<56x128xf32, #tpu.memory_space<hbm>>
        %dma_wait3A_171 = arith.constant 0 : i32
        %dma_wait3A_172 = arith.constant 0 : i32
        %dma_wait3A_173 = tpu.memref_slice %arg12[%dma_wait3A_171, %dma_wait3A_172] : memref<64x128xf32, #tpu.memory_space<vmem>> -> memref<56x128xf32, #tpu.memory_space<vmem>>
        tpu.wait_dma2 semaphore(%run_scoped3A : memref<!tpu.dma_semaphore, #tpu.memory_space<semaphore_mem>>) src(%dma_wait3A_173 : memref<56x128xf32, #tpu.memory_space<vmem>>) dst(%dma_wait3A_170 : memref<56x128xf32, #tpu.memory_space<hbm>>)
        tpu.yield
      }) : () -> ()
      %scan3A_155 = arith.constant 0 : i32
      scf.yield %scan3A_155 : i32
    }
    %scan3A_66 = arith.constant 14 : i32
    %barrier3A_67 = arith.constant 0 : index
    tpu.barrier barrier_id(%barrier3A_67)
    %mul3A_68 = arith.constant 2 : i32
    %mul3A_69 = arith.muli %arg0, %mul3A_68 : i32
    %add3A_70 = arith.constant 1 : i32
    %add3A_71 = arith.addi %mul3A_69, %add3A_70 : i32
    %mul3A_72 = arith.constant 12544 : i32
    %mul3A_73 = arith.muli %add3A_71, %mul3A_72 : i32
    %scan3A_74 = arith.constant 0 : i32
    %scan3A_75 = arith.constant 0 : i32
    %scan3A_76 = arith.constant 100 : i32
    %scan3A_77 = arith.addi %scan3A_75, %scan3A_76 : i32
    %scan3A_78 = arith.constant 1 : i32
    %scan3A_79 = scf.for %scan3A_142 = %scan3A_75 to %scan3A_77 step %scan3A_78 iter_args(%scan3A_143 = %scan3A_74) -> (i32)  : i32 {
      %mul3A_144 = arith.constant 800 : i32
      %mul3A_145 = arith.muli %arg1, %mul3A_144 : i32
      %mul3A_146 = arith.constant 8 : i32
      %mul3A_147 = arith.muli %scan3A_142, %mul3A_146 : i32
      %add3A_148 = arith.addi %mul3A_145, %mul3A_147 : i32
      "tpu.region"() ({
        %run_scoped3A = tpu.sem_alloc : memref<!tpu.dma_semaphore, #tpu.memory_space<semaphore_mem>>
        %dma_start3A = arith.constant 0 : i32
        %dma_start3A_150 = tpu.memref_slice %arg16[%add3A_148, %dma_start3A] : memref<12800x128xf32, #tpu.memory_space<vmem_shared>> -> memref<8x128xf32, #tpu.memory_space<vmem_shared>>
        %dma_start3A_151 = arith.constant 0 : i32
        %dma_start3A_152 = tpu.memref_slice %arg16[%add3A_148, %dma_start3A_151] : memref<12800x128xf32, #tpu.memory_space<vmem_shared>> -> memref<8x128xf32, #tpu.memory_space<vmem_shared>>
        tpu.enqueue_dma source(%arg14 : memref<8x128xf32, #tpu.memory_space<vmem>>) target(%dma_start3A_152 : memref<8x128xf32, #tpu.memory_space<vmem_shared>>) target_semaphore(%run_scoped3A : memref<!tpu.dma_semaphore, #tpu.memory_space<semaphore_mem>>)
        %dma_wait3A = arith.constant 0 : i32
        %dma_wait3A_153 = tpu.memref_slice %arg16[%add3A_148, %dma_wait3A] : memref<12800x128xf32, #tpu.memory_space<vmem_shared>> -> memref<8x128xf32, #tpu.memory_space<vmem_shared>>
        %dma_wait3A_154 = arith.constant 0 : i32
        %dma_wait3A_155 = tpu.memref_slice %arg16[%add3A_148, %dma_wait3A_154] : memref<12800x128xf32, #tpu.memory_space<vmem_shared>> -> memref<8x128xf32, #tpu.memory_space<vmem_shared>>
        tpu.wait_dma2 semaphore(%run_scoped3A : memref<!tpu.dma_semaphore, #tpu.memory_space<semaphore_mem>>) src(%arg14 : memref<8x128xf32, #tpu.memory_space<vmem>>) dst(%dma_wait3A_155 : memref<8x128xf32, #tpu.memory_space<vmem_shared>>)
        tpu.yield
      }) : () -> ()
      %scan3A_149 = arith.constant 0 : i32
      scf.yield %scan3A_149 : i32
    }
    %scan3A_80 = arith.constant 100 : i32
    %barrier3A_81 = arith.constant 0 : index
    tpu.barrier barrier_id(%barrier3A_81)
    %mul3A_82 = arith.constant 32 : i32
    %mul3A_83 = arith.muli %add3A, %mul3A_82 : i32
    %add3A_84 = arith.constant 16 : i32
    %add3A_85 = arith.addi %mul3A_83, %add3A_84 : i32
    "tpu.region"() ({
      %run_scoped3A = tpu.sem_alloc : memref<!tpu.dma_semaphore, #tpu.memory_space<semaphore_mem>>
      %dma_start3A = tpu.memref_slice %arg3[%add3A_85] : memref<1024xi32, #tpu.memory_space<hbm>> -> memref<16xi32, #tpu.memory_space<hbm>>
      %dma_start3A_142 = tpu.memref_slice %arg3[%add3A_85] : memref<1024xi32, #tpu.memory_space<hbm>> -> memref<16xi32, #tpu.memory_space<hbm>>
      tpu.enqueue_dma source(%dma_start3A_142 : memref<16xi32, #tpu.memory_space<hbm>>) target(%arg15 : memref<16xi32, #tpu.memory_space<vmem>>) target_semaphore(%run_scoped3A : memref<!tpu.dma_semaphore, #tpu.memory_space<semaphore_mem>>)
      %dma_wait3A = tpu.memref_slice %arg3[%add3A_85] : memref<1024xi32, #tpu.memory_space<hbm>> -> memref<16xi32, #tpu.memory_space<hbm>>
      %dma_wait3A_143 = tpu.memref_slice %arg3[%add3A_85] : memref<1024xi32, #tpu.memory_space<hbm>> -> memref<16xi32, #tpu.memory_space<hbm>>
      tpu.wait_dma2 semaphore(%run_scoped3A : memref<!tpu.dma_semaphore, #tpu.memory_space<semaphore_mem>>) src(%dma_wait3A_143 : memref<16xi32, #tpu.memory_space<hbm>>) dst(%arg15 : memref<16xi32, #tpu.memory_space<vmem>>)
      tpu.yield
    }) : () -> ()
    %get3A_86 = arith.constant 0 : index
    %get3A_87 = tpu.vector_load %arg15[%get3A_86] {strides = array<i32>} : memref<16xi32, #tpu.memory_space<vmem>>, vector<16xi32>,
    %get3A_88 = vector.shape_cast %get3A_87 : vector<16xi32> to vector<16xi32>
    %slice3A_89 = vector.extract_strided_slice %get3A_88 {offsets = [0], sizes = [1], strides = [1]} : vector<16xi32> to vector<1xi32>
    %squeeze3A_90 = vector.extract %slice3A_89[0] : i32 from vector<1xi32>
    %mul3A_91 = arith.constant 2 : i32
    %mul3A_92 = arith.muli %add3A, %mul3A_91 : i32
    %add3A_93 = arith.constant 1 : i32
    %add3A_94 = arith.addi %mul3A_92, %add3A_93 : i32
    %mul3A_95 = arith.constant 51264 : i32
    %mul3A_96 = arith.muli %add3A_94, %mul3A_95 : i32
    %jit3A_97 = arith.constant 2 : i32
    %div3A_98 = arith.divsi %squeeze3A_90, %jit3A_97 : i32
    %sign3A_99 = arith.constant 0 : i32
    %sign3A_100 = arith.cmpi sgt, %squeeze3A_90, %sign3A_99 : i32
    %sign3A_101 = arith.extui %sign3A_100 : i1 to i32
    %sign3A_102 = arith.constant 0 : i32
    %sign3A_103 = arith.cmpi slt, %squeeze3A_90, %sign3A_102 : i32
    %sign3A_104 = arith.extui %sign3A_103 : i1 to i32
    %sign3A_105 = arith.subi %sign3A_101, %sign3A_104 : i32
    %sign3A_106 = arith.constant 0 : i32
    %sign3A_107 = arith.cmpi sgt, %jit3A_97, %sign3A_106 : i32
    %sign3A_108 = arith.extui %sign3A_107 : i1 to i32
    %sign3A_109 = arith.constant 0 : i32
    %sign3A_110 = arith.cmpi slt, %jit3A_97, %sign3A_109 : i32
    %sign3A_111 = arith.extui %sign3A_110 : i1 to i32
    %sign3A_112 = arith.subi %sign3A_108, %sign3A_111 : i32
    %ne3A_113 = arith.cmpi ne, %sign3A_105, %sign3A_112 : i32
    %rem3A_114 = arith.remsi %squeeze3A_90, %jit3A_97 : i32
    %ne3A_115 = arith.constant 0 : i32
    %ne3A_116 = arith.cmpi ne, %rem3A_114, %ne3A_115 : i32
    %and3A_117 = arith.andi %ne3A_113, %ne3A_116 : i1
    %sub3A_118 = arith.constant 1 : i32
    %sub3A_119 = arith.subi %div3A_98, %sub3A_118 : i32
    %select_n3A_120 = arith.select %and3A_117, %sub3A_119, %div3A_98 : i32
    %while3A_121 = arith.constant 0 : i32
    %while3A_122 = arith.constant 0 : i32
    %while3A_123 = arith.subi %select_n3A_120, %while3A_121 : i32
    %while3A_124 = arith.addi %while3A_121, %while3A_123 : i32
    %while3A_125 = arith.constant 1 : i32
    %while3A_126 = arith.divsi %while3A_123, %while3A_125 : i32
    %while3A_127 = arith.muli %while3A_126, %while3A_125 : i32
    %while3A_128 = arith.addi %while3A_121, %while3A_127 : i32
    %while3A_129 = arith.constant 1 : i32
    %while3A_130 = scf.for %while3A_142 = %while3A_121 to %while3A_128 step %while3A_129 iter_args(%while3A_143 = %while3A_122) -> (i32)  : i32 {
      %mul3A_144 = arith.constant 2 : i32
      %mul3A_145 = arith.muli %while3A_142, %mul3A_144 : i32
      %mul3A_146 = arith.constant 64 : i32
      %mul3A_147 = arith.muli %mul3A_145, %mul3A_146 : i32
      %add3A_148 = arith.addi %mul3A_96, %mul3A_147 : i32
      "tpu.region"() ({
        %run_scoped3A = tpu.sem_alloc : memref<!tpu.dma_semaphore, #tpu.memory_space<semaphore_mem>>
        %dma_start3A_299 = tpu.memref_slice %arg2[%add3A_148] : memref<3280896xi32, #tpu.memory_space<hbm>> -> memref<64xi32, #tpu.memory_space<hbm>>
        %dma_start3A_300 = tpu.memref_slice %arg2[%add3A_148] : memref<3280896xi32, #tpu.memory_space<hbm>> -> memref<64xi32, #tpu.memory_space<hbm>>
        tpu.enqueue_dma source(%dma_start3A_300 : memref<64xi32, #tpu.memory_space<hbm>>) target(%arg6 : memref<64xi32, #tpu.memory_space<vmem>>) target_semaphore(%run_scoped3A : memref<!tpu.dma_semaphore, #tpu.memory_space<semaphore_mem>>)
        %dma_wait3A_301 = tpu.memref_slice %arg2[%add3A_148] : memref<3280896xi32, #tpu.memory_space<hbm>> -> memref<64xi32, #tpu.memory_space<hbm>>
        %dma_wait3A_302 = tpu.memref_slice %arg2[%add3A_148] : memref<3280896xi32, #tpu.memory_space<hbm>> -> memref<64xi32, #tpu.memory_space<hbm>>
        tpu.wait_dma2 semaphore(%run_scoped3A : memref<!tpu.dma_semaphore, #tpu.memory_space<semaphore_mem>>) src(%dma_wait3A_302 : memref<64xi32, #tpu.memory_space<hbm>>) dst(%arg6 : memref<64xi32, #tpu.memory_space<vmem>>)
        tpu.yield
      }) : () -> ()
      %get3A_149 = arith.constant 0 : index
      %get3A_150 = tpu.vector_load %arg6[%get3A_149] {strides = array<i32>} : memref<64xi32, #tpu.memory_space<vmem>>, vector<16xi32>,
      %get3A_151 = vector.shape_cast %get3A_150 : vector<16xi32> to vector<16xi32>
      %and3A_152 = arith.constant 65535 : i32
      %and3A_153 = vector.broadcast %and3A_152 : i32 to vector<16xi32>
      %and3A_154 = arith.andi %get3A_151, %and3A_153 : vector<16xi32>
      %swap3A = arith.constant 0 : index
      %swap3A_155 = tpu.vector_load %arg8[%swap3A] {strides = array<i32>} : memref<64xi32, #tpu.memory_space<vmem>>, vector<16xi32>,
      %swap3A_156 = vector.shape_cast %swap3A_155 : vector<16xi32> to vector<16xi32>
      %swap3A_157 = vector.shape_cast %and3A_154 : vector<16xi32> to vector<16xi32>
      tpu.vector_store %arg8[%swap3A], %swap3A_157 {strides = array<i32>} : memref<64xi32, #tpu.memory_space<vmem>>, vector<16xi32>,
      %shift_right_arithmetic3A = arith.constant 16 : i32
      %shift_right_arithmetic3A_158 = vector.broadcast %shift_right_arithmetic3A : i32 to vector<16xi32>
      %shift_right_arithmetic3A_159 = arith.shrsi %get3A_151, %shift_right_arithmetic3A_158 : vector<16xi32>
      %swap3A_160 = arith.constant 0 : index
      %swap3A_161 = tpu.vector_load %arg10[%swap3A_160] {strides = array<i32>} : memref<64xi32, #tpu.memory_space<vmem>>, vector<16xi32>,
      %swap3A_162 = vector.shape_cast %swap3A_161 : vector<16xi32> to vector<16xi32>
      %swap3A_163 = vector.shape_cast %shift_right_arithmetic3A_159 : vector<16xi32> to vector<16xi32>
      tpu.vector_store %arg10[%swap3A_160], %swap3A_163 {strides = array<i32>} : memref<64xi32, #tpu.memory_space<vmem>>, vector<16xi32>,
      %get3A_164 = arith.constant 16 : index
      %get3A_165 = tpu.vector_load %arg6[%get3A_164] {strides = array<i32>} : memref<64xi32, #tpu.memory_space<vmem>>, vector<16xi32>,
      %get3A_166 = vector.shape_cast %get3A_165 : vector<16xi32> to vector<16xi32>
      %and3A_167 = arith.constant 65535 : i32
      %and3A_168 = vector.broadcast %and3A_167 : i32 to vector<16xi32>
      %and3A_169 = arith.andi %get3A_166, %and3A_168 : vector<16xi32>
      %swap3A_170 = arith.constant 16 : index
      %swap3A_171 = tpu.vector_load %arg8[%swap3A_170] {strides = array<i32>} : memref<64xi32, #tpu.memory_space<vmem>>, vector<16xi32>,
      %swap3A_172 = vector.shape_cast %swap3A_171 : vector<16xi32> to vector<16xi32>
      %swap3A_173 = vector.shape_cast %and3A_169 : vector<16xi32> to vector<16xi32>
      tpu.vector_store %arg8[%swap3A_170], %swap3A_173 {strides = array<i32>} : memref<64xi32, #tpu.memory_space<vmem>>, vector<16xi32>,
      %shift_right_arithmetic3A_174 = arith.constant 16 : i32
      %shift_right_arithmetic3A_175 = vector.broadcast %shift_right_arithmetic3A_174 : i32 to vector<16xi32>
      %shift_right_arithmetic3A_176 = arith.shrsi %get3A_166, %shift_right_arithmetic3A_175 : vector<16xi32>
      %swap3A_177 = arith.constant 16 : index
      %swap3A_178 = tpu.vector_load %arg10[%swap3A_177] {strides = array<i32>} : memref<64xi32, #tpu.memory_space<vmem>>, vector<16xi32>,
      %swap3A_179 = vector.shape_cast %swap3A_178 : vector<16xi32> to vector<16xi32>
      %swap3A_180 = vector.shape_cast %shift_right_arithmetic3A_176 : vector<16xi32> to vector<16xi32>
      tpu.vector_store %arg10[%swap3A_177], %swap3A_180 {strides = array<i32>} : memref<64xi32, #tpu.memory_space<vmem>>, vector<16xi32>,
      %get3A_181 = arith.constant 32 : index
      %get3A_182 = tpu.vector_load %arg6[%get3A_181] {strides = array<i32>} : memref<64xi32, #tpu.memory_space<vmem>>, vector<16xi32>,
      %get3A_183 = vector.shape_cast %get3A_182 : vector<16xi32> to vector<16xi32>
      %and3A_184 = arith.constant 65535 : i32
      %and3A_185 = vector.broadcast %and3A_184 : i32 to vector<16xi32>
      %and3A_186 = arith.andi %get3A_183, %and3A_185 : vector<16xi32>
      %swap3A_187 = arith.constant 32 : index
      %swap3A_188 = tpu.vector_load %arg8[%swap3A_187] {strides = array<i32>} : memref<64xi32, #tpu.memory_space<vmem>>, vector<16xi32>,
      %swap3A_189 = vector.shape_cast %swap3A_188 : vector<16xi32> to vector<16xi32>
      %swap3A_190 = vector.shape_cast %and3A_186 : vector<16xi32> to vector<16xi32>
      tpu.vector_store %arg8[%swap3A_187], %swap3A_190 {strides = array<i32>} : memref<64xi32, #tpu.memory_space<vmem>>, vector<16xi32>,
      %shift_right_arithmetic3A_191 = arith.constant 16 : i32
      %shift_right_arithmetic3A_192 = vector.broadcast %shift_right_arithmetic3A_191 : i32 to vector<16xi32>
      %shift_right_arithmetic3A_193 = arith.shrsi %get3A_183, %shift_right_arithmetic3A_192 : vector<16xi32>
      %swap3A_194 = arith.constant 32 : index
      %swap3A_195 = tpu.vector_load %arg10[%swap3A_194] {strides = array<i32>} : memref<64xi32, #tpu.memory_space<vmem>>, vector<16xi32>,
      %swap3A_196 = vector.shape_cast %swap3A_195 : vector<16xi32> to vector<16xi32>
      %swap3A_197 = vector.shape_cast %shift_right_arithmetic3A_193 : vector<16xi32> to vector<16xi32>
      tpu.vector_store %arg10[%swap3A_194], %swap3A_197 {strides = array<i32>} : memref<64xi32, #tpu.memory_space<vmem>>, vector<16xi32>,
      %get3A_198 = arith.constant 48 : index
      %get3A_199 = tpu.vector_load %arg6[%get3A_198] {strides = array<i32>} : memref<64xi32, #tpu.memory_space<vmem>>, vector<16xi32>,
      %get3A_200 = vector.shape_cast %get3A_199 : vector<16xi32> to vector<16xi32>
      %and3A_201 = arith.constant 65535 : i32
      %and3A_202 = vector.broadcast %and3A_201 : i32 to vector<16xi32>
      %and3A_203 = arith.andi %get3A_200, %and3A_202 : vector<16xi32>
      %swap3A_204 = arith.constant 48 : index
      %swap3A_205 = tpu.vector_load %arg8[%swap3A_204] {strides = array<i32>} : memref<64xi32, #tpu.memory_space<vmem>>, vector<16xi32>,
      %swap3A_206 = vector.shape_cast %swap3A_205 : vector<16xi32> to vector<16xi32>
      %swap3A_207 = vector.shape_cast %and3A_203 : vector<16xi32> to vector<16xi32>
      tpu.vector_store %arg8[%swap3A_204], %swap3A_207 {strides = array<i32>} : memref<64xi32, #tpu.memory_space<vmem>>, vector<16xi32>,
      %shift_right_arithmetic3A_208 = arith.constant 16 : i32
      %shift_right_arithmetic3A_209 = vector.broadcast %shift_right_arithmetic3A_208 : i32 to vector<16xi32>
      %shift_right_arithmetic3A_210 = arith.shrsi %get3A_200, %shift_right_arithmetic3A_209 : vector<16xi32>
      %swap3A_211 = arith.constant 48 : index
      %swap3A_212 = tpu.vector_load %arg10[%swap3A_211] {strides = array<i32>} : memref<64xi32, #tpu.memory_space<vmem>>, vector<16xi32>,
      %swap3A_213 = vector.shape_cast %swap3A_212 : vector<16xi32> to vector<16xi32>
      %swap3A_214 = vector.shape_cast %shift_right_arithmetic3A_210 : vector<16xi32> to vector<16xi32>
      tpu.vector_store %arg10[%swap3A_211], %swap3A_214 {strides = array<i32>} : memref<64xi32, #tpu.memory_space<vmem>>, vector<16xi32>,
      %dma_start3A = arith.constant 0 : i32
      %dma_start3A_215 = arith.constant 0 : i32
      %dma_start3A_216 = tpu.memref_slice %arg4[%dma_start3A, %dma_start3A_215] : memref<50176x128xf32, #tpu.memory_space<hbm>> -> memref<50176x128xf32, #tpu.memory_space<hbm>>
      tpu.enqueue_indirect_dma source(%dma_start3A_216 : memref<50176x128xf32, #tpu.memory_space<hbm>>) target(%arg12 : memref<64x128xf32, #tpu.memory_space<vmem>>) offsets(%arg8 : memref<64xi32, #tpu.memory_space<vmem>>) semaphore(%arg17 : memref<!tpu.dma_semaphore, #tpu.memory_space<semaphore_mem>>)
      %mul3A_217 = arith.constant 64 : i32
      %mul3A_218 = arith.muli %mul3A_145, %mul3A_217 : i32
      %add3A_219 = arith.addi %mul3A_96, %mul3A_218 : i32
      %add3A_220 = arith.constant 64 : i32
      %add3A_221 = arith.addi %add3A_219, %add3A_220 : i32
      "tpu.region"() ({
        %run_scoped3A = tpu.sem_alloc : memref<!tpu.dma_semaphore, #tpu.memory_space<semaphore_mem>>
        %dma_start3A_299 = tpu.memref_slice %arg2[%add3A_221] : memref<3280896xi32, #tpu.memory_space<hbm>> -> memref<64xi32, #tpu.memory_space<hbm>>
        %dma_start3A_300 = tpu.memref_slice %arg2[%add3A_221] : memref<3280896xi32, #tpu.memory_space<hbm>> -> memref<64xi32, #tpu.memory_space<hbm>>
        tpu.enqueue_dma source(%dma_start3A_300 : memref<64xi32, #tpu.memory_space<hbm>>) target(%arg7 : memref<64xi32, #tpu.memory_space<vmem>>) target_semaphore(%run_scoped3A : memref<!tpu.dma_semaphore, #tpu.memory_space<semaphore_mem>>)
        %dma_wait3A_301 = tpu.memref_slice %arg2[%add3A_221] : memref<3280896xi32, #tpu.memory_space<hbm>> -> memref<64xi32, #tpu.memory_space<hbm>>
        %dma_wait3A_302 = tpu.memref_slice %arg2[%add3A_221] : memref<3280896xi32, #tpu.memory_space<hbm>> -> memref<64xi32, #tpu.memory_space<hbm>>
        tpu.wait_dma2 semaphore(%run_scoped3A : memref<!tpu.dma_semaphore, #tpu.memory_space<semaphore_mem>>) src(%dma_wait3A_302 : memref<64xi32, #tpu.memory_space<hbm>>) dst(%arg7 : memref<64xi32, #tpu.memory_space<vmem>>)
        tpu.yield
      }) : () -> ()
      %get3A_222 = arith.constant 0 : index
      %get3A_223 = tpu.vector_load %arg7[%get3A_222] {strides = array<i32>} : memref<64xi32, #tpu.memory_space<vmem>>, vector<16xi32>,
      %get3A_224 = vector.shape_cast %get3A_223 : vector<16xi32> to vector<16xi32>
      %and3A_225 = arith.constant 65535 : i32
      %and3A_226 = vector.broadcast %and3A_225 : i32 to vector<16xi32>
      %and3A_227 = arith.andi %get3A_224, %and3A_226 : vector<16xi32>
      %swap3A_228 = arith.constant 0 : index
      %swap3A_229 = tpu.vector_load %arg9[%swap3A_228] {strides = array<i32>} : memref<64xi32, #tpu.memory_space<vmem>>, vector<16xi32>,
      %swap3A_230 = vector.shape_cast %swap3A_229 : vector<16xi32> to vector<16xi32>
      %swap3A_231 = vector.shape_cast %and3A_227 : vector<16xi32> to vector<16xi32>
      tpu.vector_store %arg9[%swap3A_228], %swap3A_231 {strides = array<i32>} : memref<64xi32, #tpu.memory_space<vmem>>, vector<16xi32>,
      %shift_right_arithmetic3A_232 = arith.constant 16 : i32
      %shift_right_arithmetic3A_233 = vector.broadcast %shift_right_arithmetic3A_232 : i32 to vector<16xi32>
      %shift_right_arithmetic3A_234 = arith.shrsi %get3A_224, %shift_right_arithmetic3A_233 : vector<16xi32>
      %swap3A_235 = arith.constant 0 : index
      %swap3A_236 = tpu.vector_load %arg11[%swap3A_235] {strides = array<i32>} : memref<64xi32, #tpu.memory_space<vmem>>, vector<16xi32>,
      %swap3A_237 = vector.shape_cast %swap3A_236 : vector<16xi32> to vector<16xi32>
      %swap3A_238 = vector.shape_cast %shift_right_arithmetic3A_234 : vector<16xi32> to vector<16xi32>
      tpu.vector_store %arg11[%swap3A_235], %swap3A_238 {strides = array<i32>} : memref<64xi32, #tpu.memory_space<vmem>>, vector<16xi32>,
      %get3A_239 = arith.constant 16 : index
      %get3A_240 = tpu.vector_load %arg7[%get3A_239] {strides = array<i32>} : memref<64xi32, #tpu.memory_space<vmem>>, vector<16xi32>,
      %get3A_241 = vector.shape_cast %get3A_240 : vector<16xi32> to vector<16xi32>
      %and3A_242 = arith.constant 65535 : i32
      %and3A_243 = vector.broadcast %and3A_242 : i32 to vector<16xi32>
      %and3A_244 = arith.andi %get3A_241, %and3A_243 : vector<16xi32>
      %swap3A_245 = arith.constant 16 : index
      %swap3A_246 = tpu.vector_load %arg9[%swap3A_245] {strides = array<i32>} : memref<64xi32, #tpu.memory_space<vmem>>, vector<16xi32>,
      %swap3A_247 = vector.shape_cast %swap3A_246 : vector<16xi32> to vector<16xi32>
      %swap3A_248 = vector.shape_cast %and3A_244 : vector<16xi32> to vector<16xi32>
      tpu.vector_store %arg9[%swap3A_245], %swap3A_248 {strides = array<i32>} : memref<64xi32, #tpu.memory_space<vmem>>, vector<16xi32>,
      %shift_right_arithmetic3A_249 = arith.constant 16 : i32
      %shift_right_arithmetic3A_250 = vector.broadcast %shift_right_arithmetic3A_249 : i32 to vector<16xi32>
      %shift_right_arithmetic3A_251 = arith.shrsi %get3A_241, %shift_right_arithmetic3A_250 : vector<16xi32>
      %swap3A_252 = arith.constant 16 : index
      %swap3A_253 = tpu.vector_load %arg11[%swap3A_252] {strides = array<i32>} : memref<64xi32, #tpu.memory_space<vmem>>, vector<16xi32>,
      %swap3A_254 = vector.shape_cast %swap3A_253 : vector<16xi32> to vector<16xi32>
      %swap3A_255 = vector.shape_cast %shift_right_arithmetic3A_251 : vector<16xi32> to vector<16xi32>
      tpu.vector_store %arg11[%swap3A_252], %swap3A_255 {strides = array<i32>} : memref<64xi32, #tpu.memory_space<vmem>>, vector<16xi32>,
      %get3A_256 = arith.constant 32 : index
      %get3A_257 = tpu.vector_load %arg7[%get3A_256] {strides = array<i32>} : memref<64xi32, #tpu.memory_space<vmem>>, vector<16xi32>,
      %get3A_258 = vector.shape_cast %get3A_257 : vector<16xi32> to vector<16xi32>
      %and3A_259 = arith.constant 65535 : i32
      %and3A_260 = vector.broadcast %and3A_259 : i32 to vector<16xi32>
      %and3A_261 = arith.andi %get3A_258, %and3A_260 : vector<16xi32>
      %swap3A_262 = arith.constant 32 : index
      %swap3A_263 = tpu.vector_load %arg9[%swap3A_262] {strides = array<i32>} : memref<64xi32, #tpu.memory_space<vmem>>, vector<16xi32>,
      %swap3A_264 = vector.shape_cast %swap3A_263 : vector<16xi32> to vector<16xi32>
      %swap3A_265 = vector.shape_cast %and3A_261 : vector<16xi32> to vector<16xi32>
      tpu.vector_store %arg9[%swap3A_262], %swap3A_265 {strides = array<i32>} : memref<64xi32, #tpu.memory_space<vmem>>, vector<16xi32>,
      %shift_right_arithmetic3A_266 = arith.constant 16 : i32
      %shift_right_arithmetic3A_267 = vector.broadcast %shift_right_arithmetic3A_266 : i32 to vector<16xi32>
      %shift_right_arithmetic3A_268 = arith.shrsi %get3A_258, %shift_right_arithmetic3A_267 : vector<16xi32>
      %swap3A_269 = arith.constant 32 : index
      %swap3A_270 = tpu.vector_load %arg11[%swap3A_269] {strides = array<i32>} : memref<64xi32, #tpu.memory_space<vmem>>, vector<16xi32>,
      %swap3A_271 = vector.shape_cast %swap3A_270 : vector<16xi32> to vector<16xi32>
      %swap3A_272 = vector.shape_cast %shift_right_arithmetic3A_268 : vector<16xi32> to vector<16xi32>
      tpu.vector_store %arg11[%swap3A_269], %swap3A_272 {strides = array<i32>} : memref<64xi32, #tpu.memory_space<vmem>>, vector<16xi32>,
      %get3A_273 = arith.constant 48 : index
      %get3A_274 = tpu.vector_load %arg7[%get3A_273] {strides = array<i32>} : memref<64xi32, #tpu.memory_space<vmem>>, vector<16xi32>,
      %get3A_275 = vector.shape_cast %get3A_274 : vector<16xi32> to vector<16xi32>
      %and3A_276 = arith.constant 65535 : i32
      %and3A_277 = vector.broadcast %and3A_276 : i32 to vector<16xi32>
      %and3A_278 = arith.andi %get3A_275, %and3A_277 : vector<16xi32>
      %swap3A_279 = arith.constant 48 : index
      %swap3A_280 = tpu.vector_load %arg9[%swap3A_279] {strides = array<i32>} : memref<64xi32, #tpu.memory_space<vmem>>, vector<16xi32>,
      %swap3A_281 = vector.shape_cast %swap3A_280 : vector<16xi32> to vector<16xi32>
      %swap3A_282 = vector.shape_cast %and3A_278 : vector<16xi32> to vector<16xi32>
      tpu.vector_store %arg9[%swap3A_279], %swap3A_282 {strides = array<i32>} : memref<64xi32, #tpu.memory_space<vmem>>, vector<16xi32>,
      %shift_right_arithmetic3A_283 = arith.constant 16 : i32
      %shift_right_arithmetic3A_284 = vector.broadcast %shift_right_arithmetic3A_283 : i32 to vector<16xi32>
      %shift_right_arithmetic3A_285 = arith.shrsi %get3A_275, %shift_right_arithmetic3A_284 : vector<16xi32>
      %swap3A_286 = arith.constant 48 : index
      %swap3A_287 = tpu.vector_load %arg11[%swap3A_286] {strides = array<i32>} : memref<64xi32, #tpu.memory_space<vmem>>, vector<16xi32>,
      %swap3A_288 = vector.shape_cast %swap3A_287 : vector<16xi32> to vector<16xi32>
      %swap3A_289 = vector.shape_cast %shift_right_arithmetic3A_285 : vector<16xi32> to vector<16xi32>
      tpu.vector_store %arg11[%swap3A_286], %swap3A_289 {strides = array<i32>} : memref<64xi32, #tpu.memory_space<vmem>>, vector<16xi32>,
      %dma_start3A_290 = arith.constant 0 : i32
      %dma_start3A_291 = arith.constant 0 : i32
      %dma_start3A_292 = tpu.memref_slice %arg4[%dma_start3A_290, %dma_start3A_291] : memref<50176x128xf32, #tpu.memory_space<hbm>> -> memref<50176x128xf32, #tpu.memory_space<hbm>>
      tpu.enqueue_indirect_dma source(%dma_start3A_292 : memref<50176x128xf32, #tpu.memory_space<hbm>>) target(%arg13 : memref<64x128xf32, #tpu.memory_space<vmem>>) offsets(%arg9 : memref<64xi32, #tpu.memory_space<vmem>>) semaphore(%arg18 : memref<!tpu.dma_semaphore, #tpu.memory_space<semaphore_mem>>)
      %dma_wait3A = arith.constant 0 : i32
      %dma_wait3A_293 = arith.constant 0 : i32
      %dma_wait3A_294 = tpu.memref_slice %arg4[%dma_wait3A, %dma_wait3A_293] : memref<50176x128xf32, #tpu.memory_space<hbm>> -> memref<50176x128xf32, #tpu.memory_space<hbm>>
      tpu.wait_indirect_dma semaphore(%arg17 : memref<!tpu.dma_semaphore, #tpu.memory_space<semaphore_mem>>) src(%dma_wait3A_294 : memref<50176x128xf32, #tpu.memory_space<hbm>>) dst(%arg12 : memref<64x128xf32, #tpu.memory_space<vmem>>)
      "tpu.region"() ({
        %run_scoped3A = tpu.sem_alloc : memref<!tpu.dma_semaphore, #tpu.memory_space<semaphore_mem>>
        %dma_start3A_299 = arith.constant 0 : i32
        %dma_start3A_300 = arith.constant 0 : i32
        %dma_start3A_301 = tpu.memref_slice %arg16[%dma_start3A_299, %dma_start3A_300] : memref<12800x128xf32, #tpu.memory_space<vmem_shared>> -> memref<12800x128xf32, #tpu.memory_space<vmem_shared>>
        tpu.enqueue_indirect_dma source(%arg12 : memref<64x128xf32, #tpu.memory_space<vmem>>) target(%dma_start3A_301 : memref<12800x128xf32, #tpu.memory_space<vmem_shared>>) offsets(%arg10 : memref<64xi32, #tpu.memory_space<vmem>>) semaphore(%run_scoped3A : memref<!tpu.dma_semaphore, #tpu.memory_space<semaphore_mem>>) {add = true}
        %dma_wait3A_302 = arith.constant 0 : i32
        %dma_wait3A_303 = arith.constant 0 : i32
        %dma_wait3A_304 = tpu.memref_slice %arg16[%dma_wait3A_302, %dma_wait3A_303] : memref<12800x128xf32, #tpu.memory_space<vmem_shared>> -> memref<12800x128xf32, #tpu.memory_space<vmem_shared>>
        tpu.wait_indirect_dma semaphore(%run_scoped3A : memref<!tpu.dma_semaphore, #tpu.memory_space<semaphore_mem>>) src(%arg12 : memref<64x128xf32, #tpu.memory_space<vmem>>) dst(%dma_wait3A_304 : memref<12800x128xf32, #tpu.memory_space<vmem_shared>>)
        tpu.yield
      }) : () -> ()
      %dma_wait3A_295 = arith.constant 0 : i32
      %dma_wait3A_296 = arith.constant 0 : i32
      %dma_wait3A_297 = tpu.memref_slice %arg4[%dma_wait3A_295, %dma_wait3A_296] : memref<50176x128xf32, #tpu.memory_space<hbm>> -> memref<50176x128xf32, #tpu.memory_space<hbm>>
      tpu.wait_indirect_dma semaphore(%arg18 : memref<!tpu.dma_semaphore, #tpu.memory_space<semaphore_mem>>) src(%dma_wait3A_297 : memref<50176x128xf32, #tpu.memory_space<hbm>>) dst(%arg13 : memref<64x128xf32, #tpu.memory_space<vmem>>)
      "tpu.region"() ({
        %run_scoped3A = tpu.sem_alloc : memref<!tpu.dma_semaphore, #tpu.memory_space<semaphore_mem>>
        %dma_start3A_299 = arith.constant 0 : i32
        %dma_start3A_300 = arith.constant 0 : i32
        %dma_start3A_301 = tpu.memref_slice %arg16[%dma_start3A_299, %dma_start3A_300] : memref<12800x128xf32, #tpu.memory_space<vmem_shared>> -> memref<12800x128xf32, #tpu.memory_space<vmem_shared>>
        tpu.enqueue_indirect_dma source(%arg13 : memref<64x128xf32, #tpu.memory_space<vmem>>) target(%dma_start3A_301 : memref<12800x128xf32, #tpu.memory_space<vmem_shared>>) offsets(%arg11 : memref<64xi32, #tpu.memory_space<vmem>>) semaphore(%run_scoped3A : memref<!tpu.dma_semaphore, #tpu.memory_space<semaphore_mem>>) {add = true}
        %dma_wait3A_302 = arith.constant 0 : i32
        %dma_wait3A_303 = arith.constant 0 : i32
        %dma_wait3A_304 = tpu.memref_slice %arg16[%dma_wait3A_302, %dma_wait3A_303] : memref<12800x128xf32, #tpu.memory_space<vmem_shared>> -> memref<12800x128xf32, #tpu.memory_space<vmem_shared>>
        tpu.wait_indirect_dma semaphore(%run_scoped3A : memref<!tpu.dma_semaphore, #tpu.memory_space<semaphore_mem>>) src(%arg13 : memref<64x128xf32, #tpu.memory_space<vmem>>) dst(%dma_wait3A_304 : memref<12800x128xf32, #tpu.memory_space<vmem_shared>>)
        tpu.yield
      }) : () -> ()
      %while3A_298 = arith.constant 0 : i32
      scf.yield %while3A_298 : i32
    }
    %while3A_131 = arith.constant 1 : i32
    %while3A_132 = scf.for %while3A_142 = %while3A_128 to %while3A_124 step %while3A_131 iter_args(%while3A_143 = %while3A_130) -> (i32)  : i32 {
      %mul3A_144 = arith.constant 2 : i32
      %mul3A_145 = arith.muli %while3A_142, %mul3A_144 : i32
      %mul3A_146 = arith.constant 64 : i32
      %mul3A_147 = arith.muli %mul3A_145, %mul3A_146 : i32
      %add3A_148 = arith.addi %mul3A_96, %mul3A_147 : i32
      "tpu.region"() ({
        %run_scoped3A = tpu.sem_alloc : memref<!tpu.dma_semaphore, #tpu.memory_space<semaphore_mem>>
        %dma_start3A_299 = tpu.memref_slice %arg2[%add3A_148] : memref<3280896xi32, #tpu.memory_space<hbm>> -> memref<64xi32, #tpu.memory_space<hbm>>
        %dma_start3A_300 = tpu.memref_slice %arg2[%add3A_148] : memref<3280896xi32, #tpu.memory_space<hbm>> -> memref<64xi32, #tpu.memory_space<hbm>>
        tpu.enqueue_dma source(%dma_start3A_300 : memref<64xi32, #tpu.memory_space<hbm>>) target(%arg6 : memref<64xi32, #tpu.memory_space<vmem>>) target_semaphore(%run_scoped3A : memref<!tpu.dma_semaphore, #tpu.memory_space<semaphore_mem>>)
        %dma_wait3A_301 = tpu.memref_slice %arg2[%add3A_148] : memref<3280896xi32, #tpu.memory_space<hbm>> -> memref<64xi32, #tpu.memory_space<hbm>>
        %dma_wait3A_302 = tpu.memref_slice %arg2[%add3A_148] : memref<3280896xi32, #tpu.memory_space<hbm>> -> memref<64xi32, #tpu.memory_space<hbm>>
        tpu.wait_dma2 semaphore(%run_scoped3A : memref<!tpu.dma_semaphore, #tpu.memory_space<semaphore_mem>>) src(%dma_wait3A_302 : memref<64xi32, #tpu.memory_space<hbm>>) dst(%arg6 : memref<64xi32, #tpu.memory_space<vmem>>)
        tpu.yield
      }) : () -> ()
      %get3A_149 = arith.constant 0 : index
      %get3A_150 = tpu.vector_load %arg6[%get3A_149] {strides = array<i32>} : memref<64xi32, #tpu.memory_space<vmem>>, vector<16xi32>,
      %get3A_151 = vector.shape_cast %get3A_150 : vector<16xi32> to vector<16xi32>
      %and3A_152 = arith.constant 65535 : i32
      %and3A_153 = vector.broadcast %and3A_152 : i32 to vector<16xi32>
      %and3A_154 = arith.andi %get3A_151, %and3A_153 : vector<16xi32>
      %swap3A = arith.constant 0 : index
      %swap3A_155 = tpu.vector_load %arg8[%swap3A] {strides = array<i32>} : memref<64xi32, #tpu.memory_space<vmem>>, vector<16xi32>,
      %swap3A_156 = vector.shape_cast %swap3A_155 : vector<16xi32> to vector<16xi32>
      %swap3A_157 = vector.shape_cast %and3A_154 : vector<16xi32> to vector<16xi32>
      tpu.vector_store %arg8[%swap3A], %swap3A_157 {strides = array<i32>} : memref<64xi32, #tpu.memory_space<vmem>>, vector<16xi32>,
      %shift_right_arithmetic3A = arith.constant 16 : i32
      %shift_right_arithmetic3A_158 = vector.broadcast %shift_right_arithmetic3A : i32 to vector<16xi32>
      %shift_right_arithmetic3A_159 = arith.shrsi %get3A_151, %shift_right_arithmetic3A_158 : vector<16xi32>
      %swap3A_160 = arith.constant 0 : index
      %swap3A_161 = tpu.vector_load %arg10[%swap3A_160] {strides = array<i32>} : memref<64xi32, #tpu.memory_space<vmem>>, vector<16xi32>,
      %swap3A_162 = vector.shape_cast %swap3A_161 : vector<16xi32> to vector<16xi32>
      %swap3A_163 = vector.shape_cast %shift_right_arithmetic3A_159 : vector<16xi32> to vector<16xi32>
      tpu.vector_store %arg10[%swap3A_160], %swap3A_163 {strides = array<i32>} : memref<64xi32, #tpu.memory_space<vmem>>, vector<16xi32>,
      %get3A_164 = arith.constant 16 : index
      %get3A_165 = tpu.vector_load %arg6[%get3A_164] {strides = array<i32>} : memref<64xi32, #tpu.memory_space<vmem>>, vector<16xi32>,
      %get3A_166 = vector.shape_cast %get3A_165 : vector<16xi32> to vector<16xi32>
      %and3A_167 = arith.constant 65535 : i32
      %and3A_168 = vector.broadcast %and3A_167 : i32 to vector<16xi32>
      %and3A_169 = arith.andi %get3A_166, %and3A_168 : vector<16xi32>
      %swap3A_170 = arith.constant 16 : index
      %swap3A_171 = tpu.vector_load %arg8[%swap3A_170] {strides = array<i32>} : memref<64xi32, #tpu.memory_space<vmem>>, vector<16xi32>,
      %swap3A_172 = vector.shape_cast %swap3A_171 : vector<16xi32> to vector<16xi32>
      %swap3A_173 = vector.shape_cast %and3A_169 : vector<16xi32> to vector<16xi32>
      tpu.vector_store %arg8[%swap3A_170], %swap3A_173 {strides = array<i32>} : memref<64xi32, #tpu.memory_space<vmem>>, vector<16xi32>,
      %shift_right_arithmetic3A_174 = arith.constant 16 : i32
      %shift_right_arithmetic3A_175 = vector.broadcast %shift_right_arithmetic3A_174 : i32 to vector<16xi32>
      %shift_right_arithmetic3A_176 = arith.shrsi %get3A_166, %shift_right_arithmetic3A_175 : vector<16xi32>
      %swap3A_177 = arith.constant 16 : index
      %swap3A_178 = tpu.vector_load %arg10[%swap3A_177] {strides = array<i32>} : memref<64xi32, #tpu.memory_space<vmem>>, vector<16xi32>,
      %swap3A_179 = vector.shape_cast %swap3A_178 : vector<16xi32> to vector<16xi32>
      %swap3A_180 = vector.shape_cast %shift_right_arithmetic3A_176 : vector<16xi32> to vector<16xi32>
      tpu.vector_store %arg10[%swap3A_177], %swap3A_180 {strides = array<i32>} : memref<64xi32, #tpu.memory_space<vmem>>, vector<16xi32>,
      %get3A_181 = arith.constant 32 : index
      %get3A_182 = tpu.vector_load %arg6[%get3A_181] {strides = array<i32>} : memref<64xi32, #tpu.memory_space<vmem>>, vector<16xi32>,
      %get3A_183 = vector.shape_cast %get3A_182 : vector<16xi32> to vector<16xi32>
      %and3A_184 = arith.constant 65535 : i32
      %and3A_185 = vector.broadcast %and3A_184 : i32 to vector<16xi32>
      %and3A_186 = arith.andi %get3A_183, %and3A_185 : vector<16xi32>
      %swap3A_187 = arith.constant 32 : index
      %swap3A_188 = tpu.vector_load %arg8[%swap3A_187] {strides = array<i32>} : memref<64xi32, #tpu.memory_space<vmem>>, vector<16xi32>,
      %swap3A_189 = vector.shape_cast %swap3A_188 : vector<16xi32> to vector<16xi32>
      %swap3A_190 = vector.shape_cast %and3A_186 : vector<16xi32> to vector<16xi32>
      tpu.vector_store %arg8[%swap3A_187], %swap3A_190 {strides = array<i32>} : memref<64xi32, #tpu.memory_space<vmem>>, vector<16xi32>,
      %shift_right_arithmetic3A_191 = arith.constant 16 : i32
      %shift_right_arithmetic3A_192 = vector.broadcast %shift_right_arithmetic3A_191 : i32 to vector<16xi32>
      %shift_right_arithmetic3A_193 = arith.shrsi %get3A_183, %shift_right_arithmetic3A_192 : vector<16xi32>
      %swap3A_194 = arith.constant 32 : index
      %swap3A_195 = tpu.vector_load %arg10[%swap3A_194] {strides = array<i32>} : memref<64xi32, #tpu.memory_space<vmem>>, vector<16xi32>,
      %swap3A_196 = vector.shape_cast %swap3A_195 : vector<16xi32> to vector<16xi32>
      %swap3A_197 = vector.shape_cast %shift_right_arithmetic3A_193 : vector<16xi32> to vector<16xi32>
      tpu.vector_store %arg10[%swap3A_194], %swap3A_197 {strides = array<i32>} : memref<64xi32, #tpu.memory_space<vmem>>, vector<16xi32>,
      %get3A_198 = arith.constant 48 : index
      %get3A_199 = tpu.vector_load %arg6[%get3A_198] {strides = array<i32>} : memref<64xi32, #tpu.memory_space<vmem>>, vector<16xi32>,
      %get3A_200 = vector.shape_cast %get3A_199 : vector<16xi32> to vector<16xi32>
      %and3A_201 = arith.constant 65535 : i32
      %and3A_202 = vector.broadcast %and3A_201 : i32 to vector<16xi32>
      %and3A_203 = arith.andi %get3A_200, %and3A_202 : vector<16xi32>
      %swap3A_204 = arith.constant 48 : index
      %swap3A_205 = tpu.vector_load %arg8[%swap3A_204] {strides = array<i32>} : memref<64xi32, #tpu.memory_space<vmem>>, vector<16xi32>,
      %swap3A_206 = vector.shape_cast %swap3A_205 : vector<16xi32> to vector<16xi32>
      %swap3A_207 = vector.shape_cast %and3A_203 : vector<16xi32> to vector<16xi32>
      tpu.vector_store %arg8[%swap3A_204], %swap3A_207 {strides = array<i32>} : memref<64xi32, #tpu.memory_space<vmem>>, vector<16xi32>,
      %shift_right_arithmetic3A_208 = arith.constant 16 : i32
      %shift_right_arithmetic3A_209 = vector.broadcast %shift_right_arithmetic3A_208 : i32 to vector<16xi32>
      %shift_right_arithmetic3A_210 = arith.shrsi %get3A_200, %shift_right_arithmetic3A_209 : vector<16xi32>
      %swap3A_211 = arith.constant 48 : index
      %swap3A_212 = tpu.vector_load %arg10[%swap3A_211] {strides = array<i32>} : memref<64xi32, #tpu.memory_space<vmem>>, vector<16xi32>,
      %swap3A_213 = vector.shape_cast %swap3A_212 : vector<16xi32> to vector<16xi32>
      %swap3A_214 = vector.shape_cast %shift_right_arithmetic3A_210 : vector<16xi32> to vector<16xi32>
      tpu.vector_store %arg10[%swap3A_211], %swap3A_214 {strides = array<i32>} : memref<64xi32, #tpu.memory_space<vmem>>, vector<16xi32>,
      %dma_start3A = arith.constant 0 : i32
      %dma_start3A_215 = arith.constant 0 : i32
      %dma_start3A_216 = tpu.memref_slice %arg4[%dma_start3A, %dma_start3A_215] : memref<50176x128xf32, #tpu.memory_space<hbm>> -> memref<50176x128xf32, #tpu.memory_space<hbm>>
      tpu.enqueue_indirect_dma source(%dma_start3A_216 : memref<50176x128xf32, #tpu.memory_space<hbm>>) target(%arg12 : memref<64x128xf32, #tpu.memory_space<vmem>>) offsets(%arg8 : memref<64xi32, #tpu.memory_space<vmem>>) semaphore(%arg17 : memref<!tpu.dma_semaphore, #tpu.memory_space<semaphore_mem>>)
      %mul3A_217 = arith.constant 64 : i32
      %mul3A_218 = arith.muli %mul3A_145, %mul3A_217 : i32
      %add3A_219 = arith.addi %mul3A_96, %mul3A_218 : i32
      %add3A_220 = arith.constant 64 : i32
      %add3A_221 = arith.addi %add3A_219, %add3A_220 : i32
      "tpu.region"() ({
        %run_scoped3A = tpu.sem_alloc : memref<!tpu.dma_semaphore, #tpu.memory_space<semaphore_mem>>
        %dma_start3A_299 = tpu.memref_slice %arg2[%add3A_221] : memref<3280896xi32, #tpu.memory_space<hbm>> -> memref<64xi32, #tpu.memory_space<hbm>>
        %dma_start3A_300 = tpu.memref_slice %arg2[%add3A_221] : memref<3280896xi32, #tpu.memory_space<hbm>> -> memref<64xi32, #tpu.memory_space<hbm>>
        tpu.enqueue_dma source(%dma_start3A_300 : memref<64xi32, #tpu.memory_space<hbm>>) target(%arg7 : memref<64xi32, #tpu.memory_space<vmem>>) target_semaphore(%run_scoped3A : memref<!tpu.dma_semaphore, #tpu.memory_space<semaphore_mem>>)
        %dma_wait3A_301 = tpu.memref_slice %arg2[%add3A_221] : memref<3280896xi32, #tpu.memory_space<hbm>> -> memref<64xi32, #tpu.memory_space<hbm>>
        %dma_wait3A_302 = tpu.memref_slice %arg2[%add3A_221] : memref<3280896xi32, #tpu.memory_space<hbm>> -> memref<64xi32, #tpu.memory_space<hbm>>
        tpu.wait_dma2 semaphore(%run_scoped3A : memref<!tpu.dma_semaphore, #tpu.memory_space<semaphore_mem>>) src(%dma_wait3A_302 : memref<64xi32, #tpu.memory_space<hbm>>) dst(%arg7 : memref<64xi32, #tpu.memory_space<vmem>>)
        tpu.yield
      }) : () -> ()
      %get3A_222 = arith.constant 0 : index
      %get3A_223 = tpu.vector_load %arg7[%get3A_222] {strides = array<i32>} : memref<64xi32, #tpu.memory_space<vmem>>, vector<16xi32>,
      %get3A_224 = vector.shape_cast %get3A_223 : vector<16xi32> to vector<16xi32>
      %and3A_225 = arith.constant 65535 : i32
      %and3A_226 = vector.broadcast %and3A_225 : i32 to vector<16xi32>
      %and3A_227 = arith.andi %get3A_224, %and3A_226 : vector<16xi32>
      %swap3A_228 = arith.constant 0 : index
      %swap3A_229 = tpu.vector_load %arg9[%swap3A_228] {strides = array<i32>} : memref<64xi32, #tpu.memory_space<vmem>>, vector<16xi32>,
      %swap3A_230 = vector.shape_cast %swap3A_229 : vector<16xi32> to vector<16xi32>
      %swap3A_231 = vector.shape_cast %and3A_227 : vector<16xi32> to vector<16xi32>
      tpu.vector_store %arg9[%swap3A_228], %swap3A_231 {strides = array<i32>} : memref<64xi32, #tpu.memory_space<vmem>>, vector<16xi32>,
      %shift_right_arithmetic3A_232 = arith.constant 16 : i32
      %shift_right_arithmetic3A_233 = vector.broadcast %shift_right_arithmetic3A_232 : i32 to vector<16xi32>
      %shift_right_arithmetic3A_234 = arith.shrsi %get3A_224, %shift_right_arithmetic3A_233 : vector<16xi32>
      %swap3A_235 = arith.constant 0 : index
      %swap3A_236 = tpu.vector_load %arg11[%swap3A_235] {strides = array<i32>} : memref<64xi32, #tpu.memory_space<vmem>>, vector<16xi32>,
      %swap3A_237 = vector.shape_cast %swap3A_236 : vector<16xi32> to vector<16xi32>
      %swap3A_238 = vector.shape_cast %shift_right_arithmetic3A_234 : vector<16xi32> to vector<16xi32>
      tpu.vector_store %arg11[%swap3A_235], %swap3A_238 {strides = array<i32>} : memref<64xi32, #tpu.memory_space<vmem>>, vector<16xi32>,
      %get3A_239 = arith.constant 16 : index
      %get3A_240 = tpu.vector_load %arg7[%get3A_239] {strides = array<i32>} : memref<64xi32, #tpu.memory_space<vmem>>, vector<16xi32>,
      %get3A_241 = vector.shape_cast %get3A_240 : vector<16xi32> to vector<16xi32>
      %and3A_242 = arith.constant 65535 : i32
      %and3A_243 = vector.broadcast %and3A_242 : i32 to vector<16xi32>
      %and3A_244 = arith.andi %get3A_241, %and3A_243 : vector<16xi32>
      %swap3A_245 = arith.constant 16 : index
      %swap3A_246 = tpu.vector_load %arg9[%swap3A_245] {strides = array<i32>} : memref<64xi32, #tpu.memory_space<vmem>>, vector<16xi32>,
      %swap3A_247 = vector.shape_cast %swap3A_246 : vector<16xi32> to vector<16xi32>
      %swap3A_248 = vector.shape_cast %and3A_244 : vector<16xi32> to vector<16xi32>
      tpu.vector_store %arg9[%swap3A_245], %swap3A_248 {strides = array<i32>} : memref<64xi32, #tpu.memory_space<vmem>>, vector<16xi32>,
      %shift_right_arithmetic3A_249 = arith.constant 16 : i32
      %shift_right_arithmetic3A_250 = vector.broadcast %shift_right_arithmetic3A_249 : i32 to vector<16xi32>
      %shift_right_arithmetic3A_251 = arith.shrsi %get3A_241, %shift_right_arithmetic3A_250 : vector<16xi32>
      %swap3A_252 = arith.constant 16 : index
      %swap3A_253 = tpu.vector_load %arg11[%swap3A_252] {strides = array<i32>} : memref<64xi32, #tpu.memory_space<vmem>>, vector<16xi32>,
      %swap3A_254 = vector.shape_cast %swap3A_253 : vector<16xi32> to vector<16xi32>
      %swap3A_255 = vector.shape_cast %shift_right_arithmetic3A_251 : vector<16xi32> to vector<16xi32>
      tpu.vector_store %arg11[%swap3A_252], %swap3A_255 {strides = array<i32>} : memref<64xi32, #tpu.memory_space<vmem>>, vector<16xi32>,
      %get3A_256 = arith.constant 32 : index
      %get3A_257 = tpu.vector_load %arg7[%get3A_256] {strides = array<i32>} : memref<64xi32, #tpu.memory_space<vmem>>, vector<16xi32>,
      %get3A_258 = vector.shape_cast %get3A_257 : vector<16xi32> to vector<16xi32>
      %and3A_259 = arith.constant 65535 : i32
      %and3A_260 = vector.broadcast %and3A_259 : i32 to vector<16xi32>
      %and3A_261 = arith.andi %get3A_258, %and3A_260 : vector<16xi32>
      %swap3A_262 = arith.constant 32 : index
      %swap3A_263 = tpu.vector_load %arg9[%swap3A_262] {strides = array<i32>} : memref<64xi32, #tpu.memory_space<vmem>>, vector<16xi32>,
      %swap3A_264 = vector.shape_cast %swap3A_263 : vector<16xi32> to vector<16xi32>
      %swap3A_265 = vector.shape_cast %and3A_261 : vector<16xi32> to vector<16xi32>
      tpu.vector_store %arg9[%swap3A_262], %swap3A_265 {strides = array<i32>} : memref<64xi32, #tpu.memory_space<vmem>>, vector<16xi32>,
      %shift_right_arithmetic3A_266 = arith.constant 16 : i32
      %shift_right_arithmetic3A_267 = vector.broadcast %shift_right_arithmetic3A_266 : i32 to vector<16xi32>
      %shift_right_arithmetic3A_268 = arith.shrsi %get3A_258, %shift_right_arithmetic3A_267 : vector<16xi32>
      %swap3A_269 = arith.constant 32 : index
      %swap3A_270 = tpu.vector_load %arg11[%swap3A_269] {strides = array<i32>} : memref<64xi32, #tpu.memory_space<vmem>>, vector<16xi32>,
      %swap3A_271 = vector.shape_cast %swap3A_270 : vector<16xi32> to vector<16xi32>
      %swap3A_272 = vector.shape_cast %shift_right_arithmetic3A_268 : vector<16xi32> to vector<16xi32>
      tpu.vector_store %arg11[%swap3A_269], %swap3A_272 {strides = array<i32>} : memref<64xi32, #tpu.memory_space<vmem>>, vector<16xi32>,
      %get3A_273 = arith.constant 48 : index
      %get3A_274 = tpu.vector_load %arg7[%get3A_273] {strides = array<i32>} : memref<64xi32, #tpu.memory_space<vmem>>, vector<16xi32>,
      %get3A_275 = vector.shape_cast %get3A_274 : vector<16xi32> to vector<16xi32>
      %and3A_276 = arith.constant 65535 : i32
      %and3A_277 = vector.broadcast %and3A_276 : i32 to vector<16xi32>
      %and3A_278 = arith.andi %get3A_275, %and3A_277 : vector<16xi32>
      %swap3A_279 = arith.constant 48 : index
      %swap3A_280 = tpu.vector_load %arg9[%swap3A_279] {strides = array<i32>} : memref<64xi32, #tpu.memory_space<vmem>>, vector<16xi32>,
      %swap3A_281 = vector.shape_cast %swap3A_280 : vector<16xi32> to vector<16xi32>
      %swap3A_282 = vector.shape_cast %and3A_278 : vector<16xi32> to vector<16xi32>
      tpu.vector_store %arg9[%swap3A_279], %swap3A_282 {strides = array<i32>} : memref<64xi32, #tpu.memory_space<vmem>>, vector<16xi32>,
      %shift_right_arithmetic3A_283 = arith.constant 16 : i32
      %shift_right_arithmetic3A_284 = vector.broadcast %shift_right_arithmetic3A_283 : i32 to vector<16xi32>
      %shift_right_arithmetic3A_285 = arith.shrsi %get3A_275, %shift_right_arithmetic3A_284 : vector<16xi32>
      %swap3A_286 = arith.constant 48 : index
      %swap3A_287 = tpu.vector_load %arg11[%swap3A_286] {strides = array<i32>} : memref<64xi32, #tpu.memory_space<vmem>>, vector<16xi32>,
      %swap3A_288 = vector.shape_cast %swap3A_287 : vector<16xi32> to vector<16xi32>
      %swap3A_289 = vector.shape_cast %shift_right_arithmetic3A_285 : vector<16xi32> to vector<16xi32>
      tpu.vector_store %arg11[%swap3A_286], %swap3A_289 {strides = array<i32>} : memref<64xi32, #tpu.memory_space<vmem>>, vector<16xi32>,
      %dma_start3A_290 = arith.constant 0 : i32
      %dma_start3A_291 = arith.constant 0 : i32
      %dma_start3A_292 = tpu.memref_slice %arg4[%dma_start3A_290, %dma_start3A_291] : memref<50176x128xf32, #tpu.memory_space<hbm>> -> memref<50176x128xf32, #tpu.memory_space<hbm>>
      tpu.enqueue_indirect_dma source(%dma_start3A_292 : memref<50176x128xf32, #tpu.memory_space<hbm>>) target(%arg13 : memref<64x128xf32, #tpu.memory_space<vmem>>) offsets(%arg9 : memref<64xi32, #tpu.memory_space<vmem>>) semaphore(%arg18 : memref<!tpu.dma_semaphore, #tpu.memory_space<semaphore_mem>>)
      %dma_wait3A = arith.constant 0 : i32
      %dma_wait3A_293 = arith.constant 0 : i32
      %dma_wait3A_294 = tpu.memref_slice %arg4[%dma_wait3A, %dma_wait3A_293] : memref<50176x128xf32, #tpu.memory_space<hbm>> -> memref<50176x128xf32, #tpu.memory_space<hbm>>
      tpu.wait_indirect_dma semaphore(%arg17 : memref<!tpu.dma_semaphore, #tpu.memory_space<semaphore_mem>>) src(%dma_wait3A_294 : memref<50176x128xf32, #tpu.memory_space<hbm>>) dst(%arg12 : memref<64x128xf32, #tpu.memory_space<vmem>>)
      "tpu.region"() ({
        %run_scoped3A = tpu.sem_alloc : memref<!tpu.dma_semaphore, #tpu.memory_space<semaphore_mem>>
        %dma_start3A_299 = arith.constant 0 : i32
        %dma_start3A_300 = arith.constant 0 : i32
        %dma_start3A_301 = tpu.memref_slice %arg16[%dma_start3A_299, %dma_start3A_300] : memref<12800x128xf32, #tpu.memory_space<vmem_shared>> -> memref<12800x128xf32, #tpu.memory_space<vmem_shared>>
        tpu.enqueue_indirect_dma source(%arg12 : memref<64x128xf32, #tpu.memory_space<vmem>>) target(%dma_start3A_301 : memref<12800x128xf32, #tpu.memory_space<vmem_shared>>) offsets(%arg10 : memref<64xi32, #tpu.memory_space<vmem>>) semaphore(%run_scoped3A : memref<!tpu.dma_semaphore, #tpu.memory_space<semaphore_mem>>) {add = true}
        %dma_wait3A_302 = arith.constant 0 : i32
        %dma_wait3A_303 = arith.constant 0 : i32
        %dma_wait3A_304 = tpu.memref_slice %arg16[%dma_wait3A_302, %dma_wait3A_303] : memref<12800x128xf32, #tpu.memory_space<vmem_shared>> -> memref<12800x128xf32, #tpu.memory_space<vmem_shared>>
        tpu.wait_indirect_dma semaphore(%run_scoped3A : memref<!tpu.dma_semaphore, #tpu.memory_space<semaphore_mem>>) src(%arg12 : memref<64x128xf32, #tpu.memory_space<vmem>>) dst(%dma_wait3A_304 : memref<12800x128xf32, #tpu.memory_space<vmem_shared>>)
        tpu.yield
      }) : () -> ()
      %dma_wait3A_295 = arith.constant 0 : i32
      %dma_wait3A_296 = arith.constant 0 : i32
      %dma_wait3A_297 = tpu.memref_slice %arg4[%dma_wait3A_295, %dma_wait3A_296] : memref<50176x128xf32, #tpu.memory_space<hbm>> -> memref<50176x128xf32, #tpu.memory_space<hbm>>
      tpu.wait_indirect_dma semaphore(%arg18 : memref<!tpu.dma_semaphore, #tpu.memory_space<semaphore_mem>>) src(%dma_wait3A_297 : memref<50176x128xf32, #tpu.memory_space<hbm>>) dst(%arg13 : memref<64x128xf32, #tpu.memory_space<vmem>>)
      "tpu.region"() ({
        %run_scoped3A = tpu.sem_alloc : memref<!tpu.dma_semaphore, #tpu.memory_space<semaphore_mem>>
        %dma_start3A_299 = arith.constant 0 : i32
        %dma_start3A_300 = arith.constant 0 : i32
        %dma_start3A_301 = tpu.memref_slice %arg16[%dma_start3A_299, %dma_start3A_300] : memref<12800x128xf32, #tpu.memory_space<vmem_shared>> -> memref<12800x128xf32, #tpu.memory_space<vmem_shared>>
        tpu.enqueue_indirect_dma source(%arg13 : memref<64x128xf32, #tpu.memory_space<vmem>>) target(%dma_start3A_301 : memref<12800x128xf32, #tpu.memory_space<vmem_shared>>) offsets(%arg11 : memref<64xi32, #tpu.memory_space<vmem>>) semaphore(%run_scoped3A : memref<!tpu.dma_semaphore, #tpu.memory_space<semaphore_mem>>) {add = true}
        %dma_wait3A_302 = arith.constant 0 : i32
        %dma_wait3A_303 = arith.constant 0 : i32
        %dma_wait3A_304 = tpu.memref_slice %arg16[%dma_wait3A_302, %dma_wait3A_303] : memref<12800x128xf32, #tpu.memory_space<vmem_shared>> -> memref<12800x128xf32, #tpu.memory_space<vmem_shared>>
        tpu.wait_indirect_dma semaphore(%run_scoped3A : memref<!tpu.dma_semaphore, #tpu.memory_space<semaphore_mem>>) src(%arg13 : memref<64x128xf32, #tpu.memory_space<vmem>>) dst(%dma_wait3A_304 : memref<12800x128xf32, #tpu.memory_space<vmem_shared>>)
        tpu.yield
      }) : () -> ()
      %while3A_298 = arith.constant 0 : i32
      scf.yield %while3A_298 : i32
    }
    %barrier3A_133 = arith.constant 0 : index
    tpu.barrier barrier_id(%barrier3A_133)
    %scan3A_134 = arith.constant 0 : i32
    %scan3A_135 = arith.constant 0 : i32
    %scan3A_136 = arith.constant 14 : i32
    %scan3A_137 = arith.addi %scan3A_135, %scan3A_136 : i32
    %scan3A_138 = arith.constant 1 : i32
    %scan3A_139 = scf.for %scan3A_142 = %scan3A_135 to %scan3A_137 step %scan3A_138 iter_args(%scan3A_143 = %scan3A_134) -> (i32)  : i32 {
      %mul3A_144 = arith.constant 784 : i32
      %mul3A_145 = arith.muli %arg1, %mul3A_144 : i32
      %mul3A_146 = arith.constant 56 : i32
      %mul3A_147 = arith.muli %scan3A_142, %mul3A_146 : i32
      %add3A_148 = arith.addi %mul3A_145, %mul3A_147 : i32
      "tpu.region"() ({
        %run_scoped3A = tpu.sem_alloc : memref<!tpu.dma_semaphore, #tpu.memory_space<semaphore_mem>>
        %dma_start3A = arith.constant 0 : i32
        %dma_start3A_156 = arith.constant 0 : i32
        %dma_start3A_157 = tpu.memref_slice %arg12[%dma_start3A, %dma_start3A_156] : memref<64x128xf32, #tpu.memory_space<vmem>> -> memref<56x128xf32, #tpu.memory_space<vmem>>
        %dma_start3A_158 = arith.constant 0 : i32
        %dma_start3A_159 = tpu.memref_slice %arg16[%add3A_148, %dma_start3A_158] : memref<12800x128xf32, #tpu.memory_space<vmem_shared>> -> memref<56x128xf32, #tpu.memory_space<vmem_shared>>
        %dma_start3A_160 = arith.constant 0 : i32
        %dma_start3A_161 = arith.constant 0 : i32
        %dma_start3A_162 = tpu.memref_slice %arg12[%dma_start3A_160, %dma_start3A_161] : memref<64x128xf32, #tpu.memory_space<vmem>> -> memref<56x128xf32, #tpu.memory_space<vmem>>
        %dma_start3A_163 = arith.constant 0 : i32
        %dma_start3A_164 = tpu.memref_slice %arg16[%add3A_148, %dma_start3A_163] : memref<12800x128xf32, #tpu.memory_space<vmem_shared>> -> memref<56x128xf32, #tpu.memory_space<vmem_shared>>
        tpu.enqueue_dma source(%dma_start3A_164 : memref<56x128xf32, #tpu.memory_space<vmem_shared>>) target(%dma_start3A_162 : memref<56x128xf32, #tpu.memory_space<vmem>>) target_semaphore(%run_scoped3A : memref<!tpu.dma_semaphore, #tpu.memory_space<semaphore_mem>>)
        %dma_wait3A = arith.constant 0 : i32
        %dma_wait3A_165 = arith.constant 0 : i32
        %dma_wait3A_166 = tpu.memref_slice %arg12[%dma_wait3A, %dma_wait3A_165] : memref<64x128xf32, #tpu.memory_space<vmem>> -> memref<56x128xf32, #tpu.memory_space<vmem>>
        %dma_wait3A_167 = arith.constant 0 : i32
        %dma_wait3A_168 = tpu.memref_slice %arg16[%add3A_148, %dma_wait3A_167] : memref<12800x128xf32, #tpu.memory_space<vmem_shared>> -> memref<56x128xf32, #tpu.memory_space<vmem_shared>>
        %dma_wait3A_169 = arith.constant 0 : i32
        %dma_wait3A_170 = arith.constant 0 : i32
        %dma_wait3A_171 = tpu.memref_slice %arg12[%dma_wait3A_169, %dma_wait3A_170] : memref<64x128xf32, #tpu.memory_space<vmem>> -> memref<56x128xf32, #tpu.memory_space<vmem>>
        %dma_wait3A_172 = arith.constant 0 : i32
        %dma_wait3A_173 = tpu.memref_slice %arg16[%add3A_148, %dma_wait3A_172] : memref<12800x128xf32, #tpu.memory_space<vmem_shared>> -> memref<56x128xf32, #tpu.memory_space<vmem_shared>>
        tpu.wait_dma2 semaphore(%run_scoped3A : memref<!tpu.dma_semaphore, #tpu.memory_space<semaphore_mem>>) src(%dma_wait3A_173 : memref<56x128xf32, #tpu.memory_space<vmem_shared>>) dst(%dma_wait3A_171 : memref<56x128xf32, #tpu.memory_space<vmem>>)
        tpu.yield
      }) : () -> ()
      %mul3A_149 = arith.constant 784 : i32
      %mul3A_150 = arith.muli %arg1, %mul3A_149 : i32
      %add3A_151 = arith.addi %mul3A_73, %mul3A_150 : i32
      %mul3A_152 = arith.constant 56 : i32
      %mul3A_153 = arith.muli %scan3A_142, %mul3A_152 : i32
      %add3A_154 = arith.addi %add3A_151, %mul3A_153 : i32
      "tpu.region"() ({
        %run_scoped3A = tpu.sem_alloc : memref<!tpu.dma_semaphore, #tpu.memory_space<semaphore_mem>>
        %dma_start3A = arith.constant 0 : i32
        %dma_start3A_156 = arith.constant 0 : i32
        %dma_start3A_157 = tpu.memref_slice %arg12[%dma_start3A, %dma_start3A_156] : memref<64x128xf32, #tpu.memory_space<vmem>> -> memref<56x128xf32, #tpu.memory_space<vmem>>
        %dma_start3A_158 = arith.constant 0 : i32
        %dma_start3A_159 = tpu.memref_slice %arg5[%add3A_154, %dma_start3A_158] : memref<50176x128xf32, #tpu.memory_space<hbm>> -> memref<56x128xf32, #tpu.memory_space<hbm>>
        %dma_start3A_160 = arith.constant 0 : i32
        %dma_start3A_161 = tpu.memref_slice %arg5[%add3A_154, %dma_start3A_160] : memref<50176x128xf32, #tpu.memory_space<hbm>> -> memref<56x128xf32, #tpu.memory_space<hbm>>
        %dma_start3A_162 = arith.constant 0 : i32
        %dma_start3A_163 = arith.constant 0 : i32
        %dma_start3A_164 = tpu.memref_slice %arg12[%dma_start3A_162, %dma_start3A_163] : memref<64x128xf32, #tpu.memory_space<vmem>> -> memref<56x128xf32, #tpu.memory_space<vmem>>
        tpu.enqueue_dma source(%dma_start3A_164 : memref<56x128xf32, #tpu.memory_space<vmem>>) target(%dma_start3A_161 : memref<56x128xf32, #tpu.memory_space<hbm>>) target_semaphore(%run_scoped3A : memref<!tpu.dma_semaphore, #tpu.memory_space<semaphore_mem>>)
        %dma_wait3A = arith.constant 0 : i32
        %dma_wait3A_165 = arith.constant 0 : i32
        %dma_wait3A_166 = tpu.memref_slice %arg12[%dma_wait3A, %dma_wait3A_165] : memref<64x128xf32, #tpu.memory_space<vmem>> -> memref<56x128xf32, #tpu.memory_space<vmem>>
        %dma_wait3A_167 = arith.constant 0 : i32
        %dma_wait3A_168 = tpu.memref_slice %arg5[%add3A_154, %dma_wait3A_167] : memref<50176x128xf32, #tpu.memory_space<hbm>> -> memref<56x128xf32, #tpu.memory_space<hbm>>
        %dma_wait3A_169 = arith.constant 0 : i32
        %dma_wait3A_170 = tpu.memref_slice %arg5[%add3A_154, %dma_wait3A_169] : memref<50176x128xf32, #tpu.memory_space<hbm>> -> memref<56x128xf32, #tpu.memory_space<hbm>>
        %dma_wait3A_171 = arith.constant 0 : i32
        %dma_wait3A_172 = arith.constant 0 : i32
        %dma_wait3A_173 = tpu.memref_slice %arg12[%dma_wait3A_171, %dma_wait3A_172] : memref<64x128xf32, #tpu.memory_space<vmem>> -> memref<56x128xf32, #tpu.memory_space<vmem>>
        tpu.wait_dma2 semaphore(%run_scoped3A : memref<!tpu.dma_semaphore, #tpu.memory_space<semaphore_mem>>) src(%dma_wait3A_173 : memref<56x128xf32, #tpu.memory_space<vmem>>) dst(%dma_wait3A_170 : memref<56x128xf32, #tpu.memory_space<hbm>>)
        tpu.yield
      }) : () -> ()
      %scan3A_155 = arith.constant 0 : i32
      scf.yield %scan3A_155 : i32
    }
    %scan3A_140 = arith.constant 14 : i32
    %barrier3A_141 = arith.constant 0 : index
    tpu.barrier barrier_id(%barrier3A_141)
    return
  }
}

module attributes {stable_mosaic.version = 14 : i64} {
  func.func @body(%arg0: i32, %arg1: memref<512x1xf32, #tpu.memory_space<vmem>>, %arg2: memref<512x1xf32, #tpu.memory_space<vmem>>, %arg3: memref<512x128xf32, #tpu.memory_space<vmem>>, %arg4: memref<512x1xf32, #tpu.memory_space<vmem>>, %arg5: memref<512x128xf32, #tpu.memory_space<vmem>>) attributes {dimension_semantics = [#tpu.dimension_semantics<arbitrary>], iteration_bounds = array<i64: 98>, scalar_prefetch = 0 : i64, scratch_operands = 0 : i64, tpu.core_type = #tpu.core_type<tc>, window_params = [{transform_indices = @transform_0, window_bounds = array<i64: 512, 1>}, {transform_indices = @transform_1, window_bounds = array<i64: 512, 1>}, {transform_indices = @transform_2, window_bounds = array<i64: 512, 128>}, {transform_indices = @transform_3, window_bounds = array<i64: 512, 1>}, {transform_indices = @transform_4, window_bounds = array<i64: 512, 128>}]} {
    %get3A = arith.constant 0 : index
    %get3A_0 = arith.constant 0 : index
    %get3A_1 = vector.load %arg1[%get3A, %get3A_0] : memref<512x1xf32, #tpu.memory_space<vmem>>, vector<512x1xf32>
    %get3A_2 = arith.constant 0 : index
    %get3A_3 = arith.constant 0 : index
    %get3A_4 = vector.load %arg2[%get3A_2, %get3A_3] : memref<512x1xf32, #tpu.memory_space<vmem>>, vector<512x1xf32>
    %add3A = arith.addf %get3A_1, %get3A_4 : vector<512x1xf32>
    %add3A_5 = arith.constant 1.000000e+00 : f32
    %add3A_6 = vector.broadcast %add3A_5 : f32 to vector<512x1xf32>
    %add3A_7 = arith.addf %add3A, %add3A_6 : vector<512x1xf32>
    %rsqrt3A = math.rsqrt %add3A_7 : vector<512x1xf32>
    %swap3A = arith.constant 0 : index
    %swap3A_8 = arith.constant 0 : index
    %swap3A_9 = vector.load %arg4[%swap3A, %swap3A_8] : memref<512x1xf32, #tpu.memory_space<vmem>>, vector<512x1xf32>
    tpu.vector_store %arg4[%swap3A, %swap3A_8], %rsqrt3A {strides = array<i32>} : memref<512x1xf32, #tpu.memory_space<vmem>>, vector<512x1xf32>,
    %get3A_10 = arith.constant 0 : index
    %get3A_11 = arith.constant 0 : index
    %get3A_12 = vector.load %arg3[%get3A_10, %get3A_11] : memref<512x128xf32, #tpu.memory_space<vmem>>, vector<512x128xf32>
    %mul3A = vector.broadcast %rsqrt3A : vector<512x1xf32> to vector<512x128xf32>
    %mul3A_13 = arith.mulf %get3A_12, %mul3A : vector<512x128xf32>
    %swap3A_14 = arith.constant 0 : index
    %swap3A_15 = arith.constant 0 : index
    %swap3A_16 = vector.load %arg5[%swap3A_14, %swap3A_15] : memref<512x128xf32, #tpu.memory_space<vmem>>, vector<512x128xf32>
    tpu.vector_store %arg5[%swap3A_14, %swap3A_15], %mul3A_13 {strides = array<i32>} : memref<512x128xf32, #tpu.memory_space<vmem>>, vector<512x128xf32>,
    return
  }
  func.func @transform_0(%arg0: i32) -> (i32, i32) {
    %c0_i32 = arith.constant 0 : i32
    %c0_i32_0 = arith.constant 0 : i32
    return %arg0, %c0_i32 : i32, i32
  }
  func.func @transform_1(%arg0: i32) -> (i32, i32) {
    %c0_i32 = arith.constant 0 : i32
    %c0_i32_0 = arith.constant 0 : i32
    return %arg0, %c0_i32 : i32, i32
  }
  func.func @transform_2(%arg0: i32) -> (i32, i32) {
    %c0_i32 = arith.constant 0 : i32
    %c0_i32_0 = arith.constant 0 : i32
    return %arg0, %c0_i32 : i32, i32
  }
  func.func @transform_3(%arg0: i32) -> (i32, i32) {
    %c0_i32 = arith.constant 0 : i32
    %c0_i32_0 = arith.constant 0 : i32
    return %arg0, %c0_i32 : i32, i32
  }
  func.func @transform_4(%arg0: i32) -> (i32, i32) {
    %c0_i32 = arith.constant 0 : i32
    %c0_i32_0 = arith.constant 0 : i32
    return %arg0, %c0_i32 : i32, i32
  }
}

module attributes {stable_mosaic.version = 14 : i64} {
  func.func @body(%arg0: i32, %arg1: memref<512x128xf32, #tpu.memory_space<vmem>>, %arg2: memref<512x128xf32, #tpu.memory_space<vmem>>, %arg3: memref<512x1xf32, #tpu.memory_space<vmem>>, %arg4: memref<128x128xf32, #tpu.memory_space<vmem>>, %arg5: memref<1x128xf32, #tpu.memory_space<vmem>>, %arg6: memref<512x128xf32, #tpu.memory_space<vmem>>) attributes {dimension_semantics = [#tpu.dimension_semantics<arbitrary>], iteration_bounds = array<i64: 98>, scalar_prefetch = 0 : i64, scratch_operands = 0 : i64, tpu.core_type = #tpu.core_type<tc>, window_params = [{transform_indices = @transform_0, window_bounds = array<i64: 512, 128>}, {transform_indices = @transform_1, window_bounds = array<i64: 512, 128>}, {transform_indices = @transform_2, window_bounds = array<i64: 512, 1>}, {pipeline_mode = #tpu.pipeline_mode<synchronous>, transform_indices = @transform_3, window_bounds = array<i64: 128, 128>}, {pipeline_mode = #tpu.pipeline_mode<synchronous>, transform_indices = @transform_4, window_bounds = array<i64: 1, 128>}, {transform_indices = @transform_5, window_bounds = array<i64: 512, 128>}]} {
    %get3A = arith.constant 0 : index
    %get3A_0 = arith.constant 0 : index
    %get3A_1 = vector.load %arg3[%get3A, %get3A_0] : memref<512x1xf32, #tpu.memory_space<vmem>>, vector<512x1xf32>
    %get3A_2 = arith.constant 0 : index
    %get3A_3 = arith.constant 0 : index
    %get3A_4 = vector.load %arg1[%get3A_2, %get3A_3] : memref<512x128xf32, #tpu.memory_space<vmem>>, vector<512x128xf32>
    %get3A_5 = arith.constant 0 : index
    %get3A_6 = arith.constant 0 : index
    %get3A_7 = vector.load %arg2[%get3A_5, %get3A_6] : memref<512x128xf32, #tpu.memory_space<vmem>>, vector<512x128xf32>
    %add3A = arith.addf %get3A_4, %get3A_7 : vector<512x128xf32>
    %mul3A = vector.broadcast %get3A_1 : vector<512x1xf32> to vector<512x128xf32>
    %mul3A_8 = arith.mulf %mul3A, %add3A : vector<512x128xf32>
    %get3A_9 = arith.constant 0 : index
    %get3A_10 = arith.constant 0 : index
    %get3A_11 = vector.load %arg4[%get3A_9, %get3A_10] : memref<128x128xf32, #tpu.memory_space<vmem>>, vector<128x128xf32>
    %dot_general3A = arith.constant dense<0.000000e+00> : vector<512x128xf32>
    %dot_general3A_12 = tpu.matmul %mul3A_8, %get3A_11, %dot_general3A {dimension_numbers = #tpu.dot_dimension_numbers<[1], [0], [0], [1], [0, 0, 1, 1], [], []>, transpose_lhs_hint = false} : vector<512x128xf32>, vector<128x128xf32>, vector<512x128xf32> -> vector<512x128xf32>
    %get3A_13 = arith.constant 0 : index
    %get3A_14 = arith.constant 0 : index
    %get3A_15 = vector.load %arg5[%get3A_13, %get3A_14] : memref<1x128xf32, #tpu.memory_space<vmem>>, vector<1x128xf32>
    %add3A_16 = vector.broadcast %get3A_15 : vector<1x128xf32> to vector<512x128xf32>
    %add3A_17 = arith.addf %dot_general3A_12, %add3A_16 : vector<512x128xf32>
    %max3A = arith.constant 0.000000e+00 : f32
    %max3A_18 = vector.broadcast %max3A : f32 to vector<512x128xf32>
    %max3A_19 = arith.maximumf %add3A_17, %max3A_18 : vector<512x128xf32>
    %mul3A_20 = vector.broadcast %get3A_1 : vector<512x1xf32> to vector<512x128xf32>
    %mul3A_21 = arith.mulf %mul3A_20, %max3A_19 : vector<512x128xf32>
    %swap3A = arith.constant 0 : index
    %swap3A_22 = arith.constant 0 : index
    %swap3A_23 = vector.load %arg6[%swap3A, %swap3A_22] : memref<512x128xf32, #tpu.memory_space<vmem>>, vector<512x128xf32>
    tpu.vector_store %arg6[%swap3A, %swap3A_22], %mul3A_21 {strides = array<i32>} : memref<512x128xf32, #tpu.memory_space<vmem>>, vector<512x128xf32>,
    return
  }
  func.func @transform_0(%arg0: i32) -> (i32, i32) {
    %c0_i32 = arith.constant 0 : i32
    %c0_i32_0 = arith.constant 0 : i32
    return %arg0, %c0_i32 : i32, i32
  }
  func.func @transform_1(%arg0: i32) -> (i32, i32) {
    %c0_i32 = arith.constant 0 : i32
    %c0_i32_0 = arith.constant 0 : i32
    return %arg0, %c0_i32 : i32, i32
  }
  func.func @transform_2(%arg0: i32) -> (i32, i32) {
    %c0_i32 = arith.constant 0 : i32
    %c0_i32_0 = arith.constant 0 : i32
    return %arg0, %c0_i32 : i32, i32
  }
  func.func @transform_3(%arg0: i32) -> (i32, i32) {
    %c0_i32 = arith.constant 0 : i32
    %c0_i32_0 = arith.constant 0 : i32
    %c0_i32_1 = arith.constant 0 : i32
    return %c0_i32, %c0_i32_0 : i32, i32
  }
  func.func @transform_4(%arg0: i32) -> (i32, i32) {
    %c0_i32 = arith.constant 0 : i32
    %c0_i32_0 = arith.constant 0 : i32
    %c0_i32_1 = arith.constant 0 : i32
    return %c0_i32, %c0_i32_0 : i32, i32
  }
  func.func @transform_5(%arg0: i32) -> (i32, i32) {
    %c0_i32 = arith.constant 0 : i32
    %c0_i32_0 = arith.constant 0 : i32
    return %arg0, %c0_i32 : i32, i32
  }
}

module attributes {stable_mosaic.version = 14 : i64} {
  func.func @body(%arg0: i32, %arg1: memref<512x128xf32, #tpu.memory_space<vmem>>, %arg2: memref<512x128xf32, #tpu.memory_space<vmem>>, %arg3: memref<512x1xf32, #tpu.memory_space<vmem>>, %arg4: memref<512x1xi32, #tpu.memory_space<vmem>>, %arg5: memref<128x128xf32, #tpu.memory_space<vmem>>, %arg6: memref<1x128xf32, #tpu.memory_space<vmem>>, %arg7: memref<128x128xf32, #tpu.memory_space<vmem>>, %arg8: memref<1x128xf32, #tpu.memory_space<vmem>>, %arg9: memref<128x64xf32, #tpu.memory_space<vmem>>, %arg10: memref<1x64xf32, #tpu.memory_space<vmem>>, %arg11: memref<64x32xf32, #tpu.memory_space<vmem>>, %arg12: memref<1x32xf32, #tpu.memory_space<vmem>>, %arg13: memref<32x16xf32, #tpu.memory_space<vmem>>, %arg14: memref<1x16xf32, #tpu.memory_space<vmem>>, %arg15: memref<64x16xf32, #tpu.memory_space<vmem>>, %arg16: memref<64x128xf32, #tpu.memory_space<vmem>>) attributes {dimension_semantics = [#tpu.dimension_semantics<arbitrary>], iteration_bounds = array<i64: 98>, scalar_prefetch = 0 : i64, scratch_operands = 1 : i64, tpu.core_type = #tpu.core_type<tc>, window_params = [{transform_indices = @transform_0, window_bounds = array<i64: 512, 128>}, {transform_indices = @transform_1, window_bounds = array<i64: 512, 128>}, {transform_indices = @transform_2, window_bounds = array<i64: 512, 1>}, {transform_indices = @transform_3, window_bounds = array<i64: 512, 1>}, {pipeline_mode = #tpu.pipeline_mode<synchronous>, transform_indices = @transform_4, window_bounds = array<i64: 128, 128>}, {pipeline_mode = #tpu.pipeline_mode<synchronous>, transform_indices = @transform_5, window_bounds = array<i64: 1, 128>}, {pipeline_mode = #tpu.pipeline_mode<synchronous>, transform_indices = @transform_6, window_bounds = array<i64: 128, 128>}, {pipeline_mode = #tpu.pipeline_mode<synchronous>, transform_indices = @transform_7, window_bounds = array<i64: 1, 128>}, {pipeline_mode = #tpu.pipeline_mode<synchronous>, transform_indices = @transform_8, window_bounds = array<i64: 128, 64>}, {pipeline_mode = #tpu.pipeline_mode<synchronous>, transform_indices = @transform_9, window_bounds = array<i64: 1, 64>}, {pipeline_mode = #tpu.pipeline_mode<synchronous>, transform_indices = @transform_10, window_bounds = array<i64: 64, 32>}, {pipeline_mode = #tpu.pipeline_mode<synchronous>, transform_indices = @transform_11, window_bounds = array<i64: 1, 32>}, {pipeline_mode = #tpu.pipeline_mode<synchronous>, transform_indices = @transform_12, window_bounds = array<i64: 32, 16>}, {pipeline_mode = #tpu.pipeline_mode<synchronous>, transform_indices = @transform_13, window_bounds = array<i64: 1, 16>}, {pipeline_mode = #tpu.pipeline_mode<synchronous>, transform_indices = @transform_14, window_bounds = array<i64: 64, 16>}]} {
    %eq3A = arith.constant 0 : i32
    %eq3A_0 = arith.cmpi eq, %arg0, %eq3A : i32
    %convert_element_type3A = arith.extui %eq3A_0 : i1 to i32
    %cond3A = arith.constant 0 : i32
    %cond3A_1 = arith.cmpi ne, %convert_element_type3A, %cond3A : i32
    scf.if %cond3A_1 {
      %broadcast_in_dim3A_59 = arith.constant 0xFF800000 : f32
      %broadcast_in_dim3A_60 = vector.broadcast %broadcast_in_dim3A_59 : f32 to vector<64x128xf32>
      %swap3A = arith.constant 0 : index
      %swap3A_61 = arith.constant 0 : index
      %swap3A_62 = vector.load %arg16[%swap3A, %swap3A_61] : memref<64x128xf32, #tpu.memory_space<vmem>>, vector<64x128xf32>
      tpu.vector_store %arg16[%swap3A, %swap3A_61], %broadcast_in_dim3A_60 {strides = array<i32>} : memref<64x128xf32, #tpu.memory_space<vmem>>, vector<64x128xf32>,
    } else {
    }
    %get3A = arith.constant 0 : index
    %get3A_2 = arith.constant 0 : index
    %get3A_3 = vector.load %arg3[%get3A, %get3A_2] : memref<512x1xf32, #tpu.memory_space<vmem>>, vector<512x1xf32>
    %get3A_4 = arith.constant 0 : index
    %get3A_5 = arith.constant 0 : index
    %get3A_6 = vector.load %arg1[%get3A_4, %get3A_5] : memref<512x128xf32, #tpu.memory_space<vmem>>, vector<512x128xf32>
    %get3A_7 = arith.constant 0 : index
    %get3A_8 = arith.constant 0 : index
    %get3A_9 = vector.load %arg2[%get3A_7, %get3A_8] : memref<512x128xf32, #tpu.memory_space<vmem>>, vector<512x128xf32>
    %add3A = arith.addf %get3A_6, %get3A_9 : vector<512x128xf32>
    %mul3A = vector.broadcast %get3A_3 : vector<512x1xf32> to vector<512x128xf32>
    %mul3A_10 = arith.mulf %mul3A, %add3A : vector<512x128xf32>
    %get3A_11 = arith.constant 0 : index
    %get3A_12 = arith.constant 0 : index
    %get3A_13 = vector.load %arg5[%get3A_11, %get3A_12] : memref<128x128xf32, #tpu.memory_space<vmem>>, vector<128x128xf32>
    %dot_general3A = arith.constant dense<0.000000e+00> : vector<512x128xf32>
    %dot_general3A_14 = tpu.matmul %mul3A_10, %get3A_13, %dot_general3A {dimension_numbers = #tpu.dot_dimension_numbers<[1], [0], [0], [1], [0, 0, 1, 1], [], []>, transpose_lhs_hint = false} : vector<512x128xf32>, vector<128x128xf32>, vector<512x128xf32> -> vector<512x128xf32>
    %get3A_15 = arith.constant 0 : index
    %get3A_16 = arith.constant 0 : index
    %get3A_17 = vector.load %arg6[%get3A_15, %get3A_16] : memref<1x128xf32, #tpu.memory_space<vmem>>, vector<1x128xf32>
    %add3A_18 = vector.broadcast %get3A_17 : vector<1x128xf32> to vector<512x128xf32>
    %add3A_19 = arith.addf %dot_general3A_14, %add3A_18 : vector<512x128xf32>
    %max3A = arith.constant 0.000000e+00 : f32
    %max3A_20 = vector.broadcast %max3A : f32 to vector<512x128xf32>
    %max3A_21 = arith.maximumf %add3A_19, %max3A_20 : vector<512x128xf32>
    %mul3A_22 = arith.constant 512 : i32
    %mul3A_23 = arith.muli %arg0, %mul3A_22 : i32
    %iota3A = tpu.iota {dimensions = array<i32: 0>} : vector<512x1xi32>
    %add3A_24 = vector.broadcast %mul3A_23 : i32 to vector<512x1xi32>
    %add3A_25 = arith.addi %add3A_24, %iota3A : vector<512x1xi32>
    %lt3A = arith.constant 50000 : i32
    %lt3A_26 = vector.broadcast %lt3A : i32 to vector<512x1xi32>
    %lt3A_27 = arith.cmpi slt, %add3A_25, %lt3A_26 : vector<512x1xi32>
    %jit3A = arith.constant 0xFF800000 : f32
    %broadcast_in_dim3A = vector.shape_cast %lt3A_27 : vector<512x1xi1> to vector<512x1xi1>
    %broadcast_in_dim3A_28 = vector.broadcast %broadcast_in_dim3A : vector<512x1xi1> to vector<512x128xi1>
    %broadcast_in_dim3A_29 = vector.broadcast %jit3A : f32 to vector<512x128xf32>
    %select_n3A = arith.select %broadcast_in_dim3A_28, %max3A_21, %broadcast_in_dim3A_29 : vector<512x128xi1>, vector<512x128xf32>
    %get3A_30 = arith.constant 0 : index
    %get3A_31 = arith.constant 0 : index
    %get3A_32 = vector.load %arg4[%get3A_30, %get3A_31] : memref<512x1xi32, #tpu.memory_space<vmem>>, vector<512x1xi32>
    %get3A_33 = arith.constant 0 : index
    %get3A_34 = arith.constant 0 : index
    %get3A_35 = vector.load %arg4[%get3A_33, %get3A_34] : memref<512x1xi32, #tpu.memory_space<vmem>>, vector<1x1xi32>
    %get3A_36 = vector.extract %get3A_35[0, 0] : i32 from vector<1x1xi32>
    %get3A_37 = arith.constant 511 : index
    %get3A_38 = arith.constant 0 : index
    %get3A_39 = vector.load %arg4[%get3A_37, %get3A_38] : memref<512x1xi32, #tpu.memory_space<vmem>>, vector<1x1xi32>
    %get3A_40 = vector.extract %get3A_39[0, 0] : i32 from vector<1x1xi32>
    %iota3A_41 = tpu.iota {dimensions = array<i32: 0>} : vector<64x1xi32>
    %add3A_42 = arith.constant 1 : i32
    %add3A_43 = arith.addi %get3A_40, %add3A_42 : i32
    %while3A = arith.constant 0 : i32
    %while3A_44 = arith.subi %add3A_43, %get3A_36 : i32
    %while3A_45 = arith.addi %get3A_36, %while3A_44 : i32
    %while3A_46 = arith.constant 1 : i32
    %while3A_47 = arith.divsi %while3A_44, %while3A_46 : i32
    %while3A_48 = arith.muli %while3A_47, %while3A_46 : i32
    %while3A_49 = arith.addi %get3A_36, %while3A_48 : i32
    %while3A_50 = arith.constant 1 : i32
    %while3A_51 = scf.for %while3A_59 = %get3A_36 to %while3A_49 step %while3A_50 iter_args(%while3A_60 = %while3A) -> (i32)  : i32 {
      %eq3A_61 = vector.broadcast %while3A_59 : i32 to vector<512x1xi32>
      %eq3A_62 = arith.cmpi eq, %get3A_32, %eq3A_61 : vector<512x1xi32>
      %jit3A_63 = arith.constant 0xFF800000 : f32
      %broadcast_in_dim3A_64 = vector.shape_cast %eq3A_62 : vector<512x1xi1> to vector<512x1xi1>
      %broadcast_in_dim3A_65 = vector.broadcast %broadcast_in_dim3A_64 : vector<512x1xi1> to vector<512x128xi1>
      %broadcast_in_dim3A_66 = vector.broadcast %jit3A_63 : f32 to vector<512x128xf32>
      %select_n3A_67 = arith.select %broadcast_in_dim3A_65, %select_n3A, %broadcast_in_dim3A_66 : vector<512x128xi1>, vector<512x128xf32>
      %reduce_max3A = arith.constant dense<0xFF800000> : vector<128xf32>
      %reduce_max3A_68 = vector.multi_reduction <maximumf>, %select_n3A_67, %reduce_max3A [0] : vector<512x128xf32> to vector<128xf32>
      %broadcast_in_dim3A_69 = vector.shape_cast %reduce_max3A_68 : vector<128xf32> to vector<1x128xf32>
      %eq3A_70 = vector.broadcast %while3A_59 : i32 to vector<64x1xi32>
      %eq3A_71 = arith.cmpi eq, %iota3A_41, %eq3A_70 : vector<64x1xi32>
      %get3A_72 = arith.constant 0 : index
      %get3A_73 = arith.constant 0 : index
      %get3A_74 = vector.load %arg16[%get3A_72, %get3A_73] : memref<64x128xf32, #tpu.memory_space<vmem>>, vector<64x128xf32>
      %max3A_75 = vector.broadcast %broadcast_in_dim3A_69 : vector<1x128xf32> to vector<64x128xf32>
      %max3A_76 = arith.maximumf %get3A_74, %max3A_75 : vector<64x128xf32>
      %get3A_77 = arith.constant 0 : index
      %get3A_78 = arith.constant 0 : index
      %get3A_79 = vector.load %arg16[%get3A_77, %get3A_78] : memref<64x128xf32, #tpu.memory_space<vmem>>, vector<64x128xf32>
      %broadcast_in_dim3A_80 = vector.shape_cast %eq3A_71 : vector<64x1xi1> to vector<64x1xi1>
      %broadcast_in_dim3A_81 = vector.broadcast %broadcast_in_dim3A_80 : vector<64x1xi1> to vector<64x128xi1>
      %select_n3A_82 = arith.select %broadcast_in_dim3A_81, %max3A_76, %get3A_79 : vector<64x128xi1>, vector<64x128xf32>
      %swap3A = arith.constant 0 : index
      %swap3A_83 = arith.constant 0 : index
      %swap3A_84 = vector.load %arg16[%swap3A, %swap3A_83] : memref<64x128xf32, #tpu.memory_space<vmem>>, vector<64x128xf32>
      tpu.vector_store %arg16[%swap3A, %swap3A_83], %select_n3A_82 {strides = array<i32>} : memref<64x128xf32, #tpu.memory_space<vmem>>, vector<64x128xf32>,
      %while3A_85 = arith.constant 0 : i32
      scf.yield %while3A_85 : i32
    }
    %while3A_52 = arith.constant 1 : i32
    %while3A_53 = scf.for %while3A_59 = %while3A_49 to %while3A_45 step %while3A_52 iter_args(%while3A_60 = %while3A_51) -> (i32)  : i32 {
      %eq3A_61 = vector.broadcast %while3A_59 : i32 to vector<512x1xi32>
      %eq3A_62 = arith.cmpi eq, %get3A_32, %eq3A_61 : vector<512x1xi32>
      %jit3A_63 = arith.constant 0xFF800000 : f32
      %broadcast_in_dim3A_64 = vector.shape_cast %eq3A_62 : vector<512x1xi1> to vector<512x1xi1>
      %broadcast_in_dim3A_65 = vector.broadcast %broadcast_in_dim3A_64 : vector<512x1xi1> to vector<512x128xi1>
      %broadcast_in_dim3A_66 = vector.broadcast %jit3A_63 : f32 to vector<512x128xf32>
      %select_n3A_67 = arith.select %broadcast_in_dim3A_65, %select_n3A, %broadcast_in_dim3A_66 : vector<512x128xi1>, vector<512x128xf32>
      %reduce_max3A = arith.constant dense<0xFF800000> : vector<128xf32>
      %reduce_max3A_68 = vector.multi_reduction <maximumf>, %select_n3A_67, %reduce_max3A [0] : vector<512x128xf32> to vector<128xf32>
      %broadcast_in_dim3A_69 = vector.shape_cast %reduce_max3A_68 : vector<128xf32> to vector<1x128xf32>
      %eq3A_70 = vector.broadcast %while3A_59 : i32 to vector<64x1xi32>
      %eq3A_71 = arith.cmpi eq, %iota3A_41, %eq3A_70 : vector<64x1xi32>
      %get3A_72 = arith.constant 0 : index
      %get3A_73 = arith.constant 0 : index
      %get3A_74 = vector.load %arg16[%get3A_72, %get3A_73] : memref<64x128xf32, #tpu.memory_space<vmem>>, vector<64x128xf32>
      %max3A_75 = vector.broadcast %broadcast_in_dim3A_69 : vector<1x128xf32> to vector<64x128xf32>
      %max3A_76 = arith.maximumf %get3A_74, %max3A_75 : vector<64x128xf32>
      %get3A_77 = arith.constant 0 : index
      %get3A_78 = arith.constant 0 : index
      %get3A_79 = vector.load %arg16[%get3A_77, %get3A_78] : memref<64x128xf32, #tpu.memory_space<vmem>>, vector<64x128xf32>
      %broadcast_in_dim3A_80 = vector.shape_cast %eq3A_71 : vector<64x1xi1> to vector<64x1xi1>
      %broadcast_in_dim3A_81 = vector.broadcast %broadcast_in_dim3A_80 : vector<64x1xi1> to vector<64x128xi1>
      %select_n3A_82 = arith.select %broadcast_in_dim3A_81, %max3A_76, %get3A_79 : vector<64x128xi1>, vector<64x128xf32>
      %swap3A = arith.constant 0 : index
      %swap3A_83 = arith.constant 0 : index
      %swap3A_84 = vector.load %arg16[%swap3A, %swap3A_83] : memref<64x128xf32, #tpu.memory_space<vmem>>, vector<64x128xf32>
      tpu.vector_store %arg16[%swap3A, %swap3A_83], %select_n3A_82 {strides = array<i32>} : memref<64x128xf32, #tpu.memory_space<vmem>>, vector<64x128xf32>,
      %while3A_85 = arith.constant 0 : i32
      scf.yield %while3A_85 : i32
    }
    %eq3A_54 = arith.constant 97 : i32
    %eq3A_55 = arith.cmpi eq, %arg0, %eq3A_54 : i32
    %convert_element_type3A_56 = arith.extui %eq3A_55 : i1 to i32
    %cond3A_57 = arith.constant 0 : i32
    %cond3A_58 = arith.cmpi ne, %convert_element_type3A_56, %cond3A_57 : i32
    scf.if %cond3A_58 {
      %get3A_59 = arith.constant 0 : index
      %get3A_60 = arith.constant 0 : index
      %get3A_61 = vector.load %arg16[%get3A_59, %get3A_60] : memref<64x128xf32, #tpu.memory_space<vmem>>, vector<64x128xf32>
      %get3A_62 = arith.constant 0 : index
      %get3A_63 = arith.constant 0 : index
      %get3A_64 = vector.load %arg7[%get3A_62, %get3A_63] : memref<128x128xf32, #tpu.memory_space<vmem>>, vector<128x128xf32>
      %dot_general3A_65 = arith.constant dense<0.000000e+00> : vector<64x128xf32>
      %dot_general3A_66 = tpu.matmul %get3A_61, %get3A_64, %dot_general3A_65 {dimension_numbers = #tpu.dot_dimension_numbers<[1], [0], [0], [1], [0, 0, 1, 1], [], []>, transpose_lhs_hint = false} : vector<64x128xf32>, vector<128x128xf32>, vector<64x128xf32> -> vector<64x128xf32>
      %get3A_67 = arith.constant 0 : index
      %get3A_68 = arith.constant 0 : index
      %get3A_69 = vector.load %arg8[%get3A_67, %get3A_68] : memref<1x128xf32, #tpu.memory_space<vmem>>, vector<1x128xf32>
      %add3A_70 = vector.broadcast %get3A_69 : vector<1x128xf32> to vector<64x128xf32>
      %add3A_71 = arith.addf %dot_general3A_66, %add3A_70 : vector<64x128xf32>
      %max3A_72 = arith.constant 0.000000e+00 : f32
      %max3A_73 = vector.broadcast %max3A_72 : f32 to vector<64x128xf32>
      %max3A_74 = arith.maximumf %add3A_71, %max3A_73 : vector<64x128xf32>
      %get3A_75 = arith.constant 0 : index
      %get3A_76 = arith.constant 0 : index
      %get3A_77 = vector.load %arg9[%get3A_75, %get3A_76] : memref<128x64xf32, #tpu.memory_space<vmem>>, vector<128x64xf32>
      %dot_general3A_78 = arith.constant dense<0.000000e+00> : vector<64x64xf32>
      %dot_general3A_79 = tpu.matmul %max3A_74, %get3A_77, %dot_general3A_78 {dimension_numbers = #tpu.dot_dimension_numbers<[1], [0], [0], [1], [0, 0, 1, 1], [], []>, transpose_lhs_hint = false} : vector<64x128xf32>, vector<128x64xf32>, vector<64x64xf32> -> vector<64x64xf32>
      %get3A_80 = arith.constant 0 : index
      %get3A_81 = arith.constant 0 : index
      %get3A_82 = vector.load %arg10[%get3A_80, %get3A_81] : memref<1x64xf32, #tpu.memory_space<vmem>>, vector<1x64xf32>
      %add3A_83 = vector.broadcast %get3A_82 : vector<1x64xf32> to vector<64x64xf32>
      %add3A_84 = arith.addf %dot_general3A_79, %add3A_83 : vector<64x64xf32>
      %max3A_85 = arith.constant 0.000000e+00 : f32
      %max3A_86 = vector.broadcast %max3A_85 : f32 to vector<64x64xf32>
      %max3A_87 = arith.maximumf %add3A_84, %max3A_86 : vector<64x64xf32>
      %get3A_88 = arith.constant 0 : index
      %get3A_89 = arith.constant 0 : index
      %get3A_90 = vector.load %arg11[%get3A_88, %get3A_89] : memref<64x32xf32, #tpu.memory_space<vmem>>, vector<64x32xf32>
      %dot_general3A_91 = arith.constant dense<0.000000e+00> : vector<64x32xf32>
      %dot_general3A_92 = tpu.matmul %max3A_87, %get3A_90, %dot_general3A_91 {dimension_numbers = #tpu.dot_dimension_numbers<[1], [0], [0], [1], [0, 0, 1, 1], [], []>, transpose_lhs_hint = false} : vector<64x64xf32>, vector<64x32xf32>, vector<64x32xf32> -> vector<64x32xf32>
      %get3A_93 = arith.constant 0 : index
      %get3A_94 = arith.constant 0 : index
      %get3A_95 = vector.load %arg12[%get3A_93, %get3A_94] : memref<1x32xf32, #tpu.memory_space<vmem>>, vector<1x32xf32>
      %add3A_96 = vector.broadcast %get3A_95 : vector<1x32xf32> to vector<64x32xf32>
      %add3A_97 = arith.addf %dot_general3A_92, %add3A_96 : vector<64x32xf32>
      %max3A_98 = arith.constant 0.000000e+00 : f32
      %max3A_99 = vector.broadcast %max3A_98 : f32 to vector<64x32xf32>
      %max3A_100 = arith.maximumf %add3A_97, %max3A_99 : vector<64x32xf32>
      %get3A_101 = arith.constant 0 : index
      %get3A_102 = arith.constant 0 : index
      %get3A_103 = vector.load %arg13[%get3A_101, %get3A_102] : memref<32x16xf32, #tpu.memory_space<vmem>>, vector<32x16xf32>
      %dot_general3A_104 = arith.constant dense<0.000000e+00> : vector<64x16xf32>
      %dot_general3A_105 = tpu.matmul %max3A_100, %get3A_103, %dot_general3A_104 {dimension_numbers = #tpu.dot_dimension_numbers<[1], [0], [0], [1], [0, 0, 1, 1], [], []>, transpose_lhs_hint = false} : vector<64x32xf32>, vector<32x16xf32>, vector<64x16xf32> -> vector<64x16xf32>
      %get3A_106 = arith.constant 0 : index
      %get3A_107 = arith.constant 0 : index
      %get3A_108 = vector.load %arg14[%get3A_106, %get3A_107] : memref<1x16xf32, #tpu.memory_space<vmem>>, vector<1x16xf32>
      %add3A_109 = vector.broadcast %get3A_108 : vector<1x16xf32> to vector<64x16xf32>
      %add3A_110 = arith.addf %dot_general3A_105, %add3A_109 : vector<64x16xf32>
      %max3A_111 = arith.constant 0.000000e+00 : f32
      %max3A_112 = vector.broadcast %max3A_111 : f32 to vector<64x16xf32>
      %max3A_113 = arith.maximumf %add3A_110, %max3A_112 : vector<64x16xf32>
      %swap3A = arith.constant 0 : index
      %swap3A_114 = arith.constant 0 : index
      %swap3A_115 = vector.load %arg15[%swap3A, %swap3A_114] : memref<64x16xf32, #tpu.memory_space<vmem>>, vector<64x16xf32>
      tpu.vector_store %arg15[%swap3A, %swap3A_114], %max3A_113 {strides = array<i32>} : memref<64x16xf32, #tpu.memory_space<vmem>>, vector<64x16xf32>,
    } else {
    }
    return
  }
  func.func @transform_0(%arg0: i32) -> (i32, i32) {
    %c0_i32 = arith.constant 0 : i32
    %c0_i32_0 = arith.constant 0 : i32
    return %arg0, %c0_i32 : i32, i32
  }
  func.func @transform_1(%arg0: i32) -> (i32, i32) {
    %c0_i32 = arith.constant 0 : i32
    %c0_i32_0 = arith.constant 0 : i32
    return %arg0, %c0_i32 : i32, i32
  }
  func.func @transform_2(%arg0: i32) -> (i32, i32) {
    %c0_i32 = arith.constant 0 : i32
    %c0_i32_0 = arith.constant 0 : i32
    return %arg0, %c0_i32 : i32, i32
  }
  func.func @transform_3(%arg0: i32) -> (i32, i32) {
    %c0_i32 = arith.constant 0 : i32
    %c0_i32_0 = arith.constant 0 : i32
    return %arg0, %c0_i32 : i32, i32
  }
  func.func @transform_4(%arg0: i32) -> (i32, i32) {
    %c0_i32 = arith.constant 0 : i32
    %c0_i32_0 = arith.constant 0 : i32
    %c0_i32_1 = arith.constant 0 : i32
    return %c0_i32, %c0_i32_0 : i32, i32
  }
  func.func @transform_5(%arg0: i32) -> (i32, i32) {
    %c0_i32 = arith.constant 0 : i32
    %c0_i32_0 = arith.constant 0 : i32
    %c0_i32_1 = arith.constant 0 : i32
    return %c0_i32, %c0_i32_0 : i32, i32
  }
  func.func @transform_6(%arg0: i32) -> (i32, i32) {
    %c0_i32 = arith.constant 0 : i32
    %c0_i32_0 = arith.constant 0 : i32
    %c0_i32_1 = arith.constant 0 : i32
    return %c0_i32, %c0_i32_0 : i32, i32
  }
  func.func @transform_7(%arg0: i32) -> (i32, i32) {
    %c0_i32 = arith.constant 0 : i32
    %c0_i32_0 = arith.constant 0 : i32
    %c0_i32_1 = arith.constant 0 : i32
    return %c0_i32, %c0_i32_0 : i32, i32
  }
  func.func @transform_8(%arg0: i32) -> (i32, i32) {
    %c0_i32 = arith.constant 0 : i32
    %c0_i32_0 = arith.constant 0 : i32
    %c0_i32_1 = arith.constant 0 : i32
    return %c0_i32, %c0_i32_0 : i32, i32
  }
  func.func @transform_9(%arg0: i32) -> (i32, i32) {
    %c0_i32 = arith.constant 0 : i32
    %c0_i32_0 = arith.constant 0 : i32
    %c0_i32_1 = arith.constant 0 : i32
    return %c0_i32, %c0_i32_0 : i32, i32
  }
  func.func @transform_10(%arg0: i32) -> (i32, i32) {
    %c0_i32 = arith.constant 0 : i32
    %c0_i32_0 = arith.constant 0 : i32
    %c0_i32_1 = arith.constant 0 : i32
    return %c0_i32, %c0_i32_0 : i32, i32
  }
  func.func @transform_11(%arg0: i32) -> (i32, i32) {
    %c0_i32 = arith.constant 0 : i32
    %c0_i32_0 = arith.constant 0 : i32
    %c0_i32_1 = arith.constant 0 : i32
    return %c0_i32, %c0_i32_0 : i32, i32
  }
  func.func @transform_12(%arg0: i32) -> (i32, i32) {
    %c0_i32 = arith.constant 0 : i32
    %c0_i32_0 = arith.constant 0 : i32
    %c0_i32_1 = arith.constant 0 : i32
    return %c0_i32, %c0_i32_0 : i32, i32
  }
  func.func @transform_13(%arg0: i32) -> (i32, i32) {
    %c0_i32 = arith.constant 0 : i32
    %c0_i32_0 = arith.constant 0 : i32
    %c0_i32_1 = arith.constant 0 : i32
    return %c0_i32, %c0_i32_0 : i32, i32
  }
  func.func @transform_14(%arg0: i32) -> (i32, i32) {
    %c0_i32 = arith.constant 0 : i32
    %c0_i32_0 = arith.constant 0 : i32
    %c0_i32_1 = arith.constant 0 : i32
    return %c0_i32, %c0_i32_0 : i32, i32
  }
}

</mosaic_0001>

<sc_bundles>
// kernel: kernel.12.cloned.1.call-start
scs
__scs_entry_jumppad:
0x0: {  	(pc) =	sbr.rel $0x88, $3  }
0x1: {  	(tag) =	ssettag $0x0;
	lr =	simm.s32 $0x1  }
0x2: {  	[smem:$0x3F92] =	sst lr;
	_ =	strace $0xD0000000  }
0x3: {  	_ = 	snop  }
0x4: {  	_ = 	snop  }
0x5: {  	_ = 	snop  }
0x6: {  	_ = 	snop  }
0x7: {  	_ = 	snop  }
__scs_overlays_trampoline_lowered:
0x8: {  	[smem:$0x3FA1] =	sst s0  }
0x9: {  	[smem:$0x3FA2] =	sst s1  }
0xa: {  	[smem:$0x3FA3] =	sst s2  }
0xb: {  	[smem:$0x3FA4] =	sst s3  }
0xc: {  	[smem:$0x3FA5] =	sst s4  }
0xd: {  	[smem:$0x3FA6] =	sst s5  }
0xe: {  	[smem:$0x3FA7] =	sst s6  }
0xf: {  	[smem:$0x3FA8] =	sst s7  }
0x10: {  	[smem:$0x3FA9] =	sst s8  }
0x11: {  	[smem:$0x3FAA] =	sst s9;
	s0 =	simm.s32 @!p0 $0x0  }
0x12: {  	s1 =	sld [smem:$0x3F90];
	s0 =	simm.s32 @p0 $0x1  }
0x13: {  	[smem:$0x3FAB] =	sst s0;
	s0 =	simm.s32 @!p1 $0x0  }
0x14: {  	s2 =	sld [smem:$0x3F8F];
	s0 =	simm.s32 @p1 $0x1  }
0x15: {  	[smem:$0x3FAC] =	sst s0;
	s0 =	simm.s32 @!p2 $0x0  }
0x16: {  	s3 =	sld [smem:$0x3FDB];
	s0 =	simm.s32 @p2 $0x1  }
0x17: {  	s4 =	simm.s32 $0x1BF5;
	[smem:$0x3FAE] =	sst s0  }
0x18: {  	s0 =	sld [smem:$0x3F91];
	_ =	swait.ge [sflag:s4], $0x0  }
0x19: {  	s7 =	sld [smem:$0x3F92]  }
0x1a: {  	s8 =	sadd.s32 $0xFFFFE003, lr  }
0x1b: {  	s9 =	sadd.s32 $0xFFFFFEF7, lr;
	s5 =	simm.s32 $0xFFFFFFFF;
	p2 =	slt.u32 s8, $0xFFFFF086  }
0x1c: {  	p1 =	slt.u32 s9, $0xF7A;
	s5 =	simm.s32 @!p2 $0x0  }
0x1d: {  	s5 =	simm.s32 @p1 $0x1;
	p0 =	seq.s32 s7, s2  }
0x1e: {  	s7 =	smul.u32 @!p0 $0xF7A, s2;
	p2 =	seq.s32 @!p0 s5, $0x0  }
0x1f: {  	s9 =	smul.u32 $0xF7A, s1;
	s8 =	simm.s32 @!p0 $0x1BF5;
	p2 =	por !p2, p0  }
0x20: {  	[sflag:s8] =	ssyncset.s32 @!p0 $0xFFFFF086;
	s6 =	sadd.s32 @!p0 s3, s7;
	s7 =	simm.s32 @!p0 $0x108  }
0x21: {  	s3 =	sadd.s32 s3, s9;
	s6 =	sadd.s32 @!p0 $0x88, s6;
	s7 =	simm.s32 @p2 $0x1082  }
0x22: {  	[simem:s7], [sflag:s8] =	dma.local @!p0 [hbm:s6], $0xF7A  }
0x23: {  	s9 =	sor.u32 $0xD0000000, s2;
	s6 =	simm.s32 $0x108;
	_ =	swait.ge @!p0 [sflag:s8], $0x0  }
0x24: {  	s3 =	sadd.s32 $0x88, s3;
	s6 =	simm.s32 @!p1 $0x1082;
	[sflag:s4] =	ssyncset.s32 $0xFFFFF086  }
0x25: {  	[simem:s6], [sflag:s4] =	dma.local [hbm:s3], $0xF7A  }
0x26: {  	[smem:$0x3F92] =	sst s1;
	(tag) =	ssettag s2;
	_ =	strace s9  }
0x27: {  	s1 =	sld [smem:$0x3FA2]  }
0x28: {  	s2 =	sld [smem:$0x3FA3]  }
0x29: {  	s4 =	sld [smem:$0x3FA5]  }
0x2a: {  	p0 =	seq.s32 s5, $0x0;
	s5 =	sld [smem:$0x3FA6]  }
0x2b: {  	s6 =	sld [smem:$0x3FA7]  }
0x2c: {  	s7 =	sld [smem:$0x3FA8]  }
0x2d: {  	s3 =	simm.s32 $0x108;
	s8 =	sld [smem:$0x3FA9]  }
0x2e: {  	s3 =	simm.s32 @!p0 $0x1082;
	s9 =	sld [smem:$0x3FAA]  }
0x2f: {  	lr =	sadd.s32 s0, s3;
	s0 =	sld [smem:$0x3FA1]  }
0x30: {  	s3 =	sld [smem:$0x3FA4]  }
0x31: {  	[smem:$0x3FAD] =	sst s10  }
0x32: {  	s10 =	sld [smem:$0x3FAB];
	_ =	sdelay $0x3  }
0x33: {  	p0 =	seq.s32 s10, $0x1;
	s10 =	sld [smem:$0x3FAD];
	_ =	sdelay $0x3  }
0x34: {  	[smem:$0x3FAD] =	sst s10  }
0x35: {  	s10 =	sld [smem:$0x3FAC];
	_ =	sdelay $0x3  }
0x36: {  	p1 =	seq.s32 s10, $0x1;
	s10 =	sld [smem:$0x3FAD];
	_ =	sdelay $0x3  }
0x37: {  	[smem:$0x3FAD] =	sst s10  }
0x38: {  	s10 =	sld [smem:$0x3FAE]  }
0x39: {  	_ = 	snop;
	(pc) =	sbr.ind lr, $3  }
0x3a: {  	_ = 	snop  }
0x3b: {  	_ = 	snop  }
0x3c: {  	p2 =	seq.s32 s10, $0x1;
	s10 =	sld [smem:$0x3FAD]  }
0x3d: {  	_ =	shalt  }
0x3e: {  	_ =	shalt  }
0x3f: {  	_ =	shalt  }
0x40: {  	_ =	shalt  }
0x41: {  	_ =	shalt  }
0x42: {  	_ =	shalt  }
0x43: {  	_ =	shalt  }
0x44: {  	_ =	shalt  }
0x45: {  	_ =	shalt  }
0x46: {  	_ =	shalt  }
0x47: {  	_ =	shalt  }
0x48: {  	_ =	shalt  }
0x49: {  	_ =	shalt  }
0x4a: {  	_ =	shalt  }
0x4b: {  	_ =	shalt  }
0x4c: {  	_ =	shalt  }
0x4d: {  	_ =	shalt  }
0x4e: {  	_ =	shalt  }
0x4f: {  	_ =	shalt  }
0x50: {  	_ =	shalt  }
0x51: {  	_ =	shalt  }
0x52: {  	_ =	shalt  }
0x53: {  	_ =	shalt  }
0x54: {  	_ =	shalt  }
0x55: {  	_ =	shalt  }
0x56: {  	_ =	shalt  }
0x57: {  	_ =	shalt  }
0x58: {  	_ =	shalt  }
0x59: {  	_ =	shalt  }
0x5a: {  	_ =	shalt  }
0x5b: {  	_ =	shalt  }
0x5c: {  	_ =	shalt  }
0x5d: {  	_ =	shalt  }
0x5e: {  	_ =	shalt  }
0x5f: {  	_ =	shalt  }
0x60: {  	_ =	shalt  }
0x61: {  	_ =	shalt  }
0x62: {  	_ =	shalt  }
0x63: {  	_ =	shalt  }
0x64: {  	_ =	shalt  }
0x65: {  	_ =	shalt  }
0x66: {  	_ =	shalt  }
0x67: {  	_ =	shalt  }
0x68: {  	_ =	shalt  }
0x69: {  	_ =	shalt  }
0x6a: {  	_ =	shalt  }
0x6b: {  	_ =	shalt  }
0x6c: {  	_ =	shalt  }
0x6d: {  	_ =	shalt  }
0x6e: {  	_ =	shalt  }
0x6f: {  	_ =	shalt  }
0x70: {  	_ =	shalt  }
0x71: {  	_ =	shalt  }
0x72: {  	_ =	shalt  }
0x73: {  	_ =	shalt  }
0x74: {  	_ =	shalt  }
0x75: {  	_ =	shalt  }
0x76: {  	_ =	shalt  }
0x77: {  	_ =	shalt  }
0x78: {  	_ =	shalt  }
0x79: {  	_ =	shalt  }
0x7a: {  	_ =	shalt  }
0x7b: {  	_ =	shalt  }
0x7c: {  	_ =	shalt  }
0x7d: {  	_ =	shalt  }
0x7e: {  	_ =	shalt  }
0x7f: {  	_ =	shalt  }
0x80: {  	_ =	shalt  }
0x81: {  	_ =	shalt  }
0x82: {  	_ =	shalt  }
0x83: {  	_ =	shalt  }
0x84: {  	_ =	shalt  }
0x85: {  	_ =	shalt  }
0x86: {  	_ =	shalt  }
0x87: {  	_ =	shalt  }
.Lfunc_end0:
.L_simem_size_0:
called_computation.1_lowered:
.L_overlay_start_0:
0x88: {  	s2 =	sld [smem:$0x3FD9]  }
0x89: {  	s3 =	sld [smem:$0x3FFE];
	_ =	sdelay $0x1  }
0x8a: {  	s1 =	srdreg.scid  }
0x8b: {  	s0 =	sand.u32 $0x1, s1  }
0x8c: {  	s17 =	sshll.u32 s0, $0xA;
	s2 =	sadd.s32 s3, s2  }
0x8d: {  	s2 =	sadd.s32 s2, s17  }
0x8e: {  	[smem:$0x3FB9] =	sst s2  }
0x8f: {  	_ = 	snop  }
0x90: {  	s18 =	sld [smem:$0x3FD0];
	(tm) =	ssettm $0x1  }
0x91: {  	s19 =	sld [smem:$0x3FFB];
	_ =	sdelay $0x3  }
0x92: {  	_ =	strace s19  }
0x93: {  	s2 =	sld [smem:$0x3FFC];
	_ =	sdelay $0x3  }
0x94: {  	_ =	strace s2  }
0x95: {  	s2 =	sld [smem:$0x3FFD];
	_ =	sdelay $0x3  }
0x96: {  	_ =	strace s2  }
0x97: {  	_ =	strace $0x8FFFFFFF  }
0x98: {  	s20 =	sld [smem:$0x3FDB];
	_ =	sdelay $0x1  }
0x99: {  	s4 =	simm.s32 $_scs_section_size  }
0x9a: {  	s5 =	simm.s32 $_size__tile_overlayer_lowered;
	s6 =	simm.s32 $_tile_overlayer_lowered  }
0x9b: {  	s7 =	simm.s32 $0x1BFF;
	s21 =	sshll.u32 s6, $0x1;
	s4 =	sadd.s32 s4, s20  }
0x9c: {  	s22 =	simm.s32 $0x0;
	s5 =	sshll.u32 s5, $0x1;
	s6 =	sadd.s32 s21, s4  }
0x9d: {  	[timem:s22], [sflag:s7] =	dma.local [hbm:s6], s5  }
0x9e: {  	_ =	swait.ge [sflag:s7], s5  }
0x9f: {  	s5 =	ssub.s32 $0x0, s5;
	[sflag:s7] =	ssyncset.done $0x0  }
0xa0: {  	[sflag:s7] =	ssyncadd.s32 s5;
	_ =	sdelay $0x1  }
0xa1: {  	s23 =	simm.s32 $0x1B8B  }
0xa2: {  	_ =	swait.ge [sflag:s23], $0x1  }
0xa3: {  	[sflag:s23] =	ssyncset.done $0x0  }
0xa4: {  	[sflag:s23] =	ssyncadd.s32 $0xFFFFFFFF  }
0xa5: {  	s5 =	sld [smem:$0x0]  }
0xa6: {  	s6 =	sand.u32 $0xFFFFFFFE, s1  }
0xa7: {  	p0 =	sne.s32 s1, s6  }
0xa8: {  	s6 =	sshll.u32 @p0 s6, $0xE  }
0xa9: {  	s6 =	sadd.s32 @p0 $0x11B8D, s6;
	s7 =	sshll.u32 @p0 s5, $0x11  }
0xaa: {  	s6 =	sor.u32 @p0 s7, s6  }
0xab: {  	[sflag:s6] =	ssyncadd.remote.s32 @p0 $0x1;
	_ =	sdelay $0x1  }
0xac: {  	s6 =	simm.s32 @p0 $0x1B8D  }
0xad: {  	_ =	swait.eq @p0 [sflag:s6], $0x1  }
0xae: {  	[sflag:s6] =	ssyncadd.s32 @p0 $0xFFFFFFFF  }
0xaf: {  	s7 =	sshll.u32 @!p0 s1, $0xE  }
0xb0: {  	s7 =	sor.u32 @!p0 $0x4000, s7;
	s6 =	simm.s32 @!p0 $0x1B8D  }
0xb1: {  	s5 =	sshll.u32 @!p0 s5, $0x11;
	s7 =	sadd.s32 @!p0 $0x11B8D, s7;
	_ =	swait.eq @!p0 [sflag:s6], $0x1  }
0xb2: {  	s5 =	sor.u32 @!p0 s5, s7;
	[sflag:s6] =	ssyncadd.s32 @!p0 $0xFFFFFFFF  }
0xb3: {  	s25 =	simm.s32 $0x1B8E;
	s24 =	sld [smem:$0x3FFE];
	[sflag:s5] =	ssyncadd.remote.s32 @!p0 $0x1  }
0xb4: {  	s26 =	simm.s32 $execute0_lowered;
	[smem:$0x3FD2] =	sst s25  }
0xb5: {  	s6 =	sshll.u32 s26, $0x1;
	_ =	strace $0x80000049;
	[dreg:$0x1] =	wrdreg $0xFFFFFFFF  }
0xb6: {  	s28 =	simm.s32 $_size_execute0_lowered;
	s4 =	sadd.s32 s4, s6;
	[dreg:$0x0] =	wrdreg $0x0  }
0xb7: {  	s6 =	sshll.u32 s28, $0x1;
	[dreg:$0x2] =	wrdreg s4  }
0xb8: {  	[dreg:$0x3] =	wrdreg s6  }
0xb9: {  	[dreg:$0x4] =	wrdreg $0xC0  }
0xba: {  	_ =	task [dreg:s22], $0x5FFFF  }
0xbb: {  	[dreg:$0x1] =	wrdreg $0xFFFFFFFF  }
0xbc: {  	[dreg:$0x0] =	wrdreg $0x60  }
0xbd: {  	[dreg:$0x2] =	wrdreg s24  }
0xbe: {  	[dreg:$0x3] =	wrdreg s18  }
0xbf: {  	[dreg:$0x4] =	wrdreg $0xA  }
0xc0: {  	_ =	task.clear_ibuf [dreg:s22], $0x5FFFF;
	_ =	strace $0x90000049  }
0xc1: {  	s29 =	simm.s32 $0xA;
	_ =	strace $0x8000004B  }
0xc2: {  	_ =	swait.ge [sflag:s29], $0x1  }
0xc3: {  	[sflag:s29] =	ssyncadd.s32 $0xFFFFFFFF  }
0xc4: {  	_ =	strace $0x9000004B  }
0xc5: {  	_ =	sfence  }
0xc6: {  	s30 =	sld [smem:$0x0];
	_ =	sdelay $0x2  }
0xc7: {  	s31 =	sshll.u32 s1, $0xD;
	s1 =	sshrl.u32 s1, $0x2  }
0xc8: {  	s4 =	sand.u32 $0x4000, s31;
	s1 =	sadd.s32 s1, s30  }
0xc9: {  	s0 =	sor.u32 s4, s0;
	s1 =	sshll.u32 s1, $0x11  }
0xca: {  	s0 =	sor.u32 s1, s0  }
0xcb: {  	s0 =	sadd.s32 $0x8F2B, s0  }
0xcc: {  	[sflag:s0] =	ssyncadd.remote.s32 $0x1  }
0xcd: {  	_ =	sfence.sel $0xFFFF  }
0xce: {  	[dreg:$0x0] =	wrdreg $0xFFFFFFFF;
	(pc) =	sbr.abs _section_cstart, $3  }
0xcf: {  	[dreg:$0x1] =	wrdreg $0xFFFFFFFF  }
0xd0: {  	_ =	task.clear_ibuf [dreg:s22], $0x2FFFF;
	_ =	strace $0x9FFFFFFF  }
0xd1: {  	(tm) =	ssettm $0x7FFFFFFF  }
tec
execute0_lowered:
.L_overlay_start_1:
0x0: {  	(tag) =	ssettag $0x1  }
0x1: {  	s0 =	rddreg [dreg:$0x0]  }
0x2: {  	s2 =	rddreg [dreg:$0x1];
	s1 =	simm.s32 $0x0;
	s3 =	srdreg.scid  }
0x3: {  	s10 =	stileid.u32;
	[smem:$0x7FF] =	sst s1  }
0x4: {  	s4 =	sadd.s32 $0x38000, s0;
	s3 =	sand.u32 $0x1, s3;
	s30 =	smul.u32 $0x19080, s10  }
0x5: {  	s26 =	sadd.s32 $0x1BE00, s0;
	_ =	strace $0x8000004A;
	s5 =	smul.u32 $0x6200, s3  }
0x6: {  	s28 =	sshll.u32 s3, $0x4;
	s7 =	ssub.s32 $0x2, s3;
	s3 =	smul.u32 $0x190800, s3  }
0x7: {  	[dreg:$0x3] =	wrdreg s4;
	s4 =	sor.u32 s10, s28;
	s10 =	smul.u32 $0xC800, s10  }
0x8: {  	s6 =	sadd.s32 $0x51000, s0;
	[dreg:$0x4] =	wrdreg s26  }
0x9: {  	s11 =	smul.u32 $0x19080, s4;
	s31 =	sadd.s32 s30, s3;
	[dreg:$0x7] =	wrdreg s10  }
0xa: {  	s29 =	sshrl.u32 s7, $0x1;
	s4 =	sshll.u32 s4, $0x2;
	[dreg:$0xb] =	wrdreg s31  }
0xb: {  	s0 =	ssub.s32 s7, s29;
	s2 =	sadd.s32 s2, s4;
	[dreg:$0x5] =	wrdreg s11  }
.Ltmp0:
0xc: {  	s0 =	smax.u32 s0, $0x1;
	[dreg:$0x8] =	wrdreg s2;
	(pc) =	sbr.rel .LBB2_1-.Ltmp0, $4  }
0xd: {  	s11 =	sadd.s32 $0xC840, s11;
	[dreg:$0xa] =	wrdreg s0  }
0xe: {  	s8 =	sadd.s32 $0x3100, s5;
	s2 =	sadd.s32 $0x2, s2;
	[dreg:$0x6] =	wrdreg s11  }
0xf: {  	v3 =	vimm.s32 $0x31000000;
	s9 =	sadd.s32 $0x6200, s5;
	s0 =	sadd.s32 $0xC840, s31;
	[dreg:$0x9] =	wrdreg s2  }
0x10: {  	s17 =	simm.s32 $0x1;
	v0 =	vmov s5;
	v1 =	vmov s8;
	v2 =	vmov s9;
	[dreg:$0xc] =	wrdreg s0;
	s2 =	simm.s32 $0x0  }
.LBB2_13:
0x11: {  	s0 =	sshll.u32 s12, $0x6;
	s2 =	rddreg [dreg:$0x5]  }
0x12: {  	s3 =	simm.s32 $0x1000;
	s16 =	sshll.u32 s11, $0x6;
	s19 =	sadd.s32 $0x1, s12  }
0x13: {  	[tilespmem:$0x1000] =	vst v3;
	p0 =	slt.u32 s12, $0x7FFFFFFF;
	s22 =	sadd.s32 $0x1, s11;
	s28 =	simm.s32 $0x2100  }
0x14: {  	[tilespmem:$0x1010] =	vst v3;
	s0 =	sadd.s32 s2, s0;
	s2 =	simm.s32 $0x1;
	s20 =	sshra.s32 s19, $0x1F  }
0x15: {  	[tilespmem:$0x1020] =	vst v3;
	s21 =	sand.u32 $0x1, s19;
	s4 =	sshrl.u32 s19, $0x1F;
	s0 =	sshrl.u32 s0, $0x3  }
0x16: {  	[tilespmem:$0x1030] =	vst v3;
	s7 =	sshra.s32 s22, $0x1F;
	s23 =	sand.u32 $0x1, s22;
	s0 =	sadd.s32 s6, s0  }
0x17: {  	[hbm4b:s0+s1] =	stream.linear.scatter [tilespmem:s3], [sflag:$0x1], $0x40, $0x38;
	[tilespmem:$0x2180] =	vst v63  }
0x18: {  	s24 =	sshrl.u32 s22, $0x1F;
	s2 =	simm.s32 @!p0 $0x0;
	_ =	swait.ge [sflag:s17], $0x40  }
0x19: {  	p1 =	seq.s32 s21, $0x1;
	p6 =	seq.s32 s23, $0x1;
	s18 =	rddreg [dreg:$0x6]  }
0x1a: {  	s25 =	sadd.s32 s24, s22;
	s2 =	sadd.s32 s2, s20;
	s0 =	sadd.s32 s18, s16  }
0x1b: {  	p4 =	sne.s32 s2, $0x1;
	[sflag:s17] =	ssyncset.done $0x0;
	s0 =	sshrl.u32 s0, $0x3  }
0x1c: {  	p0 =	por !p4, !p1;
	[sflag:s17] =	ssyncadd.s32 $0xFFFFFFC0;
	s0 =	sadd.s32 s6, s0  }
0x1d: {  	[hbm4b:s0+s1] =	stream.linear.scatter [tilespmem:s3], [sflag:$0x1], $0x40, $0x38;
	[tilespmem:$0x2180] =	vst v63  }
0x1e: {  	p1 =	slt.u32 s11, $0x7FFFFFFF;
	p0 =	por !p0, !p0;
	s3 =	simm.s32 $0x1  }
0x1f: {  	s0 =	sadd.s32 s4, s19;
	s4 =	simm.s32 $0x1;
	s3 =	simm.s32 @!p1 $0x0  }
0x20: {  	s0 =	sshrl.u32 s0, $0x1;
	s4 =	simm.s32 @!p0 $0x0;
	s3 =	sadd.s32 s3, s7  }
0x21: {  	_ =	swait.ge [sflag:s17], $0x40;
	s0 =	ssub.s32 s0, s4;
	p5 =	sne.s32 s3, $0x1  }
0x22: {  	[sflag:s17] =	ssyncset.done $0x0;
	s0 =	sshll.u32 s0, $0x1;
	p0 =	por !p5, !p6  }
0x23: {  	s2 =	simm.s32 $0x1;
	[sflag:s17] =	ssyncadd.s32 $0xFFFFFFC0;
	v4 =	vmov s0;
	p0 =	por !p0, !p0  }
0x24: {  	s26 =	rddreg [dreg:$0x8];
	s0 =	sshrl.u32 s25, $0x1;
	[tilespmem:$0x2100] =	vst v4;
	s2 =	simm.s32 @!p0 $0x0  }
0x25: {  	[hbm4b:s26+s1] =	stream.linear.scatter [tilespmem:s28], [sflag:$0x1], $0x10, $0x38;
	[tilespmem:$0x2180] =	vst v63  }
0x26: {  	s0 =	ssub.s32 s0, s2;
	_ =	swait.ge [sflag:s17], $0x10  }
0x27: {  	s0 =	sshll.u32 s0, $0x1;
	[sflag:s17] =	ssyncset.done $0x0  }
0x28: {  	[sflag:s17] =	ssyncadd.s32 $0xFFFFFFF0;
	v4 =	vmov s0  }
0x29: {  	s29 =	rddreg [dreg:$0x9];
	[tilespmem:$0x2100] =	vst v4  }
0x2a: {  	[hbm4b:s29+s1] =	stream.linear.scatter [tilespmem:s28], [sflag:$0x1], $0x10, $0x38;
	[tilespmem:$0x2180] =	vst v63  }
0x2b: {  	_ =	swait.ge [sflag:s17], $0x10  }
0x2c: {  	s30 =	rddreg [dreg:$0xd]  }
0x2d: {  	s31 =	rddreg [dreg:$0xa];
	s2 =	sadd.s32 $0x1, s30  }
0x2e: {  	p0 =	sne.s32 s2, s31  }
.Ltmp1:
0x2f: {  	_ = 	snop;
	(pc) =	sbr.rel @!p0 .LBB2_14-.Ltmp1, $3  }
0x30: {  	_ =	sdelay $0x1  }
0x31: {  	[sflag:s17] =	ssyncset.done $0x0  }
0x32: {  	[sflag:s17] =	ssyncadd.s32 $0xFFFFFFF0  }
.LBB2_1:
.Ltmp2:
0x33: {  	(pc) =	sbr.rel .LBB2_2-.Ltmp2, $3  }
0x34: {  	_ =	sdelay $0x1  }
0x35: {  	[dreg:$0xd] =	wrdreg s2  }
0x36: {  	s11 =	simm.s32 $0x0;
	s12 =	simm.s32 $0x0;
	s3 =	simm.s32 $0x0  }
.LBB2_11:
0x37: {  	[sflag:s17] =	ssyncset.done $0x0  }
0x38: {  	[sflag:s17] =	ssyncadd.s32 $0xFFFFFFC0  }
.LBB2_12:
0x39: {  	s3 =	rddreg [dreg:$0x10]  }
0x3a: {  	s3 =	sadd.s32 $0x1, s3  }
0x3b: {  	p0 =	sne.s32 s3, $0x19  }
.Ltmp3:
0x3c: {  	_ = 	snop;
	(pc) =	sbr.rel @!p0 .LBB2_13-.Ltmp3, $2  }
0x3d: {  	_ =	sdelay $0x2  }
0x3e: {  	s12 =	sadd.s32 s12, s0;
	s11 =	sadd.s32 s11, s2  }
.LBB2_2:
0x3f: {  	[dreg:$0xf] =	wrdreg s12  }
0x40: {  	s0 =	sshll.u32 s3, $0xB;
	s2 =	rddreg [dreg:$0x7]  }
0x41: {  	[dreg:$0xe] =	wrdreg s11;
	s0 =	sadd.s32 s2, s0  }
0x42: {  	s26 =	rddreg [dreg:$0x3];
	s0 =	sshrl.u32 s0, $0x3  }
0x43: {  	[dreg:$0x10] =	wrdreg s3;
	s25 =	simm.s32 $0x0;
	s2 =	sadd.s32 s26, s0  }
0x44: {  	[tilespmem:s25], [sflag:$0x1] =	stream.linear.gather [hbm4b:s2+s25], $0x800, $0x38;
	[tilespmem:$0x2180] =	vst v63  }
0x45: {  	_ =	swait.ge [sflag:s17], $0x800  }
0x46: {  	[sflag:s17] =	ssyncset.done $0x0;
	s29 =	rddreg [dreg:$0x4]  }
0x47: {  	s30 =	simm.s32 $0x800;
	[sflag:s17] =	ssyncadd.s32 $0xFFFFF800;
	s0 =	sadd.s32 s29, s0  }
0x48: {  	[tilespmem:s30], [sflag:$0x1] =	stream.linear.gather [hbm4b:s0+s25], $0x800, $0x38;
	[tilespmem:$0x2180] =	vst v63  }
0x49: {  	_ =	swait.ge [sflag:s17], $0x800  }
0x4a: {  	[sflag:s17] =	ssyncset.done $0x0  }
0x4b: {  	s31 =	simm.s32 $0x0;
	s28 =	simm.s32 $0x0;
	[sflag:s17] =	ssyncadd.s32 $0xFFFFF800  }
.LBB2_3:
0x4c: {  	s7 =	sshra.s32 s25, $0x2  }
0x4d: {  	v4 =	vld [tilespmem:s7+$0x800];
	_ =	sdelay $0x4  }
0x4e: {  	(v2sf) =	vpush v4, $0x0;
	_ =	sdelay $0x2  }
0x4f: {  	(v2sf) =	vpush v4, $0x1;
	_ =	sdelay $0x1  }
0x50: {  	(v2sf) =	vpush v4, $0x2  }
0x51: {  	(v2sf) =	vpush v4, $0x3;
	_ =	sdelay $0x1  }
0x52: {  	(v2sf) =	vpush v4, $0x4  }
0x53: {  	(v2sf) =	vpush v4, $0x5  }
0x54: {  	(v2sf) =	vpush v4, $0x6  }
0x55: {  	(v2sf) =	vpush v4, $0x7  }
0x56: {  	(v2sf) =	vpush v4, $0x8  }
0x57: {  	(v2sf) =	vpush v4, $0x9  }
0x58: {  	(v2sf) =	vpush v4, $0xA  }
0x59: {  	s0 =	spop (v2sf);
	(v2sf) =	vpush v4, $0xB  }
0x5a: {  	s13 =	simm.s32 $0x1  }
0x5b: {  	s14 =	simm.s32 $0x1;
	s23 =	simm.s32 $0x1;
	s24 =	simm.s32 $0x1  }
0x5c: {  	s10 =	spop (v2sf);
	p0 =	sge.s32 s0, s5;
	p1 =	slt.s32 s0, s8  }
0x5d: {  	v6 =	vld [tilespmem:s7+$0x0];
	p4 =	sge.s32 s0, s8;
	p5 =	slt.s32 s0, s9;
	s0 =	simm.s32 $0x1  }
0x5e: {  	s12 =	spop (v2sf);
	p0 =	por !p0, !p1;
	p6 =	sge.s32 s10, s5  }
0x5f: {  	vm0 =	vge.s32 v4, v0;
	vm1 =	vlt.s32 v4, v1;
	v5 =	vsub.s32 v4, v0;
	p2 =	slt.s32 s10, s8;
	p3 =	sge.s32 s10, s8;
	s16 =	spop (v2sf)  }
0x60: {  	vm0 =	vmand vm0, vm1;
	v5 =	vshll.u32 v5, $0x10;
	p0 =	por !p0, !p0;
	p1 =	por !p6, !p2;
	p6 =	slt.s32 s12, s8  }
0x61: {  	v5 =	vnsel vm0, $0x31000000, v5;
	p2 =	sge.s32 s12, s8;
	s3 =	spop (v2sf);
	s13 =	simm.s32 @!p0 $0x0  }
0x62: {  	v5 =	vor.u32 v6, v5;
	p0 =	por !p4, !p5;
	p4 =	slt.s32 s10, s9;
	s4 =	spop (v2sf)  }
0x63: {  	v45 =	vbroadcast v5, $0x0;
	s10 =	simm.s32 $0x1;
	p5 =	sge.s32 s12, s5;
	s11 =	spop (v2sf)  }
0x64: {  	s18 =	sadd.s32 s13, s28;
	p0 =	por !p0, !p0;
	s22 =	spop (v2sf)  }
0x65: {  	[tilespmem:s28+$0x1000] =	vst v45;
	s28 =	simm.s32 $0x1;
	[dreg:$0x11] =	wrdreg s18;
	s15 =	spop (v2sf)  }
0x66: {  	s0 =	simm.s32 @!p0 $0x0;
	p0 =	por !p1, !p1;
	s2 =	spop (v2sf)  }
0x67: {  	s14 =	simm.s32 @!p0 $0x0;
	s13 =	sadd.s32 s0, s31;
	s30 =	spop (v2sf)  }
0x68: {  	p0 =	por !p3, !p4;
	p3 =	slt.s32 s12, s9;
	s29 =	spop (v2sf);
	(v2sf) =	vpush v4, $0xC  }
0x69: {  	s12 =	simm.s32 $0x1;
	p4 =	sge.s32 s16, s5;
	s0 =	simm.s32 $0x1  }
0x6a: {  	s26 =	sadd.s32 s14, s18;
	p0 =	por !p0, !p0;
	p1 =	por !p2, !p3  }
0x6b: {  	p2 =	slt.s32 s16, s9;
	p3 =	sge.s32 s3, s5;
	s18 =	simm.s32 $0x1  }
0x6c: {  	[dreg:$0x12] =	wrdreg s26;
	s10 =	simm.s32 @!p0 $0x0;
	p0 =	por !p5, !p6  }
0x6d: {  	p5 =	slt.s32 s16, s8;
	p0 =	por !p0, !p0;
	s14 =	sadd.s32 s10, s13  }
0x6e: {  	s10 =	simm.s32 $0x1;
	p6 =	por !p4, !p5;
	p4 =	slt.s32 s3, s8  }
0x6f: {  	p5 =	sge.s32 s3, s8;
	s12 =	simm.s32 @!p0 $0x0;
	p0 =	por !p1, !p1  }
0x70: {  	p1 =	sge.s32 s16, s8;
	s16 =	simm.s32 $0x1;
	s20 =	sadd.s32 s12, s26  }
0x71: {  	s10 =	simm.s32 @!p0 $0x0;
	p0 =	por !p6, !p6;
	p6 =	slt.s32 s3, s9  }
0x72: {  	s26 =	simm.s32 $0x1;
	s19 =	sadd.s32 s10, s14;
	s10 =	simm.s32 $0x1  }
0x73: {  	s10 =	simm.s32 @!p0 $0x0;
	p0 =	por !p1, !p2;
	p1 =	por !p3, !p4  }
0x74: {  	p2 =	por !p5, !p6;
	p3 =	sge.s32 s4, s5;
	p4 =	slt.s32 s4, s8  }
0x75: {  	p5 =	sge.s32 s4, s8;
	p6 =	slt.s32 s4, s9;
	p0 =	por !p0, !p0  }
0x76: {  	s4 =	simm.s32 $0x1;
	s12 =	sadd.s32 s10, s20;
	s16 =	simm.s32 @!p0 $0x0  }
0x77: {  	p0 =	por !p1, !p1;
	p1 =	por !p3, !p4;
	s10 =	spop (v2sf);
	(v2sf) =	vpush v4, $0xD  }
0x78: {  	p3 =	slt.s32 s11, s8;
	p4 =	sge.s32 s11, s8;
	s21 =	sadd.s32 s16, s19  }
0x79: {  	s18 =	simm.s32 @!p0 $0x0;
	p0 =	por !p2, !p2;
	s16 =	simm.s32 $0x1  }
0x7a: {  	p2 =	sge.s32 s11, s5;
	s16 =	simm.s32 @!p0 $0x0;
	p0 =	por !p1, !p1  }
0x7b: {  	s3 =	sadd.s32 s18, s12;
	p1 =	por !p2, !p3;
	p3 =	slt.s32 s22, s8  }
0x7c: {  	p2 =	slt.s32 s15, s9;
	s23 =	simm.s32 @!p0 $0x0;
	p0 =	por !p5, !p6  }
0x7d: {  	s16 =	sadd.s32 s16, s21;
	p5 =	slt.s32 s11, s9;
	p0 =	por !p0, !p0  }
0x7e: {  	p6 =	sge.s32 s22, s5;
	s18 =	sadd.s32 s23, s3;
	s4 =	simm.s32 @!p0 $0x0  }
0x7f: {  	s23 =	simm.s32 $0x1;
	p0 =	por !p1, !p1;
	s4 =	sadd.s32 s4, s16  }
0x80: {  	s23 =	simm.s32 @!p0 $0x0;
	p0 =	por !p4, !p5;
	p4 =	por !p6, !p3  }
0x81: {  	p5 =	sge.s32 s22, s8;
	p6 =	slt.s32 s22, s9;
	s11 =	sadd.s32 s23, s18  }
0x82: {  	p0 =	por !p0, !p0;
	s23 =	simm.s32 $0x1;
	p1 =	por !p4, !p4  }
0x83: {  	p3 =	por !p5, !p6;
	p4 =	sge.s32 s15, s5;
	p5 =	slt.s32 s15, s8  }
0x84: {  	s23 =	simm.s32 @!p0 $0x0;
	s24 =	simm.s32 @!p1 $0x0;
	p0 =	por !p3, !p3  }
0x85: {  	p6 =	por !p4, !p5;
	p1 =	sge.s32 s15, s8;
	p3 =	sge.s32 s2, s5  }
0x86: {  	p4 =	slt.s32 s2, s8;
	p5 =	sge.s32 s2, s8;
	s7 =	spop (v2sf);
	(v2sf) =	vpush v4, $0xE  }
0x87: {  	s23 =	sadd.s32 s23, s4;
	s22 =	sadd.s32 s24, s11;
	s24 =	simm.s32 $0x1  }
0x88: {  	s24 =	simm.s32 @!p0 $0x0;
	p0 =	por !p6, !p6;
	p6 =	slt.s32 s2, s9  }
0x89: {  	vm15 =	vge.s32 v4, v1;
	vm2 =	vlt.s32 v4, v2;
	v7 =	vsub.s32 v4, v1;
	s24 =	sadd.s32 s24, s23;
	s0 =	simm.s32 @!p0 $0x0;
	p0 =	por !p1, !p2  }
0x8a: {  	vm1 =	vmand vm15, vm2;
	v7 =	vshll.u32 v7, $0x10;
	p1 =	por !p3, !p4;
	p2 =	por !p5, !p6;
	p3 =	sge.s32 s30, s5  }
0x8b: {  	v7 =	vnsel vm1, $0x31000000, v7;
	p5 =	slt.s32 s30, s8;
	p6 =	sge.s32 s30, s8;
	p4 =	slt.s32 s30, s9  }
0x8c: {  	v6 =	vor.u32 v6, v7;
	s30 =	rddreg [dreg:$0x12];
	p0 =	por !p0, !p0;
	s15 =	sadd.s32 s0, s22  }
0x8d: {  	v8 =	vbroadcast v6, $0x0;
	s0 =	simm.s32 $0x1;
	p5 =	por !p3, !p5;
	p6 =	por !p6, !p4  }
0x8e: {  	v46 =	vbroadcast v5, $0x1;
	p3 =	slt.s32 s29, s8;
	s26 =	simm.s32 @!p0 $0x0;
	p0 =	por !p1, !p1  }
0x8f: {  	v47 =	vbroadcast v6, $0x1;
	[tilespmem:s31+$0x1880] =	vst v8;
	s2 =	sadd.s32 s26, s24;
	s0 =	simm.s32 @!p0 $0x0;
	s26 =	rddreg [dreg:$0x11]  }
0x90: {  	v48 =	vbroadcast v5, $0x2;
	p0 =	por !p2, !p2;
	p2 =	sge.s32 s29, s5;
	[tilespmem:s26+$0x1000] =	vst v46;
	s26 =	simm.s32 $0x1  }
0x91: {  	v49 =	vbroadcast v6, $0x2;
	p4 =	por !p2, !p3;
	p3 =	sge.s32 s10, s5;
	[tilespmem:s13+$0x1880] =	vst v47;
	s13 =	sadd.s32 s0, s15  }
0x92: {  	v50 =	vbroadcast v5, $0x3;
	s26 =	simm.s32 @!p0 $0x0;
	p0 =	por !p5, !p5;
	p5 =	sge.s32 s29, s8;
	[tilespmem:s30+$0x1000] =	vst v48  }
0x93: {  	v51 =	vbroadcast v6, $0x3;
	s28 =	simm.s32 @!p0 $0x0;
	p0 =	por !p6, !p6;
	p6 =	slt.s32 s29, s9;
	[tilespmem:s14+$0x1880] =	vst v49  }
0x94: {  	v52 =	vbroadcast v5, $0x4;
	s14 =	sadd.s32 s26, s2;
	s26 =	sadd.s32 s28, s13;
	p1 =	por !p5, !p6;
	[tilespmem:s20+$0x1000] =	vst v50  }
0x95: {  	v53 =	vbroadcast v6, $0x4;
	p5 =	sge.s32 s10, s8;
	s20 =	simm.s32 $0x1;
	[tilespmem:s19+$0x1880] =	vst v51;
	s30 =	spop (v2sf);
	(v2sf) =	vpush v4, $0xF  }
0x96: {  	v54 =	vbroadcast v5, $0x5;
	p6 =	slt.s32 s10, s9;
	s20 =	simm.s32 @!p0 $0x0;
	p0 =	por !p4, !p4;
	[tilespmem:s12+$0x1000] =	vst v52  }
0x97: {  	p4 =	slt.s32 s10, s8;
	s12 =	sadd.s32 s20, s14;
	s20 =	simm.s32 $0x1;
	[tilespmem:s21+$0x1880] =	vst v53;
	v4 =	vbroadcast v6, $0x5  }
0x98: {  	v55 =	vbroadcast v5, $0x6;
	p1 =	por !p1, !p1;
	s20 =	simm.s32 @!p0 $0x0;
	p0 =	por !p3, !p4;
	[tilespmem:s3+$0x1000] =	vst v54  }
0x99: {  	p2 =	por !p5, !p6;
	s21 =	sadd.s32 s20, s26;
	p0 =	por !p0, !p0;
	[tilespmem:s16+$0x1880] =	vst v4;
	v4 =	vbroadcast v6, $0x6  }
0x9a: {  	v56 =	vbroadcast v5, $0x7;
	p3 =	sge.s32 s7, s5;
	p4 =	slt.s32 s7, s8;
	p5 =	sge.s32 s7, s8;
	[tilespmem:s18+$0x1000] =	vst v55  }
0x9b: {  	p6 =	slt.s32 s7, s9;
	s7 =	simm.s32 $0x1;
	s16 =	simm.s32 $0x1;
	[tilespmem:s4+$0x1880] =	vst v4;
	v4 =	vbroadcast v6, $0x7  }
0x9c: {  	v57 =	vbroadcast v5, $0x8;
	s16 =	simm.s32 @!p1 $0x0;
	p1 =	por !p2, !p2;
	s4 =	simm.s32 $0x1;
	[tilespmem:s11+$0x1000] =	vst v56  }
0x9d: {  	s3 =	simm.s32 $0x1;
	s7 =	simm.s32 @!p1 $0x0;
	s4 =	simm.s32 @!p0 $0x0;
	[tilespmem:s23+$0x1880] =	vst v4;
	v4 =	vbroadcast v6, $0x8  }
0x9e: {  	v58 =	vbroadcast v5, $0x9;
	p0 =	por !p3, !p4;
	p4 =	por !p5, !p6;
	s11 =	simm.s32 $0x1;
	[tilespmem:s22+$0x1000] =	vst v57  }
0x9f: {  	p5 =	sge.s32 s30, s5;
	p6 =	slt.s32 s30, s8;
	s4 =	sadd.s32 s4, s21;
	[tilespmem:s24+$0x1880] =	vst v4;
	v4 =	vbroadcast v6, $0x9  }
0xa0: {  	v59 =	vbroadcast v5, $0xA;
	p0 =	por !p0, !p0;
	p1 =	por !p4, !p4;
	p4 =	por !p5, !p6;
	[tilespmem:s15+$0x1000] =	vst v58  }
0xa1: {  	p5 =	sge.s32 s30, s8;
	p6 =	slt.s32 s30, s9;
	s24 =	sadd.s32 s16, s12;
	[tilespmem:s2+$0x1880] =	vst v4;
	v4 =	vbroadcast v6, $0xA  }
0xa2: {  	v60 =	vbroadcast v5, $0xB;
	s11 =	simm.s32 @!p1 $0x0;
	p1 =	por !p5, !p6;
	s7 =	sadd.s32 s7, s24;
	[tilespmem:s13+$0x1000] =	vst v59  }
0xa3: {  	s2 =	simm.s32 $0x1;
	s29 =	sadd.s32 s11, s7;
	s11 =	simm.s32 $0x1;
	[tilespmem:s14+$0x1880] =	vst v4;
	v4 =	vbroadcast v6, $0xB  }
0xa4: {  	v61 =	vbroadcast v5, $0xC;
	s2 =	simm.s32 @!p0 $0x0;
	p0 =	por !p4, !p4;
	[tilespmem:s26+$0x1000] =	vst v60;
	s30 =	spop (v2sf)  }
0xa5: {  	s11 =	simm.s32 @!p0 $0x0;
	[tilespmem:s12+$0x1880] =	vst v4;
	v4 =	vbroadcast v6, $0xC;
	p2 =	sge.s32 s30, s5;
	p3 =	slt.s32 s30, s8  }
0xa6: {  	v62 =	vbroadcast v5, $0xD;
	p0 =	por !p1, !p1;
	s26 =	sadd.s32 s2, s4;
	[tilespmem:s21+$0x1000] =	vst v61;
	p5 =	por !p2, !p3  }
0xa7: {  	s3 =	simm.s32 @!p0 $0x0;
	s2 =	simm.s32 $0x1;
	[tilespmem:s24+$0x1880] =	vst v4;
	v4 =	vbroadcast v6, $0xD;
	p0 =	por !p5, !p5  }
0xa8: {  	v63 =	vbroadcast v5, $0xE;
	[tilespmem:s4+$0x1000] =	vst v62;
	s2 =	simm.s32 @!p0 $0x0;
	p0 =	sne.s32 s25, $0x1FC0  }
.Ltmp4:
0xa9: {  	p4 =	sge.s32 s30, s8;
	p6 =	slt.s32 s30, s9;
	[tilespmem:s7+$0x1880] =	vst v4;
	v4 =	vbroadcast v6, $0xE;
	(pc) =	sbr.rel @p0 .LBB2_3-.Ltmp4, $4  }
0xaa: {  	v5 =	vbroadcast v5, $0xF;
	p6 =	por !p4, !p6;
	[tilespmem:s26+$0x1000] =	vst v63  }
0xab: {  	s0 =	sadd.s32 s11, s26;
	s4 =	simm.s32 $0x1;
	p1 =	por !p6, !p6;
	[tilespmem:s29+$0x1880] =	vst v4;
	v4 =	vbroadcast v6, $0xF  }
0xac: {  	s3 =	sadd.s32 s3, s29;
	s4 =	simm.s32 @!p1 $0x0;
	[tilespmem:s0+$0x1000] =	vst v5  }
0xad: {  	s25 =	sadd.s32 $0x40, s25;
	s28 =	sadd.s32 s2, s0;
	s31 =	sadd.s32 s4, s3;
	[tilespmem:s3+$0x1880] =	vst v4  }
0xae: {  	s0 =	sadd.s32 $0x3F, s28  }
0xaf: {  	s2 =	sand.u32 $0x3F, s0  }
0xb0: {  	s30 =	sshra.s32 s0, $0x1F;
	p1 =	slt.s32 s0, $0x1;
	p0 =	sne.s32 s2, $0x0  }
0xb1: {  	s2 =	sshrl.u32 s30, $0x1A;
	p0 =	por !p1, !p0  }
0xb2: {  	s0 =	sadd.s32 s2, s0;
	s2 =	simm.s32 $0x1;
	p0 =	por !p0, !p0  }
0xb3: {  	[tilespmem:s28+$0x1000] =	vst v3;
	s0 =	sshra.s32 s0, $0x6;
	s2 =	simm.s32 @!p0 $0x0  }
0xb4: {  	[tilespmem:s31+$0x1880] =	vst v3;
	s0 =	ssub.s32 s0, s2  }
0xb5: {  	[tilespmem:s28+$0x1010] =	vst v3;
	p0 =	slt.s32 s0, $0x1  }
.Ltmp5:
0xb6: {  	[tilespmem:s31+$0x1890] =	vst v3;
	(pc) =	sbr.rel @p0 .LBB2_8-.Ltmp5, $4  }
0xb7: {  	[tilespmem:s28+$0x1020] =	vst v3  }
0xb8: {  	[tilespmem:s31+$0x18A0] =	vst v3  }
0xb9: {  	s11 =	rddreg [dreg:$0xe];
	[tilespmem:s28+$0x1030] =	vst v3  }
0xba: {  	s12 =	rddreg [dreg:$0xf];
	[tilespmem:s31+$0x18B0] =	vst v3  }
0xbb: {  	s2 =	sshll.u32 s12, $0x6;
	s3 =	rddreg [dreg:$0xb];
	p0 =	seq.s32 s0, $0x1  }
.Ltmp6:
0xbc: {  	s4 =	sadd.s32 s2, s3;
	(pc) =	sbr.rel @p0 .LBB2_7-.Ltmp6, $4  }
0xbd: {  	s3 =	sshrl.u32 s4, $0x3  }
0xbe: {  	s2 =	simm.s32 $0x1000;
	s3 =	sadd.s32 s6, s3  }
0xbf: {  	[hbm4b:s3+s1] =	stream.linear.scatter [tilespmem:s2], [sflag:$0x1], $0x40, $0x38;
	[tilespmem:$0x2180] =	vst v63  }
0xc0: {  	s4 =	sadd.s32 $0x40, s4;
	s3 =	sadd.s32 $0xFFFFFFFF, s0;
	_ =	swait.ge [sflag:s17], $0x40  }
.LBB2_6:
0xc1: {  	s7 =	sshrl.u32 s4, $0x3  }
0xc2: {  	[sflag:s17] =	ssyncset.done $0x0;
	s2 =	sadd.s32 $0x40, s2;
	p0 =	seq.s32 s3, $0x1  }
.Ltmp7:
0xc3: {  	s7 =	sadd.s32 s6, s7;
	[sflag:s17] =	ssyncadd.s32 $0xFFFFFFC0;
	(pc) =	sbr.rel @!p0 .LBB2_6-.Ltmp7, $3  }
0xc4: {  	[hbm4b:s7+s1] =	stream.linear.scatter [tilespmem:s2], [sflag:$0x1], $0x40, $0x38;
	[tilespmem:$0x2180] =	vst v63  }
0xc5: {  	s3 =	sadd.s32 $0xFFFFFFFF, s3;
	_ =	sdelay $0x1  }
0xc6: {  	s4 =	sadd.s32 $0x40, s4;
	_ =	swait.ge [sflag:s17], $0x40  }
.LBB2_7:
0xc7: {  	[sflag:s17] =	ssyncset.done $0x0  }
0xc8: {  	[sflag:s17] =	ssyncadd.s32 $0xFFFFFFC0  }
.LBB2_8:
0xc9: {  	s2 =	sadd.s32 $0x3F, s31  }
0xca: {  	s3 =	sand.u32 $0x3F, s2  }
0xcb: {  	s4 =	sshra.s32 s2, $0x1F;
	p0 =	slt.s32 s2, $0x1;
	p1 =	sne.s32 s3, $0x0  }
0xcc: {  	s31 =	sshrl.u32 s4, $0x1A;
	p0 =	por !p0, !p1  }
0xcd: {  	s3 =	simm.s32 $0x1;
	s2 =	sadd.s32 s31, s2;
	p0 =	por !p0, !p0  }
0xce: {  	s2 =	sshra.s32 s2, $0x6;
	s3 =	simm.s32 @!p0 $0x0  }
0xcf: {  	s2 =	ssub.s32 s2, s3  }
0xd0: {  	p0 =	slt.s32 s2, $0x1  }
.Ltmp8:
0xd1: {  	_ = 	snop;
	(pc) =	sbr.rel @p0 .LBB2_12-.Ltmp8, $1  }
0xd2: {  	_ =	sdelay $0x3  }
0xd3: {  	s3 =	sshll.u32 s11, $0x6;
	s4 =	rddreg [dreg:$0xc];
	p0 =	sne.s32 s2, $0x1  }
.Ltmp9:
0xd4: {  	s7 =	sadd.s32 s3, s4;
	(pc) =	sbr.rel @!p0 .LBB2_11-.Ltmp9, $4  }
0xd5: {  	s4 =	sshrl.u32 s7, $0x3  }
0xd6: {  	s3 =	simm.s32 $0x1880;
	s4 =	sadd.s32 s6, s4  }
0xd7: {  	[hbm4b:s4+s1] =	stream.linear.scatter [tilespmem:s3], [sflag:$0x1], $0x40, $0x38;
	[tilespmem:$0x2180] =	vst v63  }
0xd8: {  	s7 =	sadd.s32 $0x40, s7;
	s4 =	sadd.s32 $0xFFFFFFFF, s2;
	_ =	swait.ge [sflag:s17], $0x40  }
.LBB2_10:
0xd9: {  	s10 =	sshrl.u32 s7, $0x3  }
0xda: {  	[sflag:s17] =	ssyncset.done $0x0;
	s3 =	sadd.s32 $0x40, s3;
	p0 =	sne.s32 s4, $0x1  }
.Ltmp10:
0xdb: {  	s10 =	sadd.s32 s6, s10;
	[sflag:s17] =	ssyncadd.s32 $0xFFFFFFC0;
	(pc) =	sbr.rel @p0 .LBB2_10-.Ltmp10, $3  }
0xdc: {  	[hbm4b:s10+s1] =	stream.linear.scatter [tilespmem:s3], [sflag:$0x1], $0x40, $0x38;
	[tilespmem:$0x2180] =	vst v63  }
0xdd: {  	s4 =	sadd.s32 $0xFFFFFFFF, s4;
	_ =	sdelay $0x1  }
0xde: {  	s7 =	sadd.s32 $0x40, s7;
	_ =	swait.ge [sflag:s17], $0x40  }
.Ltmp11:
0xdf: {  	_ = 	snop;
	(pc) =	sbr.rel .LBB2_11-.Ltmp11, $1  }
0xe0: {  	_ =	sdelay $0x3  }
.LBB2_14:
0xe1: {  	_ =	sfence.sel $0x180000  }
0xe2: {  	[bflag:$0x0] =	sbarrier.arrive $0xFFFF  }
0xe3: {  	_ =	strace $0x9000004A  }
0xe4: {  	s0 =	stileid.u32;
	[bflag:$0x2] =	sbarrier.arrive $0xFFFF  }
0xe5: {  	p0 =	sne.s32 s0, $0x0;
	s0 =	rddreg [dreg:$0x2]  }
0xe6: {  	s0 =	sadd.s32 @!p0 $0x100000, s0  }
0xe7: {  	[sflag:s0] =	ssyncadd.tile.s32 @!p0 $0x1;
	_ =	shalt  }
.Lfunc_end2:
_tile_overlayer_lowered:
.L_overlay_start_2:
0xe8: {  	(tag) =	ssettag $0x2  }
0xe9: {  	s0 =	rddreg [dreg:$0x0];
	s2 =	stileid.u32  }
0xea: {  	s1 =	rddreg [dreg:$0x1];
	p0 =	sne.s32 s2, $0x0  }
0xeb: {  	s3 =	rddreg [dreg:$0x2];
	[bflag:$0x3] =	sbarrier.arrive $0xFFFF;
	s2 =	simm.s32 @!p0 $0x1C01  }
0xec: {  	[timem:s3], [sflag:s2] =	dma.local @!p0 [hbm:s0], s1  }
0xed: {  	s0 =	simm.s32 @!p0 $0x1  }
0xee: {  	_ =	swait.ge @!p0 [sflag:s0], s1  }
0xef: {  	s1 =	ssub.s32 @!p0 $0x0, s1;
	[sflag:s0] =	ssyncset.done @!p0 $0x0  }
0xf0: {  	[sflag:s0] =	ssyncadd.s32 @!p0 s1  }
0xf1: {  	[bflag:$0x3] =	sbarrier.arrive $0xFFFF  }
0xf2: {  	_ =	shalt  }

// kernel: kernel.15.cloned.1.call-start
scs
__scs_entry_jumppad:
0x0: {  	(pc) =	sbr.rel $0x88, $3  }
0x1: {  	(tag) =	ssettag $0x0;
	lr =	simm.s32 $0x1  }
0x2: {  	[smem:$0x3F92] =	sst lr;
	_ =	strace $0xD0000000  }
0x3: {  	_ = 	snop  }
0x4: {  	_ = 	snop  }
0x5: {  	_ = 	snop  }
0x6: {  	_ = 	snop  }
0x7: {  	_ = 	snop  }
__scs_overlays_trampoline_lowered:
0x8: {  	[smem:$0x3FA1] =	sst s0  }
0x9: {  	[smem:$0x3FA2] =	sst s1  }
0xa: {  	[smem:$0x3FA3] =	sst s2  }
0xb: {  	[smem:$0x3FA4] =	sst s3  }
0xc: {  	[smem:$0x3FA5] =	sst s4  }
0xd: {  	[smem:$0x3FA6] =	sst s5  }
0xe: {  	[smem:$0x3FA7] =	sst s6  }
0xf: {  	[smem:$0x3FA8] =	sst s7  }
0x10: {  	[smem:$0x3FA9] =	sst s8  }
0x11: {  	[smem:$0x3FAA] =	sst s9;
	s0 =	simm.s32 @!p0 $0x0  }
0x12: {  	s1 =	sld [smem:$0x3F90];
	s0 =	simm.s32 @p0 $0x1  }
0x13: {  	[smem:$0x3FAB] =	sst s0;
	s0 =	simm.s32 @!p1 $0x0  }
0x14: {  	s2 =	sld [smem:$0x3F8F];
	s0 =	simm.s32 @p1 $0x1  }
0x15: {  	[smem:$0x3FAC] =	sst s0;
	s0 =	simm.s32 @!p2 $0x0  }
0x16: {  	s3 =	sld [smem:$0x3FDB];
	s0 =	simm.s32 @p2 $0x1  }
0x17: {  	s4 =	simm.s32 $0x1BF5;
	[smem:$0x3FAE] =	sst s0  }
0x18: {  	s0 =	sld [smem:$0x3F91];
	_ =	swait.ge [sflag:s4], $0x0  }
0x19: {  	s7 =	sld [smem:$0x3F92]  }
0x1a: {  	s8 =	sadd.s32 $0xFFFFE003, lr  }
0x1b: {  	s9 =	sadd.s32 $0xFFFFFEF7, lr;
	s5 =	simm.s32 $0xFFFFFFFF;
	p2 =	slt.u32 s8, $0xFFFFF086  }
0x1c: {  	p1 =	slt.u32 s9, $0xF7A;
	s5 =	simm.s32 @!p2 $0x0  }
0x1d: {  	s5 =	simm.s32 @p1 $0x1;
	p0 =	seq.s32 s7, s2  }
0x1e: {  	s7 =	smul.u32 @!p0 $0xF7A, s2;
	p2 =	seq.s32 @!p0 s5, $0x0  }
0x1f: {  	s9 =	smul.u32 $0xF7A, s1;
	s8 =	simm.s32 @!p0 $0x1BF5;
	p2 =	por !p2, p0  }
0x20: {  	[sflag:s8] =	ssyncset.s32 @!p0 $0xFFFFF086;
	s6 =	sadd.s32 @!p0 s3, s7;
	s7 =	simm.s32 @!p0 $0x108  }
0x21: {  	s3 =	sadd.s32 s3, s9;
	s6 =	sadd.s32 @!p0 $0x88, s6;
	s7 =	simm.s32 @p2 $0x1082  }
0x22: {  	[simem:s7], [sflag:s8] =	dma.local @!p0 [hbm:s6], $0xF7A  }
0x23: {  	s9 =	sor.u32 $0xD0000000, s2;
	s6 =	simm.s32 $0x108;
	_ =	swait.ge @!p0 [sflag:s8], $0x0  }
0x24: {  	s3 =	sadd.s32 $0x88, s3;
	s6 =	simm.s32 @!p1 $0x1082;
	[sflag:s4] =	ssyncset.s32 $0xFFFFF086  }
0x25: {  	[simem:s6], [sflag:s4] =	dma.local [hbm:s3], $0xF7A  }
0x26: {  	[smem:$0x3F92] =	sst s1;
	(tag) =	ssettag s2;
	_ =	strace s9  }
0x27: {  	s1 =	sld [smem:$0x3FA2]  }
0x28: {  	s2 =	sld [smem:$0x3FA3]  }
0x29: {  	s4 =	sld [smem:$0x3FA5]  }
0x2a: {  	p0 =	seq.s32 s5, $0x0;
	s5 =	sld [smem:$0x3FA6]  }
0x2b: {  	s6 =	sld [smem:$0x3FA7]  }
0x2c: {  	s7 =	sld [smem:$0x3FA8]  }
0x2d: {  	s3 =	simm.s32 $0x108;
	s8 =	sld [smem:$0x3FA9]  }
0x2e: {  	s3 =	simm.s32 @!p0 $0x1082;
	s9 =	sld [smem:$0x3FAA]  }
0x2f: {  	lr =	sadd.s32 s0, s3;
	s0 =	sld [smem:$0x3FA1]  }
0x30: {  	s3 =	sld [smem:$0x3FA4]  }
0x31: {  	[smem:$0x3FAD] =	sst s10  }
0x32: {  	s10 =	sld [smem:$0x3FAB];
	_ =	sdelay $0x3  }
0x33: {  	p0 =	seq.s32 s10, $0x1;
	s10 =	sld [smem:$0x3FAD];
	_ =	sdelay $0x3  }
0x34: {  	[smem:$0x3FAD] =	sst s10  }
0x35: {  	s10 =	sld [smem:$0x3FAC];
	_ =	sdelay $0x3  }
0x36: {  	p1 =	seq.s32 s10, $0x1;
	s10 =	sld [smem:$0x3FAD];
	_ =	sdelay $0x3  }
0x37: {  	[smem:$0x3FAD] =	sst s10  }
0x38: {  	s10 =	sld [smem:$0x3FAE]  }
0x39: {  	_ = 	snop;
	(pc) =	sbr.ind lr, $3  }
0x3a: {  	_ = 	snop  }
0x3b: {  	_ = 	snop  }
0x3c: {  	p2 =	seq.s32 s10, $0x1;
	s10 =	sld [smem:$0x3FAD]  }
0x3d: {  	_ =	shalt  }
0x3e: {  	_ =	shalt  }
0x3f: {  	_ =	shalt  }
0x40: {  	_ =	shalt  }
0x41: {  	_ =	shalt  }
0x42: {  	_ =	shalt  }
0x43: {  	_ =	shalt  }
0x44: {  	_ =	shalt  }
0x45: {  	_ =	shalt  }
0x46: {  	_ =	shalt  }
0x47: {  	_ =	shalt  }
0x48: {  	_ =	shalt  }
0x49: {  	_ =	shalt  }
0x4a: {  	_ =	shalt  }
0x4b: {  	_ =	shalt  }
0x4c: {  	_ =	shalt  }
0x4d: {  	_ =	shalt  }
0x4e: {  	_ =	shalt  }
0x4f: {  	_ =	shalt  }
0x50: {  	_ =	shalt  }
0x51: {  	_ =	shalt  }
0x52: {  	_ =	shalt  }
0x53: {  	_ =	shalt  }
0x54: {  	_ =	shalt  }
0x55: {  	_ =	shalt  }
0x56: {  	_ =	shalt  }
0x57: {  	_ =	shalt  }
0x58: {  	_ =	shalt  }
0x59: {  	_ =	shalt  }
0x5a: {  	_ =	shalt  }
0x5b: {  	_ =	shalt  }
0x5c: {  	_ =	shalt  }
0x5d: {  	_ =	shalt  }
0x5e: {  	_ =	shalt  }
0x5f: {  	_ =	shalt  }
0x60: {  	_ =	shalt  }
0x61: {  	_ =	shalt  }
0x62: {  	_ =	shalt  }
0x63: {  	_ =	shalt  }
0x64: {  	_ =	shalt  }
0x65: {  	_ =	shalt  }
0x66: {  	_ =	shalt  }
0x67: {  	_ =	shalt  }
0x68: {  	_ =	shalt  }
0x69: {  	_ =	shalt  }
0x6a: {  	_ =	shalt  }
0x6b: {  	_ =	shalt  }
0x6c: {  	_ =	shalt  }
0x6d: {  	_ =	shalt  }
0x6e: {  	_ =	shalt  }
0x6f: {  	_ =	shalt  }
0x70: {  	_ =	shalt  }
0x71: {  	_ =	shalt  }
0x72: {  	_ =	shalt  }
0x73: {  	_ =	shalt  }
0x74: {  	_ =	shalt  }
0x75: {  	_ =	shalt  }
0x76: {  	_ =	shalt  }
0x77: {  	_ =	shalt  }
0x78: {  	_ =	shalt  }
0x79: {  	_ =	shalt  }
0x7a: {  	_ =	shalt  }
0x7b: {  	_ =	shalt  }
0x7c: {  	_ =	shalt  }
0x7d: {  	_ =	shalt  }
0x7e: {  	_ =	shalt  }
0x7f: {  	_ =	shalt  }
0x80: {  	_ =	shalt  }
0x81: {  	_ =	shalt  }
0x82: {  	_ =	shalt  }
0x83: {  	_ =	shalt  }
0x84: {  	_ =	shalt  }
0x85: {  	_ =	shalt  }
0x86: {  	_ =	shalt  }
0x87: {  	_ =	shalt  }
.Lfunc_end0:
.L_simem_size_0:
called_computation.2_lowered:
.L_overlay_start_0:
0x88: {  	s2 =	sld [smem:$0x3FD9]  }
0x89: {  	s3 =	sld [smem:$0x3FFE];
	_ =	sdelay $0x1  }
0x8a: {  	s1 =	srdreg.scid  }
0x8b: {  	s0 =	sand.u32 $0x1, s1  }
0x8c: {  	s17 =	sshll.u32 s0, $0xA;
	s2 =	sadd.s32 s3, s2  }
0x8d: {  	s2 =	sadd.s32 s2, s17  }
0x8e: {  	[smem:$0x3FB9] =	sst s2  }
0x8f: {  	_ = 	snop  }
0x90: {  	s2 =	sld [smem:$0x3FD0];
	(tm) =	ssettm $0x1  }
0x91: {  	s18 =	sld [smem:$0x3FFB];
	_ =	sdelay $0x3  }
0x92: {  	_ =	strace s18  }
0x93: {  	s3 =	sld [smem:$0x3FFC];
	_ =	sdelay $0x3  }
0x94: {  	_ =	strace s3  }
0x95: {  	s3 =	sld [smem:$0x3FFD];
	_ =	sdelay $0x3  }
0x96: {  	_ =	strace s3  }
0x97: {  	_ =	strace $0x8FFFFFFF  }
0x98: {  	s19 =	sld [smem:$0x3FDB];
	_ =	sdelay $0x1  }
0x99: {  	s4 =	simm.s32 $_scs_section_size  }
0x9a: {  	s5 =	simm.s32 $_size__tile_overlayer_lowered;
	s6 =	simm.s32 $_tile_overlayer_lowered  }
0x9b: {  	s22 =	simm.s32 $0x1BFF;
	s21 =	sshll.u32 s6, $0x1;
	s3 =	sadd.s32 s4, s19  }
0x9c: {  	s7 =	simm.s32 $0x0;
	s20 =	sshll.u32 s5, $0x1;
	s5 =	sadd.s32 s21, s3  }
0x9d: {  	[timem:s7], [sflag:s22] =	dma.local [hbm:s5], s20  }
0x9e: {  	_ =	swait.ge [sflag:s22], s20  }
0x9f: {  	s4 =	ssub.s32 $0x0, s20;
	[sflag:s22] =	ssyncset.done $0x0  }
0xa0: {  	[sflag:s22] =	ssyncadd.s32 s4;
	_ =	sdelay $0x1  }
0xa1: {  	s23 =	simm.s32 $0x1B8B  }
0xa2: {  	_ =	swait.ge [sflag:s23], $0x1  }
0xa3: {  	[sflag:s23] =	ssyncset.done $0x0  }
0xa4: {  	s25 =	simm.s32 $0x1B8E;
	s24 =	sld [smem:$0x3FFE];
	[sflag:s23] =	ssyncadd.s32 $0xFFFFFFFF  }
0xa5: {  	s26 =	simm.s32 $execute0_lowered;
	[smem:$0x3FD2] =	sst s25  }
0xa6: {  	s5 =	sshll.u32 s26, $0x1;
	_ =	strace $0x8000004C;
	[dreg:$0x1] =	wrdreg $0xFFFFFFFF  }
0xa7: {  	s28 =	simm.s32 $_size_execute0_lowered;
	s3 =	sadd.s32 s3, s5;
	[dreg:$0x0] =	wrdreg $0x0  }
0xa8: {  	s5 =	sshll.u32 s28, $0x1;
	[dreg:$0x2] =	wrdreg s3  }
0xa9: {  	[dreg:$0x3] =	wrdreg s5  }
0xaa: {  	[dreg:$0x4] =	wrdreg $0xC0  }
0xab: {  	_ =	task [dreg:s7], $0x5FFFF  }
0xac: {  	[dreg:$0x1] =	wrdreg $0xFFFFFFFF  }
0xad: {  	[dreg:$0x0] =	wrdreg $0x60  }
0xae: {  	[dreg:$0x2] =	wrdreg s24  }
0xaf: {  	[dreg:$0x3] =	wrdreg s2  }
0xb0: {  	[dreg:$0x4] =	wrdreg $0x47800  }
0xb1: {  	[dreg:$0x5] =	wrdreg $0x9  }
0xb2: {  	_ =	task.clear_ibuf [dreg:s7], $0x6FFFF;
	_ =	strace $0x9000004C  }
0xb3: {  	s29 =	simm.s32 $0x9;
	_ =	strace $0x8000004E  }
0xb4: {  	_ =	swait.ge [sflag:s29], $0x1  }
0xb5: {  	[sflag:s29] =	ssyncadd.s32 $0xFFFFFFFF  }
0xb6: {  	_ =	strace $0x9000004E  }
0xb7: {  	_ =	sfence  }
0xb8: {  	s30 =	sld [smem:$0x0];
	_ =	sdelay $0x2  }
0xb9: {  	s31 =	sshll.u32 s1, $0xD;
	s1 =	sshrl.u32 s1, $0x2  }
0xba: {  	s3 =	sand.u32 $0x4000, s31;
	s1 =	sadd.s32 s1, s30  }
0xbb: {  	s0 =	sor.u32 s3, s0;
	s1 =	sshll.u32 s1, $0x11  }
0xbc: {  	s0 =	sor.u32 s1, s0  }
0xbd: {  	s0 =	sadd.s32 $0x8F2B, s0  }
0xbe: {  	[sflag:s0] =	ssyncadd.remote.s32 $0x1  }
0xbf: {  	_ =	sfence.sel $0xFFFF  }
0xc0: {  	[dreg:$0x0] =	wrdreg $0xFFFFFFFF;
	(pc) =	sbr.abs _section_cstart, $3  }
0xc1: {  	[dreg:$0x1] =	wrdreg $0xFFFFFFFF  }
0xc2: {  	_ =	task.clear_ibuf [dreg:s7], $0x2FFFF;
	_ =	strace $0x9FFFFFFF  }
0xc3: {  	(tm) =	ssettm $0x7FFFFFFF  }
tec
execute0_lowered:
.L_overlay_start_1:
0x0: {  	(tag) =	ssettag $0x1  }
0x1: {  	s0 =	rddreg [dreg:$0x0]  }
0x2: {  	s7 =	rddreg [dreg:$0x1]  }
0x3: {  	s1 =	rddreg [dreg:$0x2];
	s2 =	simm.s32 $0x0  }
0x4: {  	s3 =	srdreg.scid;
	s22 =	stileid.u32;
	s17 =	simm.s32 $0x3  }
0x5: {  	s18 =	simm.s32 $0x4700;
	s19 =	simm.s32 $0x1;
	s20 =	simm.s32 $0x40  }
0x6: {  	s21 =	simm.s32 $0x100;
	s28 =	simm.s32 $0x2;
	s11 =	smul.u32 $0x64000, s22  }
0x7: {  	s29 =	simm.s32 $0x280;
	s30 =	simm.s32 $0x0;
	s14 =	smul.u32 $0x19080, s22  }
0x8: {  	[smem:$0x7FF] =	sst s2;
	s4 =	sadd.s32 $0x51000, s0;
	s15 =	smul.u32 $0x3100, s22  }
0x9: {  	s6 =	sand.u32 $0x1, s3;
	s5 =	sadd.s32 $0x301200, s0;
	s16 =	smul.u32 $0x62000, s22  }
0xa: {  	s23 =	sshll.u32 s22, $0x2;
	s22 =	simm.s32 $0x300;
	s8 =	smul.u32 $0x62000, s6  }
0xb: {  	_ =	strace $0x8000004D;
	s9 =	ssub.s32 $0x2, s6;
	s13 =	smul.u32 $0x190800, s6  }
0xc: {  	s6 =	sshll.u32 s6, $0x6;
	s10 =	sshrl.u32 s9, $0x1;
	s24 =	sshrl.u32 s11, $0x2  }
0xd: {  	s31 =	sshrl.u32 s16, $0x2;
	s16 =	simm.s32 $0x4300;
	s12 =	sadd.s32 s8, s0  }
0xe: {  	s10 =	ssub.s32 s9, s10;
	s8 =	sor.u32 s23, s6;
	s6 =	sadd.s32 s24, s1  }
0xf: {  	s11 =	sadd.s32 s14, s13;
	s13 =	sadd.s32 s31, s1;
	s23 =	simm.s32 $0x80  }
0x10: {  	s24 =	simm.s32 $0x180;
	s7 =	sadd.s32 s7, s8;
	s8 =	sadd.s32 $0x51008, s0  }
0x11: {  	s10 =	smax.u32 s10, $0x1;
	s26 =	sadd.s32 s15, s12;
	s0 =	sadd.s32 $0xC840, s11  }
0x12: {  	s25 =	sadd.s32 $0x2, s7;
	s12 =	sadd.s32 $0xB5200, s26;
	s15 =	sadd.s32 $0xE6200, s26  }
0x13: {  	v0 =	vimm.f32 $0.0e+00;
	s26 =	simm.s32 $0x200;
	[dreg:$0x4] =	wrdreg s25;
	s25 =	simm.s32 $0x2300  }
.LBB2_1:
0x14: {  	[tilespmem:$0x4300] =	vst v0  }
0x15: {  	[tilespmem:$0x4310] =	vst v0  }
0x16: {  	[tilespmem:$0x4320] =	vst v0  }
0x17: {  	[tilespmem:$0x4330] =	vst v0  }
0x18: {  	[tilespmem:$0x4340] =	vst v0  }
0x19: {  	[tilespmem:$0x4350] =	vst v0  }
0x1a: {  	[tilespmem:$0x4360] =	vst v0  }
0x1b: {  	[tilespmem:$0x4370] =	vst v0  }
0x1c: {  	[tilespmem:$0x4380] =	vst v0  }
0x1d: {  	[tilespmem:$0x4390] =	vst v0  }
0x1e: {  	[tilespmem:$0x43A0] =	vst v0  }
0x1f: {  	[tilespmem:$0x43B0] =	vst v0  }
0x20: {  	[tilespmem:$0x43C0] =	vst v0  }
0x21: {  	[tilespmem:$0x43D0] =	vst v0  }
0x22: {  	[tilespmem:$0x43E0] =	vst v0  }
0x23: {  	[tilespmem:$0x43F0] =	vst v0  }
0x24: {  	[tilespmem:$0x4400] =	vst v0  }
0x25: {  	[tilespmem:$0x4410] =	vst v0  }
0x26: {  	[tilespmem:$0x4420] =	vst v0  }
0x27: {  	[tilespmem:$0x4430] =	vst v0  }
0x28: {  	[tilespmem:$0x4440] =	vst v0  }
0x29: {  	[tilespmem:$0x4450] =	vst v0  }
0x2a: {  	[tilespmem:$0x4460] =	vst v0  }
0x2b: {  	[tilespmem:$0x4470] =	vst v0  }
0x2c: {  	[tilespmem:$0x4480] =	vst v0  }
0x2d: {  	[tilespmem:$0x4490] =	vst v0  }
0x2e: {  	[tilespmem:$0x44A0] =	vst v0  }
0x2f: {  	[tilespmem:$0x44B0] =	vst v0  }
0x30: {  	[tilespmem:$0x44C0] =	vst v0  }
0x31: {  	[tilespmem:$0x44D0] =	vst v0  }
0x32: {  	[tilespmem:$0x44E0] =	vst v0  }
0x33: {  	[tilespmem:$0x44F0] =	vst v0  }
0x34: {  	[tilespmem:$0x4500] =	vst v0  }
0x35: {  	[tilespmem:$0x4510] =	vst v0  }
0x36: {  	[tilespmem:$0x4520] =	vst v0  }
0x37: {  	[tilespmem:$0x4530] =	vst v0  }
0x38: {  	[tilespmem:$0x4540] =	vst v0  }
0x39: {  	[tilespmem:$0x4550] =	vst v0  }
0x3a: {  	[tilespmem:$0x4560] =	vst v0  }
0x3b: {  	[tilespmem:$0x4570] =	vst v0  }
0x3c: {  	[tilespmem:$0x4580] =	vst v0  }
0x3d: {  	[tilespmem:$0x4590] =	vst v0  }
0x3e: {  	[tilespmem:$0x45A0] =	vst v0  }
0x3f: {  	[tilespmem:$0x45B0] =	vst v0  }
0x40: {  	[tilespmem:$0x45C0] =	vst v0  }
0x41: {  	[tilespmem:$0x45D0] =	vst v0  }
0x42: {  	[tilespmem:$0x45E0] =	vst v0  }
0x43: {  	[tilespmem:$0x45F0] =	vst v0  }
0x44: {  	[tilespmem:$0x4600] =	vst v0  }
0x45: {  	[tilespmem:$0x4610] =	vst v0  }
0x46: {  	[tilespmem:$0x4620] =	vst v0  }
0x47: {  	[tilespmem:$0x4630] =	vst v0  }
0x48: {  	[tilespmem:$0x4640] =	vst v0  }
0x49: {  	[tilespmem:$0x4650] =	vst v0  }
0x4a: {  	[tilespmem:$0x4660] =	vst v0  }
0x4b: {  	[tilespmem:$0x4670] =	vst v0  }
0x4c: {  	[tilespmem:$0x4680] =	vst v0  }
0x4d: {  	[tilespmem:$0x4690] =	vst v0  }
0x4e: {  	[tilespmem:$0x46A0] =	vst v0  }
0x4f: {  	[tilespmem:$0x46B0] =	vst v0  }
0x50: {  	[tilespmem:$0x46C0] =	vst v0  }
0x51: {  	[tilespmem:$0x46D0] =	vst v0  }
0x52: {  	[tilespmem:$0x46E0] =	vst v0  }
0x53: {  	[tilespmem:$0x46F0] =	vst v0;
	s14 =	sadd.s32 $0x0, s6  }
0x54: {  	[spmem:s14] =	stream.linear.scatter [tilespmem:s16], [sflag:$0x3], $0x400, $0x38;
	[tilespmem:$0x1D780] =	vst v63  }
0x55: {  	s14 =	simm.s32 $0x1000;
	_ =	swait.ge [sflag:s17], $0x400  }
.LBB2_2:
0x56: {  	s31 =	sshra.s32 s14, $0x2;
	[sflag:s17] =	ssyncset.done $0x0;
	p0 =	sne.s32 s14, $0x63000  }
.Ltmp0:
0x57: {  	s31 =	sadd.s32 s31, s6;
	[sflag:s17] =	ssyncadd.s32 $0xFFFFFC00;
	(pc) =	sbr.rel @p0 .LBB2_2-.Ltmp0, $3  }
0x58: {  	[spmem:s31] =	stream.linear.scatter [tilespmem:s16], [sflag:$0x3], $0x400, $0x38;
	[tilespmem:$0x1D780] =	vst v63  }
0x59: {  	s14 =	sadd.s32 $0x1000, s14;
	_ =	sdelay $0x1  }
0x5a: {  	_ =	swait.ge [sflag:s17], $0x400  }
0x5b: {  	[sflag:s17] =	ssyncset.done $0x0  }
0x5c: {  	[sflag:s17] =	ssyncadd.s32 $0xFFFFFC00  }
0x5d: {  	[bflag:$0x0] =	sbarrier.arrive $0xFFFF  }
0x5e: {  	[tilespmem:s18], [sflag:$0x3] =	stream.linear.gather [hbm4b:s7+s2], $0x10, $0x38;
	[tilespmem:$0x1D780] =	vst v63  }
0x5f: {  	_ =	swait.ge [sflag:s17], $0x10  }
0x60: {  	[sflag:s17] =	ssyncset.done $0x0  }
0x61: {  	[sflag:s17] =	ssyncadd.s32 $0xFFFFFFF0  }
0x62: {  	v1 =	vld [tilespmem:$0x4700];
	_ =	sdelay $0x4  }
0x63: {  	(v2sf) =	vpush v1, $0x0;
	_ =	sdelay $0xe  }
0x64: {  	s14 =	spop (v2sf)  }
0x65: {  	s31 =	sand.u32 $0x1, s14  }
0x66: {  	p0 =	slt.s32 s14, $0x1;
	p1 =	seq.s32 s31, $0x1  }
0x67: {  	s9 =	sshrl.u32 s14, $0x1F;
	p0 =	por !p0, !p1  }
0x68: {  	s14 =	sadd.s32 s9, s14;
	s31 =	simm.s32 $0x1;
	p0 =	por !p0, !p0  }
0x69: {  	s14 =	sshra.s32 s14, $0x1;
	s31 =	simm.s32 @!p0 $0x0  }
0x6a: {  	s14 =	ssub.s32 s14, s31  }
0x6b: {  	p0 =	slt.s32 s14, $0x1  }
.Ltmp1:
0x6c: {  	_ = 	snop;
	(pc) =	sbr.rel @p0 .LBB2_7-.Ltmp1, $1  }
0x6d: {  	_ =	sdelay $0x3  }
0x6e: {  	s31 =	sshrl.u32 s11, $0x3  }
0x6f: {  	s3 =	sadd.s32 s4, s31  }
0x70: {  	[tilespmem:s2], [sflag:$0x3] =	stream.linear.gather [hbm4b:s3+s2], $0x40, $0x38;
	[tilespmem:$0x1D780] =	vst v63  }
0x71: {  	_ =	swait.ge [sflag:s17], $0x40  }
0x72: {  	[sflag:s17] =	ssyncset.done $0x0  }
0x73: {  	[sflag:s17] =	ssyncadd.s32 $0xFFFFFFC0  }
0x74: {  	v1 =	vld [tilespmem:$0x30];
	_ =	sdelay $0x1  }
0x75: {  	v2 =	vld [tilespmem:$0x20];
	_ =	sdelay $0x1  }
0x76: {  	v3 =	vld [tilespmem:$0x0]  }
0x77: {  	v5 =	vand.u32 $0xFFFF, v1  }
0x78: {  	v4 =	vld [tilespmem:$0x10];
	v1 =	vshra.s32 v1, $0x10;
	[tilespmem:$0x130] =	vst v5  }
0x79: {  	v60 =	vand.u32 $0xFFFF, v2;
	[tilespmem:$0x230] =	vst v1  }
0x7a: {  	v2 =	vshra.s32 v2, $0x10;
	[tilespmem:$0x120] =	vst v60  }
0x7b: {  	v1 =	vand.u32 $0xFFFF, v3;
	[tilespmem:$0x220] =	vst v2  }
0x7c: {  	v3 =	vshra.s32 v3, $0x10;
	[tilespmem:$0x100] =	vst v1  }
0x7d: {  	v1 =	vshra.s32 v4, $0x10;
	[tilespmem:$0x200] =	vst v3  }
0x7e: {  	[tilespmem:$0x210] =	vst v1;
	v1 =	vand.u32 $0xFFFF, v4  }
0x7f: {  	[tilespmem:$0x110] =	vst v1  }
0x80: {  	[tilespmem:s22], [sflag:$0x1] =	stream.indirect.gather [hbm4b:s5+s20], $0x80, s21, s20, $0xb8;
	[tilespmem:$0x1D780] =	vst v63  }
0x81: {  	s9 =	sadd.s32 s31, s8  }
0x82: {  	[tilespmem:s23], [sflag:$0x3] =	stream.linear.gather [hbm4b:s9+s2], $0x40, $0x38;
	[tilespmem:$0x1D780] =	vst v63  }
0x83: {  	_ =	swait.ge [sflag:s17], $0x40  }
0x84: {  	[sflag:s17] =	ssyncset.done $0x0  }
0x85: {  	[sflag:s17] =	ssyncadd.s32 $0xFFFFFFC0  }
0x86: {  	v1 =	vld [tilespmem:$0xA0]  }
0x87: {  	v2 =	vld [tilespmem:$0x90]  }
0x88: {  	v3 =	vld [tilespmem:$0x80];
	_ =	sdelay $0x2  }
0x89: {  	v62 =	vand.u32 $0xFFFF, v1  }
0x8a: {  	v61 =	vld [tilespmem:$0xB0];
	v6 =	vand.u32 $0xFFFF, v2;
	[tilespmem:$0x1A0] =	vst v62  }
0x8b: {  	v63 =	vand.u32 $0xFFFF, v3;
	[tilespmem:$0x190] =	vst v6  }
0x8c: {  	p0 =	sne.s32 s14, $0x1;
	v3 =	vshra.s32 v3, $0x10;
	[tilespmem:$0x180] =	vst v63  }
.Ltmp2:
0x8d: {  	v1 =	vshra.s32 v1, $0x10;
	[tilespmem:$0x280] =	vst v3;
	(pc) =	sbr.rel @!p0 .LBB2_6-.Ltmp2, $4  }
0x8e: {  	v2 =	vshra.s32 v2, $0x10;
	[tilespmem:$0x2A0] =	vst v1  }
0x8f: {  	v3 =	vand.u32 $0xFFFF, v61;
	[tilespmem:$0x290] =	vst v2  }
0x90: {  	v1 =	vshra.s32 v61, $0x10;
	[tilespmem:$0x1B0] =	vst v3  }
0x91: {  	s31 =	sadd.s32 $0xFFFFFFFF, s14;
	s14 =	sadd.s32 $0x80, s11;
	[tilespmem:$0x2B0] =	vst v1  }
.LBB2_5:
0x92: {  	[tilespmem:s25], [sflag:$0x2] =	stream.indirect.gather [hbm4b:s5+s20], $0x80, s24, s20, $0xb8;
	[tilespmem:$0x1D780] =	vst v63  }
0x93: {  	p0 =	sne.s32 s31, $0x1;
	s31 =	sadd.s32 $0xFFFFFFFF, s31;
	_ =	swait.ge [sflag:s19], $0x2000  }
0x94: {  	[sflag:s19] =	ssyncset.done $0x0  }
0x95: {  	[sflag:s19] =	ssyncadd.s32 $0xFFFFE000  }
0x96: {  	[spmem:s1] =	stream.indirect.scatter.add.f32 [tilespmem:s22], [sflag:$0x3], $0x80, s26, s20, $0xb8;
	[tilespmem:$0x1D780] =	vst v63  }
0x97: {  	_ =	swait.ge [sflag:s17], $0x2000  }
0x98: {  	[sflag:s17] =	ssyncset.done $0x0  }
0x99: {  	[sflag:s17] =	ssyncadd.s32 $0xFFFFE000  }
0x9a: {  	_ =	swait.ge [sflag:s28], $0x2000  }
0x9b: {  	[sflag:s28] =	ssyncset.done $0x0  }
0x9c: {  	[sflag:s28] =	ssyncadd.s32 $0xFFFFE000  }
0x9d: {  	[spmem:s1] =	stream.indirect.scatter.add.f32 [tilespmem:s25], [sflag:$0x3], $0x80, s29, s20, $0xb8;
	[tilespmem:$0x1D780] =	vst v63  }
0x9e: {  	_ =	swait.ge [sflag:s17], $0x2000  }
0x9f: {  	s3 =	sshrl.u32 s14, $0x3;
	[sflag:s17] =	ssyncset.done $0x0  }
0xa0: {  	s9 =	sadd.s32 s4, s3;
	[sflag:s17] =	ssyncadd.s32 $0xFFFFE000  }
0xa1: {  	[tilespmem:s2], [sflag:$0x3] =	stream.linear.gather [hbm4b:s9+s2], $0x40, $0x38;
	[tilespmem:$0x1D780] =	vst v63  }
0xa2: {  	_ =	swait.ge [sflag:s17], $0x40  }
0xa3: {  	[sflag:s17] =	ssyncset.done $0x0  }
0xa4: {  	[sflag:s17] =	ssyncadd.s32 $0xFFFFFFC0  }
0xa5: {  	v1 =	vld [tilespmem:$0x30]  }
0xa6: {  	v2 =	vld [tilespmem:$0x20]  }
0xa7: {  	v3 =	vld [tilespmem:$0x0];
	_ =	sdelay $0x1  }
0xa8: {  	v4 =	vld [tilespmem:$0x10]  }
0xa9: {  	v5 =	vand.u32 $0xFFFF, v1;
	v1 =	vshra.s32 v1, $0x10  }
0xaa: {  	v6 =	vand.u32 $0xFFFF, v2;
	v2 =	vshra.s32 v2, $0x10;
	[tilespmem:$0x130] =	vst v5  }
0xab: {  	v5 =	vand.u32 $0xFFFF, v3;
	v3 =	vshra.s32 v3, $0x10;
	[tilespmem:$0x230] =	vst v1  }
0xac: {  	[tilespmem:$0x120] =	vst v6  }
0xad: {  	[tilespmem:$0x100] =	vst v5;
	v1 =	vand.u32 $0xFFFF, v4;
	v4 =	vshra.s32 v4, $0x10  }
0xae: {  	[tilespmem:$0x200] =	vst v3  }
0xaf: {  	[tilespmem:$0x210] =	vst v4  }
0xb0: {  	[tilespmem:$0x220] =	vst v2  }
0xb1: {  	[tilespmem:$0x110] =	vst v1  }
0xb2: {  	[tilespmem:s22], [sflag:$0x1] =	stream.indirect.gather [hbm4b:s5+s20], $0x80, s21, s20, $0xb8;
	[tilespmem:$0x1D780] =	vst v63  }
0xb3: {  	s3 =	sadd.s32 s3, s8  }
0xb4: {  	[tilespmem:s23], [sflag:$0x3] =	stream.linear.gather [hbm4b:s3+s2], $0x40, $0x38;
	[tilespmem:$0x1D780] =	vst v63  }
0xb5: {  	_ =	swait.ge [sflag:s17], $0x40  }
0xb6: {  	[sflag:s17] =	ssyncset.done $0x0  }
0xb7: {  	[sflag:s17] =	ssyncadd.s32 $0xFFFFFFC0  }
0xb8: {  	v1 =	vld [tilespmem:$0xA0]  }
0xb9: {  	v2 =	vld [tilespmem:$0x90]  }
0xba: {  	v3 =	vld [tilespmem:$0x80]  }
0xbb: {  	v4 =	vld [tilespmem:$0xB0];
	_ =	sdelay $0x1  }
0xbc: {  	v5 =	vand.u32 $0xFFFF, v1;
	v1 =	vshra.s32 v1, $0x10  }
0xbd: {  	v6 =	vand.u32 $0xFFFF, v2;
	v2 =	vshra.s32 v2, $0x10;
	[tilespmem:$0x1A0] =	vst v5  }
0xbe: {  	v5 =	vand.u32 $0xFFFF, v3;
	[tilespmem:$0x190] =	vst v6  }
0xbf: {  	v3 =	vshra.s32 v3, $0x10;
	[tilespmem:$0x180] =	vst v5;
	v5 =	vand.u32 $0xFFFF, v4;
	v4 =	vshra.s32 v4, $0x10  }
.Ltmp3:
0xc0: {  	[tilespmem:$0x280] =	vst v3;
	(pc) =	sbr.rel @p0 .LBB2_5-.Ltmp3, $4  }
0xc1: {  	[tilespmem:$0x2A0] =	vst v1  }
0xc2: {  	[tilespmem:$0x1B0] =	vst v5  }
0xc3: {  	[tilespmem:$0x2B0] =	vst v4  }
0xc4: {  	s14 =	sadd.s32 $0x80, s14;
	[tilespmem:$0x290] =	vst v2  }
.LBB2_6:
0xc5: {  	[tilespmem:s25], [sflag:$0x2] =	stream.indirect.gather [hbm4b:s5+s20], $0x80, s24, s20, $0xb8;
	[tilespmem:$0x1D780] =	vst v63  }
0xc6: {  	_ =	swait.ge [sflag:s19], $0x2000  }
0xc7: {  	[sflag:s19] =	ssyncset.done $0x0  }
0xc8: {  	[sflag:s19] =	ssyncadd.s32 $0xFFFFE000  }
0xc9: {  	[spmem:s1] =	stream.indirect.scatter.add.f32 [tilespmem:s22], [sflag:$0x3], $0x80, s26, s20, $0xb8;
	[tilespmem:$0x1D780] =	vst v63  }
0xca: {  	_ =	swait.ge [sflag:s17], $0x2000  }
0xcb: {  	[sflag:s17] =	ssyncset.done $0x0  }
0xcc: {  	[sflag:s17] =	ssyncadd.s32 $0xFFFFE000  }
0xcd: {  	_ =	swait.ge [sflag:s28], $0x2000  }
0xce: {  	[sflag:s28] =	ssyncset.done $0x0  }
0xcf: {  	[sflag:s28] =	ssyncadd.s32 $0xFFFFE000  }
0xd0: {  	[spmem:s1] =	stream.indirect.scatter.add.f32 [tilespmem:s25], [sflag:$0x3], $0x80, s29, s20, $0xb8;
	[tilespmem:$0x1D780] =	vst v63  }
0xd1: {  	_ =	swait.ge [sflag:s17], $0x2000  }
0xd2: {  	[sflag:s17] =	ssyncset.done $0x0  }
0xd3: {  	[sflag:s17] =	ssyncadd.s32 $0xFFFFE000  }
.LBB2_7:
0xd4: {  	[bflag:$0x0] =	sbarrier.arrive $0xFFFF  }
0xd5: {  	[tilespmem:s22], [sflag:$0x3] =	stream.linear.gather [spmem:s13], $0x1C00, $0x38;
	[tilespmem:$0x1D780] =	vst v63  }
0xd6: {  	_ =	swait.ge [sflag:s17], $0x1C00  }
0xd7: {  	[sflag:s17] =	ssyncset.done $0x0  }
0xd8: {  	s3 =	sadd.s32 $0x0, s12;
	[sflag:s17] =	ssyncadd.s32 $0xFFFFE400  }
0xd9: {  	[hbm4b:s3+s2] =	stream.linear.scatter [tilespmem:s22], [sflag:$0x3], $0x1C00, $0x38;
	[tilespmem:$0x1D780] =	vst v63  }
0xda: {  	_ =	swait.ge [sflag:s17], $0x1C00  }
0xdb: {  	s14 =	simm.s32 $0x380;
	s31 =	smov.u32 s13;
	[sflag:s17] =	ssyncset.done $0x0  }
.LBB2_8:
0xdc: {  	p0 =	sne.s32 s14, $0x2D80;
	[sflag:s17] =	ssyncadd.s32 $0xFFFFE400;
	s31 =	sadd.s32 $0x1C00, s31  }
0xdd: {  	[tilespmem:s22], [sflag:$0x3] =	stream.linear.gather [spmem:s31], $0x1C00, $0x38;
	[tilespmem:$0x1D780] =	vst v63  }
0xde: {  	s3 =	smov.u32 s14;
	s14 =	sadd.s32 $0x380, s14;
	_ =	swait.ge [sflag:s17], $0x1C00  }
.Ltmp4:
0xdf: {  	[sflag:s17] =	ssyncset.done $0x0;
	(pc) =	sbr.rel @p0 .LBB2_8-.Ltmp4, $4  }
0xe0: {  	s3 =	sadd.s32 s3, s12;
	[sflag:s17] =	ssyncadd.s32 $0xFFFFE400  }
0xe1: {  	[hbm4b:s3+s2] =	stream.linear.scatter [tilespmem:s22], [sflag:$0x3], $0x1C00, $0x38;
	[tilespmem:$0x1D780] =	vst v63  }
0xe2: {  	_ =	swait.ge [sflag:s17], $0x1C00  }
0xe3: {  	[sflag:s17] =	ssyncset.done $0x0  }
0xe4: {  	[sflag:s17] =	ssyncadd.s32 $0xFFFFE400  }
0xe5: {  	s3 =	sadd.s32 $0x0, s6;
	[bflag:$0x0] =	sbarrier.arrive $0xFFFF  }
0xe6: {  	[spmem:s3] =	stream.linear.scatter [tilespmem:s16], [sflag:$0x3], $0x400, $0x38;
	[tilespmem:$0x1D780] =	vst v63  }
0xe7: {  	s14 =	simm.s32 $0x1000;
	_ =	swait.ge [sflag:s17], $0x400  }
.LBB2_10:
0xe8: {  	s3 =	sshra.s32 s14, $0x2;
	[sflag:s17] =	ssyncset.done $0x0;
	p0 =	sne.s32 s14, $0x63000  }
.Ltmp5:
0xe9: {  	s3 =	sadd.s32 s3, s6;
	[sflag:s17] =	ssyncadd.s32 $0xFFFFFC00;
	(pc) =	sbr.rel @p0 .LBB2_10-.Ltmp5, $3  }
0xea: {  	[spmem:s3] =	stream.linear.scatter [tilespmem:s16], [sflag:$0x3], $0x400, $0x38;
	[tilespmem:$0x1D780] =	vst v63  }
0xeb: {  	s14 =	sadd.s32 $0x1000, s14;
	_ =	sdelay $0x1  }
0xec: {  	_ =	swait.ge [sflag:s17], $0x400  }
0xed: {  	[sflag:s17] =	ssyncset.done $0x0  }
0xee: {  	[sflag:s17] =	ssyncadd.s32 $0xFFFFFC00  }
0xef: {  	[bflag:$0x0] =	sbarrier.arrive $0xFFFF  }
0xf0: {  	s3 =	rddreg [dreg:$0x4]  }
0xf1: {  	[tilespmem:s18], [sflag:$0x3] =	stream.linear.gather [hbm4b:s3+s2], $0x10, $0x38;
	[tilespmem:$0x1D780] =	vst v63  }
0xf2: {  	_ =	swait.ge [sflag:s17], $0x10  }
0xf3: {  	[sflag:s17] =	ssyncset.done $0x0  }
0xf4: {  	[sflag:s17] =	ssyncadd.s32 $0xFFFFFFF0  }
0xf5: {  	v1 =	vld [tilespmem:$0x4700];
	_ =	sdelay $0x4  }
0xf6: {  	(v2sf) =	vpush v1, $0x0;
	_ =	sdelay $0xe  }
0xf7: {  	s14 =	spop (v2sf)  }
0xf8: {  	s9 =	sand.u32 $0x1, s14  }
0xf9: {  	p0 =	slt.s32 s14, $0x1;
	p1 =	seq.s32 s9, $0x1  }
0xfa: {  	s31 =	sshrl.u32 s14, $0x1F;
	p0 =	por !p0, !p1  }
0xfb: {  	s3 =	sadd.s32 s31, s14;
	s9 =	simm.s32 $0x1;
	p0 =	por !p0, !p0  }
0xfc: {  	s3 =	sshra.s32 s3, $0x1;
	s9 =	simm.s32 @!p0 $0x0  }
0xfd: {  	s14 =	ssub.s32 s3, s9  }
0xfe: {  	p0 =	slt.s32 s14, $0x1  }
.Ltmp6:
0xff: {  	_ = 	snop;
	(pc) =	sbr.rel @p0 .LBB2_15-.Ltmp6, $1  }
0x100: {  	_ =	sdelay $0x3  }
0x101: {  	s3 =	sshrl.u32 s0, $0x3  }
0x102: {  	s3 =	sadd.s32 s4, s3  }
0x103: {  	[tilespmem:s2], [sflag:$0x3] =	stream.linear.gather [hbm4b:s3+s2], $0x40, $0x38;
	[tilespmem:$0x1D780] =	vst v63  }
0x104: {  	_ =	swait.ge [sflag:s17], $0x40  }
0x105: {  	[sflag:s17] =	ssyncset.done $0x0  }
0x106: {  	[sflag:s17] =	ssyncadd.s32 $0xFFFFFFC0  }
0x107: {  	v1 =	vld [tilespmem:$0x10];
	_ =	sdelay $0x1  }
0x108: {  	v2 =	vld [tilespmem:$0x30];
	_ =	sdelay $0x1  }
0x109: {  	v3 =	vld [tilespmem:$0x20]  }
0x10a: {  	v4 =	vld [tilespmem:$0x0];
	v5 =	vand.u32 $0xFFFF, v1  }
0x10b: {  	v1 =	vshra.s32 v1, $0x10;
	[tilespmem:$0x110] =	vst v5  }
0x10c: {  	v5 =	vand.u32 $0xFFFF, v2;
	[tilespmem:$0x210] =	vst v1  }
0x10d: {  	v2 =	vshra.s32 v2, $0x10;
	[tilespmem:$0x130] =	vst v5  }
0x10e: {  	v1 =	vand.u32 $0xFFFF, v3;
	[tilespmem:$0x230] =	vst v2  }
0x10f: {  	v2 =	vshra.s32 v4, $0x10;
	[tilespmem:$0x120] =	vst v1  }
0x110: {  	v1 =	vshra.s32 v3, $0x10;
	[tilespmem:$0x200] =	vst v2  }
0x111: {  	s9 =	sadd.s32 $0x40, s0;
	v2 =	vand.u32 $0xFFFF, v4;
	[tilespmem:$0x220] =	vst v1  }
0x112: {  	s3 =	sshrl.u32 s9, $0x3;
	[tilespmem:$0x100] =	vst v2  }
0x113: {  	[tilespmem:s22], [sflag:$0x1] =	stream.indirect.gather [hbm4b:s5+s20], $0x80, s21, s20, $0xb8;
	[tilespmem:$0x1D780] =	vst v63  }
0x114: {  	s3 =	sadd.s32 s4, s3  }
0x115: {  	[tilespmem:s23], [sflag:$0x3] =	stream.linear.gather [hbm4b:s3+s2], $0x40, $0x38;
	[tilespmem:$0x1D780] =	vst v63  }
0x116: {  	_ =	swait.ge [sflag:s17], $0x40  }
0x117: {  	[sflag:s17] =	ssyncset.done $0x0  }
0x118: {  	[sflag:s17] =	ssyncadd.s32 $0xFFFFFFC0  }
0x119: {  	v1 =	vld [tilespmem:$0x80]  }
0x11a: {  	v3 =	vld [tilespmem:$0x90]  }
0x11b: {  	p0 =	sne.s32 s14, $0x1;
	v5 =	vld [tilespmem:$0xA0]  }
.Ltmp7:
0x11c: {  	_ = 	snop;
	(pc) =	sbr.rel @!p0 .LBB2_14-.Ltmp7, $4  }
0x11d: {  	_ = 	snop  }
0x11e: {  	v4 =	vand.u32 $0xFFFF, v1  }
0x11f: {  	v2 =	vshra.s32 v1, $0x10;
	v6 =	vand.u32 $0xFFFF, v3;
	v1 =	vld [tilespmem:$0xB0];
	[tilespmem:$0x180] =	vst v4  }
0x120: {  	s31 =	sadd.s32 $0xFFFFFFFF, s14;
	s14 =	smov.u32 s0;
	v4 =	vshra.s32 v3, $0x10;
	[tilespmem:$0x190] =	vst v6;
	v3 =	vand.u32 $0xFFFF, v5;
	v5 =	vshra.s32 v5, $0x10  }
.LBB2_13:
0x121: {  	p0 =	sne.s32 s31, $0x1;
	s31 =	sadd.s32 $0xFFFFFFFF, s31;
	[tilespmem:$0x290] =	vst v4;
	s14 =	sadd.s32 $0x80, s14  }
0x122: {  	[tilespmem:$0x280] =	vst v2  }
0x123: {  	[tilespmem:$0x2A0] =	vst v5  }
0x124: {  	v2 =	vand.u32 $0xFFFF, v1;
	v1 =	vshra.s32 v1, $0x10;
	[tilespmem:$0x1A0] =	vst v3  }
0x125: {  	[tilespmem:$0x1B0] =	vst v2  }
0x126: {  	[tilespmem:$0x2B0] =	vst v1  }
0x127: {  	[tilespmem:s25], [sflag:$0x2] =	stream.indirect.gather [hbm4b:s5+s20], $0x80, s24, s20, $0xb8;
	[tilespmem:$0x1D780] =	vst v63  }
0x128: {  	_ =	swait.ge [sflag:s19], $0x2000  }
0x129: {  	[sflag:s19] =	ssyncset.done $0x0  }
0x12a: {  	[sflag:s19] =	ssyncadd.s32 $0xFFFFE000  }
0x12b: {  	[spmem:s1] =	stream.indirect.scatter.add.f32 [tilespmem:s22], [sflag:$0x3], $0x80, s26, s20, $0xb8;
	[tilespmem:$0x1D780] =	vst v63  }
0x12c: {  	_ =	swait.ge [sflag:s17], $0x2000  }
0x12d: {  	[sflag:s17] =	ssyncset.done $0x0  }
0x12e: {  	[sflag:s17] =	ssyncadd.s32 $0xFFFFE000  }
0x12f: {  	_ =	swait.ge [sflag:s28], $0x2000  }
0x130: {  	[sflag:s28] =	ssyncset.done $0x0  }
0x131: {  	[sflag:s28] =	ssyncadd.s32 $0xFFFFE000  }
0x132: {  	[spmem:s1] =	stream.indirect.scatter.add.f32 [tilespmem:s25], [sflag:$0x3], $0x80, s29, s20, $0xb8;
	[tilespmem:$0x1D780] =	vst v63  }
0x133: {  	_ =	swait.ge [sflag:s17], $0x2000  }
0x134: {  	s3 =	sshrl.u32 s14, $0x3;
	[sflag:s17] =	ssyncset.done $0x0  }
0x135: {  	s3 =	sadd.s32 s4, s3;
	[sflag:s17] =	ssyncadd.s32 $0xFFFFE000  }
0x136: {  	[tilespmem:s2], [sflag:$0x3] =	stream.linear.gather [hbm4b:s3+s2], $0x40, $0x38;
	[tilespmem:$0x1D780] =	vst v63  }
0x137: {  	_ =	swait.ge [sflag:s17], $0x40  }
0x138: {  	[sflag:s17] =	ssyncset.done $0x0  }
0x139: {  	[sflag:s17] =	ssyncadd.s32 $0xFFFFFFC0  }
0x13a: {  	v1 =	vld [tilespmem:$0x10]  }
0x13b: {  	v2 =	vld [tilespmem:$0x30];
	_ =	sdelay $0x2  }
0x13c: {  	v3 =	vld [tilespmem:$0x20]  }
0x13d: {  	v4 =	vld [tilespmem:$0x0];
	v5 =	vand.u32 $0xFFFF, v1;
	v1 =	vshra.s32 v1, $0x10  }
0x13e: {  	[tilespmem:$0x110] =	vst v5;
	v5 =	vand.u32 $0xFFFF, v2;
	v2 =	vshra.s32 v2, $0x10  }
0x13f: {  	s3 =	sadd.s32 $0x40, s14;
	[tilespmem:$0x130] =	vst v5  }
0x140: {  	[tilespmem:$0x230] =	vst v2  }
0x141: {  	s3 =	sshrl.u32 s3, $0x3;
	[tilespmem:$0x210] =	vst v1;
	v1 =	vand.u32 $0xFFFF, v3;
	v2 =	vshra.s32 v3, $0x10  }
0x142: {  	s3 =	sadd.s32 s4, s3;
	v3 =	vand.u32 $0xFFFF, v4;
	v4 =	vshra.s32 v4, $0x10;
	[tilespmem:$0x120] =	vst v1  }
0x143: {  	[tilespmem:$0x200] =	vst v4  }
0x144: {  	[tilespmem:$0x220] =	vst v2  }
0x145: {  	[tilespmem:$0x100] =	vst v3  }
0x146: {  	[tilespmem:s22], [sflag:$0x1] =	stream.indirect.gather [hbm4b:s5+s20], $0x80, s21, s20, $0xb8;
	[tilespmem:$0x1D780] =	vst v63  }
0x147: {  	_ = 	snop  }
0x148: {  	[tilespmem:s23], [sflag:$0x3] =	stream.linear.gather [hbm4b:s3+s2], $0x40, $0x38;
	[tilespmem:$0x1D780] =	vst v63  }
0x149: {  	_ =	swait.ge [sflag:s17], $0x40  }
0x14a: {  	[sflag:s17] =	ssyncset.done $0x0  }
0x14b: {  	[sflag:s17] =	ssyncadd.s32 $0xFFFFFFC0  }
0x14c: {  	v2 =	vld [tilespmem:$0x80]  }
0x14d: {  	v3 =	vld [tilespmem:$0x90]  }
0x14e: {  	v5 =	vld [tilespmem:$0xA0]  }
.Ltmp8:
0x14f: {  	v1 =	vld [tilespmem:$0xB0];
	(pc) =	sbr.rel @p0 .LBB2_13-.Ltmp8, $4  }
0x150: {  	_ = 	snop  }
0x151: {  	v4 =	vand.u32 $0xFFFF, v2;
	v2 =	vshra.s32 v2, $0x10  }
0x152: {  	[tilespmem:$0x180] =	vst v4;
	v6 =	vand.u32 $0xFFFF, v3;
	v4 =	vshra.s32 v3, $0x10  }
0x153: {  	[tilespmem:$0x190] =	vst v6;
	v3 =	vand.u32 $0xFFFF, v5;
	v5 =	vshra.s32 v5, $0x10  }
.LBB2_14:
0x154: {  	[tilespmem:$0x290] =	vst v4  }
0x155: {  	[tilespmem:$0x280] =	vst v2  }
0x156: {  	[tilespmem:$0x2A0] =	vst v5  }
0x157: {  	[tilespmem:$0x1A0] =	vst v3;
	v2 =	vand.u32 $0xFFFF, v1  }
0x158: {  	v1 =	vshra.s32 v1, $0x10;
	[tilespmem:$0x1B0] =	vst v2  }
0x159: {  	[tilespmem:$0x2B0] =	vst v1  }
0x15a: {  	[tilespmem:s25], [sflag:$0x2] =	stream.indirect.gather [hbm4b:s5+s20], $0x80, s24, s20, $0xb8;
	[tilespmem:$0x1D780] =	vst v63  }
0x15b: {  	_ =	swait.ge [sflag:s19], $0x2000  }
0x15c: {  	[sflag:s19] =	ssyncset.done $0x0  }
0x15d: {  	[sflag:s19] =	ssyncadd.s32 $0xFFFFE000  }
0x15e: {  	[spmem:s1] =	stream.indirect.scatter.add.f32 [tilespmem:s22], [sflag:$0x3], $0x80, s26, s20, $0xb8;
	[tilespmem:$0x1D780] =	vst v63  }
0x15f: {  	_ =	swait.ge [sflag:s17], $0x2000  }
0x160: {  	[sflag:s17] =	ssyncset.done $0x0  }
0x161: {  	[sflag:s17] =	ssyncadd.s32 $0xFFFFE000  }
0x162: {  	_ =	swait.ge [sflag:s28], $0x2000  }
0x163: {  	[sflag:s28] =	ssyncset.done $0x0  }
0x164: {  	[sflag:s28] =	ssyncadd.s32 $0xFFFFE000  }
0x165: {  	[spmem:s1] =	stream.indirect.scatter.add.f32 [tilespmem:s25], [sflag:$0x3], $0x80, s29, s20, $0xb8;
	[tilespmem:$0x1D780] =	vst v63  }
0x166: {  	_ =	swait.ge [sflag:s17], $0x2000  }
0x167: {  	[sflag:s17] =	ssyncset.done $0x0  }
0x168: {  	[sflag:s17] =	ssyncadd.s32 $0xFFFFE000  }
.LBB2_15:
0x169: {  	[bflag:$0x0] =	sbarrier.arrive $0xFFFF  }
0x16a: {  	[tilespmem:s22], [sflag:$0x3] =	stream.linear.gather [spmem:s13], $0x1C00, $0x38;
	[tilespmem:$0x1D780] =	vst v63  }
0x16b: {  	_ =	swait.ge [sflag:s17], $0x1C00  }
0x16c: {  	[sflag:s17] =	ssyncset.done $0x0  }
0x16d: {  	s3 =	sadd.s32 $0x0, s15;
	[sflag:s17] =	ssyncadd.s32 $0xFFFFE400  }
0x16e: {  	[hbm4b:s3+s2] =	stream.linear.scatter [tilespmem:s22], [sflag:$0x3], $0x1C00, $0x38;
	[tilespmem:$0x1D780] =	vst v63  }
0x16f: {  	_ =	swait.ge [sflag:s17], $0x1C00  }
0x170: {  	s14 =	simm.s32 $0x380;
	s31 =	smov.u32 s13;
	[sflag:s17] =	ssyncset.done $0x0  }
.LBB2_16:
0x171: {  	p0 =	sne.s32 s14, $0x2D80;
	[sflag:s17] =	ssyncadd.s32 $0xFFFFE400;
	s31 =	sadd.s32 $0x1C00, s31  }
0x172: {  	[tilespmem:s22], [sflag:$0x3] =	stream.linear.gather [spmem:s31], $0x1C00, $0x38;
	[tilespmem:$0x1D780] =	vst v63  }
0x173: {  	s3 =	smov.u32 s14;
	s14 =	sadd.s32 $0x380, s14;
	_ =	swait.ge [sflag:s17], $0x1C00  }
.Ltmp9:
0x174: {  	[sflag:s17] =	ssyncset.done $0x0;
	(pc) =	sbr.rel @p0 .LBB2_16-.Ltmp9, $4  }
0x175: {  	s3 =	sadd.s32 s3, s15;
	[sflag:s17] =	ssyncadd.s32 $0xFFFFE400  }
0x176: {  	[hbm4b:s3+s2] =	stream.linear.scatter [tilespmem:s22], [sflag:$0x3], $0x1C00, $0x38;
	[tilespmem:$0x1D780] =	vst v63  }
0x177: {  	_ =	swait.ge [sflag:s17], $0x1C00  }
0x178: {  	[sflag:s17] =	ssyncset.done $0x0  }
0x179: {  	s30 =	sadd.s32 $0x1, s30  }
0x17a: {  	p0 =	sne.s32 s30, s10  }
.Ltmp10:
0x17b: {  	_ = 	snop;
	(pc) =	sbr.rel @p0 .LBB2_1-.Ltmp10, $3  }
0x17c: {  	_ = 	snop  }
0x17d: {  	[sflag:s17] =	ssyncadd.s32 $0xFFFFE400  }
0x17e: {  	[bflag:$0x0] =	sbarrier.arrive $0xFFFF;
	_ =	sdelay $0x1  }
0x17f: {  	_ =	sfence.sel $0x180000  }
0x180: {  	[bflag:$0x0] =	sbarrier.arrive $0xFFFF  }
0x181: {  	_ =	strace $0x9000004D  }
0x182: {  	s0 =	stileid.u32;
	[bflag:$0x2] =	sbarrier.arrive $0xFFFF  }
0x183: {  	p0 =	sne.s32 s0, $0x0;
	s0 =	rddreg [dreg:$0x3]  }
0x184: {  	s0 =	sadd.s32 @!p0 $0x100000, s0  }
0x185: {  	[sflag:s0] =	ssyncadd.tile.s32 @!p0 $0x1;
	_ =	shalt  }
.Lfunc_end2:
_tile_overlayer_lowered:
.L_overlay_start_2:
0x186: {  	(tag) =	ssettag $0x2  }
0x187: {  	s0 =	rddreg [dreg:$0x0];
	s2 =	stileid.u32  }
0x188: {  	s1 =	rddreg [dreg:$0x1];
	p0 =	sne.s32 s2, $0x0  }
0x189: {  	s3 =	rddreg [dreg:$0x2];
	[bflag:$0x3] =	sbarrier.arrive $0xFFFF;
	s2 =	simm.s32 @!p0 $0x1C03  }
0x18a: {  	[timem:s3], [sflag:s2] =	dma.local @!p0 [hbm:s0], s1  }
0x18b: {  	s0 =	simm.s32 @!p0 $0x3  }
0x18c: {  	_ =	swait.ge @!p0 [sflag:s0], s1  }
0x18d: {  	s1 =	ssub.s32 @!p0 $0x0, s1;
	[sflag:s0] =	ssyncset.done @!p0 $0x0  }
0x18e: {  	[sflag:s0] =	ssyncadd.s32 @!p0 s1  }
0x18f: {  	[bflag:$0x3] =	sbarrier.arrive $0xFFFF  }
0x190: {  	_ =	shalt  }

// kernel: kernel.18.cloned.1.call-start
scs
__scs_entry_jumppad:
0x0: {  	(pc) =	sbr.rel $0x88, $3  }
0x1: {  	(tag) =	ssettag $0x0;
	lr =	simm.s32 $0x1  }
0x2: {  	[smem:$0x3F92] =	sst lr;
	_ =	strace $0xD0000000  }
0x3: {  	_ = 	snop  }
0x4: {  	_ = 	snop  }
0x5: {  	_ = 	snop  }
0x6: {  	_ = 	snop  }
0x7: {  	_ = 	snop  }
__scs_overlays_trampoline_lowered:
0x8: {  	[smem:$0x3FA1] =	sst s0  }
0x9: {  	[smem:$0x3FA2] =	sst s1  }
0xa: {  	[smem:$0x3FA3] =	sst s2  }
0xb: {  	[smem:$0x3FA4] =	sst s3  }
0xc: {  	[smem:$0x3FA5] =	sst s4  }
0xd: {  	[smem:$0x3FA6] =	sst s5  }
0xe: {  	[smem:$0x3FA7] =	sst s6  }
0xf: {  	[smem:$0x3FA8] =	sst s7  }
0x10: {  	[smem:$0x3FA9] =	sst s8  }
0x11: {  	[smem:$0x3FAA] =	sst s9;
	s0 =	simm.s32 @!p0 $0x0  }
0x12: {  	s1 =	sld [smem:$0x3F90];
	s0 =	simm.s32 @p0 $0x1  }
0x13: {  	[smem:$0x3FAB] =	sst s0;
	s0 =	simm.s32 @!p1 $0x0  }
0x14: {  	s2 =	sld [smem:$0x3F8F];
	s0 =	simm.s32 @p1 $0x1  }
0x15: {  	[smem:$0x3FAC] =	sst s0;
	s0 =	simm.s32 @!p2 $0x0  }
0x16: {  	s3 =	sld [smem:$0x3FDB];
	s0 =	simm.s32 @p2 $0x1  }
0x17: {  	s4 =	simm.s32 $0x1BF5;
	[smem:$0x3FAE] =	sst s0  }
0x18: {  	s0 =	sld [smem:$0x3F91];
	_ =	swait.ge [sflag:s4], $0x0  }
0x19: {  	s7 =	sld [smem:$0x3F92]  }
0x1a: {  	s8 =	sadd.s32 $0xFFFFE003, lr  }
0x1b: {  	s9 =	sadd.s32 $0xFFFFFEF7, lr;
	s5 =	simm.s32 $0xFFFFFFFF;
	p2 =	slt.u32 s8, $0xFFFFF086  }
0x1c: {  	p1 =	slt.u32 s9, $0xF7A;
	s5 =	simm.s32 @!p2 $0x0  }
0x1d: {  	s5 =	simm.s32 @p1 $0x1;
	p0 =	seq.s32 s7, s2  }
0x1e: {  	s7 =	smul.u32 @!p0 $0xF7A, s2;
	p2 =	seq.s32 @!p0 s5, $0x0  }
0x1f: {  	s9 =	smul.u32 $0xF7A, s1;
	s8 =	simm.s32 @!p0 $0x1BF5;
	p2 =	por !p2, p0  }
0x20: {  	[sflag:s8] =	ssyncset.s32 @!p0 $0xFFFFF086;
	s6 =	sadd.s32 @!p0 s3, s7;
	s7 =	simm.s32 @!p0 $0x108  }
0x21: {  	s3 =	sadd.s32 s3, s9;
	s6 =	sadd.s32 @!p0 $0x88, s6;
	s7 =	simm.s32 @p2 $0x1082  }
0x22: {  	[simem:s7], [sflag:s8] =	dma.local @!p0 [hbm:s6], $0xF7A  }
0x23: {  	s9 =	sor.u32 $0xD0000000, s2;
	s6 =	simm.s32 $0x108;
	_ =	swait.ge @!p0 [sflag:s8], $0x0  }
0x24: {  	s3 =	sadd.s32 $0x88, s3;
	s6 =	simm.s32 @!p1 $0x1082;
	[sflag:s4] =	ssyncset.s32 $0xFFFFF086  }
0x25: {  	[simem:s6], [sflag:s4] =	dma.local [hbm:s3], $0xF7A  }
0x26: {  	[smem:$0x3F92] =	sst s1;
	(tag) =	ssettag s2;
	_ =	strace s9  }
0x27: {  	s1 =	sld [smem:$0x3FA2]  }
0x28: {  	s2 =	sld [smem:$0x3FA3]  }
0x29: {  	s4 =	sld [smem:$0x3FA5]  }
0x2a: {  	p0 =	seq.s32 s5, $0x0;
	s5 =	sld [smem:$0x3FA6]  }
0x2b: {  	s6 =	sld [smem:$0x3FA7]  }
0x2c: {  	s7 =	sld [smem:$0x3FA8]  }
0x2d: {  	s3 =	simm.s32 $0x108;
	s8 =	sld [smem:$0x3FA9]  }
0x2e: {  	s3 =	simm.s32 @!p0 $0x1082;
	s9 =	sld [smem:$0x3FAA]  }
0x2f: {  	lr =	sadd.s32 s0, s3;
	s0 =	sld [smem:$0x3FA1]  }
0x30: {  	s3 =	sld [smem:$0x3FA4]  }
0x31: {  	[smem:$0x3FAD] =	sst s10  }
0x32: {  	s10 =	sld [smem:$0x3FAB];
	_ =	sdelay $0x3  }
0x33: {  	p0 =	seq.s32 s10, $0x1;
	s10 =	sld [smem:$0x3FAD];
	_ =	sdelay $0x3  }
0x34: {  	[smem:$0x3FAD] =	sst s10  }
0x35: {  	s10 =	sld [smem:$0x3FAC];
	_ =	sdelay $0x3  }
0x36: {  	p1 =	seq.s32 s10, $0x1;
	s10 =	sld [smem:$0x3FAD];
	_ =	sdelay $0x3  }
0x37: {  	[smem:$0x3FAD] =	sst s10  }
0x38: {  	s10 =	sld [smem:$0x3FAE]  }
0x39: {  	_ = 	snop;
	(pc) =	sbr.ind lr, $3  }
0x3a: {  	_ = 	snop  }
0x3b: {  	_ = 	snop  }
0x3c: {  	p2 =	seq.s32 s10, $0x1;
	s10 =	sld [smem:$0x3FAD]  }
0x3d: {  	_ =	shalt  }
0x3e: {  	_ =	shalt  }
0x3f: {  	_ =	shalt  }
0x40: {  	_ =	shalt  }
0x41: {  	_ =	shalt  }
0x42: {  	_ =	shalt  }
0x43: {  	_ =	shalt  }
0x44: {  	_ =	shalt  }
0x45: {  	_ =	shalt  }
0x46: {  	_ =	shalt  }
0x47: {  	_ =	shalt  }
0x48: {  	_ =	shalt  }
0x49: {  	_ =	shalt  }
0x4a: {  	_ =	shalt  }
0x4b: {  	_ =	shalt  }
0x4c: {  	_ =	shalt  }
0x4d: {  	_ =	shalt  }
0x4e: {  	_ =	shalt  }
0x4f: {  	_ =	shalt  }
0x50: {  	_ =	shalt  }
0x51: {  	_ =	shalt  }
0x52: {  	_ =	shalt  }
0x53: {  	_ =	shalt  }
0x54: {  	_ =	shalt  }
0x55: {  	_ =	shalt  }
0x56: {  	_ =	shalt  }
0x57: {  	_ =	shalt  }
0x58: {  	_ =	shalt  }
0x59: {  	_ =	shalt  }
0x5a: {  	_ =	shalt  }
0x5b: {  	_ =	shalt  }
0x5c: {  	_ =	shalt  }
0x5d: {  	_ =	shalt  }
0x5e: {  	_ =	shalt  }
0x5f: {  	_ =	shalt  }
0x60: {  	_ =	shalt  }
0x61: {  	_ =	shalt  }
0x62: {  	_ =	shalt  }
0x63: {  	_ =	shalt  }
0x64: {  	_ =	shalt  }
0x65: {  	_ =	shalt  }
0x66: {  	_ =	shalt  }
0x67: {  	_ =	shalt  }
0x68: {  	_ =	shalt  }
0x69: {  	_ =	shalt  }
0x6a: {  	_ =	shalt  }
0x6b: {  	_ =	shalt  }
0x6c: {  	_ =	shalt  }
0x6d: {  	_ =	shalt  }
0x6e: {  	_ =	shalt  }
0x6f: {  	_ =	shalt  }
0x70: {  	_ =	shalt  }
0x71: {  	_ =	shalt  }
0x72: {  	_ =	shalt  }
0x73: {  	_ =	shalt  }
0x74: {  	_ =	shalt  }
0x75: {  	_ =	shalt  }
0x76: {  	_ =	shalt  }
0x77: {  	_ =	shalt  }
0x78: {  	_ =	shalt  }
0x79: {  	_ =	shalt  }
0x7a: {  	_ =	shalt  }
0x7b: {  	_ =	shalt  }
0x7c: {  	_ =	shalt  }
0x7d: {  	_ =	shalt  }
0x7e: {  	_ =	shalt  }
0x7f: {  	_ =	shalt  }
0x80: {  	_ =	shalt  }
0x81: {  	_ =	shalt  }
0x82: {  	_ =	shalt  }
0x83: {  	_ =	shalt  }
0x84: {  	_ =	shalt  }
0x85: {  	_ =	shalt  }
0x86: {  	_ =	shalt  }
0x87: {  	_ =	shalt  }
.Lfunc_end0:
.L_simem_size_0:
called_computation.3_lowered:
.L_overlay_start_0:
0x88: {  	s2 =	sld [smem:$0x3FD9]  }
0x89: {  	s3 =	sld [smem:$0x3FFE];
	_ =	sdelay $0x1  }
0x8a: {  	s1 =	srdreg.scid  }
0x8b: {  	s0 =	sand.u32 $0x1, s1  }
0x8c: {  	s17 =	sshll.u32 s0, $0xA;
	s2 =	sadd.s32 s3, s2  }
0x8d: {  	s2 =	sadd.s32 s2, s17  }
0x8e: {  	[smem:$0x3FB9] =	sst s2  }
0x8f: {  	_ = 	snop  }
0x90: {  	s2 =	sld [smem:$0x3FD0];
	(tm) =	ssettm $0x1  }
0x91: {  	s18 =	sld [smem:$0x3FFB];
	_ =	sdelay $0x3  }
0x92: {  	_ =	strace s18  }
0x93: {  	s3 =	sld [smem:$0x3FFC];
	_ =	sdelay $0x3  }
0x94: {  	_ =	strace s3  }
0x95: {  	s3 =	sld [smem:$0x3FFD];
	_ =	sdelay $0x3  }
0x96: {  	_ =	strace s3  }
0x97: {  	_ =	strace $0x8FFFFFFF  }
0x98: {  	s19 =	sld [smem:$0x3FDB];
	_ =	sdelay $0x1  }
0x99: {  	s4 =	simm.s32 $_scs_section_size  }
0x9a: {  	s5 =	simm.s32 $_size__tile_overlayer_lowered;
	s6 =	simm.s32 $_tile_overlayer_lowered  }
0x9b: {  	s22 =	simm.s32 $0x1BFF;
	s21 =	sshll.u32 s6, $0x1;
	s3 =	sadd.s32 s4, s19  }
0x9c: {  	s7 =	simm.s32 $0x0;
	s20 =	sshll.u32 s5, $0x1;
	s5 =	sadd.s32 s21, s3  }
0x9d: {  	[timem:s7], [sflag:s22] =	dma.local [hbm:s5], s20  }
0x9e: {  	_ =	swait.ge [sflag:s22], s20  }
0x9f: {  	s4 =	ssub.s32 $0x0, s20;
	[sflag:s22] =	ssyncset.done $0x0  }
0xa0: {  	[sflag:s22] =	ssyncadd.s32 s4;
	_ =	sdelay $0x1  }
0xa1: {  	s23 =	simm.s32 $0x1B8B  }
0xa2: {  	_ =	swait.ge [sflag:s23], $0x1  }
0xa3: {  	[sflag:s23] =	ssyncset.done $0x0  }
0xa4: {  	s25 =	simm.s32 $0x1B8E;
	s24 =	sld [smem:$0x3FFE];
	[sflag:s23] =	ssyncadd.s32 $0xFFFFFFFF  }
0xa5: {  	s26 =	simm.s32 $execute0_lowered;
	[smem:$0x3FD2] =	sst s25  }
0xa6: {  	s5 =	sshll.u32 s26, $0x1;
	_ =	strace $0x8000004F;
	[dreg:$0x1] =	wrdreg $0xFFFFFFFF  }
0xa7: {  	s28 =	simm.s32 $_size_execute0_lowered;
	s3 =	sadd.s32 s3, s5;
	[dreg:$0x0] =	wrdreg $0x0  }
0xa8: {  	s5 =	sshll.u32 s28, $0x1;
	[dreg:$0x2] =	wrdreg s3  }
0xa9: {  	[dreg:$0x3] =	wrdreg s5  }
0xaa: {  	[dreg:$0x4] =	wrdreg $0xC0  }
0xab: {  	_ =	task [dreg:s7], $0x5FFFF  }
0xac: {  	[dreg:$0x1] =	wrdreg $0xFFFFFFFF  }
0xad: {  	[dreg:$0x0] =	wrdreg $0x60  }
0xae: {  	[dreg:$0x2] =	wrdreg s24  }
0xaf: {  	[dreg:$0x3] =	wrdreg s2  }
0xb0: {  	[dreg:$0x4] =	wrdreg $0x47800  }
0xb1: {  	[dreg:$0x5] =	wrdreg $0x9  }
0xb2: {  	_ =	task.clear_ibuf [dreg:s7], $0x6FFFF;
	_ =	strace $0x9000004F  }
0xb3: {  	s29 =	simm.s32 $0x9;
	_ =	strace $0x80000051  }
0xb4: {  	_ =	swait.ge [sflag:s29], $0x1  }
0xb5: {  	[sflag:s29] =	ssyncadd.s32 $0xFFFFFFFF  }
0xb6: {  	_ =	strace $0x90000051  }
0xb7: {  	_ =	sfence  }
0xb8: {  	s30 =	sld [smem:$0x0];
	_ =	sdelay $0x2  }
0xb9: {  	s31 =	sshll.u32 s1, $0xD;
	s1 =	sshrl.u32 s1, $0x2  }
0xba: {  	s3 =	sand.u32 $0x4000, s31;
	s1 =	sadd.s32 s1, s30  }
0xbb: {  	s0 =	sor.u32 s3, s0;
	s1 =	sshll.u32 s1, $0x11  }
0xbc: {  	s0 =	sor.u32 s1, s0  }
0xbd: {  	s0 =	sadd.s32 $0x8F2B, s0  }
0xbe: {  	[sflag:s0] =	ssyncadd.remote.s32 $0x1  }
0xbf: {  	_ =	sfence.sel $0xFFFF  }
0xc0: {  	[dreg:$0x0] =	wrdreg $0xFFFFFFFF;
	(pc) =	sbr.abs _section_cstart, $3  }
0xc1: {  	[dreg:$0x1] =	wrdreg $0xFFFFFFFF  }
0xc2: {  	_ =	task.clear_ibuf [dreg:s7], $0x2FFFF;
	_ =	strace $0x9FFFFFFF  }
0xc3: {  	(tm) =	ssettm $0x7FFFFFFF  }
tec
execute0_lowered:
.L_overlay_start_1:
0x0: {  	(tag) =	ssettag $0x1  }
0x1: {  	s0 =	rddreg [dreg:$0x0]  }
0x2: {  	s7 =	rddreg [dreg:$0x1]  }
0x3: {  	s1 =	rddreg [dreg:$0x2];
	s2 =	simm.s32 $0x0  }
0x4: {  	s3 =	srdreg.scid;
	s22 =	stileid.u32;
	s17 =	simm.s32 $0x3  }
0x5: {  	s18 =	simm.s32 $0x4700;
	s19 =	simm.s32 $0x1;
	s20 =	simm.s32 $0x40  }
0x6: {  	s21 =	simm.s32 $0x100;
	s28 =	simm.s32 $0x2;
	s11 =	smul.u32 $0x64000, s22  }
0x7: {  	s29 =	simm.s32 $0x280;
	s30 =	simm.s32 $0x0;
	s14 =	smul.u32 $0x19080, s22  }
0x8: {  	[smem:$0x7FF] =	sst s2;
	s4 =	sadd.s32 $0x51000, s0;
	s15 =	smul.u32 $0x3100, s22  }
0x9: {  	s6 =	sand.u32 $0x1, s3;
	s5 =	sadd.s32 $0x179200, s0;
	s16 =	smul.u32 $0x62000, s22  }
0xa: {  	s23 =	sshll.u32 s22, $0x2;
	s22 =	simm.s32 $0x300;
	s8 =	smul.u32 $0x62000, s6  }
0xb: {  	_ =	strace $0x80000050;
	s9 =	ssub.s32 $0x2, s6;
	s13 =	smul.u32 $0x190800, s6  }
0xc: {  	s6 =	sshll.u32 s6, $0x6;
	s10 =	sshrl.u32 s9, $0x1;
	s24 =	sshrl.u32 s11, $0x2  }
0xd: {  	s31 =	sshrl.u32 s16, $0x2;
	s16 =	simm.s32 $0x4300;
	s12 =	sadd.s32 s8, s0  }
0xe: {  	s10 =	ssub.s32 s9, s10;
	s8 =	sor.u32 s23, s6;
	s6 =	sadd.s32 s24, s1  }
0xf: {  	s11 =	sadd.s32 s14, s13;
	s13 =	sadd.s32 s31, s1;
	s23 =	simm.s32 $0x80  }
0x10: {  	s24 =	simm.s32 $0x180;
	s7 =	sadd.s32 s7, s8;
	s8 =	sadd.s32 $0x51008, s0  }
0x11: {  	s10 =	smax.u32 s10, $0x1;
	s26 =	sadd.s32 s15, s12;
	s0 =	sadd.s32 $0xC840, s11  }
0x12: {  	s25 =	sadd.s32 $0x2, s7;
	s12 =	sadd.s32 $0xB5200, s26;
	s15 =	sadd.s32 $0xE6200, s26  }
0x13: {  	v0 =	vimm.f32 $0.0e+00;
	s26 =	simm.s32 $0x200;
	[dreg:$0x4] =	wrdreg s25;
	s25 =	simm.s32 $0x2300  }
.LBB2_1:
0x14: {  	[tilespmem:$0x4300] =	vst v0  }
0x15: {  	[tilespmem:$0x4310] =	vst v0  }
0x16: {  	[tilespmem:$0x4320] =	vst v0  }
0x17: {  	[tilespmem:$0x4330] =	vst v0  }
0x18: {  	[tilespmem:$0x4340] =	vst v0  }
0x19: {  	[tilespmem:$0x4350] =	vst v0  }
0x1a: {  	[tilespmem:$0x4360] =	vst v0  }
0x1b: {  	[tilespmem:$0x4370] =	vst v0  }
0x1c: {  	[tilespmem:$0x4380] =	vst v0  }
0x1d: {  	[tilespmem:$0x4390] =	vst v0  }
0x1e: {  	[tilespmem:$0x43A0] =	vst v0  }
0x1f: {  	[tilespmem:$0x43B0] =	vst v0  }
0x20: {  	[tilespmem:$0x43C0] =	vst v0  }
0x21: {  	[tilespmem:$0x43D0] =	vst v0  }
0x22: {  	[tilespmem:$0x43E0] =	vst v0  }
0x23: {  	[tilespmem:$0x43F0] =	vst v0  }
0x24: {  	[tilespmem:$0x4400] =	vst v0  }
0x25: {  	[tilespmem:$0x4410] =	vst v0  }
0x26: {  	[tilespmem:$0x4420] =	vst v0  }
0x27: {  	[tilespmem:$0x4430] =	vst v0  }
0x28: {  	[tilespmem:$0x4440] =	vst v0  }
0x29: {  	[tilespmem:$0x4450] =	vst v0  }
0x2a: {  	[tilespmem:$0x4460] =	vst v0  }
0x2b: {  	[tilespmem:$0x4470] =	vst v0  }
0x2c: {  	[tilespmem:$0x4480] =	vst v0  }
0x2d: {  	[tilespmem:$0x4490] =	vst v0  }
0x2e: {  	[tilespmem:$0x44A0] =	vst v0  }
0x2f: {  	[tilespmem:$0x44B0] =	vst v0  }
0x30: {  	[tilespmem:$0x44C0] =	vst v0  }
0x31: {  	[tilespmem:$0x44D0] =	vst v0  }
0x32: {  	[tilespmem:$0x44E0] =	vst v0  }
0x33: {  	[tilespmem:$0x44F0] =	vst v0  }
0x34: {  	[tilespmem:$0x4500] =	vst v0  }
0x35: {  	[tilespmem:$0x4510] =	vst v0  }
0x36: {  	[tilespmem:$0x4520] =	vst v0  }
0x37: {  	[tilespmem:$0x4530] =	vst v0  }
0x38: {  	[tilespmem:$0x4540] =	vst v0  }
0x39: {  	[tilespmem:$0x4550] =	vst v0  }
0x3a: {  	[tilespmem:$0x4560] =	vst v0  }
0x3b: {  	[tilespmem:$0x4570] =	vst v0  }
0x3c: {  	[tilespmem:$0x4580] =	vst v0  }
0x3d: {  	[tilespmem:$0x4590] =	vst v0  }
0x3e: {  	[tilespmem:$0x45A0] =	vst v0  }
0x3f: {  	[tilespmem:$0x45B0] =	vst v0  }
0x40: {  	[tilespmem:$0x45C0] =	vst v0  }
0x41: {  	[tilespmem:$0x45D0] =	vst v0  }
0x42: {  	[tilespmem:$0x45E0] =	vst v0  }
0x43: {  	[tilespmem:$0x45F0] =	vst v0  }
0x44: {  	[tilespmem:$0x4600] =	vst v0  }
0x45: {  	[tilespmem:$0x4610] =	vst v0  }
0x46: {  	[tilespmem:$0x4620] =	vst v0  }
0x47: {  	[tilespmem:$0x4630] =	vst v0  }
0x48: {  	[tilespmem:$0x4640] =	vst v0  }
0x49: {  	[tilespmem:$0x4650] =	vst v0  }
0x4a: {  	[tilespmem:$0x4660] =	vst v0  }
0x4b: {  	[tilespmem:$0x4670] =	vst v0  }
0x4c: {  	[tilespmem:$0x4680] =	vst v0  }
0x4d: {  	[tilespmem:$0x4690] =	vst v0  }
0x4e: {  	[tilespmem:$0x46A0] =	vst v0  }
0x4f: {  	[tilespmem:$0x46B0] =	vst v0  }
0x50: {  	[tilespmem:$0x46C0] =	vst v0  }
0x51: {  	[tilespmem:$0x46D0] =	vst v0  }
0x52: {  	[tilespmem:$0x46E0] =	vst v0  }
0x53: {  	[tilespmem:$0x46F0] =	vst v0;
	s14 =	sadd.s32 $0x0, s6  }
0x54: {  	[spmem:s14] =	stream.linear.scatter [tilespmem:s16], [sflag:$0x3], $0x400, $0x38;
	[tilespmem:$0x1D780] =	vst v63  }
0x55: {  	s14 =	simm.s32 $0x1000;
	_ =	swait.ge [sflag:s17], $0x400  }
.LBB2_2:
0x56: {  	s31 =	sshra.s32 s14, $0x2;
	[sflag:s17] =	ssyncset.done $0x0;
	p0 =	sne.s32 s14, $0x63000  }
.Ltmp0:
0x57: {  	s31 =	sadd.s32 s31, s6;
	[sflag:s17] =	ssyncadd.s32 $0xFFFFFC00;
	(pc) =	sbr.rel @p0 .LBB2_2-.Ltmp0, $3  }
0x58: {  	[spmem:s31] =	stream.linear.scatter [tilespmem:s16], [sflag:$0x3], $0x400, $0x38;
	[tilespmem:$0x1D780] =	vst v63  }
0x59: {  	s14 =	sadd.s32 $0x1000, s14;
	_ =	sdelay $0x1  }
0x5a: {  	_ =	swait.ge [sflag:s17], $0x400  }
0x5b: {  	[sflag:s17] =	ssyncset.done $0x0  }
0x5c: {  	[sflag:s17] =	ssyncadd.s32 $0xFFFFFC00  }
0x5d: {  	[bflag:$0x0] =	sbarrier.arrive $0xFFFF  }
0x5e: {  	[tilespmem:s18], [sflag:$0x3] =	stream.linear.gather [hbm4b:s7+s2], $0x10, $0x38;
	[tilespmem:$0x1D780] =	vst v63  }
0x5f: {  	_ =	swait.ge [sflag:s17], $0x10  }
0x60: {  	[sflag:s17] =	ssyncset.done $0x0  }
0x61: {  	[sflag:s17] =	ssyncadd.s32 $0xFFFFFFF0  }
0x62: {  	v1 =	vld [tilespmem:$0x4700];
	_ =	sdelay $0x4  }
0x63: {  	(v2sf) =	vpush v1, $0x0;
	_ =	sdelay $0xe  }
0x64: {  	s14 =	spop (v2sf)  }
0x65: {  	s31 =	sand.u32 $0x1, s14  }
0x66: {  	p0 =	slt.s32 s14, $0x1;
	p1 =	seq.s32 s31, $0x1  }
0x67: {  	s9 =	sshrl.u32 s14, $0x1F;
	p0 =	por !p0, !p1  }
0x68: {  	s14 =	sadd.s32 s9, s14;
	s31 =	simm.s32 $0x1;
	p0 =	por !p0, !p0  }
0x69: {  	s14 =	sshra.s32 s14, $0x1;
	s31 =	simm.s32 @!p0 $0x0  }
0x6a: {  	s14 =	ssub.s32 s14, s31  }
0x6b: {  	p0 =	slt.s32 s14, $0x1  }
.Ltmp1:
0x6c: {  	_ = 	snop;
	(pc) =	sbr.rel @p0 .LBB2_7-.Ltmp1, $1  }
0x6d: {  	_ =	sdelay $0x3  }
0x6e: {  	s31 =	sshrl.u32 s11, $0x3  }
0x6f: {  	s3 =	sadd.s32 s4, s31  }
0x70: {  	[tilespmem:s2], [sflag:$0x3] =	stream.linear.gather [hbm4b:s3+s2], $0x40, $0x38;
	[tilespmem:$0x1D780] =	vst v63  }
0x71: {  	_ =	swait.ge [sflag:s17], $0x40  }
0x72: {  	[sflag:s17] =	ssyncset.done $0x0  }
0x73: {  	[sflag:s17] =	ssyncadd.s32 $0xFFFFFFC0  }
0x74: {  	v1 =	vld [tilespmem:$0x30];
	_ =	sdelay $0x1  }
0x75: {  	v2 =	vld [tilespmem:$0x20];
	_ =	sdelay $0x1  }
0x76: {  	v3 =	vld [tilespmem:$0x0]  }
0x77: {  	v5 =	vand.u32 $0xFFFF, v1  }
0x78: {  	v4 =	vld [tilespmem:$0x10];
	v1 =	vshra.s32 v1, $0x10;
	[tilespmem:$0x130] =	vst v5  }
0x79: {  	v60 =	vand.u32 $0xFFFF, v2;
	[tilespmem:$0x230] =	vst v1  }
0x7a: {  	v2 =	vshra.s32 v2, $0x10;
	[tilespmem:$0x120] =	vst v60  }
0x7b: {  	v1 =	vand.u32 $0xFFFF, v3;
	[tilespmem:$0x220] =	vst v2  }
0x7c: {  	v3 =	vshra.s32 v3, $0x10;
	[tilespmem:$0x100] =	vst v1  }
0x7d: {  	v1 =	vshra.s32 v4, $0x10;
	[tilespmem:$0x200] =	vst v3  }
0x7e: {  	[tilespmem:$0x210] =	vst v1;
	v1 =	vand.u32 $0xFFFF, v4  }
0x7f: {  	[tilespmem:$0x110] =	vst v1  }
0x80: {  	[tilespmem:s22], [sflag:$0x1] =	stream.indirect.gather [hbm4b:s5+s20], $0x80, s21, s20, $0xb8;
	[tilespmem:$0x1D780] =	vst v63  }
0x81: {  	s9 =	sadd.s32 s31, s8  }
0x82: {  	[tilespmem:s23], [sflag:$0x3] =	stream.linear.gather [hbm4b:s9+s2], $0x40, $0x38;
	[tilespmem:$0x1D780] =	vst v63  }
0x83: {  	_ =	swait.ge [sflag:s17], $0x40  }
0x84: {  	[sflag:s17] =	ssyncset.done $0x0  }
0x85: {  	[sflag:s17] =	ssyncadd.s32 $0xFFFFFFC0  }
0x86: {  	v1 =	vld [tilespmem:$0xA0]  }
0x87: {  	v2 =	vld [tilespmem:$0x90]  }
0x88: {  	v3 =	vld [tilespmem:$0x80];
	_ =	sdelay $0x2  }
0x89: {  	v62 =	vand.u32 $0xFFFF, v1  }
0x8a: {  	v61 =	vld [tilespmem:$0xB0];
	v6 =	vand.u32 $0xFFFF, v2;
	[tilespmem:$0x1A0] =	vst v62  }
0x8b: {  	v63 =	vand.u32 $0xFFFF, v3;
	[tilespmem:$0x190] =	vst v6  }
0x8c: {  	p0 =	sne.s32 s14, $0x1;
	v3 =	vshra.s32 v3, $0x10;
	[tilespmem:$0x180] =	vst v63  }
.Ltmp2:
0x8d: {  	v1 =	vshra.s32 v1, $0x10;
	[tilespmem:$0x280] =	vst v3;
	(pc) =	sbr.rel @!p0 .LBB2_6-.Ltmp2, $4  }
0x8e: {  	v2 =	vshra.s32 v2, $0x10;
	[tilespmem:$0x2A0] =	vst v1  }
0x8f: {  	v3 =	vand.u32 $0xFFFF, v61;
	[tilespmem:$0x290] =	vst v2  }
0x90: {  	v1 =	vshra.s32 v61, $0x10;
	[tilespmem:$0x1B0] =	vst v3  }
0x91: {  	s31 =	sadd.s32 $0xFFFFFFFF, s14;
	s14 =	sadd.s32 $0x80, s11;
	[tilespmem:$0x2B0] =	vst v1  }
.LBB2_5:
0x92: {  	[tilespmem:s25], [sflag:$0x2] =	stream.indirect.gather [hbm4b:s5+s20], $0x80, s24, s20, $0xb8;
	[tilespmem:$0x1D780] =	vst v63  }
0x93: {  	p0 =	sne.s32 s31, $0x1;
	s31 =	sadd.s32 $0xFFFFFFFF, s31;
	_ =	swait.ge [sflag:s19], $0x2000  }
0x94: {  	[sflag:s19] =	ssyncset.done $0x0  }
0x95: {  	[sflag:s19] =	ssyncadd.s32 $0xFFFFE000  }
0x96: {  	[spmem:s1] =	stream.indirect.scatter.add.f32 [tilespmem:s22], [sflag:$0x3], $0x80, s26, s20, $0xb8;
	[tilespmem:$0x1D780] =	vst v63  }
0x97: {  	_ =	swait.ge [sflag:s17], $0x2000  }
0x98: {  	[sflag:s17] =	ssyncset.done $0x0  }
0x99: {  	[sflag:s17] =	ssyncadd.s32 $0xFFFFE000  }
0x9a: {  	_ =	swait.ge [sflag:s28], $0x2000  }
0x9b: {  	[sflag:s28] =	ssyncset.done $0x0  }
0x9c: {  	[sflag:s28] =	ssyncadd.s32 $0xFFFFE000  }
0x9d: {  	[spmem:s1] =	stream.indirect.scatter.add.f32 [tilespmem:s25], [sflag:$0x3], $0x80, s29, s20, $0xb8;
	[tilespmem:$0x1D780] =	vst v63  }
0x9e: {  	_ =	swait.ge [sflag:s17], $0x2000  }
0x9f: {  	s3 =	sshrl.u32 s14, $0x3;
	[sflag:s17] =	ssyncset.done $0x0  }
0xa0: {  	s9 =	sadd.s32 s4, s3;
	[sflag:s17] =	ssyncadd.s32 $0xFFFFE000  }
0xa1: {  	[tilespmem:s2], [sflag:$0x3] =	stream.linear.gather [hbm4b:s9+s2], $0x40, $0x38;
	[tilespmem:$0x1D780] =	vst v63  }
0xa2: {  	_ =	swait.ge [sflag:s17], $0x40  }
0xa3: {  	[sflag:s17] =	ssyncset.done $0x0  }
0xa4: {  	[sflag:s17] =	ssyncadd.s32 $0xFFFFFFC0  }
0xa5: {  	v1 =	vld [tilespmem:$0x30]  }
0xa6: {  	v2 =	vld [tilespmem:$0x20]  }
0xa7: {  	v3 =	vld [tilespmem:$0x0];
	_ =	sdelay $0x1  }
0xa8: {  	v4 =	vld [tilespmem:$0x10]  }
0xa9: {  	v5 =	vand.u32 $0xFFFF, v1;
	v1 =	vshra.s32 v1, $0x10  }
0xaa: {  	v6 =	vand.u32 $0xFFFF, v2;
	v2 =	vshra.s32 v2, $0x10;
	[tilespmem:$0x130] =	vst v5  }
0xab: {  	v5 =	vand.u32 $0xFFFF, v3;
	v3 =	vshra.s32 v3, $0x10;
	[tilespmem:$0x230] =	vst v1  }
0xac: {  	[tilespmem:$0x120] =	vst v6  }
0xad: {  	[tilespmem:$0x100] =	vst v5;
	v1 =	vand.u32 $0xFFFF, v4;
	v4 =	vshra.s32 v4, $0x10  }
0xae: {  	[tilespmem:$0x200] =	vst v3  }
0xaf: {  	[tilespmem:$0x210] =	vst v4  }
0xb0: {  	[tilespmem:$0x220] =	vst v2  }
0xb1: {  	[tilespmem:$0x110] =	vst v1  }
0xb2: {  	[tilespmem:s22], [sflag:$0x1] =	stream.indirect.gather [hbm4b:s5+s20], $0x80, s21, s20, $0xb8;
	[tilespmem:$0x1D780] =	vst v63  }
0xb3: {  	s3 =	sadd.s32 s3, s8  }
0xb4: {  	[tilespmem:s23], [sflag:$0x3] =	stream.linear.gather [hbm4b:s3+s2], $0x40, $0x38;
	[tilespmem:$0x1D780] =	vst v63  }
0xb5: {  	_ =	swait.ge [sflag:s17], $0x40  }
0xb6: {  	[sflag:s17] =	ssyncset.done $0x0  }
0xb7: {  	[sflag:s17] =	ssyncadd.s32 $0xFFFFFFC0  }
0xb8: {  	v1 =	vld [tilespmem:$0xA0]  }
0xb9: {  	v2 =	vld [tilespmem:$0x90]  }
0xba: {  	v3 =	vld [tilespmem:$0x80]  }
0xbb: {  	v4 =	vld [tilespmem:$0xB0];
	_ =	sdelay $0x1  }
0xbc: {  	v5 =	vand.u32 $0xFFFF, v1;
	v1 =	vshra.s32 v1, $0x10  }
0xbd: {  	v6 =	vand.u32 $0xFFFF, v2;
	v2 =	vshra.s32 v2, $0x10;
	[tilespmem:$0x1A0] =	vst v5  }
0xbe: {  	v5 =	vand.u32 $0xFFFF, v3;
	[tilespmem:$0x190] =	vst v6  }
0xbf: {  	v3 =	vshra.s32 v3, $0x10;
	[tilespmem:$0x180] =	vst v5;
	v5 =	vand.u32 $0xFFFF, v4;
	v4 =	vshra.s32 v4, $0x10  }
.Ltmp3:
0xc0: {  	[tilespmem:$0x280] =	vst v3;
	(pc) =	sbr.rel @p0 .LBB2_5-.Ltmp3, $4  }
0xc1: {  	[tilespmem:$0x2A0] =	vst v1  }
0xc2: {  	[tilespmem:$0x1B0] =	vst v5  }
0xc3: {  	[tilespmem:$0x2B0] =	vst v4  }
0xc4: {  	s14 =	sadd.s32 $0x80, s14;
	[tilespmem:$0x290] =	vst v2  }
.LBB2_6:
0xc5: {  	[tilespmem:s25], [sflag:$0x2] =	stream.indirect.gather [hbm4b:s5+s20], $0x80, s24, s20, $0xb8;
	[tilespmem:$0x1D780] =	vst v63  }
0xc6: {  	_ =	swait.ge [sflag:s19], $0x2000  }
0xc7: {  	[sflag:s19] =	ssyncset.done $0x0  }
0xc8: {  	[sflag:s19] =	ssyncadd.s32 $0xFFFFE000  }
0xc9: {  	[spmem:s1] =	stream.indirect.scatter.add.f32 [tilespmem:s22], [sflag:$0x3], $0x80, s26, s20, $0xb8;
	[tilespmem:$0x1D780] =	vst v63  }
0xca: {  	_ =	swait.ge [sflag:s17], $0x2000  }
0xcb: {  	[sflag:s17] =	ssyncset.done $0x0  }
0xcc: {  	[sflag:s17] =	ssyncadd.s32 $0xFFFFE000  }
0xcd: {  	_ =	swait.ge [sflag:s28], $0x2000  }
0xce: {  	[sflag:s28] =	ssyncset.done $0x0  }
0xcf: {  	[sflag:s28] =	ssyncadd.s32 $0xFFFFE000  }
0xd0: {  	[spmem:s1] =	stream.indirect.scatter.add.f32 [tilespmem:s25], [sflag:$0x3], $0x80, s29, s20, $0xb8;
	[tilespmem:$0x1D780] =	vst v63  }
0xd1: {  	_ =	swait.ge [sflag:s17], $0x2000  }
0xd2: {  	[sflag:s17] =	ssyncset.done $0x0  }
0xd3: {  	[sflag:s17] =	ssyncadd.s32 $0xFFFFE000  }
.LBB2_7:
0xd4: {  	[bflag:$0x0] =	sbarrier.arrive $0xFFFF  }
0xd5: {  	[tilespmem:s22], [sflag:$0x3] =	stream.linear.gather [spmem:s13], $0x1C00, $0x38;
	[tilespmem:$0x1D780] =	vst v63  }
0xd6: {  	_ =	swait.ge [sflag:s17], $0x1C00  }
0xd7: {  	[sflag:s17] =	ssyncset.done $0x0  }
0xd8: {  	s3 =	sadd.s32 $0x0, s12;
	[sflag:s17] =	ssyncadd.s32 $0xFFFFE400  }
0xd9: {  	[hbm4b:s3+s2] =	stream.linear.scatter [tilespmem:s22], [sflag:$0x3], $0x1C00, $0x38;
	[tilespmem:$0x1D780] =	vst v63  }
0xda: {  	_ =	swait.ge [sflag:s17], $0x1C00  }
0xdb: {  	s14 =	simm.s32 $0x380;
	s31 =	smov.u32 s13;
	[sflag:s17] =	ssyncset.done $0x0  }
.LBB2_8:
0xdc: {  	p0 =	sne.s32 s14, $0x2D80;
	[sflag:s17] =	ssyncadd.s32 $0xFFFFE400;
	s31 =	sadd.s32 $0x1C00, s31  }
0xdd: {  	[tilespmem:s22], [sflag:$0x3] =	stream.linear.gather [spmem:s31], $0x1C00, $0x38;
	[tilespmem:$0x1D780] =	vst v63  }
0xde: {  	s3 =	smov.u32 s14;
	s14 =	sadd.s32 $0x380, s14;
	_ =	swait.ge [sflag:s17], $0x1C00  }
.Ltmp4:
0xdf: {  	[sflag:s17] =	ssyncset.done $0x0;
	(pc) =	sbr.rel @p0 .LBB2_8-.Ltmp4, $4  }
0xe0: {  	s3 =	sadd.s32 s3, s12;
	[sflag:s17] =	ssyncadd.s32 $0xFFFFE400  }
0xe1: {  	[hbm4b:s3+s2] =	stream.linear.scatter [tilespmem:s22], [sflag:$0x3], $0x1C00, $0x38;
	[tilespmem:$0x1D780] =	vst v63  }
0xe2: {  	_ =	swait.ge [sflag:s17], $0x1C00  }
0xe3: {  	[sflag:s17] =	ssyncset.done $0x0  }
0xe4: {  	[sflag:s17] =	ssyncadd.s32 $0xFFFFE400  }
0xe5: {  	s3 =	sadd.s32 $0x0, s6;
	[bflag:$0x0] =	sbarrier.arrive $0xFFFF  }
0xe6: {  	[spmem:s3] =	stream.linear.scatter [tilespmem:s16], [sflag:$0x3], $0x400, $0x38;
	[tilespmem:$0x1D780] =	vst v63  }
0xe7: {  	s14 =	simm.s32 $0x1000;
	_ =	swait.ge [sflag:s17], $0x400  }
.LBB2_10:
0xe8: {  	s3 =	sshra.s32 s14, $0x2;
	[sflag:s17] =	ssyncset.done $0x0;
	p0 =	sne.s32 s14, $0x63000  }
.Ltmp5:
0xe9: {  	s3 =	sadd.s32 s3, s6;
	[sflag:s17] =	ssyncadd.s32 $0xFFFFFC00;
	(pc) =	sbr.rel @p0 .LBB2_10-.Ltmp5, $3  }
0xea: {  	[spmem:s3] =	stream.linear.scatter [tilespmem:s16], [sflag:$0x3], $0x400, $0x38;
	[tilespmem:$0x1D780] =	vst v63  }
0xeb: {  	s14 =	sadd.s32 $0x1000, s14;
	_ =	sdelay $0x1  }
0xec: {  	_ =	swait.ge [sflag:s17], $0x400  }
0xed: {  	[sflag:s17] =	ssyncset.done $0x0  }
0xee: {  	[sflag:s17] =	ssyncadd.s32 $0xFFFFFC00  }
0xef: {  	[bflag:$0x0] =	sbarrier.arrive $0xFFFF  }
0xf0: {  	s3 =	rddreg [dreg:$0x4]  }
0xf1: {  	[tilespmem:s18], [sflag:$0x3] =	stream.linear.gather [hbm4b:s3+s2], $0x10, $0x38;
	[tilespmem:$0x1D780] =	vst v63  }
0xf2: {  	_ =	swait.ge [sflag:s17], $0x10  }
0xf3: {  	[sflag:s17] =	ssyncset.done $0x0  }
0xf4: {  	[sflag:s17] =	ssyncadd.s32 $0xFFFFFFF0  }
0xf5: {  	v1 =	vld [tilespmem:$0x4700];
	_ =	sdelay $0x4  }
0xf6: {  	(v2sf) =	vpush v1, $0x0;
	_ =	sdelay $0xe  }
0xf7: {  	s14 =	spop (v2sf)  }
0xf8: {  	s9 =	sand.u32 $0x1, s14  }
0xf9: {  	p0 =	slt.s32 s14, $0x1;
	p1 =	seq.s32 s9, $0x1  }
0xfa: {  	s31 =	sshrl.u32 s14, $0x1F;
	p0 =	por !p0, !p1  }
0xfb: {  	s3 =	sadd.s32 s31, s14;
	s9 =	simm.s32 $0x1;
	p0 =	por !p0, !p0  }
0xfc: {  	s3 =	sshra.s32 s3, $0x1;
	s9 =	simm.s32 @!p0 $0x0  }
0xfd: {  	s14 =	ssub.s32 s3, s9  }
0xfe: {  	p0 =	slt.s32 s14, $0x1  }
.Ltmp6:
0xff: {  	_ = 	snop;
	(pc) =	sbr.rel @p0 .LBB2_15-.Ltmp6, $1  }
0x100: {  	_ =	sdelay $0x3  }
0x101: {  	s3 =	sshrl.u32 s0, $0x3  }
0x102: {  	s3 =	sadd.s32 s4, s3  }
0x103: {  	[tilespmem:s2], [sflag:$0x3] =	stream.linear.gather [hbm4b:s3+s2], $0x40, $0x38;
	[tilespmem:$0x1D780] =	vst v63  }
0x104: {  	_ =	swait.ge [sflag:s17], $0x40  }
0x105: {  	[sflag:s17] =	ssyncset.done $0x0  }
0x106: {  	[sflag:s17] =	ssyncadd.s32 $0xFFFFFFC0  }
0x107: {  	v1 =	vld [tilespmem:$0x10];
	_ =	sdelay $0x1  }
0x108: {  	v2 =	vld [tilespmem:$0x30];
	_ =	sdelay $0x1  }
0x109: {  	v3 =	vld [tilespmem:$0x20]  }
0x10a: {  	v4 =	vld [tilespmem:$0x0];
	v5 =	vand.u32 $0xFFFF, v1  }
0x10b: {  	v1 =	vshra.s32 v1, $0x10;
	[tilespmem:$0x110] =	vst v5  }
0x10c: {  	v5 =	vand.u32 $0xFFFF, v2;
	[tilespmem:$0x210] =	vst v1  }
0x10d: {  	v2 =	vshra.s32 v2, $0x10;
	[tilespmem:$0x130] =	vst v5  }
0x10e: {  	v1 =	vand.u32 $0xFFFF, v3;
	[tilespmem:$0x230] =	vst v2  }
0x10f: {  	v2 =	vshra.s32 v4, $0x10;
	[tilespmem:$0x120] =	vst v1  }
0x110: {  	v1 =	vshra.s32 v3, $0x10;
	[tilespmem:$0x200] =	vst v2  }
0x111: {  	s9 =	sadd.s32 $0x40, s0;
	v2 =	vand.u32 $0xFFFF, v4;
	[tilespmem:$0x220] =	vst v1  }
0x112: {  	s3 =	sshrl.u32 s9, $0x3;
	[tilespmem:$0x100] =	vst v2  }
0x113: {  	[tilespmem:s22], [sflag:$0x1] =	stream.indirect.gather [hbm4b:s5+s20], $0x80, s21, s20, $0xb8;
	[tilespmem:$0x1D780] =	vst v63  }
0x114: {  	s3 =	sadd.s32 s4, s3  }
0x115: {  	[tilespmem:s23], [sflag:$0x3] =	stream.linear.gather [hbm4b:s3+s2], $0x40, $0x38;
	[tilespmem:$0x1D780] =	vst v63  }
0x116: {  	_ =	swait.ge [sflag:s17], $0x40  }
0x117: {  	[sflag:s17] =	ssyncset.done $0x0  }
0x118: {  	[sflag:s17] =	ssyncadd.s32 $0xFFFFFFC0  }
0x119: {  	v1 =	vld [tilespmem:$0x80]  }
0x11a: {  	v3 =	vld [tilespmem:$0x90]  }
0x11b: {  	p0 =	sne.s32 s14, $0x1;
	v5 =	vld [tilespmem:$0xA0]  }
.Ltmp7:
0x11c: {  	_ = 	snop;
	(pc) =	sbr.rel @!p0 .LBB2_14-.Ltmp7, $4  }
0x11d: {  	_ = 	snop  }
0x11e: {  	v4 =	vand.u32 $0xFFFF, v1  }
0x11f: {  	v2 =	vshra.s32 v1, $0x10;
	v6 =	vand.u32 $0xFFFF, v3;
	v1 =	vld [tilespmem:$0xB0];
	[tilespmem:$0x180] =	vst v4  }
0x120: {  	s31 =	sadd.s32 $0xFFFFFFFF, s14;
	s14 =	smov.u32 s0;
	v4 =	vshra.s32 v3, $0x10;
	[tilespmem:$0x190] =	vst v6;
	v3 =	vand.u32 $0xFFFF, v5;
	v5 =	vshra.s32 v5, $0x10  }
.LBB2_13:
0x121: {  	p0 =	sne.s32 s31, $0x1;
	s31 =	sadd.s32 $0xFFFFFFFF, s31;
	[tilespmem:$0x290] =	vst v4;
	s14 =	sadd.s32 $0x80, s14  }
0x122: {  	[tilespmem:$0x280] =	vst v2  }
0x123: {  	[tilespmem:$0x2A0] =	vst v5  }
0x124: {  	v2 =	vand.u32 $0xFFFF, v1;
	v1 =	vshra.s32 v1, $0x10;
	[tilespmem:$0x1A0] =	vst v3  }
0x125: {  	[tilespmem:$0x1B0] =	vst v2  }
0x126: {  	[tilespmem:$0x2B0] =	vst v1  }
0x127: {  	[tilespmem:s25], [sflag:$0x2] =	stream.indirect.gather [hbm4b:s5+s20], $0x80, s24, s20, $0xb8;
	[tilespmem:$0x1D780] =	vst v63  }
0x128: {  	_ =	swait.ge [sflag:s19], $0x2000  }
0x129: {  	[sflag:s19] =	ssyncset.done $0x0  }
0x12a: {  	[sflag:s19] =	ssyncadd.s32 $0xFFFFE000  }
0x12b: {  	[spmem:s1] =	stream.indirect.scatter.add.f32 [tilespmem:s22], [sflag:$0x3], $0x80, s26, s20, $0xb8;
	[tilespmem:$0x1D780] =	vst v63  }
0x12c: {  	_ =	swait.ge [sflag:s17], $0x2000  }
0x12d: {  	[sflag:s17] =	ssyncset.done $0x0  }
0x12e: {  	[sflag:s17] =	ssyncadd.s32 $0xFFFFE000  }
0x12f: {  	_ =	swait.ge [sflag:s28], $0x2000  }
0x130: {  	[sflag:s28] =	ssyncset.done $0x0  }
0x131: {  	[sflag:s28] =	ssyncadd.s32 $0xFFFFE000  }
0x132: {  	[spmem:s1] =	stream.indirect.scatter.add.f32 [tilespmem:s25], [sflag:$0x3], $0x80, s29, s20, $0xb8;
	[tilespmem:$0x1D780] =	vst v63  }
0x133: {  	_ =	swait.ge [sflag:s17], $0x2000  }
0x134: {  	s3 =	sshrl.u32 s14, $0x3;
	[sflag:s17] =	ssyncset.done $0x0  }
0x135: {  	s3 =	sadd.s32 s4, s3;
	[sflag:s17] =	ssyncadd.s32 $0xFFFFE000  }
0x136: {  	[tilespmem:s2], [sflag:$0x3] =	stream.linear.gather [hbm4b:s3+s2], $0x40, $0x38;
	[tilespmem:$0x1D780] =	vst v63  }
0x137: {  	_ =	swait.ge [sflag:s17], $0x40  }
0x138: {  	[sflag:s17] =	ssyncset.done $0x0  }
0x139: {  	[sflag:s17] =	ssyncadd.s32 $0xFFFFFFC0  }
0x13a: {  	v1 =	vld [tilespmem:$0x10]  }
0x13b: {  	v2 =	vld [tilespmem:$0x30];
	_ =	sdelay $0x2  }
0x13c: {  	v3 =	vld [tilespmem:$0x20]  }
0x13d: {  	v4 =	vld [tilespmem:$0x0];
	v5 =	vand.u32 $0xFFFF, v1;
	v1 =	vshra.s32 v1, $0x10  }
0x13e: {  	[tilespmem:$0x110] =	vst v5;
	v5 =	vand.u32 $0xFFFF, v2;
	v2 =	vshra.s32 v2, $0x10  }
0x13f: {  	s3 =	sadd.s32 $0x40, s14;
	[tilespmem:$0x130] =	vst v5  }
0x140: {  	[tilespmem:$0x230] =	vst v2  }
0x141: {  	s3 =	sshrl.u32 s3, $0x3;
	[tilespmem:$0x210] =	vst v1;
	v1 =	vand.u32 $0xFFFF, v3;
	v2 =	vshra.s32 v3, $0x10  }
0x142: {  	s3 =	sadd.s32 s4, s3;
	v3 =	vand.u32 $0xFFFF, v4;
	v4 =	vshra.s32 v4, $0x10;
	[tilespmem:$0x120] =	vst v1  }
0x143: {  	[tilespmem:$0x200] =	vst v4  }
0x144: {  	[tilespmem:$0x220] =	vst v2  }
0x145: {  	[tilespmem:$0x100] =	vst v3  }
0x146: {  	[tilespmem:s22], [sflag:$0x1] =	stream.indirect.gather [hbm4b:s5+s20], $0x80, s21, s20, $0xb8;
	[tilespmem:$0x1D780] =	vst v63  }
0x147: {  	_ = 	snop  }
0x148: {  	[tilespmem:s23], [sflag:$0x3] =	stream.linear.gather [hbm4b:s3+s2], $0x40, $0x38;
	[tilespmem:$0x1D780] =	vst v63  }
0x149: {  	_ =	swait.ge [sflag:s17], $0x40  }
0x14a: {  	[sflag:s17] =	ssyncset.done $0x0  }
0x14b: {  	[sflag:s17] =	ssyncadd.s32 $0xFFFFFFC0  }
0x14c: {  	v2 =	vld [tilespmem:$0x80]  }
0x14d: {  	v3 =	vld [tilespmem:$0x90]  }
0x14e: {  	v5 =	vld [tilespmem:$0xA0]  }
.Ltmp8:
0x14f: {  	v1 =	vld [tilespmem:$0xB0];
	(pc) =	sbr.rel @p0 .LBB2_13-.Ltmp8, $4  }
0x150: {  	_ = 	snop  }
0x151: {  	v4 =	vand.u32 $0xFFFF, v2;
	v2 =	vshra.s32 v2, $0x10  }
0x152: {  	[tilespmem:$0x180] =	vst v4;
	v6 =	vand.u32 $0xFFFF, v3;
	v4 =	vshra.s32 v3, $0x10  }
0x153: {  	[tilespmem:$0x190] =	vst v6;
	v3 =	vand.u32 $0xFFFF, v5;
	v5 =	vshra.s32 v5, $0x10  }
.LBB2_14:
0x154: {  	[tilespmem:$0x290] =	vst v4  }
0x155: {  	[tilespmem:$0x280] =	vst v2  }
0x156: {  	[tilespmem:$0x2A0] =	vst v5  }
0x157: {  	[tilespmem:$0x1A0] =	vst v3;
	v2 =	vand.u32 $0xFFFF, v1  }
0x158: {  	v1 =	vshra.s32 v1, $0x10;
	[tilespmem:$0x1B0] =	vst v2  }
0x159: {  	[tilespmem:$0x2B0] =	vst v1  }
0x15a: {  	[tilespmem:s25], [sflag:$0x2] =	stream.indirect.gather [hbm4b:s5+s20], $0x80, s24, s20, $0xb8;
	[tilespmem:$0x1D780] =	vst v63  }
0x15b: {  	_ =	swait.ge [sflag:s19], $0x2000  }
0x15c: {  	[sflag:s19] =	ssyncset.done $0x0  }
0x15d: {  	[sflag:s19] =	ssyncadd.s32 $0xFFFFE000  }
0x15e: {  	[spmem:s1] =	stream.indirect.scatter.add.f32 [tilespmem:s22], [sflag:$0x3], $0x80, s26, s20, $0xb8;
	[tilespmem:$0x1D780] =	vst v63  }
0x15f: {  	_ =	swait.ge [sflag:s17], $0x2000  }
0x160: {  	[sflag:s17] =	ssyncset.done $0x0  }
0x161: {  	[sflag:s17] =	ssyncadd.s32 $0xFFFFE000  }
0x162: {  	_ =	swait.ge [sflag:s28], $0x2000  }
0x163: {  	[sflag:s28] =	ssyncset.done $0x0  }
0x164: {  	[sflag:s28] =	ssyncadd.s32 $0xFFFFE000  }
0x165: {  	[spmem:s1] =	stream.indirect.scatter.add.f32 [tilespmem:s25], [sflag:$0x3], $0x80, s29, s20, $0xb8;
	[tilespmem:$0x1D780] =	vst v63  }
0x166: {  	_ =	swait.ge [sflag:s17], $0x2000  }
0x167: {  	[sflag:s17] =	ssyncset.done $0x0  }
0x168: {  	[sflag:s17] =	ssyncadd.s32 $0xFFFFE000  }
.LBB2_15:
0x169: {  	[bflag:$0x0] =	sbarrier.arrive $0xFFFF  }
0x16a: {  	[tilespmem:s22], [sflag:$0x3] =	stream.linear.gather [spmem:s13], $0x1C00, $0x38;
	[tilespmem:$0x1D780] =	vst v63  }
0x16b: {  	_ =	swait.ge [sflag:s17], $0x1C00  }
0x16c: {  	[sflag:s17] =	ssyncset.done $0x0  }
0x16d: {  	s3 =	sadd.s32 $0x0, s15;
	[sflag:s17] =	ssyncadd.s32 $0xFFFFE400  }
0x16e: {  	[hbm4b:s3+s2] =	stream.linear.scatter [tilespmem:s22], [sflag:$0x3], $0x1C00, $0x38;
	[tilespmem:$0x1D780] =	vst v63  }
0x16f: {  	_ =	swait.ge [sflag:s17], $0x1C00  }
0x170: {  	s14 =	simm.s32 $0x380;
	s31 =	smov.u32 s13;
	[sflag:s17] =	ssyncset.done $0x0  }
.LBB2_16:
0x171: {  	p0 =	sne.s32 s14, $0x2D80;
	[sflag:s17] =	ssyncadd.s32 $0xFFFFE400;
	s31 =	sadd.s32 $0x1C00, s31  }
0x172: {  	[tilespmem:s22], [sflag:$0x3] =	stream.linear.gather [spmem:s31], $0x1C00, $0x38;
	[tilespmem:$0x1D780] =	vst v63  }
0x173: {  	s3 =	smov.u32 s14;
	s14 =	sadd.s32 $0x380, s14;
	_ =	swait.ge [sflag:s17], $0x1C00  }
.Ltmp9:
0x174: {  	[sflag:s17] =	ssyncset.done $0x0;
	(pc) =	sbr.rel @p0 .LBB2_16-.Ltmp9, $4  }
0x175: {  	s3 =	sadd.s32 s3, s15;
	[sflag:s17] =	ssyncadd.s32 $0xFFFFE400  }
0x176: {  	[hbm4b:s3+s2] =	stream.linear.scatter [tilespmem:s22], [sflag:$0x3], $0x1C00, $0x38;
	[tilespmem:$0x1D780] =	vst v63  }
0x177: {  	_ =	swait.ge [sflag:s17], $0x1C00  }
0x178: {  	[sflag:s17] =	ssyncset.done $0x0  }
0x179: {  	s30 =	sadd.s32 $0x1, s30  }
0x17a: {  	p0 =	sne.s32 s30, s10  }
.Ltmp10:
0x17b: {  	_ = 	snop;
	(pc) =	sbr.rel @p0 .LBB2_1-.Ltmp10, $3  }
0x17c: {  	_ = 	snop  }
0x17d: {  	[sflag:s17] =	ssyncadd.s32 $0xFFFFE400  }
0x17e: {  	[bflag:$0x0] =	sbarrier.arrive $0xFFFF;
	_ =	sdelay $0x1  }
0x17f: {  	_ =	sfence.sel $0x180000  }
0x180: {  	[bflag:$0x0] =	sbarrier.arrive $0xFFFF  }
0x181: {  	_ =	strace $0x90000050  }
0x182: {  	s0 =	stileid.u32;
	[bflag:$0x2] =	sbarrier.arrive $0xFFFF  }
0x183: {  	p0 =	sne.s32 s0, $0x0;
	s0 =	rddreg [dreg:$0x3]  }
0x184: {  	s0 =	sadd.s32 @!p0 $0x100000, s0  }
0x185: {  	[sflag:s0] =	ssyncadd.tile.s32 @!p0 $0x1;
	_ =	shalt  }
.Lfunc_end2:
_tile_overlayer_lowered:
.L_overlay_start_2:
0x186: {  	(tag) =	ssettag $0x2  }
0x187: {  	s0 =	rddreg [dreg:$0x0];
	s2 =	stileid.u32  }
0x188: {  	s1 =	rddreg [dreg:$0x1];
	p0 =	sne.s32 s2, $0x0  }
0x189: {  	s3 =	rddreg [dreg:$0x2];
	[bflag:$0x3] =	sbarrier.arrive $0xFFFF;
	s2 =	simm.s32 @!p0 $0x1C03  }
0x18a: {  	[timem:s3], [sflag:s2] =	dma.local @!p0 [hbm:s0], s1  }
0x18b: {  	s0 =	simm.s32 @!p0 $0x3  }
0x18c: {  	_ =	swait.ge @!p0 [sflag:s0], s1  }
0x18d: {  	s1 =	ssub.s32 @!p0 $0x0, s1;
	[sflag:s0] =	ssyncset.done @!p0 $0x0  }
0x18e: {  	[sflag:s0] =	ssyncadd.s32 @!p0 s1  }
0x18f: {  	[bflag:$0x3] =	sbarrier.arrive $0xFFFF  }
0x190: {  	_ =	shalt  }

// kernel: kernel.9.cloned.1.call-start
scs
__scs_entry_jumppad:
0x0: {  	(pc) =	sbr.rel $0x88, $3  }
0x1: {  	(tag) =	ssettag $0x0;
	lr =	simm.s32 $0x1  }
0x2: {  	[smem:$0x3F92] =	sst lr;
	_ =	strace $0xD0000000  }
0x3: {  	_ = 	snop  }
0x4: {  	_ = 	snop  }
0x5: {  	_ = 	snop  }
0x6: {  	_ = 	snop  }
0x7: {  	_ = 	snop  }
__scs_overlays_trampoline_lowered:
0x8: {  	[smem:$0x3FA1] =	sst s0  }
0x9: {  	[smem:$0x3FA2] =	sst s1  }
0xa: {  	[smem:$0x3FA3] =	sst s2  }
0xb: {  	[smem:$0x3FA4] =	sst s3  }
0xc: {  	[smem:$0x3FA5] =	sst s4  }
0xd: {  	[smem:$0x3FA6] =	sst s5  }
0xe: {  	[smem:$0x3FA7] =	sst s6  }
0xf: {  	[smem:$0x3FA8] =	sst s7  }
0x10: {  	[smem:$0x3FA9] =	sst s8  }
0x11: {  	[smem:$0x3FAA] =	sst s9;
	s0 =	simm.s32 @!p0 $0x0  }
0x12: {  	s1 =	sld [smem:$0x3F90];
	s0 =	simm.s32 @p0 $0x1  }
0x13: {  	[smem:$0x3FAB] =	sst s0;
	s0 =	simm.s32 @!p1 $0x0  }
0x14: {  	s2 =	sld [smem:$0x3F8F];
	s0 =	simm.s32 @p1 $0x1  }
0x15: {  	[smem:$0x3FAC] =	sst s0;
	s0 =	simm.s32 @!p2 $0x0  }
0x16: {  	s3 =	sld [smem:$0x3FDB];
	s0 =	simm.s32 @p2 $0x1  }
0x17: {  	s4 =	simm.s32 $0x1BF5;
	[smem:$0x3FAE] =	sst s0  }
0x18: {  	s0 =	sld [smem:$0x3F91];
	_ =	swait.ge [sflag:s4], $0x0  }
0x19: {  	s7 =	sld [smem:$0x3F92]  }
0x1a: {  	s8 =	sadd.s32 $0xFFFFE003, lr  }
0x1b: {  	s9 =	sadd.s32 $0xFFFFFEF7, lr;
	s5 =	simm.s32 $0xFFFFFFFF;
	p2 =	slt.u32 s8, $0xFFFFF086  }
0x1c: {  	p1 =	slt.u32 s9, $0xF7A;
	s5 =	simm.s32 @!p2 $0x0  }
0x1d: {  	s5 =	simm.s32 @p1 $0x1;
	p0 =	seq.s32 s7, s2  }
0x1e: {  	s7 =	smul.u32 @!p0 $0xF7A, s2;
	p2 =	seq.s32 @!p0 s5, $0x0  }
0x1f: {  	s9 =	smul.u32 $0xF7A, s1;
	s8 =	simm.s32 @!p0 $0x1BF5;
	p2 =	por !p2, p0  }
0x20: {  	[sflag:s8] =	ssyncset.s32 @!p0 $0xFFFFF086;
	s6 =	sadd.s32 @!p0 s3, s7;
	s7 =	simm.s32 @!p0 $0x108  }
0x21: {  	s3 =	sadd.s32 s3, s9;
	s6 =	sadd.s32 @!p0 $0x88, s6;
	s7 =	simm.s32 @p2 $0x1082  }
0x22: {  	[simem:s7], [sflag:s8] =	dma.local @!p0 [hbm:s6], $0xF7A  }
0x23: {  	s9 =	sor.u32 $0xD0000000, s2;
	s6 =	simm.s32 $0x108;
	_ =	swait.ge @!p0 [sflag:s8], $0x0  }
0x24: {  	s3 =	sadd.s32 $0x88, s3;
	s6 =	simm.s32 @!p1 $0x1082;
	[sflag:s4] =	ssyncset.s32 $0xFFFFF086  }
0x25: {  	[simem:s6], [sflag:s4] =	dma.local [hbm:s3], $0xF7A  }
0x26: {  	[smem:$0x3F92] =	sst s1;
	(tag) =	ssettag s2;
	_ =	strace s9  }
0x27: {  	s1 =	sld [smem:$0x3FA2]  }
0x28: {  	s2 =	sld [smem:$0x3FA3]  }
0x29: {  	s4 =	sld [smem:$0x3FA5]  }
0x2a: {  	p0 =	seq.s32 s5, $0x0;
	s5 =	sld [smem:$0x3FA6]  }
0x2b: {  	s6 =	sld [smem:$0x3FA7]  }
0x2c: {  	s7 =	sld [smem:$0x3FA8]  }
0x2d: {  	s3 =	simm.s32 $0x108;
	s8 =	sld [smem:$0x3FA9]  }
0x2e: {  	s3 =	simm.s32 @!p0 $0x1082;
	s9 =	sld [smem:$0x3FAA]  }
0x2f: {  	lr =	sadd.s32 s0, s3;
	s0 =	sld [smem:$0x3FA1]  }
0x30: {  	s3 =	sld [smem:$0x3FA4]  }
0x31: {  	[smem:$0x3FAD] =	sst s10  }
0x32: {  	s10 =	sld [smem:$0x3FAB];
	_ =	sdelay $0x3  }
0x33: {  	p0 =	seq.s32 s10, $0x1;
	s10 =	sld [smem:$0x3FAD];
	_ =	sdelay $0x3  }
0x34: {  	[smem:$0x3FAD] =	sst s10  }
0x35: {  	s10 =	sld [smem:$0x3FAC];
	_ =	sdelay $0x3  }
0x36: {  	p1 =	seq.s32 s10, $0x1;
	s10 =	sld [smem:$0x3FAD];
	_ =	sdelay $0x3  }
0x37: {  	[smem:$0x3FAD] =	sst s10  }
0x38: {  	s10 =	sld [smem:$0x3FAE]  }
0x39: {  	_ = 	snop;
	(pc) =	sbr.ind lr, $3  }
0x3a: {  	_ = 	snop  }
0x3b: {  	_ = 	snop  }
0x3c: {  	p2 =	seq.s32 s10, $0x1;
	s10 =	sld [smem:$0x3FAD]  }
0x3d: {  	_ =	shalt  }
0x3e: {  	_ =	shalt  }
0x3f: {  	_ =	shalt  }
0x40: {  	_ =	shalt  }
0x41: {  	_ =	shalt  }
0x42: {  	_ =	shalt  }
0x43: {  	_ =	shalt  }
0x44: {  	_ =	shalt  }
0x45: {  	_ =	shalt  }
0x46: {  	_ =	shalt  }
0x47: {  	_ =	shalt  }
0x48: {  	_ =	shalt  }
0x49: {  	_ =	shalt  }
0x4a: {  	_ =	shalt  }
0x4b: {  	_ =	shalt  }
0x4c: {  	_ =	shalt  }
0x4d: {  	_ =	shalt  }
0x4e: {  	_ =	shalt  }
0x4f: {  	_ =	shalt  }
0x50: {  	_ =	shalt  }
0x51: {  	_ =	shalt  }
0x52: {  	_ =	shalt  }
0x53: {  	_ =	shalt  }
0x54: {  	_ =	shalt  }
0x55: {  	_ =	shalt  }
0x56: {  	_ =	shalt  }
0x57: {  	_ =	shalt  }
0x58: {  	_ =	shalt  }
0x59: {  	_ =	shalt  }
0x5a: {  	_ =	shalt  }
0x5b: {  	_ =	shalt  }
0x5c: {  	_ =	shalt  }
0x5d: {  	_ =	shalt  }
0x5e: {  	_ =	shalt  }
0x5f: {  	_ =	shalt  }
0x60: {  	_ =	shalt  }
0x61: {  	_ =	shalt  }
0x62: {  	_ =	shalt  }
0x63: {  	_ =	shalt  }
0x64: {  	_ =	shalt  }
0x65: {  	_ =	shalt  }
0x66: {  	_ =	shalt  }
0x67: {  	_ =	shalt  }
0x68: {  	_ =	shalt  }
0x69: {  	_ =	shalt  }
0x6a: {  	_ =	shalt  }
0x6b: {  	_ =	shalt  }
0x6c: {  	_ =	shalt  }
0x6d: {  	_ =	shalt  }
0x6e: {  	_ =	shalt  }
0x6f: {  	_ =	shalt  }
0x70: {  	_ =	shalt  }
0x71: {  	_ =	shalt  }
0x72: {  	_ =	shalt  }
0x73: {  	_ =	shalt  }
0x74: {  	_ =	shalt  }
0x75: {  	_ =	shalt  }
0x76: {  	_ =	shalt  }
0x77: {  	_ =	shalt  }
0x78: {  	_ =	shalt  }
0x79: {  	_ =	shalt  }
0x7a: {  	_ =	shalt  }
0x7b: {  	_ =	shalt  }
0x7c: {  	_ =	shalt  }
0x7d: {  	_ =	shalt  }
0x7e: {  	_ =	shalt  }
0x7f: {  	_ =	shalt  }
0x80: {  	_ =	shalt  }
0x81: {  	_ =	shalt  }
0x82: {  	_ =	shalt  }
0x83: {  	_ =	shalt  }
0x84: {  	_ =	shalt  }
0x85: {  	_ =	shalt  }
0x86: {  	_ =	shalt  }
0x87: {  	_ =	shalt  }
.Lfunc_end0:
.L_simem_size_0:
called_computation_lowered:
.L_overlay_start_0:
0x88: {  	s2 =	sld [smem:$0x3FD9]  }
0x89: {  	s3 =	sld [smem:$0x3FFE];
	_ =	sdelay $0x1  }
0x8a: {  	s1 =	srdreg.scid  }
0x8b: {  	s0 =	sand.u32 $0x1, s1  }
0x8c: {  	s16 =	sshll.u32 s0, $0xA;
	s2 =	sadd.s32 s3, s2  }
0x8d: {  	s2 =	sadd.s32 s2, s16  }
0x8e: {  	[smem:$0x3FB9] =	sst s2  }
0x8f: {  	_ = 	snop  }
0x90: {  	(tm) =	ssettm $0x1  }
0x91: {  	s17 =	sld [smem:$0x3FFB];
	_ =	sdelay $0x3  }
0x92: {  	_ =	strace s17  }
0x93: {  	s2 =	sld [smem:$0x3FFC];
	_ =	sdelay $0x3  }
0x94: {  	_ =	strace s2  }
0x95: {  	s2 =	sld [smem:$0x3FFD];
	_ =	sdelay $0x3  }
0x96: {  	_ =	strace s2  }
0x97: {  	_ =	strace $0x8FFFFFFF  }
0x98: {  	s18 =	sld [smem:$0x3FDB];
	_ =	sdelay $0x1  }
0x99: {  	s19 =	simm.s32 $_scs_section_size  }
0x9a: {  	s4 =	simm.s32 $_size__tile_overlayer_lowered;
	s5 =	simm.s32 $_tile_overlayer_lowered  }
0x9b: {  	s22 =	simm.s32 $0x1BFF;
	s21 =	sshll.u32 s5, $0x1;
	s2 =	sadd.s32 s19, s18  }
0x9c: {  	s6 =	simm.s32 $0x0;
	s20 =	sshll.u32 s4, $0x1;
	s4 =	sadd.s32 s21, s2  }
0x9d: {  	[timem:s6], [sflag:s22] =	dma.local [hbm:s4], s20  }
0x9e: {  	_ =	swait.ge [sflag:s22], s20  }
0x9f: {  	s3 =	ssub.s32 $0x0, s20;
	[sflag:s22] =	ssyncset.done $0x0  }
0xa0: {  	[sflag:s22] =	ssyncadd.s32 s3;
	_ =	sdelay $0x1  }
0xa1: {  	s23 =	simm.s32 $0x1B8B  }
0xa2: {  	_ =	swait.ge [sflag:s23], $0x1  }
0xa3: {  	[sflag:s23] =	ssyncset.done $0x0  }
0xa4: {  	s25 =	simm.s32 $0x1B8E;
	s24 =	sld [smem:$0x3FFE];
	[sflag:s23] =	ssyncadd.s32 $0xFFFFFFFF  }
0xa5: {  	s26 =	simm.s32 $execute0_lowered;
	[smem:$0x3FD2] =	sst s25  }
0xa6: {  	s4 =	sshll.u32 s26, $0x1;
	_ =	strace $0x80000046;
	[dreg:$0x1] =	wrdreg $0xFFFFFFFF  }
0xa7: {  	s28 =	simm.s32 $_size_execute0_lowered;
	s2 =	sadd.s32 s2, s4;
	[dreg:$0x0] =	wrdreg $0x0  }
0xa8: {  	s4 =	sshll.u32 s28, $0x1;
	[dreg:$0x2] =	wrdreg s2  }
0xa9: {  	[dreg:$0x3] =	wrdreg s4  }
0xaa: {  	[dreg:$0x4] =	wrdreg $0xC0  }
0xab: {  	_ =	task [dreg:s6], $0x5FFFF  }
0xac: {  	[dreg:$0x1] =	wrdreg $0xFFFFFFFF  }
0xad: {  	[dreg:$0x0] =	wrdreg $0x60  }
0xae: {  	[dreg:$0x2] =	wrdreg s24  }
0xaf: {  	[dreg:$0x3] =	wrdreg $0x66800  }
0xb0: {  	[dreg:$0x4] =	wrdreg $0x9  }
0xb1: {  	_ =	task.clear_ibuf [dreg:s6], $0x5FFFF;
	_ =	strace $0x90000046  }
0xb2: {  	s29 =	simm.s32 $0x9;
	_ =	strace $0x80000048  }
0xb3: {  	_ =	swait.ge [sflag:s29], $0x1  }
0xb4: {  	[sflag:s29] =	ssyncadd.s32 $0xFFFFFFFF  }
0xb5: {  	_ =	strace $0x90000048  }
0xb6: {  	_ =	sfence  }
0xb7: {  	s30 =	sld [smem:$0x0];
	_ =	sdelay $0x2  }
0xb8: {  	s31 =	sshll.u32 s1, $0xD;
	s1 =	sshrl.u32 s1, $0x2  }
0xb9: {  	s3 =	sand.u32 $0x4000, s31;
	s1 =	sadd.s32 s1, s30  }
0xba: {  	s0 =	sor.u32 s3, s0;
	s1 =	sshll.u32 s1, $0x11  }
0xbb: {  	s0 =	sor.u32 s1, s0  }
0xbc: {  	s0 =	sadd.s32 $0x8F2B, s0  }
0xbd: {  	[sflag:s0] =	ssyncadd.remote.s32 $0x1  }
0xbe: {  	_ =	sfence.sel $0xFFFF  }
0xbf: {  	[dreg:$0x0] =	wrdreg $0xFFFFFFFF;
	(pc) =	sbr.abs _section_cstart, $3  }
0xc0: {  	[dreg:$0x1] =	wrdreg $0xFFFFFFFF  }
0xc1: {  	_ =	task.clear_ibuf [dreg:s6], $0x2FFFF;
	_ =	strace $0x9FFFFFFF  }
0xc2: {  	(tm) =	ssettm $0x7FFFFFFF  }
0xc3: {  	_ =	shalt  }
tec
execute0_lowered:
.L_overlay_start_1:
0x0: {  	(tag) =	ssettag $0x1  }
0x1: {  	s0 =	srdreg.scid;
	s1 =	rddreg [dreg:$0x0]  }
0x2: {  	s2 =	rddreg [dreg:$0x1];
	s7 =	stileid.u32;
	s3 =	simm.s32 $0x0  }
0x3: {  	s31 =	simm.s32 $0x6480;
	s9 =	simm.s32 $0x0;
	s0 =	sand.u32 $0x1, s0  }
0x4: {  	[smem:$0x7FF] =	sst s3;
	s5 =	smul.u32 $0x3100, s7;
	s4 =	sshll.u32 s0, $0x4  }
0x5: {  	_ =	strace $0x80000047;
	s13 =	ssub.s32 $0x2, s0;
	s0 =	smul.u32 $0xC400, s0  }
0x6: {  	s4 =	sor.u32 s7, s4;
	s7 =	smul.u32 $0xC40, s7;
	s8 =	sshrl.u32 s13, $0x1  }
0x7: {  	s5 =	sshrl.u32 s5, $0x2;
	s4 =	smul.u32 $0xC80, s4;
	s8 =	ssub.s32 s13, s8  }
0x8: {  	s0 =	sadd.s32 s7, s0;
	s15 =	smax.u32 s8, $0x1;
	s8 =	simm.s32 $0x2  }
0x9: {  	s6 =	sadd.s32 s4, s1;
	s1 =	sadd.s32 $0x34E00, s1;
	s4 =	sadd.s32 s5, s2  }
0xa: {  	[dreg:$0x4] =	wrdreg s15;
	s22 =	sshrl.u32 s0, $0x3;
	s14 =	sadd.s32 $0x2E00, s6  }
0xb: {  	s24 =	sadd.s32 $0x498, s0;
	s16 =	sadd.s32 $0x188, s4;
	[dreg:$0x3] =	wrdreg s14  }
0xc: {  	s25 =	sadd.s32 $0x7A8, s0;
	s17 =	sadd.s32 $0x310, s4;
	[dreg:$0x5] =	wrdreg s16  }
0xd: {  	s6 =	sadd.s32 s7, s2;
	s18 =	sadd.s32 $0x498, s4;
	[dreg:$0x6] =	wrdreg s17  }
0xe: {  	s19 =	sadd.s32 $0x620, s4;
	s20 =	sadd.s32 $0x7A8, s4;
	[dreg:$0x7] =	wrdreg s18  }
0xf: {  	s21 =	sadd.s32 $0x930, s4;
	s7 =	sadd.s32 $0x188, s0;
	[dreg:$0x8] =	wrdreg s19  }
0x10: {  	s15 =	sadd.s32 s1, s22;
	s5 =	sshrl.u32 s24, $0x3;
	[dreg:$0x9] =	wrdreg s20  }
0x11: {  	s0 =	sadd.s32 $0xAB8, s0;
	s26 =	sshrl.u32 s25, $0x3;
	[dreg:$0xa] =	wrdreg s21  }
0x12: {  	s14 =	sadd.s32 $0xAB8, s4;
	s23 =	sshrl.u32 s7, $0x3;
	s16 =	sadd.s32 $0x188, s6  }
0x13: {  	s18 =	sadd.s32 $0x310, s6;
	s19 =	sadd.s32 $0x62, s15;
	s20 =	sadd.s32 $0x498, s6  }
0x14: {  	s21 =	sadd.s32 s1, s5;
	s0 =	sshrl.u32 s0, $0x3;
	s22 =	sadd.s32 $0x620, s6  }
0x15: {  	s25 =	sadd.s32 $0xC4, s15;
	s28 =	sadd.s32 $0x930, s6;
	s29 =	sadd.s32 $0x126, s15  }
0x16: {  	s30 =	sadd.s32 $0xAB8, s6;
	s5 =	simm.s32 $0x6400;
	s7 =	simm.s32 $0x1  }
0x17: {  	s17 =	sadd.s32 s1, s23;
	s23 =	sadd.s32 s1, s26;
	s24 =	sadd.s32 s1, s0  }
0x18: {  	v0 =	vimm.f32 $0.0e+00;
	v1 =	vimm.f32 $1.000000000e+00;
	s26 =	sadd.s32 $0x7A8, s6;
	s0 =	simm.s32 $0x3;
	s1 =	simm.s32 $0x80  }
.LBB2_1:
0x19: {  	[tilespmem:$0x6480] =	vst v0  }
0x1a: {  	[tilespmem:$0x6490] =	vst v0  }
0x1b: {  	[tilespmem:$0x64A0] =	vst v0  }
0x1c: {  	[tilespmem:$0x64B0] =	vst v0  }
0x1d: {  	[tilespmem:$0x64C0] =	vst v0  }
0x1e: {  	[tilespmem:$0x64D0] =	vst v0  }
0x1f: {  	[tilespmem:$0x64E0] =	vst v0  }
0x20: {  	[tilespmem:$0x64F0] =	vst v0  }
0x21: {  	[tilespmem:$0x6500] =	vst v0  }
0x22: {  	[tilespmem:$0x6510] =	vst v0  }
0x23: {  	[tilespmem:$0x6520] =	vst v0  }
0x24: {  	[tilespmem:$0x6530] =	vst v0  }
0x25: {  	[tilespmem:$0x6540] =	vst v0  }
0x26: {  	[tilespmem:$0x6550] =	vst v0  }
0x27: {  	[tilespmem:$0x6560] =	vst v0  }
0x28: {  	[tilespmem:$0x6570] =	vst v0  }
0x29: {  	[tilespmem:$0x6580] =	vst v0  }
0x2a: {  	[tilespmem:$0x6590] =	vst v0  }
0x2b: {  	[tilespmem:$0x65A0] =	vst v0  }
0x2c: {  	[tilespmem:$0x65B0] =	vst v0  }
0x2d: {  	[tilespmem:$0x65C0] =	vst v0  }
0x2e: {  	[tilespmem:$0x65D0] =	vst v0  }
0x2f: {  	[tilespmem:$0x65E0] =	vst v0  }
0x30: {  	[tilespmem:$0x65F0] =	vst v0  }
0x31: {  	[spmem:s4] =	stream.linear.scatter [tilespmem:s31], [sflag:$0x3], $0x188, $0x38;
	[tilespmem:$0x72C0] =	vst v63  }
0x32: {  	_ =	swait.ge [sflag:s0], $0x188  }
0x33: {  	[sflag:s0] =	ssyncset.done $0x0  }
0x34: {  	s10 =	rddreg [dreg:$0x5];
	[sflag:s0] =	ssyncadd.s32 $0xFFFFFE78  }
0x35: {  	[spmem:s10] =	stream.linear.scatter [tilespmem:s31], [sflag:$0x3], $0x188, $0x38;
	[tilespmem:$0x72C0] =	vst v63  }
0x36: {  	_ =	swait.ge [sflag:s0], $0x188  }
0x37: {  	[sflag:s0] =	ssyncset.done $0x0  }
0x38: {  	s12 =	rddreg [dreg:$0x6];
	[sflag:s0] =	ssyncadd.s32 $0xFFFFFE78  }
0x39: {  	[spmem:s12] =	stream.linear.scatter [tilespmem:s31], [sflag:$0x3], $0x188, $0x38;
	[tilespmem:$0x72C0] =	vst v63  }
0x3a: {  	_ =	swait.ge [sflag:s0], $0x188  }
0x3b: {  	[sflag:s0] =	ssyncset.done $0x0  }
0x3c: {  	s13 =	rddreg [dreg:$0x7];
	[sflag:s0] =	ssyncadd.s32 $0xFFFFFE78  }
0x3d: {  	[spmem:s13] =	stream.linear.scatter [tilespmem:s31], [sflag:$0x3], $0x188, $0x38;
	[tilespmem:$0x72C0] =	vst v63  }
0x3e: {  	_ =	swait.ge [sflag:s0], $0x188  }
0x3f: {  	[sflag:s0] =	ssyncset.done $0x0  }
0x40: {  	s11 =	rddreg [dreg:$0x8];
	[sflag:s0] =	ssyncadd.s32 $0xFFFFFE78  }
0x41: {  	[spmem:s11] =	stream.linear.scatter [tilespmem:s31], [sflag:$0x3], $0x188, $0x38;
	[tilespmem:$0x72C0] =	vst v63  }
0x42: {  	_ =	swait.ge [sflag:s0], $0x188  }
0x43: {  	[sflag:s0] =	ssyncset.done $0x0  }
0x44: {  	s12 =	rddreg [dreg:$0x9];
	[sflag:s0] =	ssyncadd.s32 $0xFFFFFE78  }
0x45: {  	[spmem:s12] =	stream.linear.scatter [tilespmem:s31], [sflag:$0x3], $0x188, $0x38;
	[tilespmem:$0x72C0] =	vst v63  }
0x46: {  	_ =	swait.ge [sflag:s0], $0x188  }
0x47: {  	[sflag:s0] =	ssyncset.done $0x0  }
0x48: {  	s13 =	rddreg [dreg:$0xa];
	[sflag:s0] =	ssyncadd.s32 $0xFFFFFE78  }
0x49: {  	[spmem:s13] =	stream.linear.scatter [tilespmem:s31], [sflag:$0x3], $0x188, $0x38;
	[tilespmem:$0x72C0] =	vst v63  }
0x4a: {  	_ =	swait.ge [sflag:s0], $0x188  }
0x4b: {  	[sflag:s0] =	ssyncset.done $0x0  }
0x4c: {  	[sflag:s0] =	ssyncadd.s32 $0xFFFFFE78  }
0x4d: {  	[spmem:s14] =	stream.linear.scatter [tilespmem:s31], [sflag:$0x3], $0x188, $0x38;
	[tilespmem:$0x72C0] =	vst v63  }
0x4e: {  	_ =	swait.ge [sflag:s0], $0x188  }
0x4f: {  	[sflag:s0] =	ssyncset.done $0x0  }
0x50: {  	[sflag:s0] =	ssyncadd.s32 $0xFFFFFE78  }
0x51: {  	[tilespmem:$0x6400] =	vst v1  }
0x52: {  	[tilespmem:$0x6410] =	vst v1  }
0x53: {  	[tilespmem:$0x6420] =	vst v1  }
0x54: {  	[tilespmem:$0x6430] =	vst v1  }
0x55: {  	[tilespmem:$0x6440] =	vst v1  }
0x56: {  	[tilespmem:$0x6450] =	vst v1  }
0x57: {  	[tilespmem:$0x6460] =	vst v1  }
0x58: {  	s11 =	rddreg [dreg:$0x3];
	[tilespmem:$0x6470] =	vst v1  }
0x59: {  	[tilespmem:s3], [sflag:$0x3] =	stream.linear.gather [hbm4b:s11+s3], $0x6400, $0x38;
	[tilespmem:$0x72C0] =	vst v63  }
0x5a: {  	_ =	swait.ge [sflag:s0], $0x6400  }
0x5b: {  	[sflag:s0] =	ssyncset.done $0x0  }
0x5c: {  	[sflag:s0] =	ssyncadd.s32 $0xFFFF9C00  }
0x5d: {  	s12 =	simm.s32 $0x0;
	[bflag:$0x0] =	sbarrier.arrive $0xFFFF  }
0x5e: {  	[spmem:s2] =	stream.indirect.scatter.add.f32 [tilespmem:s5], [sflag:$0x1], $0x1, s12, s1, $0xb8;
	[tilespmem:$0x72C0] =	vst v63  }
0x5f: {  	s13 =	simm.s32 $0x80  }
0x60: {  	[spmem:s2] =	stream.indirect.scatter.add.f32 [tilespmem:s5], [sflag:$0x2], $0x1, s13, s1, $0xb8;
	[tilespmem:$0x72C0] =	vst v63  }
0x61: {  	_ =	swait.ge [sflag:s7], $0x80  }
0x62: {  	[sflag:s7] =	ssyncset.done $0x0  }
0x63: {  	[sflag:s7] =	ssyncadd.s32 $0xFFFFFF80  }
0x64: {  	_ =	swait.ge [sflag:s8], $0x80  }
0x65: {  	s10 =	simm.s32 $0x400;
	s11 =	simm.s32 $0x800;
	[sflag:s8] =	ssyncset.done $0x0  }
.LBB2_2:
0x66: {  	s12 =	sshra.s32 s10, $0x2  }
0x67: {  	[sflag:s8] =	ssyncadd.s32 $0xFFFFFF80;
	s10 =	smov.u32 s11;
	s13 =	sadd.s32 $0x400, s11  }
0x68: {  	[spmem:s2] =	stream.indirect.scatter.add.f32 [tilespmem:s5], [sflag:$0x1], $0x1, s12, s1, $0xb8;
	[tilespmem:$0x72C0] =	vst v63  }
0x69: {  	p0 =	sne.s32 s11, $0x18C00;
	s11 =	sadd.s32 $0x80, s12  }
0x6a: {  	[spmem:s2] =	stream.indirect.scatter.add.f32 [tilespmem:s5], [sflag:$0x2], $0x1, s11, s1, $0xb8;
	[tilespmem:$0x72C0] =	vst v63  }
.Ltmp0:
0x6b: {  	_ =	swait.ge [sflag:s7], $0x80;
	(pc) =	sbr.rel @p0 .LBB2_2-.Ltmp0, $4  }
0x6c: {  	[sflag:s7] =	ssyncset.done $0x0  }
0x6d: {  	[sflag:s7] =	ssyncadd.s32 $0xFFFFFF80  }
0x6e: {  	_ =	swait.ge [sflag:s8], $0x80  }
0x6f: {  	s11 =	smov.u32 s13;
	[sflag:s8] =	ssyncset.done $0x0  }
0x70: {  	s10 =	sshra.s32 s10, $0x2;
	[sflag:s8] =	ssyncadd.s32 $0xFFFFFF80  }
0x71: {  	[spmem:s2] =	stream.indirect.scatter.add.f32 [tilespmem:s5], [sflag:$0x1], $0x1, s10, s1, $0xb8;
	[tilespmem:$0x72C0] =	vst v63  }
0x72: {  	s10 =	sadd.s32 $0x80, s10  }
0x73: {  	[spmem:s2] =	stream.indirect.scatter.add.f32 [tilespmem:s5], [sflag:$0x2], $0x1, s10, s1, $0xb8;
	[tilespmem:$0x72C0] =	vst v63  }
0x74: {  	_ =	swait.ge [sflag:s7], $0x80  }
0x75: {  	[sflag:s7] =	ssyncset.done $0x0  }
0x76: {  	[sflag:s7] =	ssyncadd.s32 $0xFFFFFF80  }
0x77: {  	_ =	swait.ge [sflag:s8], $0x80  }
0x78: {  	[sflag:s8] =	ssyncset.done $0x0  }
0x79: {  	[sflag:s8] =	ssyncadd.s32 $0xFFFFFF80  }
0x7a: {  	[bflag:$0x0] =	sbarrier.arrive $0xFFFF  }
0x7b: {  	[tilespmem:s31], [sflag:$0x3] =	stream.linear.gather [spmem:s6], $0x188, $0x38;
	[tilespmem:$0x72C0] =	vst v63  }
0x7c: {  	_ =	swait.ge [sflag:s0], $0x188  }
0x7d: {  	[sflag:s0] =	ssyncset.done $0x0  }
0x7e: {  	[sflag:s0] =	ssyncadd.s32 $0xFFFFFE78  }
0x7f: {  	[hbm4b:s15+s3] =	stream.linear.scatter [tilespmem:s31], [sflag:$0x3], $0x188, $0x38;
	[tilespmem:$0x72C0] =	vst v63  }
0x80: {  	_ =	swait.ge [sflag:s0], $0x188  }
0x81: {  	[sflag:s0] =	ssyncset.done $0x0  }
0x82: {  	[sflag:s0] =	ssyncadd.s32 $0xFFFFFE78  }
0x83: {  	[tilespmem:s31], [sflag:$0x3] =	stream.linear.gather [spmem:s16], $0x188, $0x38;
	[tilespmem:$0x72C0] =	vst v63  }
0x84: {  	_ =	swait.ge [sflag:s0], $0x188  }
0x85: {  	[sflag:s0] =	ssyncset.done $0x0  }
0x86: {  	[sflag:s0] =	ssyncadd.s32 $0xFFFFFE78  }
0x87: {  	[hbm4b:s17+s3] =	stream.linear.scatter [tilespmem:s31], [sflag:$0x3], $0x188, $0x38;
	[tilespmem:$0x72C0] =	vst v63  }
0x88: {  	_ =	swait.ge [sflag:s0], $0x188  }
0x89: {  	[sflag:s0] =	ssyncset.done $0x0  }
0x8a: {  	[sflag:s0] =	ssyncadd.s32 $0xFFFFFE78  }
0x8b: {  	[tilespmem:s31], [sflag:$0x3] =	stream.linear.gather [spmem:s18], $0x188, $0x38;
	[tilespmem:$0x72C0] =	vst v63  }
0x8c: {  	_ =	swait.ge [sflag:s0], $0x188  }
0x8d: {  	[sflag:s0] =	ssyncset.done $0x0  }
0x8e: {  	[sflag:s0] =	ssyncadd.s32 $0xFFFFFE78  }
0x8f: {  	[hbm4b:s19+s3] =	stream.linear.scatter [tilespmem:s31], [sflag:$0x3], $0x188, $0x38;
	[tilespmem:$0x72C0] =	vst v63  }
0x90: {  	_ =	swait.ge [sflag:s0], $0x188  }
0x91: {  	[sflag:s0] =	ssyncset.done $0x0  }
0x92: {  	[sflag:s0] =	ssyncadd.s32 $0xFFFFFE78  }
0x93: {  	[tilespmem:s31], [sflag:$0x3] =	stream.linear.gather [spmem:s20], $0x188, $0x38;
	[tilespmem:$0x72C0] =	vst v63  }
0x94: {  	_ =	swait.ge [sflag:s0], $0x188  }
0x95: {  	[sflag:s0] =	ssyncset.done $0x0  }
0x96: {  	[sflag:s0] =	ssyncadd.s32 $0xFFFFFE78  }
0x97: {  	[hbm4b:s21+s3] =	stream.linear.scatter [tilespmem:s31], [sflag:$0x3], $0x188, $0x38;
	[tilespmem:$0x72C0] =	vst v63  }
0x98: {  	_ =	swait.ge [sflag:s0], $0x188  }
0x99: {  	[sflag:s0] =	ssyncset.done $0x0  }
0x9a: {  	[sflag:s0] =	ssyncadd.s32 $0xFFFFFE78  }
0x9b: {  	[tilespmem:s31], [sflag:$0x3] =	stream.linear.gather [spmem:s22], $0x188, $0x38;
	[tilespmem:$0x72C0] =	vst v63  }
0x9c: {  	_ =	swait.ge [sflag:s0], $0x188  }
0x9d: {  	[sflag:s0] =	ssyncset.done $0x0  }
0x9e: {  	[sflag:s0] =	ssyncadd.s32 $0xFFFFFE78  }
0x9f: {  	[hbm4b:s25+s3] =	stream.linear.scatter [tilespmem:s31], [sflag:$0x3], $0x188, $0x38;
	[tilespmem:$0x72C0] =	vst v63  }
0xa0: {  	_ =	swait.ge [sflag:s0], $0x188  }
0xa1: {  	[sflag:s0] =	ssyncset.done $0x0  }
0xa2: {  	[sflag:s0] =	ssyncadd.s32 $0xFFFFFE78  }
0xa3: {  	[tilespmem:s31], [sflag:$0x3] =	stream.linear.gather [spmem:s26], $0x188, $0x38;
	[tilespmem:$0x72C0] =	vst v63  }
0xa4: {  	_ =	swait.ge [sflag:s0], $0x188  }
0xa5: {  	[sflag:s0] =	ssyncset.done $0x0  }
0xa6: {  	[sflag:s0] =	ssyncadd.s32 $0xFFFFFE78  }
0xa7: {  	[hbm4b:s23+s3] =	stream.linear.scatter [tilespmem:s31], [sflag:$0x3], $0x188, $0x38;
	[tilespmem:$0x72C0] =	vst v63  }
0xa8: {  	_ =	swait.ge [sflag:s0], $0x188  }
0xa9: {  	[sflag:s0] =	ssyncset.done $0x0  }
0xaa: {  	[sflag:s0] =	ssyncadd.s32 $0xFFFFFE78  }
0xab: {  	[tilespmem:s31], [sflag:$0x3] =	stream.linear.gather [spmem:s28], $0x188, $0x38;
	[tilespmem:$0x72C0] =	vst v63  }
0xac: {  	_ =	swait.ge [sflag:s0], $0x188  }
0xad: {  	[sflag:s0] =	ssyncset.done $0x0  }
0xae: {  	[sflag:s0] =	ssyncadd.s32 $0xFFFFFE78  }
0xaf: {  	[hbm4b:s29+s3] =	stream.linear.scatter [tilespmem:s31], [sflag:$0x3], $0x188, $0x38;
	[tilespmem:$0x72C0] =	vst v63  }
0xb0: {  	_ =	swait.ge [sflag:s0], $0x188  }
0xb1: {  	[sflag:s0] =	ssyncset.done $0x0  }
0xb2: {  	[sflag:s0] =	ssyncadd.s32 $0xFFFFFE78  }
0xb3: {  	[tilespmem:s31], [sflag:$0x3] =	stream.linear.gather [spmem:s30], $0x188, $0x38;
	[tilespmem:$0x72C0] =	vst v63  }
0xb4: {  	_ =	swait.ge [sflag:s0], $0x188  }
0xb5: {  	[sflag:s0] =	ssyncset.done $0x0  }
0xb6: {  	[sflag:s0] =	ssyncadd.s32 $0xFFFFFE78  }
0xb7: {  	[hbm4b:s24+s3] =	stream.linear.scatter [tilespmem:s31], [sflag:$0x3], $0x188, $0x38;
	[tilespmem:$0x72C0] =	vst v63  }
0xb8: {  	_ =	swait.ge [sflag:s0], $0x188  }
0xb9: {  	s9 =	sadd.s32 $0x1, s9;
	s13 =	rddreg [dreg:$0x4]  }
0xba: {  	p0 =	sne.s32 s9, s13  }
.Ltmp1:
0xbb: {  	_ = 	snop;
	(pc) =	sbr.rel @p0 .LBB2_1-.Ltmp1, $3  }
0xbc: {  	_ =	sdelay $0x1  }
0xbd: {  	[sflag:s0] =	ssyncset.done $0x0  }
0xbe: {  	[sflag:s0] =	ssyncadd.s32 $0xFFFFFE78  }
0xbf: {  	_ =	sfence.sel $0x180000  }
0xc0: {  	[bflag:$0x0] =	sbarrier.arrive $0xFFFF  }
0xc1: {  	_ =	strace $0x90000047  }
0xc2: {  	s0 =	stileid.u32;
	[bflag:$0x2] =	sbarrier.arrive $0xFFFF  }
0xc3: {  	p0 =	sne.s32 s0, $0x0;
	s0 =	rddreg [dreg:$0x2]  }
0xc4: {  	s0 =	sadd.s32 @!p0 $0x100000, s0  }
0xc5: {  	[sflag:s0] =	ssyncadd.tile.s32 @!p0 $0x1;
	_ =	shalt  }
.Lfunc_end2:
_tile_overlayer_lowered:
.L_overlay_start_2:
0xc6: {  	(tag) =	ssettag $0x2  }
0xc7: {  	s0 =	rddreg [dreg:$0x0];
	s2 =	stileid.u32  }
0xc8: {  	s1 =	rddreg [dreg:$0x1];
	p0 =	sne.s32 s2, $0x0  }
0xc9: {  	s3 =	rddreg [dreg:$0x2];
	[bflag:$0x3] =	sbarrier.arrive $0xFFFF;
	s2 =	simm.s32 @!p0 $0x1C03  }
0xca: {  	[timem:s3], [sflag:s2] =	dma.local @!p0 [hbm:s0], s1  }
0xcb: {  	s0 =	simm.s32 @!p0 $0x3  }
0xcc: {  	_ =	swait.ge @!p0 [sflag:s0], s1  }
0xcd: {  	s1 =	ssub.s32 @!p0 $0x0, s1;
	[sflag:s0] =	ssyncset.done @!p0 $0x0  }
0xce: {  	[sflag:s0] =	ssyncadd.s32 @!p0 s1  }
0xcf: {  	[bflag:$0x3] =	sbarrier.arrive $0xFFFF  }
0xd0: {  	_ =	shalt  }

</sc_bundles>
